<compile_context>
chip_gen: v7x
topology: tpu7x:2x2x1
jax: 0.10.2.dev20260603
libtpu: 0.0.44.dev20260713+nightly
codegen_flags: <defaults>
</compile_context>

<pallas_src>
import math

import jax
import jax.numpy as jnp
from jax import lax
from jax.experimental import pallas as pl
from jax.experimental.pallas import tpu as pltpu
from jax.experimental.pallas import tpu_sc as plsc

N = 10000
E = 160000
A = 10
F = 16
S = 4
R = 8
O = 16

NC = 2
NS = 16
NW = NC * NS

CHUNK = 128
NCR = E // CHUNK
NCHUNK = 1280
E2 = NCHUNK * CHUNK
CPW = NCHUNK // NW
EPW = CPW * CHUNK
GROUP = 8
NG = CPW // GROUP
GROWS = GROUP * CHUNK

HALF = EPW // 2
CPH = CPW // 2

ROWS_PER_TILE = N // NS

SCALE_EDGE = 1.0 / math.sqrt(float(R * F * S * O))
SCALE_NODE = 1.0 / math.sqrt(float(O * A * O))


def _sc_mesh():
    return plsc.VectorSubcoreMesh(
        core_axis_name="c", subcore_axis_name="s", num_cores=NC, num_subcores=NS
    )


def _lane():
    return lax.iota(jnp.int32, 16)


def _gather_body(nf_hbm, idx_hbm, out_hbm, idx_v, rows_a, rows_b, xst_v,
                 sem_a, sem_b, wsem):
    c = lax.axis_index("c")
    s = lax.axis_index("s")
    wid = s * NC + c
    start = wid * CPW
    start_eff = jnp.minimum(start, NCR - CPW)
    lane = _lane()

    pltpu.sync_copy(idx_hbm.at[pl.ds(start_eff, CPW)], idx_v)

    def fire(g, rows_v, sem):
        for k in range(GROUP):
            row = jnp.minimum(start + g * GROUP + k, NCR - 1) - start_eff
            pltpu.async_copy(
                nf_hbm.at[idx_v.at[row]],
                rows_v.at[pl.ds(k * CHUNK, CHUNK)],
                sem,
            )

    def drain(rows_v, sem):
        pltpu.make_async_copy(nf_hbm.at[pl.ds(0, GROWS)], rows_v, sem).wait()

    def transpose(g, rows_v):
        def tstep(b, carry):
            base = b * 16
            ct = g * (GROWS // 128) + b // 8
            cc = (b % 8) * 16
            for f in range(F):
                vals = plsc.load_gather(
                    rows_v, [lane + base, jnp.full((16,), f, jnp.int32)]
                )
                xst_v[f // 8, ct, f % 8, pl.ds(cc, 16)] = vals
            return carry

        lax.fori_loop(0, GROWS // 16, tstep, 0)

    fire(0, rows_a, sem_a)

    def body(i, carry):
        g = 2 * i
        fire(g + 1, rows_b, sem_b)
        drain(rows_a, sem_a)
        transpose(g, rows_a)
        fire(g + 2, rows_a, sem_a)
        drain(rows_b, sem_b)
        transpose(g + 1, rows_b)
        return carry

    lax.fori_loop(0, (NG - 1) // 2, body, 0)
    drain(rows_a, sem_a)
    transpose(NG - 1, rows_a)

    for rt in range(2):
        pltpu.sync_copy(
            xst_v.at[rt], out_hbm.at[rt, pl.ds(wid * CPW, CPW)]
        )


def _sc_gather(node_feats, sender_chunks):
    return pl.kernel(
        _gather_body,
        out_type=jax.ShapeDtypeStruct((2, NCHUNK, 8, 128), jnp.float32),
        mesh=_sc_mesh(),
        compiler_params=pltpu.CompilerParams(
            use_tc_tiling_on_sc=False, needs_layout_passes=False
        ),
        scratch_types=[
            pltpu.VMEM((CPW, CHUNK), jnp.int32),
            pltpu.VMEM((GROWS, F), jnp.float32),
            pltpu.VMEM((GROWS, F), jnp.float32),
            pltpu.VMEM((2, CPW, 8, 128), jnp.float32),
            pltpu.SemaphoreType.DMA,
            pltpu.SemaphoreType.DMA,
            pltpu.SemaphoreType.DMA,
        ],
    )(node_feats, sender_chunks)


def _scatter_body(mjit_hbm, idx_hbm, out_hbm, idx_v, mjit_v, rows_v, zbuf,
                  acc, sem):
    c = lax.axis_index("c")
    s = lax.axis_index("s")
    wid = s * NC + c
    start = wid * CPW
    start_eff = jnp.minimum(start, NCR - CPW)
    lane = _lane()

    def zstep(i, carry):
        zbuf[i] = jnp.zeros((O,), jnp.float32)
        return carry

    lax.fori_loop(0, ROWS_PER_TILE, zstep, 0)
    pltpu.sync_copy(idx_hbm.at[pl.ds(start_eff, CPW)], idx_v)
    pltpu.sync_copy(zbuf, acc.at[pl.ds(s * ROWS_PER_TILE, ROWS_PER_TILE)])
    plsc.subcore_barrier()

    for p in range(2):
        for rt in range(2):
            pltpu.sync_copy(
                mjit_hbm.at[rt, pl.ds(wid * CPW + p * CPH, CPH)],
                mjit_v.at[rt],
            )

        def tstep(b, carry):
            base = b * 16
            ct = b // 8
            cc = (b % 8) * 16
            for f in range(O):
                vals = mjit_v[f // 8, ct, f % 8, pl.ds(cc, 16)]
                plsc.store_scatter(
                    rows_v, [lane + base, jnp.full((16,), f, jnp.int32)], vals
                )
            return carry

        lax.fori_loop(0, HALF // 16, tstep, 0)

        def step(j, carry):
            row = jnp.minimum(start + p * CPH + j, NCR - 1) - start_eff
            pltpu.async_copy(
                rows_v.at[pl.ds(j * CHUNK, CHUNK)],
                acc.at[idx_v.at[row]],
                sem,
                add=True,
            )

            @pl.when(j >= 1)
            def _():
                pltpu.make_async_copy(
                    rows_v.at[pl.ds(0, CHUNK)],
                    acc.at[pl.ds(0, CHUNK)],
                    sem,
                ).wait()

            return carry

        lax.fori_loop(0, CPH, step, 0)
        pltpu.make_async_copy(
            rows_v.at[pl.ds(0, CHUNK)], acc.at[pl.ds(0, CHUNK)], sem
        ).wait()

    plsc.subcore_barrier()
    pltpu.sync_copy(
        acc.at[pl.ds(s * ROWS_PER_TILE, ROWS_PER_TILE)],
        out_hbm.at[c, pl.ds(s * ROWS_PER_TILE, ROWS_PER_TILE)],
    )


def _sc_scatter(mjit, recv_chunks):
    return pl.kernel(
        _scatter_body,
        out_type=jax.ShapeDtypeStruct((NC, N, O), jnp.float32),
        mesh=_sc_mesh(),
        compiler_params=pltpu.CompilerParams(
            use_tc_tiling_on_sc=False, needs_layout_passes=False
        ),
        scratch_types=[
            pltpu.VMEM((CPW, CHUNK), jnp.int32),
            pltpu.VMEM((2, CPH, 8, 128), jnp.float32),
            pltpu.VMEM((HALF, O), jnp.float32),
            pltpu.VMEM((ROWS_PER_TILE, O), jnp.float32),
            pltpu.VMEM_SHARED((N, O), jnp.float32),
            pltpu.SemaphoreType.DMA,
        ],
    )(mjit, recv_chunks)


EB = 4096


def _edge_body(xst_ref, eat_ref, eft_ref, wcatt_ref, wlin1t_ref, out_ref):
    xst = xst_ref[...].transpose(0, 2, 1, 3).reshape(F, EB)
    eft = eft_ref[...]
    eat = eat_ref[...]

    ii = lax.broadcasted_iota(jnp.int32, (R * F, R), 0)
    rr = lax.broadcasted_iota(jnp.int32, (R * F, R), 1)
    rep8t = (ii // F == rr).astype(jnp.float32)
    ii2 = lax.broadcasted_iota(jnp.int32, (R * F, F), 0)
    ff = lax.broadcasted_iota(jnp.int32, (R * F, F), 1)
    til16t = (ii2 % F == ff).astype(jnp.float32)

    ii3 = lax.broadcasted_iota(jnp.int32, (S * O, S), 0)
    ss = lax.broadcasted_iota(jnp.int32, (S * O, S), 1)
    tilb4t = (ii3 // O == ss).astype(jnp.float32)
    oo = lax.broadcasted_iota(jnp.int32, (O, S * O), 0)
    jj4 = lax.broadcasted_iota(jnp.int32, (O, S * O), 1)
    summt = (jj4 % O == oo).astype(jnp.float32)

    vt = jnp.dot(rep8t, eft, preferred_element_type=jnp.float32) * jnp.dot(
        til16t, xst, preferred_element_type=jnp.float32
    )
    pt = jnp.dot(wcatt_ref[...], vt, preferred_element_type=jnp.float32)
    qt = pt * jnp.dot(tilb4t, eat, preferred_element_type=jnp.float32)
    wl1tt = jnp.dot(wlin1t_ref[...], summt, preferred_element_type=jnp.float32)
    mjit = jnp.dot(wl1tt, qt, preferred_element_type=jnp.float32) * SCALE_EDGE
    out_ref[...] = mjit.reshape(2, 8, EB // 128, 128).transpose(0, 2, 1, 3)


def _tc_edge(xst, eat, eft, wcatt, wlin1t):
    grid = (E2 // EB,)
    return pl.pallas_call(
        _edge_body,
        grid=grid,
        in_specs=[
            pl.BlockSpec((2, EB // 128, 8, 128), lambda i: (0, i, 0, 0)),
            pl.BlockSpec((S, EB), lambda i: (0, i)),
            pl.BlockSpec((R, EB), lambda i: (0, i)),
            pl.BlockSpec((S * O, R * F), lambda i: (0, 0)),
            pl.BlockSpec((O, O), lambda i: (0, 0)),
        ],
        out_specs=pl.BlockSpec((2, EB // 128, 8, 128), lambda i: (0, i, 0, 0)),
        out_shape=jax.ShapeDtypeStruct((2, NCHUNK, 8, 128), jnp.float32),
    )(xst, eat, eft, wcatt, wlin1t)


NB = 2000


def _node_body(p_ref, na_ref, wsk_ref, wlin2_ref, out_ref):
    m = p_ref[0] + p_ref[1]
    na = na_ref[...]

    jj = lax.broadcasted_iota(jnp.int32, (O, O * A), 1)
    ff = lax.broadcasted_iota(jnp.int32, (O, O * A), 0)
    rep16 = (jj // A == ff).astype(jnp.float32)
    jj2 = lax.broadcasted_iota(jnp.int32, (A, O * A), 1)
    aa = lax.broadcasted_iota(jnp.int32, (A, O * A), 0)
    til10 = (jj2 % A == aa).astype(jnp.float32)

    v2 = jnp.dot(m, rep16, preferred_element_type=jnp.float32) * jnp.dot(
        na, til10, preferred_element_type=jnp.float32
    )
    x1 = jnp.dot(v2, wsk_ref[...], preferred_element_type=jnp.float32)
    x2 = jnp.dot(x1, wlin2_ref[...], preferred_element_type=jnp.float32)
    out_ref[...] = m + x2 * SCALE_NODE


def _tc_node(partials, node_attrs, wsk, w_lin2):
    grid = (N // NB,)
    return pl.pallas_call(
        _node_body,
        grid=grid,
        in_specs=[
            pl.BlockSpec((NC, NB, O), lambda i: (0, i, 0)),
            pl.BlockSpec((NB, A), lambda i: (i, 0)),
            pl.BlockSpec((O * A, O), lambda i: (0, 0)),
            pl.BlockSpec((O, O), lambda i: (0, 0)),
        ],
        out_specs=pl.BlockSpec((NB, O), lambda i: (i, 0)),
        out_shape=jax.ShapeDtypeStruct((N, O), jnp.float32),
    )(partials, node_attrs, wsk, w_lin2)


def kernel(node_attrs, node_feats, edge_attrs, edge_feats, edge_index,
           W_tpw, W_lin1, W_skip, W_lin2):
    pad = E2 - E
    sender_chunks = edge_index[0].reshape(NCR, CHUNK)
    recv_chunks = edge_index[1].reshape(NCR, CHUNK)
    eft = jnp.pad(edge_feats.T, ((0, 0), (0, pad)))
    eat = jnp.pad(edge_attrs.T, ((0, 0), (0, pad)))
    wcatt = W_tpw.reshape(R * F, S * O).T
    wlin1t = W_lin1.T
    wsk = W_skip.reshape(O * A, O)

    xst = _sc_gather(node_feats, sender_chunks)
    mjit = _tc_edge(xst, eat, eft, wcatt, wlin1t)
    partials = _sc_scatter(mjit, recv_chunks)
    out = _tc_node(partials, node_attrs, wsk, W_lin2)
    return out

# --- scband reference (transcript-rebuilt; emitter-appended) ---
"""Pipeline reference for scband-skip-interaction-block-71365176590871 (READ-ONLY COPY).

The authoritative reference and input builder live on the scoring server;
editing this copy changes nothing except your own understanding.
"""

import jax, jax.numpy as jnp
import numpy as np

N = 10000   # num nodes
E = 160000  # num edges
A = 10      # node_attrs irreps 10x0e
F = 16      # node_feats irreps 16x0e
S = 4       # edge_attrs irreps 4x0e
R = 8       # edge_feats irreps 8x0e
O = 16      # out irreps 16x0e
WNUM = F * S * O  # conv_tp.weight_numel for all-scalar irreps


def setup_inputs(seed: int = 0) -> dict:
    key = jax.random.key(seed)
    ks = jax.random.split(key, 10)
    node_attrs = jax.random.uniform(ks[0], (N, A), dtype=jnp.float32)
    node_feats = jax.random.normal(ks[1], (N, F), dtype=jnp.float32)
    edge_attrs = jax.random.normal(ks[2], (E, S), dtype=jnp.float32)
    edge_feats = jax.random.normal(ks[3], (E, R), dtype=jnp.float32)
    edge_index = jax.random.randint(ks[4], (2, E), 0, N, dtype=jnp.int32)
    # learned parameters (e3nn stores unit-normal weights; forward divides by sqrt(fan_in))
    W_tpw = jax.random.normal(ks[5], (R, WNUM), dtype=jnp.float32)    # o3.Linear(edge_feats -> weights)
    W_lin1 = jax.random.normal(ks[6], (O, O), dtype=jnp.float32)      # o3.Linear(out -> out)
    W_skip = jax.random.normal(ks[7], (O, A, O), dtype=jnp.float32)   # FullyConnectedTensorProduct(out, node_attrs -> out)
    W_lin2 = jax.random.normal(ks[8], (O, O), dtype=jnp.float32)      # o3.Linear(out -> out)
    return {
        "node_attrs": node_attrs,
        "node_feats": node_feats,
        "edge_attrs": edge_attrs,
        "edge_feats": edge_feats,
        "edge_index": edge_index,
        "W_tpw": W_tpw,
        "W_lin1": W_lin1,
        "W_skip": W_skip,
        "W_lin2": W_lin2,
    }


def reference(node_attrs, node_feats, edge_attrs, edge_feats, edge_index,
              W_tpw, W_lin1, W_skip, W_lin2):
    sender = edge_index[0]
    receiver = edge_index[1]
    num_nodes = node_feats.shape[0]
    # tp_weights = self.conv_tp_weights(edge_feats)  (o3.Linear, fan_in = R)
    tp_weights = (edge_feats @ W_tpw) / jnp.sqrt(float(R))  # [E, WNUM]
    # mji = self.conv_tp(node_feats[sender], edge_attrs, tp_weights)
    xs = node_feats[sender]                                     # gather [E, F]
    t = (xs[:, :, None] * edge_attrs[:, None, :]).reshape(E, F * S)
    mji = jnp.einsum('ek,eko->eo', t, tp_weights.reshape(E, F * S, O)) / jnp.sqrt(float(F * S))
    # mji = self.linear_1(mji)
    mji = (mji @ W_lin1) / jnp.sqrt(float(O))
    # m = scatter_sum(mji, receiver, dim=0, dim_size=num_nodes)
    m = jnp.zeros((num_nodes, O), dtype=mji.dtype).at[receiver].add(mji)
    # x_skip = self.skip_tp(m, node_attrs)  (shared internal weights, fan_in = O*A)
    x_skip = jnp.einsum('nf,na,fao->no', m, node_attrs, W_skip) / jnp.sqrt(float(O * A))
    # x_skip = self.linear_2(x_skip)
    x_skip = (x_skip @ W_lin2) / jnp.sqrt(float(O))
    return m + x_skip

if __name__ == "__main__":
    import jax
    _d = setup_inputs()
    print(jax.jit(kernel)(*tuple(_d.values())))

</pallas_src>

<mosaic_0001>
#map = affine_map<(d0, d1) -> (0, 0)>
#map1 = affine_map<(d0, d1) -> (0, 0, 0, 0)>
module attributes {stable_mosaic.version = 14 : i64} {
  func.func @_gather_body(%arg0: i32, %arg1: i32, %arg2: memref<10000x16xf32, #tpu.memory_space<hbm>>, %arg3: memref<1250x128xi32, #tpu.memory_space<hbm>>, %arg4: memref<2x1280x8x128xf32, #tpu.memory_space<hbm>>, %arg5: memref<40x128xi32, #tpu.memory_space<vmem>>, %arg6: memref<1024x16xf32, #tpu.memory_space<vmem>>, %arg7: memref<1024x16xf32, #tpu.memory_space<vmem>>, %arg8: memref<2x40x8x128xf32, #tpu.memory_space<vmem>>, %arg9: memref<!tpu.dma_semaphore, #tpu.memory_space<semaphore_mem>>, %arg10: memref<!tpu.dma_semaphore, #tpu.memory_space<semaphore_mem>>, %arg11: memref<!tpu.dma_semaphore, #tpu.memory_space<semaphore_mem>>) attributes {dimension_semantics = [#tpu.dimension_semantics<core_parallel>, #tpu.dimension_semantics<subcore_parallel>], iteration_bounds = array<i64: 2, 16>, scalar_prefetch = 0 : i64, scratch_operands = 7 : i64, tpu.core_type = #tpu.core_type<sc_vector_subcore>, window_params = [{transform_indices = #map}, {transform_indices = #map}, {transform_indices = #map1}]} {
    %mul3A = arith.constant 2 : i32
    %mul3A_0 = arith.muli %arg1, %mul3A : i32
    %add3A = arith.addi %mul3A_0, %arg0 : i32
    %mul3A_1 = arith.constant 40 : i32
    %mul3A_2 = arith.muli %add3A, %mul3A_1 : i32
    %min3A = arith.constant 1210 : i32
    %min3A_3 = arith.minsi %mul3A_2, %min3A : i32
    %iota3A = tpu.iota {dimensions = array<i32: 0>} : vector<16xi32>
    "tpu.region"() ({
      %run_scoped3A_153 = tpu.sem_alloc : memref<!tpu.dma_semaphore, #tpu.memory_space<semaphore_mem>>
      %dma_start3A_154 = arith.constant 0 : i32
      %dma_start3A_155 = tpu.memref_slice %arg3[%min3A_3, %dma_start3A_154] : memref<1250x128xi32, #tpu.memory_space<hbm>> -> memref<40x128xi32, #tpu.memory_space<hbm>>
      %dma_start3A_156 = arith.constant 0 : i32
      %dma_start3A_157 = tpu.memref_slice %arg3[%min3A_3, %dma_start3A_156] : memref<1250x128xi32, #tpu.memory_space<hbm>> -> memref<40x128xi32, #tpu.memory_space<hbm>>
      tpu.enqueue_dma source(%dma_start3A_157 : memref<40x128xi32, #tpu.memory_space<hbm>>) target(%arg5 : memref<40x128xi32, #tpu.memory_space<vmem>>) target_semaphore(%run_scoped3A_153 : memref<!tpu.dma_semaphore, #tpu.memory_space<semaphore_mem>>)
      %dma_wait3A_158 = arith.constant 0 : i32
      %dma_wait3A_159 = tpu.memref_slice %arg3[%min3A_3, %dma_wait3A_158] : memref<1250x128xi32, #tpu.memory_space<hbm>> -> memref<40x128xi32, #tpu.memory_space<hbm>>
      %dma_wait3A_160 = arith.constant 0 : i32
      %dma_wait3A_161 = tpu.memref_slice %arg3[%min3A_3, %dma_wait3A_160] : memref<1250x128xi32, #tpu.memory_space<hbm>> -> memref<40x128xi32, #tpu.memory_space<hbm>>
      tpu.wait_dma2 semaphore(%run_scoped3A_153 : memref<!tpu.dma_semaphore, #tpu.memory_space<semaphore_mem>>) src(%dma_wait3A_161 : memref<40x128xi32, #tpu.memory_space<hbm>>) dst(%arg5 : memref<40x128xi32, #tpu.memory_space<vmem>>)
      tpu.yield
    }) : () -> ()
    %add3A_4 = arith.constant 0 : i32
    %add3A_5 = arith.addi %mul3A_2, %add3A_4 : i32
    %add3A_6 = arith.constant 0 : i32
    %add3A_7 = arith.addi %add3A_5, %add3A_6 : i32
    %min3A_8 = arith.constant 1249 : i32
    %min3A_9 = arith.minsi %add3A_7, %min3A_8 : i32
    %sub3A = arith.subi %min3A_9, %min3A_3 : i32
    %dma_start3A = arith.constant 0 : i32
    %dma_start3A_10 = arith.constant 0 : i32
    %dma_start3A_11 = tpu.memref_slice %arg6[%dma_start3A, %dma_start3A_10] : memref<1024x16xf32, #tpu.memory_space<vmem>> -> memref<128x16xf32, #tpu.memory_space<vmem>>
    %dma_start3A_12 = arith.constant 0 : i32
    %dma_start3A_13 = tpu.memref_slice %arg5[%sub3A, %dma_start3A_12] : memref<40x128xi32, #tpu.memory_space<vmem>> -> memref<1x128xi32, #tpu.memory_space<vmem>>
    %dma_start3A_14 = tpu.memref_squeeze %dma_start3A_13 : memref<1x128xi32, #tpu.memory_space<vmem>> -> memref<128xi32, #tpu.memory_space<vmem>>
    %dma_start3A_15 = arith.constant 0 : i32
    %dma_start3A_16 = arith.constant 0 : i32
    %dma_start3A_17 = tpu.memref_slice %arg2[%dma_start3A_15, %dma_start3A_16] : memref<10000x16xf32, #tpu.memory_space<hbm>> -> memref<10000x16xf32, #tpu.memory_space<hbm>>
    tpu.enqueue_indirect_dma source(%dma_start3A_17 : memref<10000x16xf32, #tpu.memory_space<hbm>>) target(%dma_start3A_11 : memref<128x16xf32, #tpu.memory_space<vmem>>) offsets(%dma_start3A_14 : memref<128xi32, #tpu.memory_space<vmem>>) semaphore(%arg9 : memref<!tpu.dma_semaphore, #tpu.memory_space<semaphore_mem>>)
    %add3A_18 = arith.constant 0 : i32
    %add3A_19 = arith.addi %mul3A_2, %add3A_18 : i32
    %add3A_20 = arith.constant 1 : i32
    %add3A_21 = arith.addi %add3A_19, %add3A_20 : i32
    %min3A_22 = arith.constant 1249 : i32
    %min3A_23 = arith.minsi %add3A_21, %min3A_22 : i32
    %sub3A_24 = arith.subi %min3A_23, %min3A_3 : i32
    %dma_start3A_25 = arith.constant 128 : i32
    %dma_start3A_26 = arith.constant 0 : i32
    %dma_start3A_27 = tpu.memref_slice %arg6[%dma_start3A_25, %dma_start3A_26] : memref<1024x16xf32, #tpu.memory_space<vmem>> -> memref<128x16xf32, #tpu.memory_space<vmem>>
    %dma_start3A_28 = arith.constant 0 : i32
    %dma_start3A_29 = tpu.memref_slice %arg5[%sub3A_24, %dma_start3A_28] : memref<40x128xi32, #tpu.memory_space<vmem>> -> memref<1x128xi32, #tpu.memory_space<vmem>>
    %dma_start3A_30 = tpu.memref_squeeze %dma_start3A_29 : memref<1x128xi32, #tpu.memory_space<vmem>> -> memref<128xi32, #tpu.memory_space<vmem>>
    %dma_start3A_31 = arith.constant 0 : i32
    %dma_start3A_32 = arith.constant 0 : i32
    %dma_start3A_33 = tpu.memref_slice %arg2[%dma_start3A_31, %dma_start3A_32] : memref<10000x16xf32, #tpu.memory_space<hbm>> -> memref<10000x16xf32, #tpu.memory_space<hbm>>
    tpu.enqueue_indirect_dma source(%dma_start3A_33 : memref<10000x16xf32, #tpu.memory_space<hbm>>) target(%dma_start3A_27 : memref<128x16xf32, #tpu.memory_space<vmem>>) offsets(%dma_start3A_30 : memref<128xi32, #tpu.memory_space<vmem>>) semaphore(%arg9 : memref<!tpu.dma_semaphore, #tpu.memory_space<semaphore_mem>>)
    %add3A_34 = arith.constant 0 : i32
    %add3A_35 = arith.addi %mul3A_2, %add3A_34 : i32
    %add3A_36 = arith.constant 2 : i32
    %add3A_37 = arith.addi %add3A_35, %add3A_36 : i32
    %min3A_38 = arith.constant 1249 : i32
    %min3A_39 = arith.minsi %add3A_37, %min3A_38 : i32
    %sub3A_40 = arith.subi %min3A_39, %min3A_3 : i32
    %dma_start3A_41 = arith.constant 256 : i32
    %dma_start3A_42 = arith.constant 0 : i32
    %dma_start3A_43 = tpu.memref_slice %arg6[%dma_start3A_41, %dma_start3A_42] : memref<1024x16xf32, #tpu.memory_space<vmem>> -> memref<128x16xf32, #tpu.memory_space<vmem>>
    %dma_start3A_44 = arith.constant 0 : i32
    %dma_start3A_45 = tpu.memref_slice %arg5[%sub3A_40, %dma_start3A_44] : memref<40x128xi32, #tpu.memory_space<vmem>> -> memref<1x128xi32, #tpu.memory_space<vmem>>
    %dma_start3A_46 = tpu.memref_squeeze %dma_start3A_45 : memref<1x128xi32, #tpu.memory_space<vmem>> -> memref<128xi32, #tpu.memory_space<vmem>>
    %dma_start3A_47 = arith.constant 0 : i32
    %dma_start3A_48 = arith.constant 0 : i32
    %dma_start3A_49 = tpu.memref_slice %arg2[%dma_start3A_47, %dma_start3A_48] : memref<10000x16xf32, #tpu.memory_space<hbm>> -> memref<10000x16xf32, #tpu.memory_space<hbm>>
    tpu.enqueue_indirect_dma source(%dma_start3A_49 : memref<10000x16xf32, #tpu.memory_space<hbm>>) target(%dma_start3A_43 : memref<128x16xf32, #tpu.memory_space<vmem>>) offsets(%dma_start3A_46 : memref<128xi32, #tpu.memory_space<vmem>>) semaphore(%arg9 : memref<!tpu.dma_semaphore, #tpu.memory_space<semaphore_mem>>)
    %add3A_50 = arith.constant 0 : i32
    %add3A_51 = arith.addi %mul3A_2, %add3A_50 : i32
    %add3A_52 = arith.constant 3 : i32
    %add3A_53 = arith.addi %add3A_51, %add3A_52 : i32
    %min3A_54 = arith.constant 1249 : i32
    %min3A_55 = arith.minsi %add3A_53, %min3A_54 : i32
    %sub3A_56 = arith.subi %min3A_55, %min3A_3 : i32
    %dma_start3A_57 = arith.constant 384 : i32
    %dma_start3A_58 = arith.constant 0 : i32
    %dma_start3A_59 = tpu.memref_slice %arg6[%dma_start3A_57, %dma_start3A_58] : memref<1024x16xf32, #tpu.memory_space<vmem>> -> memref<128x16xf32, #tpu.memory_space<vmem>>
    %dma_start3A_60 = arith.constant 0 : i32
    %dma_start3A_61 = tpu.memref_slice %arg5[%sub3A_56, %dma_start3A_60] : memref<40x128xi32, #tpu.memory_space<vmem>> -> memref<1x128xi32, #tpu.memory_space<vmem>>
    %dma_start3A_62 = tpu.memref_squeeze %dma_start3A_61 : memref<1x128xi32, #tpu.memory_space<vmem>> -> memref<128xi32, #tpu.memory_space<vmem>>
    %dma_start3A_63 = arith.constant 0 : i32
    %dma_start3A_64 = arith.constant 0 : i32
    %dma_start3A_65 = tpu.memref_slice %arg2[%dma_start3A_63, %dma_start3A_64] : memref<10000x16xf32, #tpu.memory_space<hbm>> -> memref<10000x16xf32, #tpu.memory_space<hbm>>
    tpu.enqueue_indirect_dma source(%dma_start3A_65 : memref<10000x16xf32, #tpu.memory_space<hbm>>) target(%dma_start3A_59 : memref<128x16xf32, #tpu.memory_space<vmem>>) offsets(%dma_start3A_62 : memref<128xi32, #tpu.memory_space<vmem>>) semaphore(%arg9 : memref<!tpu.dma_semaphore, #tpu.memory_space<semaphore_mem>>)
    %add3A_66 = arith.constant 0 : i32
    %add3A_67 = arith.addi %mul3A_2, %add3A_66 : i32
    %add3A_68 = arith.constant 4 : i32
    %add3A_69 = arith.addi %add3A_67, %add3A_68 : i32
    %min3A_70 = arith.constant 1249 : i32
    %min3A_71 = arith.minsi %add3A_69, %min3A_70 : i32
    %sub3A_72 = arith.subi %min3A_71, %min3A_3 : i32
    %dma_start3A_73 = arith.constant 512 : i32
    %dma_start3A_74 = arith.constant 0 : i32
    %dma_start3A_75 = tpu.memref_slice %arg6[%dma_start3A_73, %dma_start3A_74] : memref<1024x16xf32, #tpu.memory_space<vmem>> -> memref<128x16xf32, #tpu.memory_space<vmem>>
    %dma_start3A_76 = arith.constant 0 : i32
    %dma_start3A_77 = tpu.memref_slice %arg5[%sub3A_72, %dma_start3A_76] : memref<40x128xi32, #tpu.memory_space<vmem>> -> memref<1x128xi32, #tpu.memory_space<vmem>>
    %dma_start3A_78 = tpu.memref_squeeze %dma_start3A_77 : memref<1x128xi32, #tpu.memory_space<vmem>> -> memref<128xi32, #tpu.memory_space<vmem>>
    %dma_start3A_79 = arith.constant 0 : i32
    %dma_start3A_80 = arith.constant 0 : i32
    %dma_start3A_81 = tpu.memref_slice %arg2[%dma_start3A_79, %dma_start3A_80] : memref<10000x16xf32, #tpu.memory_space<hbm>> -> memref<10000x16xf32, #tpu.memory_space<hbm>>
    tpu.enqueue_indirect_dma source(%dma_start3A_81 : memref<10000x16xf32, #tpu.memory_space<hbm>>) target(%dma_start3A_75 : memref<128x16xf32, #tpu.memory_space<vmem>>) offsets(%dma_start3A_78 : memref<128xi32, #tpu.memory_space<vmem>>) semaphore(%arg9 : memref<!tpu.dma_semaphore, #tpu.memory_space<semaphore_mem>>)
    %add3A_82 = arith.constant 0 : i32
    %add3A_83 = arith.addi %mul3A_2, %add3A_82 : i32
    %add3A_84 = arith.constant 5 : i32
    %add3A_85 = arith.addi %add3A_83, %add3A_84 : i32
    %min3A_86 = arith.constant 1249 : i32
    %min3A_87 = arith.minsi %add3A_85, %min3A_86 : i32
    %sub3A_88 = arith.subi %min3A_87, %min3A_3 : i32
    %dma_start3A_89 = arith.constant 640 : i32
    %dma_start3A_90 = arith.constant 0 : i32
    %dma_start3A_91 = tpu.memref_slice %arg6[%dma_start3A_89, %dma_start3A_90] : memref<1024x16xf32, #tpu.memory_space<vmem>> -> memref<128x16xf32, #tpu.memory_space<vmem>>
    %dma_start3A_92 = arith.constant 0 : i32
    %dma_start3A_93 = tpu.memref_slice %arg5[%sub3A_88, %dma_start3A_92] : memref<40x128xi32, #tpu.memory_space<vmem>> -> memref<1x128xi32, #tpu.memory_space<vmem>>
    %dma_start3A_94 = tpu.memref_squeeze %dma_start3A_93 : memref<1x128xi32, #tpu.memory_space<vmem>> -> memref<128xi32, #tpu.memory_space<vmem>>
    %dma_start3A_95 = arith.constant 0 : i32
    %dma_start3A_96 = arith.constant 0 : i32
    %dma_start3A_97 = tpu.memref_slice %arg2[%dma_start3A_95, %dma_start3A_96] : memref<10000x16xf32, #tpu.memory_space<hbm>> -> memref<10000x16xf32, #tpu.memory_space<hbm>>
    tpu.enqueue_indirect_dma source(%dma_start3A_97 : memref<10000x16xf32, #tpu.memory_space<hbm>>) target(%dma_start3A_91 : memref<128x16xf32, #tpu.memory_space<vmem>>) offsets(%dma_start3A_94 : memref<128xi32, #tpu.memory_space<vmem>>) semaphore(%arg9 : memref<!tpu.dma_semaphore, #tpu.memory_space<semaphore_mem>>)
    %add3A_98 = arith.constant 0 : i32
    %add3A_99 = arith.addi %mul3A_2, %add3A_98 : i32
    %add3A_100 = arith.constant 6 : i32
    %add3A_101 = arith.addi %add3A_99, %add3A_100 : i32
    %min3A_102 = arith.constant 1249 : i32
    %min3A_103 = arith.minsi %add3A_101, %min3A_102 : i32
    %sub3A_104 = arith.subi %min3A_103, %min3A_3 : i32
    %dma_start3A_105 = arith.constant 768 : i32
    %dma_start3A_106 = arith.constant 0 : i32
    %dma_start3A_107 = tpu.memref_slice %arg6[%dma_start3A_105, %dma_start3A_106] : memref<1024x16xf32, #tpu.memory_space<vmem>> -> memref<128x16xf32, #tpu.memory_space<vmem>>
    %dma_start3A_108 = arith.constant 0 : i32
    %dma_start3A_109 = tpu.memref_slice %arg5[%sub3A_104, %dma_start3A_108] : memref<40x128xi32, #tpu.memory_space<vmem>> -> memref<1x128xi32, #tpu.memory_space<vmem>>
    %dma_start3A_110 = tpu.memref_squeeze %dma_start3A_109 : memref<1x128xi32, #tpu.memory_space<vmem>> -> memref<128xi32, #tpu.memory_space<vmem>>
    %dma_start3A_111 = arith.constant 0 : i32
    %dma_start3A_112 = arith.constant 0 : i32
    %dma_start3A_113 = tpu.memref_slice %arg2[%dma_start3A_111, %dma_start3A_112] : memref<10000x16xf32, #tpu.memory_space<hbm>> -> memref<10000x16xf32, #tpu.memory_space<hbm>>
    tpu.enqueue_indirect_dma source(%dma_start3A_113 : memref<10000x16xf32, #tpu.memory_space<hbm>>) target(%dma_start3A_107 : memref<128x16xf32, #tpu.memory_space<vmem>>) offsets(%dma_start3A_110 : memref<128xi32, #tpu.memory_space<vmem>>) semaphore(%arg9 : memref<!tpu.dma_semaphore, #tpu.memory_space<semaphore_mem>>)
    %add3A_114 = arith.constant 0 : i32
    %add3A_115 = arith.addi %mul3A_2, %add3A_114 : i32
    %add3A_116 = arith.constant 7 : i32
    %add3A_117 = arith.addi %add3A_115, %add3A_116 : i32
    %min3A_118 = arith.constant 1249 : i32
    %min3A_119 = arith.minsi %add3A_117, %min3A_118 : i32
    %sub3A_120 = arith.subi %min3A_119, %min3A_3 : i32
    %dma_start3A_121 = arith.constant 896 : i32
    %dma_start3A_122 = arith.constant 0 : i32
    %dma_start3A_123 = tpu.memref_slice %arg6[%dma_start3A_121, %dma_start3A_122] : memref<1024x16xf32, #tpu.memory_space<vmem>> -> memref<128x16xf32, #tpu.memory_space<vmem>>
    %dma_start3A_124 = arith.constant 0 : i32
    %dma_start3A_125 = tpu.memref_slice %arg5[%sub3A_120, %dma_start3A_124] : memref<40x128xi32, #tpu.memory_space<vmem>> -> memref<1x128xi32, #tpu.memory_space<vmem>>
    %dma_start3A_126 = tpu.memref_squeeze %dma_start3A_125 : memref<1x128xi32, #tpu.memory_space<vmem>> -> memref<128xi32, #tpu.memory_space<vmem>>
    %dma_start3A_127 = arith.constant 0 : i32
    %dma_start3A_128 = arith.constant 0 : i32
    %dma_start3A_129 = tpu.memref_slice %arg2[%dma_start3A_127, %dma_start3A_128] : memref<10000x16xf32, #tpu.memory_space<hbm>> -> memref<10000x16xf32, #tpu.memory_space<hbm>>
    tpu.enqueue_indirect_dma source(%dma_start3A_129 : memref<10000x16xf32, #tpu.memory_space<hbm>>) target(%dma_start3A_123 : memref<128x16xf32, #tpu.memory_space<vmem>>) offsets(%dma_start3A_126 : memref<128xi32, #tpu.memory_space<vmem>>) semaphore(%arg9 : memref<!tpu.dma_semaphore, #tpu.memory_space<semaphore_mem>>)
    %scan3A = arith.constant 0 : i32
    %scan3A_130 = arith.constant 0 : i32
    %scan3A_131 = arith.constant 2 : i32
    %scan3A_132 = arith.addi %scan3A_130, %scan3A_131 : i32
    %scan3A_133 = arith.constant 1 : i32
    scf.for %scan3A_153 = %scan3A_130 to %scan3A_132 step %scan3A_133  : i32 {
      %mul3A_154 = arith.constant 2 : i32
      %mul3A_155 = arith.muli %mul3A_154, %scan3A_153 : i32
      %add3A_156 = arith.constant 1 : i32
      %add3A_157 = arith.addi %mul3A_155, %add3A_156 : i32
      %mul3A_158 = arith.constant 8 : i32
      %mul3A_159 = arith.muli %add3A_157, %mul3A_158 : i32
      %add3A_160 = arith.addi %mul3A_2, %mul3A_159 : i32
      %add3A_161 = arith.constant 0 : i32
      %add3A_162 = arith.addi %add3A_160, %add3A_161 : i32
      %min3A_163 = arith.constant 1249 : i32
      %min3A_164 = arith.minsi %add3A_162, %min3A_163 : i32
      %sub3A_165 = arith.subi %min3A_164, %min3A_3 : i32
      %dma_start3A_166 = arith.constant 0 : i32
      %dma_start3A_167 = arith.constant 0 : i32
      %dma_start3A_168 = tpu.memref_slice %arg7[%dma_start3A_166, %dma_start3A_167] : memref<1024x16xf32, #tpu.memory_space<vmem>> -> memref<128x16xf32, #tpu.memory_space<vmem>>
      %dma_start3A_169 = arith.constant 0 : i32
      %dma_start3A_170 = tpu.memref_slice %arg5[%sub3A_165, %dma_start3A_169] : memref<40x128xi32, #tpu.memory_space<vmem>> -> memref<1x128xi32, #tpu.memory_space<vmem>>
      %dma_start3A_171 = tpu.memref_squeeze %dma_start3A_170 : memref<1x128xi32, #tpu.memory_space<vmem>> -> memref<128xi32, #tpu.memory_space<vmem>>
      %dma_start3A_172 = arith.constant 0 : i32
      %dma_start3A_173 = arith.constant 0 : i32
      %dma_start3A_174 = tpu.memref_slice %arg2[%dma_start3A_172, %dma_start3A_173] : memref<10000x16xf32, #tpu.memory_space<hbm>> -> memref<10000x16xf32, #tpu.memory_space<hbm>>
      tpu.enqueue_indirect_dma source(%dma_start3A_174 : memref<10000x16xf32, #tpu.memory_space<hbm>>) target(%dma_start3A_168 : memref<128x16xf32, #tpu.memory_space<vmem>>) offsets(%dma_start3A_171 : memref<128xi32, #tpu.memory_space<vmem>>) semaphore(%arg10 : memref<!tpu.dma_semaphore, #tpu.memory_space<semaphore_mem>>)
      %mul3A_175 = arith.constant 8 : i32
      %mul3A_176 = arith.muli %add3A_157, %mul3A_175 : i32
      %add3A_177 = arith.addi %mul3A_2, %mul3A_176 : i32
      %add3A_178 = arith.constant 1 : i32
      %add3A_179 = arith.addi %add3A_177, %add3A_178 : i32
      %min3A_180 = arith.constant 1249 : i32
      %min3A_181 = arith.minsi %add3A_179, %min3A_180 : i32
      %sub3A_182 = arith.subi %min3A_181, %min3A_3 : i32
      %dma_start3A_183 = arith.constant 128 : i32
      %dma_start3A_184 = arith.constant 0 : i32
      %dma_start3A_185 = tpu.memref_slice %arg7[%dma_start3A_183, %dma_start3A_184] : memref<1024x16xf32, #tpu.memory_space<vmem>> -> memref<128x16xf32, #tpu.memory_space<vmem>>
      %dma_start3A_186 = arith.constant 0 : i32
      %dma_start3A_187 = tpu.memref_slice %arg5[%sub3A_182, %dma_start3A_186] : memref<40x128xi32, #tpu.memory_space<vmem>> -> memref<1x128xi32, #tpu.memory_space<vmem>>
      %dma_start3A_188 = tpu.memref_squeeze %dma_start3A_187 : memref<1x128xi32, #tpu.memory_space<vmem>> -> memref<128xi32, #tpu.memory_space<vmem>>
      %dma_start3A_189 = arith.constant 0 : i32
      %dma_start3A_190 = arith.constant 0 : i32
      %dma_start3A_191 = tpu.memref_slice %arg2[%dma_start3A_189, %dma_start3A_190] : memref<10000x16xf32, #tpu.memory_space<hbm>> -> memref<10000x16xf32, #tpu.memory_space<hbm>>
      tpu.enqueue_indirect_dma source(%dma_start3A_191 : memref<10000x16xf32, #tpu.memory_space<hbm>>) target(%dma_start3A_185 : memref<128x16xf32, #tpu.memory_space<vmem>>) offsets(%dma_start3A_188 : memref<128xi32, #tpu.memory_space<vmem>>) semaphore(%arg10 : memref<!tpu.dma_semaphore, #tpu.memory_space<semaphore_mem>>)
      %mul3A_192 = arith.constant 8 : i32
      %mul3A_193 = arith.muli %add3A_157, %mul3A_192 : i32
      %add3A_194 = arith.addi %mul3A_2, %mul3A_193 : i32
      %add3A_195 = arith.constant 2 : i32
      %add3A_196 = arith.addi %add3A_194, %add3A_195 : i32
      %min3A_197 = arith.constant 1249 : i32
      %min3A_198 = arith.minsi %add3A_196, %min3A_197 : i32
      %sub3A_199 = arith.subi %min3A_198, %min3A_3 : i32
      %dma_start3A_200 = arith.constant 256 : i32
      %dma_start3A_201 = arith.constant 0 : i32
      %dma_start3A_202 = tpu.memref_slice %arg7[%dma_start3A_200, %dma_start3A_201] : memref<1024x16xf32, #tpu.memory_space<vmem>> -> memref<128x16xf32, #tpu.memory_space<vmem>>
      %dma_start3A_203 = arith.constant 0 : i32
      %dma_start3A_204 = tpu.memref_slice %arg5[%sub3A_199, %dma_start3A_203] : memref<40x128xi32, #tpu.memory_space<vmem>> -> memref<1x128xi32, #tpu.memory_space<vmem>>
      %dma_start3A_205 = tpu.memref_squeeze %dma_start3A_204 : memref<1x128xi32, #tpu.memory_space<vmem>> -> memref<128xi32, #tpu.memory_space<vmem>>
      %dma_start3A_206 = arith.constant 0 : i32
      %dma_start3A_207 = arith.constant 0 : i32
      %dma_start3A_208 = tpu.memref_slice %arg2[%dma_start3A_206, %dma_start3A_207] : memref<10000x16xf32, #tpu.memory_space<hbm>> -> memref<10000x16xf32, #tpu.memory_space<hbm>>
      tpu.enqueue_indirect_dma source(%dma_start3A_208 : memref<10000x16xf32, #tpu.memory_space<hbm>>) target(%dma_start3A_202 : memref<128x16xf32, #tpu.memory_space<vmem>>) offsets(%dma_start3A_205 : memref<128xi32, #tpu.memory_space<vmem>>) semaphore(%arg10 : memref<!tpu.dma_semaphore, #tpu.memory_space<semaphore_mem>>)
      %mul3A_209 = arith.constant 8 : i32
      %mul3A_210 = arith.muli %add3A_157, %mul3A_209 : i32
      %add3A_211 = arith.addi %mul3A_2, %mul3A_210 : i32
      %add3A_212 = arith.constant 3 : i32
      %add3A_213 = arith.addi %add3A_211, %add3A_212 : i32
      %min3A_214 = arith.constant 1249 : i32
      %min3A_215 = arith.minsi %add3A_213, %min3A_214 : i32
      %sub3A_216 = arith.subi %min3A_215, %min3A_3 : i32
      %dma_start3A_217 = arith.constant 384 : i32
      %dma_start3A_218 = arith.constant 0 : i32
      %dma_start3A_219 = tpu.memref_slice %arg7[%dma_start3A_217, %dma_start3A_218] : memref<1024x16xf32, #tpu.memory_space<vmem>> -> memref<128x16xf32, #tpu.memory_space<vmem>>
      %dma_start3A_220 = arith.constant 0 : i32
      %dma_start3A_221 = tpu.memref_slice %arg5[%sub3A_216, %dma_start3A_220] : memref<40x128xi32, #tpu.memory_space<vmem>> -> memref<1x128xi32, #tpu.memory_space<vmem>>
      %dma_start3A_222 = tpu.memref_squeeze %dma_start3A_221 : memref<1x128xi32, #tpu.memory_space<vmem>> -> memref<128xi32, #tpu.memory_space<vmem>>
      %dma_start3A_223 = arith.constant 0 : i32
      %dma_start3A_224 = arith.constant 0 : i32
      %dma_start3A_225 = tpu.memref_slice %arg2[%dma_start3A_223, %dma_start3A_224] : memref<10000x16xf32, #tpu.memory_space<hbm>> -> memref<10000x16xf32, #tpu.memory_space<hbm>>
      tpu.enqueue_indirect_dma source(%dma_start3A_225 : memref<10000x16xf32, #tpu.memory_space<hbm>>) target(%dma_start3A_219 : memref<128x16xf32, #tpu.memory_space<vmem>>) offsets(%dma_start3A_222 : memref<128xi32, #tpu.memory_space<vmem>>) semaphore(%arg10 : memref<!tpu.dma_semaphore, #tpu.memory_space<semaphore_mem>>)
      %mul3A_226 = arith.constant 8 : i32
      %mul3A_227 = arith.muli %add3A_157, %mul3A_226 : i32
      %add3A_228 = arith.addi %mul3A_2, %mul3A_227 : i32
      %add3A_229 = arith.constant 4 : i32
      %add3A_230 = arith.addi %add3A_228, %add3A_229 : i32
      %min3A_231 = arith.constant 1249 : i32
      %min3A_232 = arith.minsi %add3A_230, %min3A_231 : i32
      %sub3A_233 = arith.subi %min3A_232, %min3A_3 : i32
      %dma_start3A_234 = arith.constant 512 : i32
      %dma_start3A_235 = arith.constant 0 : i32
      %dma_start3A_236 = tpu.memref_slice %arg7[%dma_start3A_234, %dma_start3A_235] : memref<1024x16xf32, #tpu.memory_space<vmem>> -> memref<128x16xf32, #tpu.memory_space<vmem>>
      %dma_start3A_237 = arith.constant 0 : i32
      %dma_start3A_238 = tpu.memref_slice %arg5[%sub3A_233, %dma_start3A_237] : memref<40x128xi32, #tpu.memory_space<vmem>> -> memref<1x128xi32, #tpu.memory_space<vmem>>
      %dma_start3A_239 = tpu.memref_squeeze %dma_start3A_238 : memref<1x128xi32, #tpu.memory_space<vmem>> -> memref<128xi32, #tpu.memory_space<vmem>>
      %dma_start3A_240 = arith.constant 0 : i32
      %dma_start3A_241 = arith.constant 0 : i32
      %dma_start3A_242 = tpu.memref_slice %arg2[%dma_start3A_240, %dma_start3A_241] : memref<10000x16xf32, #tpu.memory_space<hbm>> -> memref<10000x16xf32, #tpu.memory_space<hbm>>
      tpu.enqueue_indirect_dma source(%dma_start3A_242 : memref<10000x16xf32, #tpu.memory_space<hbm>>) target(%dma_start3A_236 : memref<128x16xf32, #tpu.memory_space<vmem>>) offsets(%dma_start3A_239 : memref<128xi32, #tpu.memory_space<vmem>>) semaphore(%arg10 : memref<!tpu.dma_semaphore, #tpu.memory_space<semaphore_mem>>)
      %mul3A_243 = arith.constant 8 : i32
      %mul3A_244 = arith.muli %add3A_157, %mul3A_243 : i32
      %add3A_245 = arith.addi %mul3A_2, %mul3A_244 : i32
      %add3A_246 = arith.constant 5 : i32
      %add3A_247 = arith.addi %add3A_245, %add3A_246 : i32
      %min3A_248 = arith.constant 1249 : i32
      %min3A_249 = arith.minsi %add3A_247, %min3A_248 : i32
      %sub3A_250 = arith.subi %min3A_249, %min3A_3 : i32
      %dma_start3A_251 = arith.constant 640 : i32
      %dma_start3A_252 = arith.constant 0 : i32
      %dma_start3A_253 = tpu.memref_slice %arg7[%dma_start3A_251, %dma_start3A_252] : memref<1024x16xf32, #tpu.memory_space<vmem>> -> memref<128x16xf32, #tpu.memory_space<vmem>>
      %dma_start3A_254 = arith.constant 0 : i32
      %dma_start3A_255 = tpu.memref_slice %arg5[%sub3A_250, %dma_start3A_254] : memref<40x128xi32, #tpu.memory_space<vmem>> -> memref<1x128xi32, #tpu.memory_space<vmem>>
      %dma_start3A_256 = tpu.memref_squeeze %dma_start3A_255 : memref<1x128xi32, #tpu.memory_space<vmem>> -> memref<128xi32, #tpu.memory_space<vmem>>
      %dma_start3A_257 = arith.constant 0 : i32
      %dma_start3A_258 = arith.constant 0 : i32
      %dma_start3A_259 = tpu.memref_slice %arg2[%dma_start3A_257, %dma_start3A_258] : memref<10000x16xf32, #tpu.memory_space<hbm>> -> memref<10000x16xf32, #tpu.memory_space<hbm>>
      tpu.enqueue_indirect_dma source(%dma_start3A_259 : memref<10000x16xf32, #tpu.memory_space<hbm>>) target(%dma_start3A_253 : memref<128x16xf32, #tpu.memory_space<vmem>>) offsets(%dma_start3A_256 : memref<128xi32, #tpu.memory_space<vmem>>) semaphore(%arg10 : memref<!tpu.dma_semaphore, #tpu.memory_space<semaphore_mem>>)
      %mul3A_260 = arith.constant 8 : i32
      %mul3A_261 = arith.muli %add3A_157, %mul3A_260 : i32
      %add3A_262 = arith.addi %mul3A_2, %mul3A_261 : i32
      %add3A_263 = arith.constant 6 : i32
      %add3A_264 = arith.addi %add3A_262, %add3A_263 : i32
      %min3A_265 = arith.constant 1249 : i32
      %min3A_266 = arith.minsi %add3A_264, %min3A_265 : i32
      %sub3A_267 = arith.subi %min3A_266, %min3A_3 : i32
      %dma_start3A_268 = arith.constant 768 : i32
      %dma_start3A_269 = arith.constant 0 : i32
      %dma_start3A_270 = tpu.memref_slice %arg7[%dma_start3A_268, %dma_start3A_269] : memref<1024x16xf32, #tpu.memory_space<vmem>> -> memref<128x16xf32, #tpu.memory_space<vmem>>
      %dma_start3A_271 = arith.constant 0 : i32
      %dma_start3A_272 = tpu.memref_slice %arg5[%sub3A_267, %dma_start3A_271] : memref<40x128xi32, #tpu.memory_space<vmem>> -> memref<1x128xi32, #tpu.memory_space<vmem>>
      %dma_start3A_273 = tpu.memref_squeeze %dma_start3A_272 : memref<1x128xi32, #tpu.memory_space<vmem>> -> memref<128xi32, #tpu.memory_space<vmem>>
      %dma_start3A_274 = arith.constant 0 : i32
      %dma_start3A_275 = arith.constant 0 : i32
      %dma_start3A_276 = tpu.memref_slice %arg2[%dma_start3A_274, %dma_start3A_275] : memref<10000x16xf32, #tpu.memory_space<hbm>> -> memref<10000x16xf32, #tpu.memory_space<hbm>>
      tpu.enqueue_indirect_dma source(%dma_start3A_276 : memref<10000x16xf32, #tpu.memory_space<hbm>>) target(%dma_start3A_270 : memref<128x16xf32, #tpu.memory_space<vmem>>) offsets(%dma_start3A_273 : memref<128xi32, #tpu.memory_space<vmem>>) semaphore(%arg10 : memref<!tpu.dma_semaphore, #tpu.memory_space<semaphore_mem>>)
      %mul3A_277 = arith.constant 8 : i32
      %mul3A_278 = arith.muli %add3A_157, %mul3A_277 : i32
      %add3A_279 = arith.addi %mul3A_2, %mul3A_278 : i32
      %add3A_280 = arith.constant 7 : i32
      %add3A_281 = arith.addi %add3A_279, %add3A_280 : i32
      %min3A_282 = arith.constant 1249 : i32
      %min3A_283 = arith.minsi %add3A_281, %min3A_282 : i32
      %sub3A_284 = arith.subi %min3A_283, %min3A_3 : i32
      %dma_start3A_285 = arith.constant 896 : i32
      %dma_start3A_286 = arith.constant 0 : i32
      %dma_start3A_287 = tpu.memref_slice %arg7[%dma_start3A_285, %dma_start3A_286] : memref<1024x16xf32, #tpu.memory_space<vmem>> -> memref<128x16xf32, #tpu.memory_space<vmem>>
      %dma_start3A_288 = arith.constant 0 : i32
      %dma_start3A_289 = tpu.memref_slice %arg5[%sub3A_284, %dma_start3A_288] : memref<40x128xi32, #tpu.memory_space<vmem>> -> memref<1x128xi32, #tpu.memory_space<vmem>>
      %dma_start3A_290 = tpu.memref_squeeze %dma_start3A_289 : memref<1x128xi32, #tpu.memory_space<vmem>> -> memref<128xi32, #tpu.memory_space<vmem>>
      %dma_start3A_291 = arith.constant 0 : i32
      %dma_start3A_292 = arith.constant 0 : i32
      %dma_start3A_293 = tpu.memref_slice %arg2[%dma_start3A_291, %dma_start3A_292] : memref<10000x16xf32, #tpu.memory_space<hbm>> -> memref<10000x16xf32, #tpu.memory_space<hbm>>
      tpu.enqueue_indirect_dma source(%dma_start3A_293 : memref<10000x16xf32, #tpu.memory_space<hbm>>) target(%dma_start3A_287 : memref<128x16xf32, #tpu.memory_space<vmem>>) offsets(%dma_start3A_290 : memref<128xi32, #tpu.memory_space<vmem>>) semaphore(%arg10 : memref<!tpu.dma_semaphore, #tpu.memory_space<semaphore_mem>>)
      %dma_wait3A_294 = arith.constant 0 : i32
      %dma_wait3A_295 = arith.constant 0 : i32
      %dma_wait3A_296 = tpu.memref_slice %arg2[%dma_wait3A_294, %dma_wait3A_295] : memref<10000x16xf32, #tpu.memory_space<hbm>> -> memref<1024x16xf32, #tpu.memory_space<hbm>>
      %dma_wait3A_297 = arith.constant 0 : i32
      %dma_wait3A_298 = arith.constant 0 : i32
      %dma_wait3A_299 = tpu.memref_slice %arg2[%dma_wait3A_297, %dma_wait3A_298] : memref<10000x16xf32, #tpu.memory_space<hbm>> -> memref<1024x16xf32, #tpu.memory_space<hbm>>
      tpu.wait_dma2 semaphore(%arg9 : memref<!tpu.dma_semaphore, #tpu.memory_space<semaphore_mem>>) src(%dma_wait3A_299 : memref<1024x16xf32, #tpu.memory_space<hbm>>) dst(%arg6 : memref<1024x16xf32, #tpu.memory_space<vmem>>)
      %scan3A_300 = arith.constant 0 : i32
      %scan3A_301 = arith.constant 0 : i32
      %scan3A_302 = arith.constant 64 : i32
      %scan3A_303 = arith.addi %scan3A_301, %scan3A_302 : i32
      %scan3A_304 = arith.constant 1 : i32
      scf.for %scan3A_458 = %scan3A_301 to %scan3A_303 step %scan3A_304  : i32 {
        %mul3A_459 = arith.constant 16 : i32
        %mul3A_460 = arith.muli %scan3A_458, %mul3A_459 : i32
        %mul3A_461 = arith.constant 8 : i32
        %mul3A_462 = arith.muli %mul3A_155, %mul3A_461 : i32
        %jit3A = arith.constant 8 : i32
        %div3A = arith.divsi %scan3A_458, %jit3A : i32
        %sign3A = arith.constant 0 : i32
        %sign3A_463 = arith.cmpi sgt, %scan3A_458, %sign3A : i32
        %sign3A_464 = arith.extui %sign3A_463 : i1 to i32
        %sign3A_465 = arith.constant 0 : i32
        %sign3A_466 = arith.cmpi slt, %scan3A_458, %sign3A_465 : i32
        %sign3A_467 = arith.extui %sign3A_466 : i1 to i32
        %sign3A_468 = arith.subi %sign3A_464, %sign3A_467 : i32
        %sign3A_469 = arith.constant 0 : i32
        %sign3A_470 = arith.cmpi sgt, %jit3A, %sign3A_469 : i32
        %sign3A_471 = arith.extui %sign3A_470 : i1 to i32
        %sign3A_472 = arith.constant 0 : i32
        %sign3A_473 = arith.cmpi slt, %jit3A, %sign3A_472 : i32
        %sign3A_474 = arith.extui %sign3A_473 : i1 to i32
        %sign3A_475 = arith.subi %sign3A_471, %sign3A_474 : i32
        %ne3A = arith.cmpi ne, %sign3A_468, %sign3A_475 : i32
        %rem3A = arith.remsi %scan3A_458, %jit3A : i32
        %ne3A_476 = arith.constant 0 : i32
        %ne3A_477 = arith.cmpi ne, %rem3A, %ne3A_476 : i32
        %and3A = arith.andi %ne3A, %ne3A_477 : i1
        %sub3A_478 = arith.constant 1 : i32
        %sub3A_479 = arith.subi %div3A, %sub3A_478 : i32
        %select_n3A = arith.select %and3A, %sub3A_479, %div3A : i32
        %add3A_480 = arith.addi %mul3A_462, %select_n3A : i32
        %jit3A_481 = arith.constant 8 : i32
        %eq3A = arith.constant 0 : i32
        %eq3A_482 = arith.cmpi eq, %jit3A_481, %eq3A : i32
        %jit3A_483 = arith.constant 1 : i32
        %select_n3A_484 = arith.select %eq3A_482, %jit3A_483, %jit3A_481 : i32
        %rem3A_485 = arith.remsi %scan3A_458, %select_n3A_484 : i32
        %ne3A_486 = arith.constant 0 : i32
        %ne3A_487 = arith.cmpi ne, %rem3A_485, %ne3A_486 : i32
        %lt3A = arith.constant 0 : i32
        %lt3A_488 = arith.cmpi slt, %rem3A_485, %lt3A : i32
        %lt3A_489 = arith.constant 0 : i32
        %lt3A_490 = arith.cmpi slt, %select_n3A_484, %lt3A_489 : i32
        %ne3A_491 = arith.xori %lt3A_488, %lt3A_490 : i1
        %and3A_492 = arith.andi %ne3A_491, %ne3A_487 : i1
        %add3A_493 = arith.addi %rem3A_485, %select_n3A_484 : i32
        %select_n3A_494 = arith.select %and3A_492, %add3A_493, %rem3A_485 : i32
        %mul3A_495 = arith.constant 16 : i32
        %mul3A_496 = arith.muli %select_n3A_494, %mul3A_495 : i32
        %add3A_497 = vector.broadcast %mul3A_460 : i32 to vector<16xi32>
        %add3A_498 = arith.addi %iota3A, %add3A_497 : vector<16xi32>
        %broadcast_in_dim3A = arith.constant 0 : i32
        %broadcast_in_dim3A_499 = vector.broadcast %broadcast_in_dim3A : i32 to vector<16xi32>
        %gather3A = tpu.vector_load_idx %arg6[%add3A_498, %broadcast_in_dim3A_499] : memref<1024x16xf32, #tpu.memory_space<vmem>>[vector<16xi32>, vector<16xi32>], vector<16xf32>,
        %swap3A = arith.constant 0 : i32
        %swap3A_500 = arith.constant 0 : i32
        %swap3A_501 = arith.index_cast %swap3A : i32 to index
        %swap3A_502 = arith.index_cast %add3A_480 : i32 to index
        %swap3A_503 = arith.index_cast %swap3A_500 : i32 to index
        %swap3A_504 = arith.index_cast %mul3A_496 : i32 to index
        %swap3A_505 = tpu.vector_load %arg8[%swap3A_501, %swap3A_502, %swap3A_503, %swap3A_504] {strides = array<i32>} : memref<2x40x8x128xf32, #tpu.memory_space<vmem>>, vector<16xf32>,
        tpu.vector_store %arg8[%swap3A_501, %swap3A_502, %swap3A_503, %swap3A_504], %gather3A {strides = array<i32>} : memref<2x40x8x128xf32, #tpu.memory_space<vmem>>, vector<16xf32>,
        %add3A_506 = vector.broadcast %mul3A_460 : i32 to vector<16xi32>
        %add3A_507 = arith.addi %iota3A, %add3A_506 : vector<16xi32>
        %broadcast_in_dim3A_508 = arith.constant 1 : i32
        %broadcast_in_dim3A_509 = vector.broadcast %broadcast_in_dim3A_508 : i32 to vector<16xi32>
        %gather3A_510 = tpu.vector_load_idx %arg6[%add3A_507, %broadcast_in_dim3A_509] : memref<1024x16xf32, #tpu.memory_space<vmem>>[vector<16xi32>, vector<16xi32>], vector<16xf32>,
        %swap3A_511 = arith.constant 0 : i32
        %swap3A_512 = arith.constant 1 : i32
        %swap3A_513 = arith.index_cast %swap3A_511 : i32 to index
        %swap3A_514 = arith.index_cast %add3A_480 : i32 to index
        %swap3A_515 = arith.index_cast %swap3A_512 : i32 to index
        %swap3A_516 = arith.index_cast %mul3A_496 : i32 to index
        %swap3A_517 = tpu.vector_load %arg8[%swap3A_513, %swap3A_514, %swap3A_515, %swap3A_516] {strides = array<i32>} : memref<2x40x8x128xf32, #tpu.memory_space<vmem>>, vector<16xf32>,
        tpu.vector_store %arg8[%swap3A_513, %swap3A_514, %swap3A_515, %swap3A_516], %gather3A_510 {strides = array<i32>} : memref<2x40x8x128xf32, #tpu.memory_space<vmem>>, vector<16xf32>,
        %add3A_518 = vector.broadcast %mul3A_460 : i32 to vector<16xi32>
        %add3A_519 = arith.addi %iota3A, %add3A_518 : vector<16xi32>
        %broadcast_in_dim3A_520 = arith.constant 2 : i32
        %broadcast_in_dim3A_521 = vector.broadcast %broadcast_in_dim3A_520 : i32 to vector<16xi32>
        %gather3A_522 = tpu.vector_load_idx %arg6[%add3A_519, %broadcast_in_dim3A_521] : memref<1024x16xf32, #tpu.memory_space<vmem>>[vector<16xi32>, vector<16xi32>], vector<16xf32>,
        %swap3A_523 = arith.constant 0 : i32
        %swap3A_524 = arith.constant 2 : i32
        %swap3A_525 = arith.index_cast %swap3A_523 : i32 to index
        %swap3A_526 = arith.index_cast %add3A_480 : i32 to index
        %swap3A_527 = arith.index_cast %swap3A_524 : i32 to index
        %swap3A_528 = arith.index_cast %mul3A_496 : i32 to index
        %swap3A_529 = tpu.vector_load %arg8[%swap3A_525, %swap3A_526, %swap3A_527, %swap3A_528] {strides = array<i32>} : memref<2x40x8x128xf32, #tpu.memory_space<vmem>>, vector<16xf32>,
        tpu.vector_store %arg8[%swap3A_525, %swap3A_526, %swap3A_527, %swap3A_528], %gather3A_522 {strides = array<i32>} : memref<2x40x8x128xf32, #tpu.memory_space<vmem>>, vector<16xf32>,
        %add3A_530 = vector.broadcast %mul3A_460 : i32 to vector<16xi32>
        %add3A_531 = arith.addi %iota3A, %add3A_530 : vector<16xi32>
        %broadcast_in_dim3A_532 = arith.constant 3 : i32
        %broadcast_in_dim3A_533 = vector.broadcast %broadcast_in_dim3A_532 : i32 to vector<16xi32>
        %gather3A_534 = tpu.vector_load_idx %arg6[%add3A_531, %broadcast_in_dim3A_533] : memref<1024x16xf32, #tpu.memory_space<vmem>>[vector<16xi32>, vector<16xi32>], vector<16xf32>,
        %swap3A_535 = arith.constant 0 : i32
        %swap3A_536 = arith.constant 3 : i32
        %swap3A_537 = arith.index_cast %swap3A_535 : i32 to index
        %swap3A_538 = arith.index_cast %add3A_480 : i32 to index
        %swap3A_539 = arith.index_cast %swap3A_536 : i32 to index
        %swap3A_540 = arith.index_cast %mul3A_496 : i32 to index
        %swap3A_541 = tpu.vector_load %arg8[%swap3A_537, %swap3A_538, %swap3A_539, %swap3A_540] {strides = array<i32>} : memref<2x40x8x128xf32, #tpu.memory_space<vmem>>, vector<16xf32>,
        tpu.vector_store %arg8[%swap3A_537, %swap3A_538, %swap3A_539, %swap3A_540], %gather3A_534 {strides = array<i32>} : memref<2x40x8x128xf32, #tpu.memory_space<vmem>>, vector<16xf32>,
        %add3A_542 = vector.broadcast %mul3A_460 : i32 to vector<16xi32>
        %add3A_543 = arith.addi %iota3A, %add3A_542 : vector<16xi32>
        %broadcast_in_dim3A_544 = arith.constant 4 : i32
        %broadcast_in_dim3A_545 = vector.broadcast %broadcast_in_dim3A_544 : i32 to vector<16xi32>
        %gather3A_546 = tpu.vector_load_idx %arg6[%add3A_543, %broadcast_in_dim3A_545] : memref<1024x16xf32, #tpu.memory_space<vmem>>[vector<16xi32>, vector<16xi32>], vector<16xf32>,
        %swap3A_547 = arith.constant 0 : i32
        %swap3A_548 = arith.constant 4 : i32
        %swap3A_549 = arith.index_cast %swap3A_547 : i32 to index
        %swap3A_550 = arith.index_cast %add3A_480 : i32 to index
        %swap3A_551 = arith.index_cast %swap3A_548 : i32 to index
        %swap3A_552 = arith.index_cast %mul3A_496 : i32 to index
        %swap3A_553 = tpu.vector_load %arg8[%swap3A_549, %swap3A_550, %swap3A_551, %swap3A_552] {strides = array<i32>} : memref<2x40x8x128xf32, #tpu.memory_space<vmem>>, vector<16xf32>,
        tpu.vector_store %arg8[%swap3A_549, %swap3A_550, %swap3A_551, %swap3A_552], %gather3A_546 {strides = array<i32>} : memref<2x40x8x128xf32, #tpu.memory_space<vmem>>, vector<16xf32>,
        %add3A_554 = vector.broadcast %mul3A_460 : i32 to vector<16xi32>
        %add3A_555 = arith.addi %iota3A, %add3A_554 : vector<16xi32>
        %broadcast_in_dim3A_556 = arith.constant 5 : i32
        %broadcast_in_dim3A_557 = vector.broadcast %broadcast_in_dim3A_556 : i32 to vector<16xi32>
        %gather3A_558 = tpu.vector_load_idx %arg6[%add3A_555, %broadcast_in_dim3A_557] : memref<1024x16xf32, #tpu.memory_space<vmem>>[vector<16xi32>, vector<16xi32>], vector<16xf32>,
        %swap3A_559 = arith.constant 0 : i32
        %swap3A_560 = arith.constant 5 : i32
        %swap3A_561 = arith.index_cast %swap3A_559 : i32 to index
        %swap3A_562 = arith.index_cast %add3A_480 : i32 to index
        %swap3A_563 = arith.index_cast %swap3A_560 : i32 to index
        %swap3A_564 = arith.index_cast %mul3A_496 : i32 to index
        %swap3A_565 = tpu.vector_load %arg8[%swap3A_561, %swap3A_562, %swap3A_563, %swap3A_564] {strides = array<i32>} : memref<2x40x8x128xf32, #tpu.memory_space<vmem>>, vector<16xf32>,
        tpu.vector_store %arg8[%swap3A_561, %swap3A_562, %swap3A_563, %swap3A_564], %gather3A_558 {strides = array<i32>} : memref<2x40x8x128xf32, #tpu.memory_space<vmem>>, vector<16xf32>,
        %add3A_566 = vector.broadcast %mul3A_460 : i32 to vector<16xi32>
        %add3A_567 = arith.addi %iota3A, %add3A_566 : vector<16xi32>
        %broadcast_in_dim3A_568 = arith.constant 6 : i32
        %broadcast_in_dim3A_569 = vector.broadcast %broadcast_in_dim3A_568 : i32 to vector<16xi32>
        %gather3A_570 = tpu.vector_load_idx %arg6[%add3A_567, %broadcast_in_dim3A_569] : memref<1024x16xf32, #tpu.memory_space<vmem>>[vector<16xi32>, vector<16xi32>], vector<16xf32>,
        %swap3A_571 = arith.constant 0 : i32
        %swap3A_572 = arith.constant 6 : i32
        %swap3A_573 = arith.index_cast %swap3A_571 : i32 to index
        %swap3A_574 = arith.index_cast %add3A_480 : i32 to index
        %swap3A_575 = arith.index_cast %swap3A_572 : i32 to index
        %swap3A_576 = arith.index_cast %mul3A_496 : i32 to index
        %swap3A_577 = tpu.vector_load %arg8[%swap3A_573, %swap3A_574, %swap3A_575, %swap3A_576] {strides = array<i32>} : memref<2x40x8x128xf32, #tpu.memory_space<vmem>>, vector<16xf32>,
        tpu.vector_store %arg8[%swap3A_573, %swap3A_574, %swap3A_575, %swap3A_576], %gather3A_570 {strides = array<i32>} : memref<2x40x8x128xf32, #tpu.memory_space<vmem>>, vector<16xf32>,
        %add3A_578 = vector.broadcast %mul3A_460 : i32 to vector<16xi32>
        %add3A_579 = arith.addi %iota3A, %add3A_578 : vector<16xi32>
        %broadcast_in_dim3A_580 = arith.constant 7 : i32
        %broadcast_in_dim3A_581 = vector.broadcast %broadcast_in_dim3A_580 : i32 to vector<16xi32>
        %gather3A_582 = tpu.vector_load_idx %arg6[%add3A_579, %broadcast_in_dim3A_581] : memref<1024x16xf32, #tpu.memory_space<vmem>>[vector<16xi32>, vector<16xi32>], vector<16xf32>,
        %swap3A_583 = arith.constant 0 : i32
        %swap3A_584 = arith.constant 7 : i32
        %swap3A_585 = arith.index_cast %swap3A_583 : i32 to index
        %swap3A_586 = arith.index_cast %add3A_480 : i32 to index
        %swap3A_587 = arith.index_cast %swap3A_584 : i32 to index
        %swap3A_588 = arith.index_cast %mul3A_496 : i32 to index
        %swap3A_589 = tpu.vector_load %arg8[%swap3A_585, %swap3A_586, %swap3A_587, %swap3A_588] {strides = array<i32>} : memref<2x40x8x128xf32, #tpu.memory_space<vmem>>, vector<16xf32>,
        tpu.vector_store %arg8[%swap3A_585, %swap3A_586, %swap3A_587, %swap3A_588], %gather3A_582 {strides = array<i32>} : memref<2x40x8x128xf32, #tpu.memory_space<vmem>>, vector<16xf32>,
        %add3A_590 = vector.broadcast %mul3A_460 : i32 to vector<16xi32>
        %add3A_591 = arith.addi %iota3A, %add3A_590 : vector<16xi32>
        %broadcast_in_dim3A_592 = arith.constant 8 : i32
        %broadcast_in_dim3A_593 = vector.broadcast %broadcast_in_dim3A_592 : i32 to vector<16xi32>
        %gather3A_594 = tpu.vector_load_idx %arg6[%add3A_591, %broadcast_in_dim3A_593] : memref<1024x16xf32, #tpu.memory_space<vmem>>[vector<16xi32>, vector<16xi32>], vector<16xf32>,
        %swap3A_595 = arith.constant 1 : i32
        %swap3A_596 = arith.constant 0 : i32
        %swap3A_597 = arith.index_cast %swap3A_595 : i32 to index
        %swap3A_598 = arith.index_cast %add3A_480 : i32 to index
        %swap3A_599 = arith.index_cast %swap3A_596 : i32 to index
        %swap3A_600 = arith.index_cast %mul3A_496 : i32 to index
        %swap3A_601 = tpu.vector_load %arg8[%swap3A_597, %swap3A_598, %swap3A_599, %swap3A_600] {strides = array<i32>} : memref<2x40x8x128xf32, #tpu.memory_space<vmem>>, vector<16xf32>,
        tpu.vector_store %arg8[%swap3A_597, %swap3A_598, %swap3A_599, %swap3A_600], %gather3A_594 {strides = array<i32>} : memref<2x40x8x128xf32, #tpu.memory_space<vmem>>, vector<16xf32>,
        %add3A_602 = vector.broadcast %mul3A_460 : i32 to vector<16xi32>
        %add3A_603 = arith.addi %iota3A, %add3A_602 : vector<16xi32>
        %broadcast_in_dim3A_604 = arith.constant 9 : i32
        %broadcast_in_dim3A_605 = vector.broadcast %broadcast_in_dim3A_604 : i32 to vector<16xi32>
        %gather3A_606 = tpu.vector_load_idx %arg6[%add3A_603, %broadcast_in_dim3A_605] : memref<1024x16xf32, #tpu.memory_space<vmem>>[vector<16xi32>, vector<16xi32>], vector<16xf32>,
        %swap3A_607 = arith.constant 1 : i32
        %swap3A_608 = arith.constant 1 : i32
        %swap3A_609 = arith.index_cast %swap3A_607 : i32 to index
        %swap3A_610 = arith.index_cast %add3A_480 : i32 to index
        %swap3A_611 = arith.index_cast %swap3A_608 : i32 to index
        %swap3A_612 = arith.index_cast %mul3A_496 : i32 to index
        %swap3A_613 = tpu.vector_load %arg8[%swap3A_609, %swap3A_610, %swap3A_611, %swap3A_612] {strides = array<i32>} : memref<2x40x8x128xf32, #tpu.memory_space<vmem>>, vector<16xf32>,
        tpu.vector_store %arg8[%swap3A_609, %swap3A_610, %swap3A_611, %swap3A_612], %gather3A_606 {strides = array<i32>} : memref<2x40x8x128xf32, #tpu.memory_space<vmem>>, vector<16xf32>,
        %add3A_614 = vector.broadcast %mul3A_460 : i32 to vector<16xi32>
        %add3A_615 = arith.addi %iota3A, %add3A_614 : vector<16xi32>
        %broadcast_in_dim3A_616 = arith.constant 10 : i32
        %broadcast_in_dim3A_617 = vector.broadcast %broadcast_in_dim3A_616 : i32 to vector<16xi32>
        %gather3A_618 = tpu.vector_load_idx %arg6[%add3A_615, %broadcast_in_dim3A_617] : memref<1024x16xf32, #tpu.memory_space<vmem>>[vector<16xi32>, vector<16xi32>], vector<16xf32>,
        %swap3A_619 = arith.constant 1 : i32
        %swap3A_620 = arith.constant 2 : i32
        %swap3A_621 = arith.index_cast %swap3A_619 : i32 to index
        %swap3A_622 = arith.index_cast %add3A_480 : i32 to index
        %swap3A_623 = arith.index_cast %swap3A_620 : i32 to index
        %swap3A_624 = arith.index_cast %mul3A_496 : i32 to index
        %swap3A_625 = tpu.vector_load %arg8[%swap3A_621, %swap3A_622, %swap3A_623, %swap3A_624] {strides = array<i32>} : memref<2x40x8x128xf32, #tpu.memory_space<vmem>>, vector<16xf32>,
        tpu.vector_store %arg8[%swap3A_621, %swap3A_622, %swap3A_623, %swap3A_624], %gather3A_618 {strides = array<i32>} : memref<2x40x8x128xf32, #tpu.memory_space<vmem>>, vector<16xf32>,
        %add3A_626 = vector.broadcast %mul3A_460 : i32 to vector<16xi32>
        %add3A_627 = arith.addi %iota3A, %add3A_626 : vector<16xi32>
        %broadcast_in_dim3A_628 = arith.constant 11 : i32
        %broadcast_in_dim3A_629 = vector.broadcast %broadcast_in_dim3A_628 : i32 to vector<16xi32>
        %gather3A_630 = tpu.vector_load_idx %arg6[%add3A_627, %broadcast_in_dim3A_629] : memref<1024x16xf32, #tpu.memory_space<vmem>>[vector<16xi32>, vector<16xi32>], vector<16xf32>,
        %swap3A_631 = arith.constant 1 : i32
        %swap3A_632 = arith.constant 3 : i32
        %swap3A_633 = arith.index_cast %swap3A_631 : i32 to index
        %swap3A_634 = arith.index_cast %add3A_480 : i32 to index
        %swap3A_635 = arith.index_cast %swap3A_632 : i32 to index
        %swap3A_636 = arith.index_cast %mul3A_496 : i32 to index
        %swap3A_637 = tpu.vector_load %arg8[%swap3A_633, %swap3A_634, %swap3A_635, %swap3A_636] {strides = array<i32>} : memref<2x40x8x128xf32, #tpu.memory_space<vmem>>, vector<16xf32>,
        tpu.vector_store %arg8[%swap3A_633, %swap3A_634, %swap3A_635, %swap3A_636], %gather3A_630 {strides = array<i32>} : memref<2x40x8x128xf32, #tpu.memory_space<vmem>>, vector<16xf32>,
        %add3A_638 = vector.broadcast %mul3A_460 : i32 to vector<16xi32>
        %add3A_639 = arith.addi %iota3A, %add3A_638 : vector<16xi32>
        %broadcast_in_dim3A_640 = arith.constant 12 : i32
        %broadcast_in_dim3A_641 = vector.broadcast %broadcast_in_dim3A_640 : i32 to vector<16xi32>
        %gather3A_642 = tpu.vector_load_idx %arg6[%add3A_639, %broadcast_in_dim3A_641] : memref<1024x16xf32, #tpu.memory_space<vmem>>[vector<16xi32>, vector<16xi32>], vector<16xf32>,
        %swap3A_643 = arith.constant 1 : i32
        %swap3A_644 = arith.constant 4 : i32
        %swap3A_645 = arith.index_cast %swap3A_643 : i32 to index
        %swap3A_646 = arith.index_cast %add3A_480 : i32 to index
        %swap3A_647 = arith.index_cast %swap3A_644 : i32 to index
        %swap3A_648 = arith.index_cast %mul3A_496 : i32 to index
        %swap3A_649 = tpu.vector_load %arg8[%swap3A_645, %swap3A_646, %swap3A_647, %swap3A_648] {strides = array<i32>} : memref<2x40x8x128xf32, #tpu.memory_space<vmem>>, vector<16xf32>,
        tpu.vector_store %arg8[%swap3A_645, %swap3A_646, %swap3A_647, %swap3A_648], %gather3A_642 {strides = array<i32>} : memref<2x40x8x128xf32, #tpu.memory_space<vmem>>, vector<16xf32>,
        %add3A_650 = vector.broadcast %mul3A_460 : i32 to vector<16xi32>
        %add3A_651 = arith.addi %iota3A, %add3A_650 : vector<16xi32>
        %broadcast_in_dim3A_652 = arith.constant 13 : i32
        %broadcast_in_dim3A_653 = vector.broadcast %broadcast_in_dim3A_652 : i32 to vector<16xi32>
        %gather3A_654 = tpu.vector_load_idx %arg6[%add3A_651, %broadcast_in_dim3A_653] : memref<1024x16xf32, #tpu.memory_space<vmem>>[vector<16xi32>, vector<16xi32>], vector<16xf32>,
        %swap3A_655 = arith.constant 1 : i32
        %swap3A_656 = arith.constant 5 : i32
        %swap3A_657 = arith.index_cast %swap3A_655 : i32 to index
        %swap3A_658 = arith.index_cast %add3A_480 : i32 to index
        %swap3A_659 = arith.index_cast %swap3A_656 : i32 to index
        %swap3A_660 = arith.index_cast %mul3A_496 : i32 to index
        %swap3A_661 = tpu.vector_load %arg8[%swap3A_657, %swap3A_658, %swap3A_659, %swap3A_660] {strides = array<i32>} : memref<2x40x8x128xf32, #tpu.memory_space<vmem>>, vector<16xf32>,
        tpu.vector_store %arg8[%swap3A_657, %swap3A_658, %swap3A_659, %swap3A_660], %gather3A_654 {strides = array<i32>} : memref<2x40x8x128xf32, #tpu.memory_space<vmem>>, vector<16xf32>,
        %add3A_662 = vector.broadcast %mul3A_460 : i32 to vector<16xi32>
        %add3A_663 = arith.addi %iota3A, %add3A_662 : vector<16xi32>
        %broadcast_in_dim3A_664 = arith.constant 14 : i32
        %broadcast_in_dim3A_665 = vector.broadcast %broadcast_in_dim3A_664 : i32 to vector<16xi32>
        %gather3A_666 = tpu.vector_load_idx %arg6[%add3A_663, %broadcast_in_dim3A_665] : memref<1024x16xf32, #tpu.memory_space<vmem>>[vector<16xi32>, vector<16xi32>], vector<16xf32>,
        %swap3A_667 = arith.constant 1 : i32
        %swap3A_668 = arith.constant 6 : i32
        %swap3A_669 = arith.index_cast %swap3A_667 : i32 to index
        %swap3A_670 = arith.index_cast %add3A_480 : i32 to index
        %swap3A_671 = arith.index_cast %swap3A_668 : i32 to index
        %swap3A_672 = arith.index_cast %mul3A_496 : i32 to index
        %swap3A_673 = tpu.vector_load %arg8[%swap3A_669, %swap3A_670, %swap3A_671, %swap3A_672] {strides = array<i32>} : memref<2x40x8x128xf32, #tpu.memory_space<vmem>>, vector<16xf32>,
        tpu.vector_store %arg8[%swap3A_669, %swap3A_670, %swap3A_671, %swap3A_672], %gather3A_666 {strides = array<i32>} : memref<2x40x8x128xf32, #tpu.memory_space<vmem>>, vector<16xf32>,
        %add3A_674 = vector.broadcast %mul3A_460 : i32 to vector<16xi32>
        %add3A_675 = arith.addi %iota3A, %add3A_674 : vector<16xi32>
        %broadcast_in_dim3A_676 = arith.constant 15 : i32
        %broadcast_in_dim3A_677 = vector.broadcast %broadcast_in_dim3A_676 : i32 to vector<16xi32>
        %gather3A_678 = tpu.vector_load_idx %arg6[%add3A_675, %broadcast_in_dim3A_677] : memref<1024x16xf32, #tpu.memory_space<vmem>>[vector<16xi32>, vector<16xi32>], vector<16xf32>,
        %swap3A_679 = arith.constant 1 : i32
        %swap3A_680 = arith.constant 7 : i32
        %swap3A_681 = arith.index_cast %swap3A_679 : i32 to index
        %swap3A_682 = arith.index_cast %add3A_480 : i32 to index
        %swap3A_683 = arith.index_cast %swap3A_680 : i32 to index
        %swap3A_684 = arith.index_cast %mul3A_496 : i32 to index
        %swap3A_685 = tpu.vector_load %arg8[%swap3A_681, %swap3A_682, %swap3A_683, %swap3A_684] {strides = array<i32>} : memref<2x40x8x128xf32, #tpu.memory_space<vmem>>, vector<16xf32>,
        tpu.vector_store %arg8[%swap3A_681, %swap3A_682, %swap3A_683, %swap3A_684], %gather3A_678 {strides = array<i32>} : memref<2x40x8x128xf32, #tpu.memory_space<vmem>>, vector<16xf32>,
      }
      %scan3A_305 = arith.constant 64 : i32
      %add3A_306 = arith.constant 2 : i32
      %add3A_307 = arith.addi %mul3A_155, %add3A_306 : i32
      %mul3A_308 = arith.constant 8 : i32
      %mul3A_309 = arith.muli %add3A_307, %mul3A_308 : i32
      %add3A_310 = arith.addi %mul3A_2, %mul3A_309 : i32
      %add3A_311 = arith.constant 0 : i32
      %add3A_312 = arith.addi %add3A_310, %add3A_311 : i32
      %min3A_313 = arith.constant 1249 : i32
      %min3A_314 = arith.minsi %add3A_312, %min3A_313 : i32
      %sub3A_315 = arith.subi %min3A_314, %min3A_3 : i32
      %dma_start3A_316 = arith.constant 0 : i32
      %dma_start3A_317 = arith.constant 0 : i32
      %dma_start3A_318 = tpu.memref_slice %arg6[%dma_start3A_316, %dma_start3A_317] : memref<1024x16xf32, #tpu.memory_space<vmem>> -> memref<128x16xf32, #tpu.memory_space<vmem>>
      %dma_start3A_319 = arith.constant 0 : i32
      %dma_start3A_320 = tpu.memref_slice %arg5[%sub3A_315, %dma_start3A_319] : memref<40x128xi32, #tpu.memory_space<vmem>> -> memref<1x128xi32, #tpu.memory_space<vmem>>
      %dma_start3A_321 = tpu.memref_squeeze %dma_start3A_320 : memref<1x128xi32, #tpu.memory_space<vmem>> -> memref<128xi32, #tpu.memory_space<vmem>>
      %dma_start3A_322 = arith.constant 0 : i32
      %dma_start3A_323 = arith.constant 0 : i32
      %dma_start3A_324 = tpu.memref_slice %arg2[%dma_start3A_322, %dma_start3A_323] : memref<10000x16xf32, #tpu.memory_space<hbm>> -> memref<10000x16xf32, #tpu.memory_space<hbm>>
      tpu.enqueue_indirect_dma source(%dma_start3A_324 : memref<10000x16xf32, #tpu.memory_space<hbm>>) target(%dma_start3A_318 : memref<128x16xf32, #tpu.memory_space<vmem>>) offsets(%dma_start3A_321 : memref<128xi32, #tpu.memory_space<vmem>>) semaphore(%arg9 : memref<!tpu.dma_semaphore, #tpu.memory_space<semaphore_mem>>)
      %mul3A_325 = arith.constant 8 : i32
      %mul3A_326 = arith.muli %add3A_307, %mul3A_325 : i32
      %add3A_327 = arith.addi %mul3A_2, %mul3A_326 : i32
      %add3A_328 = arith.constant 1 : i32
      %add3A_329 = arith.addi %add3A_327, %add3A_328 : i32
      %min3A_330 = arith.constant 1249 : i32
      %min3A_331 = arith.minsi %add3A_329, %min3A_330 : i32
      %sub3A_332 = arith.subi %min3A_331, %min3A_3 : i32
      %dma_start3A_333 = arith.constant 128 : i32
      %dma_start3A_334 = arith.constant 0 : i32
      %dma_start3A_335 = tpu.memref_slice %arg6[%dma_start3A_333, %dma_start3A_334] : memref<1024x16xf32, #tpu.memory_space<vmem>> -> memref<128x16xf32, #tpu.memory_space<vmem>>
      %dma_start3A_336 = arith.constant 0 : i32
      %dma_start3A_337 = tpu.memref_slice %arg5[%sub3A_332, %dma_start3A_336] : memref<40x128xi32, #tpu.memory_space<vmem>> -> memref<1x128xi32, #tpu.memory_space<vmem>>
      %dma_start3A_338 = tpu.memref_squeeze %dma_start3A_337 : memref<1x128xi32, #tpu.memory_space<vmem>> -> memref<128xi32, #tpu.memory_space<vmem>>
      %dma_start3A_339 = arith.constant 0 : i32
      %dma_start3A_340 = arith.constant 0 : i32
      %dma_start3A_341 = tpu.memref_slice %arg2[%dma_start3A_339, %dma_start3A_340] : memref<10000x16xf32, #tpu.memory_space<hbm>> -> memref<10000x16xf32, #tpu.memory_space<hbm>>
      tpu.enqueue_indirect_dma source(%dma_start3A_341 : memref<10000x16xf32, #tpu.memory_space<hbm>>) target(%dma_start3A_335 : memref<128x16xf32, #tpu.memory_space<vmem>>) offsets(%dma_start3A_338 : memref<128xi32, #tpu.memory_space<vmem>>) semaphore(%arg9 : memref<!tpu.dma_semaphore, #tpu.memory_space<semaphore_mem>>)
      %mul3A_342 = arith.constant 8 : i32
      %mul3A_343 = arith.muli %add3A_307, %mul3A_342 : i32
      %add3A_344 = arith.addi %mul3A_2, %mul3A_343 : i32
      %add3A_345 = arith.constant 2 : i32
      %add3A_346 = arith.addi %add3A_344, %add3A_345 : i32
      %min3A_347 = arith.constant 1249 : i32
      %min3A_348 = arith.minsi %add3A_346, %min3A_347 : i32
      %sub3A_349 = arith.subi %min3A_348, %min3A_3 : i32
      %dma_start3A_350 = arith.constant 256 : i32
      %dma_start3A_351 = arith.constant 0 : i32
      %dma_start3A_352 = tpu.memref_slice %arg6[%dma_start3A_350, %dma_start3A_351] : memref<1024x16xf32, #tpu.memory_space<vmem>> -> memref<128x16xf32, #tpu.memory_space<vmem>>
      %dma_start3A_353 = arith.constant 0 : i32
      %dma_start3A_354 = tpu.memref_slice %arg5[%sub3A_349, %dma_start3A_353] : memref<40x128xi32, #tpu.memory_space<vmem>> -> memref<1x128xi32, #tpu.memory_space<vmem>>
      %dma_start3A_355 = tpu.memref_squeeze %dma_start3A_354 : memref<1x128xi32, #tpu.memory_space<vmem>> -> memref<128xi32, #tpu.memory_space<vmem>>
      %dma_start3A_356 = arith.constant 0 : i32
      %dma_start3A_357 = arith.constant 0 : i32
      %dma_start3A_358 = tpu.memref_slice %arg2[%dma_start3A_356, %dma_start3A_357] : memref<10000x16xf32, #tpu.memory_space<hbm>> -> memref<10000x16xf32, #tpu.memory_space<hbm>>
      tpu.enqueue_indirect_dma source(%dma_start3A_358 : memref<10000x16xf32, #tpu.memory_space<hbm>>) target(%dma_start3A_352 : memref<128x16xf32, #tpu.memory_space<vmem>>) offsets(%dma_start3A_355 : memref<128xi32, #tpu.memory_space<vmem>>) semaphore(%arg9 : memref<!tpu.dma_semaphore, #tpu.memory_space<semaphore_mem>>)
      %mul3A_359 = arith.constant 8 : i32
      %mul3A_360 = arith.muli %add3A_307, %mul3A_359 : i32
      %add3A_361 = arith.addi %mul3A_2, %mul3A_360 : i32
      %add3A_362 = arith.constant 3 : i32
      %add3A_363 = arith.addi %add3A_361, %add3A_362 : i32
      %min3A_364 = arith.constant 1249 : i32
      %min3A_365 = arith.minsi %add3A_363, %min3A_364 : i32
      %sub3A_366 = arith.subi %min3A_365, %min3A_3 : i32
      %dma_start3A_367 = arith.constant 384 : i32
      %dma_start3A_368 = arith.constant 0 : i32
      %dma_start3A_369 = tpu.memref_slice %arg6[%dma_start3A_367, %dma_start3A_368] : memref<1024x16xf32, #tpu.memory_space<vmem>> -> memref<128x16xf32, #tpu.memory_space<vmem>>
      %dma_start3A_370 = arith.constant 0 : i32
      %dma_start3A_371 = tpu.memref_slice %arg5[%sub3A_366, %dma_start3A_370] : memref<40x128xi32, #tpu.memory_space<vmem>> -> memref<1x128xi32, #tpu.memory_space<vmem>>
      %dma_start3A_372 = tpu.memref_squeeze %dma_start3A_371 : memref<1x128xi32, #tpu.memory_space<vmem>> -> memref<128xi32, #tpu.memory_space<vmem>>
      %dma_start3A_373 = arith.constant 0 : i32
      %dma_start3A_374 = arith.constant 0 : i32
      %dma_start3A_375 = tpu.memref_slice %arg2[%dma_start3A_373, %dma_start3A_374] : memref<10000x16xf32, #tpu.memory_space<hbm>> -> memref<10000x16xf32, #tpu.memory_space<hbm>>
      tpu.enqueue_indirect_dma source(%dma_start3A_375 : memref<10000x16xf32, #tpu.memory_space<hbm>>) target(%dma_start3A_369 : memref<128x16xf32, #tpu.memory_space<vmem>>) offsets(%dma_start3A_372 : memref<128xi32, #tpu.memory_space<vmem>>) semaphore(%arg9 : memref<!tpu.dma_semaphore, #tpu.memory_space<semaphore_mem>>)
      %mul3A_376 = arith.constant 8 : i32
      %mul3A_377 = arith.muli %add3A_307, %mul3A_376 : i32
      %add3A_378 = arith.addi %mul3A_2, %mul3A_377 : i32
      %add3A_379 = arith.constant 4 : i32
      %add3A_380 = arith.addi %add3A_378, %add3A_379 : i32
      %min3A_381 = arith.constant 1249 : i32
      %min3A_382 = arith.minsi %add3A_380, %min3A_381 : i32
      %sub3A_383 = arith.subi %min3A_382, %min3A_3 : i32
      %dma_start3A_384 = arith.constant 512 : i32
      %dma_start3A_385 = arith.constant 0 : i32
      %dma_start3A_386 = tpu.memref_slice %arg6[%dma_start3A_384, %dma_start3A_385] : memref<1024x16xf32, #tpu.memory_space<vmem>> -> memref<128x16xf32, #tpu.memory_space<vmem>>
      %dma_start3A_387 = arith.constant 0 : i32
      %dma_start3A_388 = tpu.memref_slice %arg5[%sub3A_383, %dma_start3A_387] : memref<40x128xi32, #tpu.memory_space<vmem>> -> memref<1x128xi32, #tpu.memory_space<vmem>>
      %dma_start3A_389 = tpu.memref_squeeze %dma_start3A_388 : memref<1x128xi32, #tpu.memory_space<vmem>> -> memref<128xi32, #tpu.memory_space<vmem>>
      %dma_start3A_390 = arith.constant 0 : i32
      %dma_start3A_391 = arith.constant 0 : i32
      %dma_start3A_392 = tpu.memref_slice %arg2[%dma_start3A_390, %dma_start3A_391] : memref<10000x16xf32, #tpu.memory_space<hbm>> -> memref<10000x16xf32, #tpu.memory_space<hbm>>
      tpu.enqueue_indirect_dma source(%dma_start3A_392 : memref<10000x16xf32, #tpu.memory_space<hbm>>) target(%dma_start3A_386 : memref<128x16xf32, #tpu.memory_space<vmem>>) offsets(%dma_start3A_389 : memref<128xi32, #tpu.memory_space<vmem>>) semaphore(%arg9 : memref<!tpu.dma_semaphore, #tpu.memory_space<semaphore_mem>>)
      %mul3A_393 = arith.constant 8 : i32
      %mul3A_394 = arith.muli %add3A_307, %mul3A_393 : i32
      %add3A_395 = arith.addi %mul3A_2, %mul3A_394 : i32
      %add3A_396 = arith.constant 5 : i32
      %add3A_397 = arith.addi %add3A_395, %add3A_396 : i32
      %min3A_398 = arith.constant 1249 : i32
      %min3A_399 = arith.minsi %add3A_397, %min3A_398 : i32
      %sub3A_400 = arith.subi %min3A_399, %min3A_3 : i32
      %dma_start3A_401 = arith.constant 640 : i32
      %dma_start3A_402 = arith.constant 0 : i32
      %dma_start3A_403 = tpu.memref_slice %arg6[%dma_start3A_401, %dma_start3A_402] : memref<1024x16xf32, #tpu.memory_space<vmem>> -> memref<128x16xf32, #tpu.memory_space<vmem>>
      %dma_start3A_404 = arith.constant 0 : i32
      %dma_start3A_405 = tpu.memref_slice %arg5[%sub3A_400, %dma_start3A_404] : memref<40x128xi32, #tpu.memory_space<vmem>> -> memref<1x128xi32, #tpu.memory_space<vmem>>
      %dma_start3A_406 = tpu.memref_squeeze %dma_start3A_405 : memref<1x128xi32, #tpu.memory_space<vmem>> -> memref<128xi32, #tpu.memory_space<vmem>>
      %dma_start3A_407 = arith.constant 0 : i32
      %dma_start3A_408 = arith.constant 0 : i32
      %dma_start3A_409 = tpu.memref_slice %arg2[%dma_start3A_407, %dma_start3A_408] : memref<10000x16xf32, #tpu.memory_space<hbm>> -> memref<10000x16xf32, #tpu.memory_space<hbm>>
      tpu.enqueue_indirect_dma source(%dma_start3A_409 : memref<10000x16xf32, #tpu.memory_space<hbm>>) target(%dma_start3A_403 : memref<128x16xf32, #tpu.memory_space<vmem>>) offsets(%dma_start3A_406 : memref<128xi32, #tpu.memory_space<vmem>>) semaphore(%arg9 : memref<!tpu.dma_semaphore, #tpu.memory_space<semaphore_mem>>)
      %mul3A_410 = arith.constant 8 : i32
      %mul3A_411 = arith.muli %add3A_307, %mul3A_410 : i32
      %add3A_412 = arith.addi %mul3A_2, %mul3A_411 : i32
      %add3A_413 = arith.constant 6 : i32
      %add3A_414 = arith.addi %add3A_412, %add3A_413 : i32
      %min3A_415 = arith.constant 1249 : i32
      %min3A_416 = arith.minsi %add3A_414, %min3A_415 : i32
      %sub3A_417 = arith.subi %min3A_416, %min3A_3 : i32
      %dma_start3A_418 = arith.constant 768 : i32
      %dma_start3A_419 = arith.constant 0 : i32
      %dma_start3A_420 = tpu.memref_slice %arg6[%dma_start3A_418, %dma_start3A_419] : memref<1024x16xf32, #tpu.memory_space<vmem>> -> memref<128x16xf32, #tpu.memory_space<vmem>>
      %dma_start3A_421 = arith.constant 0 : i32
      %dma_start3A_422 = tpu.memref_slice %arg5[%sub3A_417, %dma_start3A_421] : memref<40x128xi32, #tpu.memory_space<vmem>> -> memref<1x128xi32, #tpu.memory_space<vmem>>
      %dma_start3A_423 = tpu.memref_squeeze %dma_start3A_422 : memref<1x128xi32, #tpu.memory_space<vmem>> -> memref<128xi32, #tpu.memory_space<vmem>>
      %dma_start3A_424 = arith.constant 0 : i32
      %dma_start3A_425 = arith.constant 0 : i32
      %dma_start3A_426 = tpu.memref_slice %arg2[%dma_start3A_424, %dma_start3A_425] : memref<10000x16xf32, #tpu.memory_space<hbm>> -> memref<10000x16xf32, #tpu.memory_space<hbm>>
      tpu.enqueue_indirect_dma source(%dma_start3A_426 : memref<10000x16xf32, #tpu.memory_space<hbm>>) target(%dma_start3A_420 : memref<128x16xf32, #tpu.memory_space<vmem>>) offsets(%dma_start3A_423 : memref<128xi32, #tpu.memory_space<vmem>>) semaphore(%arg9 : memref<!tpu.dma_semaphore, #tpu.memory_space<semaphore_mem>>)
      %mul3A_427 = arith.constant 8 : i32
      %mul3A_428 = arith.muli %add3A_307, %mul3A_427 : i32
      %add3A_429 = arith.addi %mul3A_2, %mul3A_428 : i32
      %add3A_430 = arith.constant 7 : i32
      %add3A_431 = arith.addi %add3A_429, %add3A_430 : i32
      %min3A_432 = arith.constant 1249 : i32
      %min3A_433 = arith.minsi %add3A_431, %min3A_432 : i32
      %sub3A_434 = arith.subi %min3A_433, %min3A_3 : i32
      %dma_start3A_435 = arith.constant 896 : i32
      %dma_start3A_436 = arith.constant 0 : i32
      %dma_start3A_437 = tpu.memref_slice %arg6[%dma_start3A_435, %dma_start3A_436] : memref<1024x16xf32, #tpu.memory_space<vmem>> -> memref<128x16xf32, #tpu.memory_space<vmem>>
      %dma_start3A_438 = arith.constant 0 : i32
      %dma_start3A_439 = tpu.memref_slice %arg5[%sub3A_434, %dma_start3A_438] : memref<40x128xi32, #tpu.memory_space<vmem>> -> memref<1x128xi32, #tpu.memory_space<vmem>>
      %dma_start3A_440 = tpu.memref_squeeze %dma_start3A_439 : memref<1x128xi32, #tpu.memory_space<vmem>> -> memref<128xi32, #tpu.memory_space<vmem>>
      %dma_start3A_441 = arith.constant 0 : i32
      %dma_start3A_442 = arith.constant 0 : i32
      %dma_start3A_443 = tpu.memref_slice %arg2[%dma_start3A_441, %dma_start3A_442] : memref<10000x16xf32, #tpu.memory_space<hbm>> -> memref<10000x16xf32, #tpu.memory_space<hbm>>
      tpu.enqueue_indirect_dma source(%dma_start3A_443 : memref<10000x16xf32, #tpu.memory_space<hbm>>) target(%dma_start3A_437 : memref<128x16xf32, #tpu.memory_space<vmem>>) offsets(%dma_start3A_440 : memref<128xi32, #tpu.memory_space<vmem>>) semaphore(%arg9 : memref<!tpu.dma_semaphore, #tpu.memory_space<semaphore_mem>>)
      %dma_wait3A_444 = arith.constant 0 : i32
      %dma_wait3A_445 = arith.constant 0 : i32
      %dma_wait3A_446 = tpu.memref_slice %arg2[%dma_wait3A_444, %dma_wait3A_445] : memref<10000x16xf32, #tpu.memory_space<hbm>> -> memref<1024x16xf32, #tpu.memory_space<hbm>>
      %dma_wait3A_447 = arith.constant 0 : i32
      %dma_wait3A_448 = arith.constant 0 : i32
      %dma_wait3A_449 = tpu.memref_slice %arg2[%dma_wait3A_447, %dma_wait3A_448] : memref<10000x16xf32, #tpu.memory_space<hbm>> -> memref<1024x16xf32, #tpu.memory_space<hbm>>
      tpu.wait_dma2 semaphore(%arg10 : memref<!tpu.dma_semaphore, #tpu.memory_space<semaphore_mem>>) src(%dma_wait3A_449 : memref<1024x16xf32, #tpu.memory_space<hbm>>) dst(%arg7 : memref<1024x16xf32, #tpu.memory_space<vmem>>)
      %add3A_450 = arith.constant 1 : i32
      %add3A_451 = arith.addi %mul3A_155, %add3A_450 : i32
      %scan3A_452 = arith.constant 0 : i32
      %scan3A_453 = arith.constant 0 : i32
      %scan3A_454 = arith.constant 64 : i32
      %scan3A_455 = arith.addi %scan3A_453, %scan3A_454 : i32
      %scan3A_456 = arith.constant 1 : i32
      scf.for %scan3A_458 = %scan3A_453 to %scan3A_455 step %scan3A_456  : i32 {
        %mul3A_459 = arith.constant 16 : i32
        %mul3A_460 = arith.muli %scan3A_458, %mul3A_459 : i32
        %mul3A_461 = arith.constant 8 : i32
        %mul3A_462 = arith.muli %add3A_451, %mul3A_461 : i32
        %jit3A = arith.constant 8 : i32
        %div3A = arith.divsi %scan3A_458, %jit3A : i32
        %sign3A = arith.constant 0 : i32
        %sign3A_463 = arith.cmpi sgt, %scan3A_458, %sign3A : i32
        %sign3A_464 = arith.extui %sign3A_463 : i1 to i32
        %sign3A_465 = arith.constant 0 : i32
        %sign3A_466 = arith.cmpi slt, %scan3A_458, %sign3A_465 : i32
        %sign3A_467 = arith.extui %sign3A_466 : i1 to i32
        %sign3A_468 = arith.subi %sign3A_464, %sign3A_467 : i32
        %sign3A_469 = arith.constant 0 : i32
        %sign3A_470 = arith.cmpi sgt, %jit3A, %sign3A_469 : i32
        %sign3A_471 = arith.extui %sign3A_470 : i1 to i32
        %sign3A_472 = arith.constant 0 : i32
        %sign3A_473 = arith.cmpi slt, %jit3A, %sign3A_472 : i32
        %sign3A_474 = arith.extui %sign3A_473 : i1 to i32
        %sign3A_475 = arith.subi %sign3A_471, %sign3A_474 : i32
        %ne3A = arith.cmpi ne, %sign3A_468, %sign3A_475 : i32
        %rem3A = arith.remsi %scan3A_458, %jit3A : i32
        %ne3A_476 = arith.constant 0 : i32
        %ne3A_477 = arith.cmpi ne, %rem3A, %ne3A_476 : i32
        %and3A = arith.andi %ne3A, %ne3A_477 : i1
        %sub3A_478 = arith.constant 1 : i32
        %sub3A_479 = arith.subi %div3A, %sub3A_478 : i32
        %select_n3A = arith.select %and3A, %sub3A_479, %div3A : i32
        %add3A_480 = arith.addi %mul3A_462, %select_n3A : i32
        %jit3A_481 = arith.constant 8 : i32
        %eq3A = arith.constant 0 : i32
        %eq3A_482 = arith.cmpi eq, %jit3A_481, %eq3A : i32
        %jit3A_483 = arith.constant 1 : i32
        %select_n3A_484 = arith.select %eq3A_482, %jit3A_483, %jit3A_481 : i32
        %rem3A_485 = arith.remsi %scan3A_458, %select_n3A_484 : i32
        %ne3A_486 = arith.constant 0 : i32
        %ne3A_487 = arith.cmpi ne, %rem3A_485, %ne3A_486 : i32
        %lt3A = arith.constant 0 : i32
        %lt3A_488 = arith.cmpi slt, %rem3A_485, %lt3A : i32
        %lt3A_489 = arith.constant 0 : i32
        %lt3A_490 = arith.cmpi slt, %select_n3A_484, %lt3A_489 : i32
        %ne3A_491 = arith.xori %lt3A_488, %lt3A_490 : i1
        %and3A_492 = arith.andi %ne3A_491, %ne3A_487 : i1
        %add3A_493 = arith.addi %rem3A_485, %select_n3A_484 : i32
        %select_n3A_494 = arith.select %and3A_492, %add3A_493, %rem3A_485 : i32
        %mul3A_495 = arith.constant 16 : i32
        %mul3A_496 = arith.muli %select_n3A_494, %mul3A_495 : i32
        %add3A_497 = vector.broadcast %mul3A_460 : i32 to vector<16xi32>
        %add3A_498 = arith.addi %iota3A, %add3A_497 : vector<16xi32>
        %broadcast_in_dim3A = arith.constant 0 : i32
        %broadcast_in_dim3A_499 = vector.broadcast %broadcast_in_dim3A : i32 to vector<16xi32>
        %gather3A = tpu.vector_load_idx %arg7[%add3A_498, %broadcast_in_dim3A_499] : memref<1024x16xf32, #tpu.memory_space<vmem>>[vector<16xi32>, vector<16xi32>], vector<16xf32>,
        %swap3A = arith.constant 0 : i32
        %swap3A_500 = arith.constant 0 : i32
        %swap3A_501 = arith.index_cast %swap3A : i32 to index
        %swap3A_502 = arith.index_cast %add3A_480 : i32 to index
        %swap3A_503 = arith.index_cast %swap3A_500 : i32 to index
        %swap3A_504 = arith.index_cast %mul3A_496 : i32 to index
        %swap3A_505 = tpu.vector_load %arg8[%swap3A_501, %swap3A_502, %swap3A_503, %swap3A_504] {strides = array<i32>} : memref<2x40x8x128xf32, #tpu.memory_space<vmem>>, vector<16xf32>,
        tpu.vector_store %arg8[%swap3A_501, %swap3A_502, %swap3A_503, %swap3A_504], %gather3A {strides = array<i32>} : memref<2x40x8x128xf32, #tpu.memory_space<vmem>>, vector<16xf32>,
        %add3A_506 = vector.broadcast %mul3A_460 : i32 to vector<16xi32>
        %add3A_507 = arith.addi %iota3A, %add3A_506 : vector<16xi32>
        %broadcast_in_dim3A_508 = arith.constant 1 : i32
        %broadcast_in_dim3A_509 = vector.broadcast %broadcast_in_dim3A_508 : i32 to vector<16xi32>
        %gather3A_510 = tpu.vector_load_idx %arg7[%add3A_507, %broadcast_in_dim3A_509] : memref<1024x16xf32, #tpu.memory_space<vmem>>[vector<16xi32>, vector<16xi32>], vector<16xf32>,
        %swap3A_511 = arith.constant 0 : i32
        %swap3A_512 = arith.constant 1 : i32
        %swap3A_513 = arith.index_cast %swap3A_511 : i32 to index
        %swap3A_514 = arith.index_cast %add3A_480 : i32 to index
        %swap3A_515 = arith.index_cast %swap3A_512 : i32 to index
        %swap3A_516 = arith.index_cast %mul3A_496 : i32 to index
        %swap3A_517 = tpu.vector_load %arg8[%swap3A_513, %swap3A_514, %swap3A_515, %swap3A_516] {strides = array<i32>} : memref<2x40x8x128xf32, #tpu.memory_space<vmem>>, vector<16xf32>,
        tpu.vector_store %arg8[%swap3A_513, %swap3A_514, %swap3A_515, %swap3A_516], %gather3A_510 {strides = array<i32>} : memref<2x40x8x128xf32, #tpu.memory_space<vmem>>, vector<16xf32>,
        %add3A_518 = vector.broadcast %mul3A_460 : i32 to vector<16xi32>
        %add3A_519 = arith.addi %iota3A, %add3A_518 : vector<16xi32>
        %broadcast_in_dim3A_520 = arith.constant 2 : i32
        %broadcast_in_dim3A_521 = vector.broadcast %broadcast_in_dim3A_520 : i32 to vector<16xi32>
        %gather3A_522 = tpu.vector_load_idx %arg7[%add3A_519, %broadcast_in_dim3A_521] : memref<1024x16xf32, #tpu.memory_space<vmem>>[vector<16xi32>, vector<16xi32>], vector<16xf32>,
        %swap3A_523 = arith.constant 0 : i32
        %swap3A_524 = arith.constant 2 : i32
        %swap3A_525 = arith.index_cast %swap3A_523 : i32 to index
        %swap3A_526 = arith.index_cast %add3A_480 : i32 to index
        %swap3A_527 = arith.index_cast %swap3A_524 : i32 to index
        %swap3A_528 = arith.index_cast %mul3A_496 : i32 to index
        %swap3A_529 = tpu.vector_load %arg8[%swap3A_525, %swap3A_526, %swap3A_527, %swap3A_528] {strides = array<i32>} : memref<2x40x8x128xf32, #tpu.memory_space<vmem>>, vector<16xf32>,
        tpu.vector_store %arg8[%swap3A_525, %swap3A_526, %swap3A_527, %swap3A_528], %gather3A_522 {strides = array<i32>} : memref<2x40x8x128xf32, #tpu.memory_space<vmem>>, vector<16xf32>,
        %add3A_530 = vector.broadcast %mul3A_460 : i32 to vector<16xi32>
        %add3A_531 = arith.addi %iota3A, %add3A_530 : vector<16xi32>
        %broadcast_in_dim3A_532 = arith.constant 3 : i32
        %broadcast_in_dim3A_533 = vector.broadcast %broadcast_in_dim3A_532 : i32 to vector<16xi32>
        %gather3A_534 = tpu.vector_load_idx %arg7[%add3A_531, %broadcast_in_dim3A_533] : memref<1024x16xf32, #tpu.memory_space<vmem>>[vector<16xi32>, vector<16xi32>], vector<16xf32>,
        %swap3A_535 = arith.constant 0 : i32
        %swap3A_536 = arith.constant 3 : i32
        %swap3A_537 = arith.index_cast %swap3A_535 : i32 to index
        %swap3A_538 = arith.index_cast %add3A_480 : i32 to index
        %swap3A_539 = arith.index_cast %swap3A_536 : i32 to index
        %swap3A_540 = arith.index_cast %mul3A_496 : i32 to index
        %swap3A_541 = tpu.vector_load %arg8[%swap3A_537, %swap3A_538, %swap3A_539, %swap3A_540] {strides = array<i32>} : memref<2x40x8x128xf32, #tpu.memory_space<vmem>>, vector<16xf32>,
        tpu.vector_store %arg8[%swap3A_537, %swap3A_538, %swap3A_539, %swap3A_540], %gather3A_534 {strides = array<i32>} : memref<2x40x8x128xf32, #tpu.memory_space<vmem>>, vector<16xf32>,
        %add3A_542 = vector.broadcast %mul3A_460 : i32 to vector<16xi32>
        %add3A_543 = arith.addi %iota3A, %add3A_542 : vector<16xi32>
        %broadcast_in_dim3A_544 = arith.constant 4 : i32
        %broadcast_in_dim3A_545 = vector.broadcast %broadcast_in_dim3A_544 : i32 to vector<16xi32>
        %gather3A_546 = tpu.vector_load_idx %arg7[%add3A_543, %broadcast_in_dim3A_545] : memref<1024x16xf32, #tpu.memory_space<vmem>>[vector<16xi32>, vector<16xi32>], vector<16xf32>,
        %swap3A_547 = arith.constant 0 : i32
        %swap3A_548 = arith.constant 4 : i32
        %swap3A_549 = arith.index_cast %swap3A_547 : i32 to index
        %swap3A_550 = arith.index_cast %add3A_480 : i32 to index
        %swap3A_551 = arith.index_cast %swap3A_548 : i32 to index
        %swap3A_552 = arith.index_cast %mul3A_496 : i32 to index
        %swap3A_553 = tpu.vector_load %arg8[%swap3A_549, %swap3A_550, %swap3A_551, %swap3A_552] {strides = array<i32>} : memref<2x40x8x128xf32, #tpu.memory_space<vmem>>, vector<16xf32>,
        tpu.vector_store %arg8[%swap3A_549, %swap3A_550, %swap3A_551, %swap3A_552], %gather3A_546 {strides = array<i32>} : memref<2x40x8x128xf32, #tpu.memory_space<vmem>>, vector<16xf32>,
        %add3A_554 = vector.broadcast %mul3A_460 : i32 to vector<16xi32>
        %add3A_555 = arith.addi %iota3A, %add3A_554 : vector<16xi32>
        %broadcast_in_dim3A_556 = arith.constant 5 : i32
        %broadcast_in_dim3A_557 = vector.broadcast %broadcast_in_dim3A_556 : i32 to vector<16xi32>
        %gather3A_558 = tpu.vector_load_idx %arg7[%add3A_555, %broadcast_in_dim3A_557] : memref<1024x16xf32, #tpu.memory_space<vmem>>[vector<16xi32>, vector<16xi32>], vector<16xf32>,
        %swap3A_559 = arith.constant 0 : i32
        %swap3A_560 = arith.constant 5 : i32
        %swap3A_561 = arith.index_cast %swap3A_559 : i32 to index
        %swap3A_562 = arith.index_cast %add3A_480 : i32 to index
        %swap3A_563 = arith.index_cast %swap3A_560 : i32 to index
        %swap3A_564 = arith.index_cast %mul3A_496 : i32 to index
        %swap3A_565 = tpu.vector_load %arg8[%swap3A_561, %swap3A_562, %swap3A_563, %swap3A_564] {strides = array<i32>} : memref<2x40x8x128xf32, #tpu.memory_space<vmem>>, vector<16xf32>,
        tpu.vector_store %arg8[%swap3A_561, %swap3A_562, %swap3A_563, %swap3A_564], %gather3A_558 {strides = array<i32>} : memref<2x40x8x128xf32, #tpu.memory_space<vmem>>, vector<16xf32>,
        %add3A_566 = vector.broadcast %mul3A_460 : i32 to vector<16xi32>
        %add3A_567 = arith.addi %iota3A, %add3A_566 : vector<16xi32>
        %broadcast_in_dim3A_568 = arith.constant 6 : i32
        %broadcast_in_dim3A_569 = vector.broadcast %broadcast_in_dim3A_568 : i32 to vector<16xi32>
        %gather3A_570 = tpu.vector_load_idx %arg7[%add3A_567, %broadcast_in_dim3A_569] : memref<1024x16xf32, #tpu.memory_space<vmem>>[vector<16xi32>, vector<16xi32>], vector<16xf32>,
        %swap3A_571 = arith.constant 0 : i32
        %swap3A_572 = arith.constant 6 : i32
        %swap3A_573 = arith.index_cast %swap3A_571 : i32 to index
        %swap3A_574 = arith.index_cast %add3A_480 : i32 to index
        %swap3A_575 = arith.index_cast %swap3A_572 : i32 to index
        %swap3A_576 = arith.index_cast %mul3A_496 : i32 to index
        %swap3A_577 = tpu.vector_load %arg8[%swap3A_573, %swap3A_574, %swap3A_575, %swap3A_576] {strides = array<i32>} : memref<2x40x8x128xf32, #tpu.memory_space<vmem>>, vector<16xf32>,
        tpu.vector_store %arg8[%swap3A_573, %swap3A_574, %swap3A_575, %swap3A_576], %gather3A_570 {strides = array<i32>} : memref<2x40x8x128xf32, #tpu.memory_space<vmem>>, vector<16xf32>,
        %add3A_578 = vector.broadcast %mul3A_460 : i32 to vector<16xi32>
        %add3A_579 = arith.addi %iota3A, %add3A_578 : vector<16xi32>
        %broadcast_in_dim3A_580 = arith.constant 7 : i32
        %broadcast_in_dim3A_581 = vector.broadcast %broadcast_in_dim3A_580 : i32 to vector<16xi32>
        %gather3A_582 = tpu.vector_load_idx %arg7[%add3A_579, %broadcast_in_dim3A_581] : memref<1024x16xf32, #tpu.memory_space<vmem>>[vector<16xi32>, vector<16xi32>], vector<16xf32>,
        %swap3A_583 = arith.constant 0 : i32
        %swap3A_584 = arith.constant 7 : i32
        %swap3A_585 = arith.index_cast %swap3A_583 : i32 to index
        %swap3A_586 = arith.index_cast %add3A_480 : i32 to index
        %swap3A_587 = arith.index_cast %swap3A_584 : i32 to index
        %swap3A_588 = arith.index_cast %mul3A_496 : i32 to index
        %swap3A_589 = tpu.vector_load %arg8[%swap3A_585, %swap3A_586, %swap3A_587, %swap3A_588] {strides = array<i32>} : memref<2x40x8x128xf32, #tpu.memory_space<vmem>>, vector<16xf32>,
        tpu.vector_store %arg8[%swap3A_585, %swap3A_586, %swap3A_587, %swap3A_588], %gather3A_582 {strides = array<i32>} : memref<2x40x8x128xf32, #tpu.memory_space<vmem>>, vector<16xf32>,
        %add3A_590 = vector.broadcast %mul3A_460 : i32 to vector<16xi32>
        %add3A_591 = arith.addi %iota3A, %add3A_590 : vector<16xi32>
        %broadcast_in_dim3A_592 = arith.constant 8 : i32
        %broadcast_in_dim3A_593 = vector.broadcast %broadcast_in_dim3A_592 : i32 to vector<16xi32>
        %gather3A_594 = tpu.vector_load_idx %arg7[%add3A_591, %broadcast_in_dim3A_593] : memref<1024x16xf32, #tpu.memory_space<vmem>>[vector<16xi32>, vector<16xi32>], vector<16xf32>,
        %swap3A_595 = arith.constant 1 : i32
        %swap3A_596 = arith.constant 0 : i32
        %swap3A_597 = arith.index_cast %swap3A_595 : i32 to index
        %swap3A_598 = arith.index_cast %add3A_480 : i32 to index
        %swap3A_599 = arith.index_cast %swap3A_596 : i32 to index
        %swap3A_600 = arith.index_cast %mul3A_496 : i32 to index
        %swap3A_601 = tpu.vector_load %arg8[%swap3A_597, %swap3A_598, %swap3A_599, %swap3A_600] {strides = array<i32>} : memref<2x40x8x128xf32, #tpu.memory_space<vmem>>, vector<16xf32>,
        tpu.vector_store %arg8[%swap3A_597, %swap3A_598, %swap3A_599, %swap3A_600], %gather3A_594 {strides = array<i32>} : memref<2x40x8x128xf32, #tpu.memory_space<vmem>>, vector<16xf32>,
        %add3A_602 = vector.broadcast %mul3A_460 : i32 to vector<16xi32>
        %add3A_603 = arith.addi %iota3A, %add3A_602 : vector<16xi32>
        %broadcast_in_dim3A_604 = arith.constant 9 : i32
        %broadcast_in_dim3A_605 = vector.broadcast %broadcast_in_dim3A_604 : i32 to vector<16xi32>
        %gather3A_606 = tpu.vector_load_idx %arg7[%add3A_603, %broadcast_in_dim3A_605] : memref<1024x16xf32, #tpu.memory_space<vmem>>[vector<16xi32>, vector<16xi32>], vector<16xf32>,
        %swap3A_607 = arith.constant 1 : i32
        %swap3A_608 = arith.constant 1 : i32
        %swap3A_609 = arith.index_cast %swap3A_607 : i32 to index
        %swap3A_610 = arith.index_cast %add3A_480 : i32 to index
        %swap3A_611 = arith.index_cast %swap3A_608 : i32 to index
        %swap3A_612 = arith.index_cast %mul3A_496 : i32 to index
        %swap3A_613 = tpu.vector_load %arg8[%swap3A_609, %swap3A_610, %swap3A_611, %swap3A_612] {strides = array<i32>} : memref<2x40x8x128xf32, #tpu.memory_space<vmem>>, vector<16xf32>,
        tpu.vector_store %arg8[%swap3A_609, %swap3A_610, %swap3A_611, %swap3A_612], %gather3A_606 {strides = array<i32>} : memref<2x40x8x128xf32, #tpu.memory_space<vmem>>, vector<16xf32>,
        %add3A_614 = vector.broadcast %mul3A_460 : i32 to vector<16xi32>
        %add3A_615 = arith.addi %iota3A, %add3A_614 : vector<16xi32>
        %broadcast_in_dim3A_616 = arith.constant 10 : i32
        %broadcast_in_dim3A_617 = vector.broadcast %broadcast_in_dim3A_616 : i32 to vector<16xi32>
        %gather3A_618 = tpu.vector_load_idx %arg7[%add3A_615, %broadcast_in_dim3A_617] : memref<1024x16xf32, #tpu.memory_space<vmem>>[vector<16xi32>, vector<16xi32>], vector<16xf32>,
        %swap3A_619 = arith.constant 1 : i32
        %swap3A_620 = arith.constant 2 : i32
        %swap3A_621 = arith.index_cast %swap3A_619 : i32 to index
        %swap3A_622 = arith.index_cast %add3A_480 : i32 to index
        %swap3A_623 = arith.index_cast %swap3A_620 : i32 to index
        %swap3A_624 = arith.index_cast %mul3A_496 : i32 to index
        %swap3A_625 = tpu.vector_load %arg8[%swap3A_621, %swap3A_622, %swap3A_623, %swap3A_624] {strides = array<i32>} : memref<2x40x8x128xf32, #tpu.memory_space<vmem>>, vector<16xf32>,
        tpu.vector_store %arg8[%swap3A_621, %swap3A_622, %swap3A_623, %swap3A_624], %gather3A_618 {strides = array<i32>} : memref<2x40x8x128xf32, #tpu.memory_space<vmem>>, vector<16xf32>,
        %add3A_626 = vector.broadcast %mul3A_460 : i32 to vector<16xi32>
        %add3A_627 = arith.addi %iota3A, %add3A_626 : vector<16xi32>
        %broadcast_in_dim3A_628 = arith.constant 11 : i32
        %broadcast_in_dim3A_629 = vector.broadcast %broadcast_in_dim3A_628 : i32 to vector<16xi32>
        %gather3A_630 = tpu.vector_load_idx %arg7[%add3A_627, %broadcast_in_dim3A_629] : memref<1024x16xf32, #tpu.memory_space<vmem>>[vector<16xi32>, vector<16xi32>], vector<16xf32>,
        %swap3A_631 = arith.constant 1 : i32
        %swap3A_632 = arith.constant 3 : i32
        %swap3A_633 = arith.index_cast %swap3A_631 : i32 to index
        %swap3A_634 = arith.index_cast %add3A_480 : i32 to index
        %swap3A_635 = arith.index_cast %swap3A_632 : i32 to index
        %swap3A_636 = arith.index_cast %mul3A_496 : i32 to index
        %swap3A_637 = tpu.vector_load %arg8[%swap3A_633, %swap3A_634, %swap3A_635, %swap3A_636] {strides = array<i32>} : memref<2x40x8x128xf32, #tpu.memory_space<vmem>>, vector<16xf32>,
        tpu.vector_store %arg8[%swap3A_633, %swap3A_634, %swap3A_635, %swap3A_636], %gather3A_630 {strides = array<i32>} : memref<2x40x8x128xf32, #tpu.memory_space<vmem>>, vector<16xf32>,
        %add3A_638 = vector.broadcast %mul3A_460 : i32 to vector<16xi32>
        %add3A_639 = arith.addi %iota3A, %add3A_638 : vector<16xi32>
        %broadcast_in_dim3A_640 = arith.constant 12 : i32
        %broadcast_in_dim3A_641 = vector.broadcast %broadcast_in_dim3A_640 : i32 to vector<16xi32>
        %gather3A_642 = tpu.vector_load_idx %arg7[%add3A_639, %broadcast_in_dim3A_641] : memref<1024x16xf32, #tpu.memory_space<vmem>>[vector<16xi32>, vector<16xi32>], vector<16xf32>,
        %swap3A_643 = arith.constant 1 : i32
        %swap3A_644 = arith.constant 4 : i32
        %swap3A_645 = arith.index_cast %swap3A_643 : i32 to index
        %swap3A_646 = arith.index_cast %add3A_480 : i32 to index
        %swap3A_647 = arith.index_cast %swap3A_644 : i32 to index
        %swap3A_648 = arith.index_cast %mul3A_496 : i32 to index
        %swap3A_649 = tpu.vector_load %arg8[%swap3A_645, %swap3A_646, %swap3A_647, %swap3A_648] {strides = array<i32>} : memref<2x40x8x128xf32, #tpu.memory_space<vmem>>, vector<16xf32>,
        tpu.vector_store %arg8[%swap3A_645, %swap3A_646, %swap3A_647, %swap3A_648], %gather3A_642 {strides = array<i32>} : memref<2x40x8x128xf32, #tpu.memory_space<vmem>>, vector<16xf32>,
        %add3A_650 = vector.broadcast %mul3A_460 : i32 to vector<16xi32>
        %add3A_651 = arith.addi %iota3A, %add3A_650 : vector<16xi32>
        %broadcast_in_dim3A_652 = arith.constant 13 : i32
        %broadcast_in_dim3A_653 = vector.broadcast %broadcast_in_dim3A_652 : i32 to vector<16xi32>
        %gather3A_654 = tpu.vector_load_idx %arg7[%add3A_651, %broadcast_in_dim3A_653] : memref<1024x16xf32, #tpu.memory_space<vmem>>[vector<16xi32>, vector<16xi32>], vector<16xf32>,
        %swap3A_655 = arith.constant 1 : i32
        %swap3A_656 = arith.constant 5 : i32
        %swap3A_657 = arith.index_cast %swap3A_655 : i32 to index
        %swap3A_658 = arith.index_cast %add3A_480 : i32 to index
        %swap3A_659 = arith.index_cast %swap3A_656 : i32 to index
        %swap3A_660 = arith.index_cast %mul3A_496 : i32 to index
        %swap3A_661 = tpu.vector_load %arg8[%swap3A_657, %swap3A_658, %swap3A_659, %swap3A_660] {strides = array<i32>} : memref<2x40x8x128xf32, #tpu.memory_space<vmem>>, vector<16xf32>,
        tpu.vector_store %arg8[%swap3A_657, %swap3A_658, %swap3A_659, %swap3A_660], %gather3A_654 {strides = array<i32>} : memref<2x40x8x128xf32, #tpu.memory_space<vmem>>, vector<16xf32>,
        %add3A_662 = vector.broadcast %mul3A_460 : i32 to vector<16xi32>
        %add3A_663 = arith.addi %iota3A, %add3A_662 : vector<16xi32>
        %broadcast_in_dim3A_664 = arith.constant 14 : i32
        %broadcast_in_dim3A_665 = vector.broadcast %broadcast_in_dim3A_664 : i32 to vector<16xi32>
        %gather3A_666 = tpu.vector_load_idx %arg7[%add3A_663, %broadcast_in_dim3A_665] : memref<1024x16xf32, #tpu.memory_space<vmem>>[vector<16xi32>, vector<16xi32>], vector<16xf32>,
        %swap3A_667 = arith.constant 1 : i32
        %swap3A_668 = arith.constant 6 : i32
        %swap3A_669 = arith.index_cast %swap3A_667 : i32 to index
        %swap3A_670 = arith.index_cast %add3A_480 : i32 to index
        %swap3A_671 = arith.index_cast %swap3A_668 : i32 to index
        %swap3A_672 = arith.index_cast %mul3A_496 : i32 to index
        %swap3A_673 = tpu.vector_load %arg8[%swap3A_669, %swap3A_670, %swap3A_671, %swap3A_672] {strides = array<i32>} : memref<2x40x8x128xf32, #tpu.memory_space<vmem>>, vector<16xf32>,
        tpu.vector_store %arg8[%swap3A_669, %swap3A_670, %swap3A_671, %swap3A_672], %gather3A_666 {strides = array<i32>} : memref<2x40x8x128xf32, #tpu.memory_space<vmem>>, vector<16xf32>,
        %add3A_674 = vector.broadcast %mul3A_460 : i32 to vector<16xi32>
        %add3A_675 = arith.addi %iota3A, %add3A_674 : vector<16xi32>
        %broadcast_in_dim3A_676 = arith.constant 15 : i32
        %broadcast_in_dim3A_677 = vector.broadcast %broadcast_in_dim3A_676 : i32 to vector<16xi32>
        %gather3A_678 = tpu.vector_load_idx %arg7[%add3A_675, %broadcast_in_dim3A_677] : memref<1024x16xf32, #tpu.memory_space<vmem>>[vector<16xi32>, vector<16xi32>], vector<16xf32>,
        %swap3A_679 = arith.constant 1 : i32
        %swap3A_680 = arith.constant 7 : i32
        %swap3A_681 = arith.index_cast %swap3A_679 : i32 to index
        %swap3A_682 = arith.index_cast %add3A_480 : i32 to index
        %swap3A_683 = arith.index_cast %swap3A_680 : i32 to index
        %swap3A_684 = arith.index_cast %mul3A_496 : i32 to index
        %swap3A_685 = tpu.vector_load %arg8[%swap3A_681, %swap3A_682, %swap3A_683, %swap3A_684] {strides = array<i32>} : memref<2x40x8x128xf32, #tpu.memory_space<vmem>>, vector<16xf32>,
        tpu.vector_store %arg8[%swap3A_681, %swap3A_682, %swap3A_683, %swap3A_684], %gather3A_678 {strides = array<i32>} : memref<2x40x8x128xf32, #tpu.memory_space<vmem>>, vector<16xf32>,
      }
      %scan3A_457 = arith.constant 64 : i32
    }
    %scan3A_134 = arith.constant 2 : i32
    %dma_wait3A = arith.constant 0 : i32
    %dma_wait3A_135 = arith.constant 0 : i32
    %dma_wait3A_136 = tpu.memref_slice %arg2[%dma_wait3A, %dma_wait3A_135] : memref<10000x16xf32, #tpu.memory_space<hbm>> -> memref<1024x16xf32, #tpu.memory_space<hbm>>
    %dma_wait3A_137 = arith.constant 0 : i32
    %dma_wait3A_138 = arith.constant 0 : i32
    %dma_wait3A_139 = tpu.memref_slice %arg2[%dma_wait3A_137, %dma_wait3A_138] : memref<10000x16xf32, #tpu.memory_space<hbm>> -> memref<1024x16xf32, #tpu.memory_space<hbm>>
    tpu.wait_dma2 semaphore(%arg9 : memref<!tpu.dma_semaphore, #tpu.memory_space<semaphore_mem>>) src(%dma_wait3A_139 : memref<1024x16xf32, #tpu.memory_space<hbm>>) dst(%arg6 : memref<1024x16xf32, #tpu.memory_space<vmem>>)
    %scan3A_140 = arith.constant 0 : i32
    %scan3A_141 = arith.constant 0 : i32
    %scan3A_142 = arith.constant 64 : i32
    %scan3A_143 = arith.addi %scan3A_141, %scan3A_142 : i32
    %scan3A_144 = arith.constant 1 : i32
    scf.for %scan3A_153 = %scan3A_141 to %scan3A_143 step %scan3A_144  : i32 {
      %mul3A_154 = arith.constant 16 : i32
      %mul3A_155 = arith.muli %scan3A_153, %mul3A_154 : i32
      %jit3A = arith.constant 8 : i32
      %div3A = arith.divsi %scan3A_153, %jit3A : i32
      %sign3A = arith.constant 0 : i32
      %sign3A_156 = arith.cmpi sgt, %scan3A_153, %sign3A : i32
      %sign3A_157 = arith.extui %sign3A_156 : i1 to i32
      %sign3A_158 = arith.constant 0 : i32
      %sign3A_159 = arith.cmpi slt, %scan3A_153, %sign3A_158 : i32
      %sign3A_160 = arith.extui %sign3A_159 : i1 to i32
      %sign3A_161 = arith.subi %sign3A_157, %sign3A_160 : i32
      %sign3A_162 = arith.constant 0 : i32
      %sign3A_163 = arith.cmpi sgt, %jit3A, %sign3A_162 : i32
      %sign3A_164 = arith.extui %sign3A_163 : i1 to i32
      %sign3A_165 = arith.constant 0 : i32
      %sign3A_166 = arith.cmpi slt, %jit3A, %sign3A_165 : i32
      %sign3A_167 = arith.extui %sign3A_166 : i1 to i32
      %sign3A_168 = arith.subi %sign3A_164, %sign3A_167 : i32
      %ne3A = arith.cmpi ne, %sign3A_161, %sign3A_168 : i32
      %rem3A = arith.remsi %scan3A_153, %jit3A : i32
      %ne3A_169 = arith.constant 0 : i32
      %ne3A_170 = arith.cmpi ne, %rem3A, %ne3A_169 : i32
      %and3A = arith.andi %ne3A, %ne3A_170 : i1
      %sub3A_171 = arith.constant 1 : i32
      %sub3A_172 = arith.subi %div3A, %sub3A_171 : i32
      %select_n3A = arith.select %and3A, %sub3A_172, %div3A : i32
      %add3A_173 = arith.constant 32 : i32
      %add3A_174 = arith.addi %add3A_173, %select_n3A : i32
      %jit3A_175 = arith.constant 8 : i32
      %eq3A = arith.constant 0 : i32
      %eq3A_176 = arith.cmpi eq, %jit3A_175, %eq3A : i32
      %jit3A_177 = arith.constant 1 : i32
      %select_n3A_178 = arith.select %eq3A_176, %jit3A_177, %jit3A_175 : i32
      %rem3A_179 = arith.remsi %scan3A_153, %select_n3A_178 : i32
      %ne3A_180 = arith.constant 0 : i32
      %ne3A_181 = arith.cmpi ne, %rem3A_179, %ne3A_180 : i32
      %lt3A = arith.constant 0 : i32
      %lt3A_182 = arith.cmpi slt, %rem3A_179, %lt3A : i32
      %lt3A_183 = arith.constant 0 : i32
      %lt3A_184 = arith.cmpi slt, %select_n3A_178, %lt3A_183 : i32
      %ne3A_185 = arith.xori %lt3A_182, %lt3A_184 : i1
      %and3A_186 = arith.andi %ne3A_185, %ne3A_181 : i1
      %add3A_187 = arith.addi %rem3A_179, %select_n3A_178 : i32
      %select_n3A_188 = arith.select %and3A_186, %add3A_187, %rem3A_179 : i32
      %mul3A_189 = arith.constant 16 : i32
      %mul3A_190 = arith.muli %select_n3A_188, %mul3A_189 : i32
      %add3A_191 = vector.broadcast %mul3A_155 : i32 to vector<16xi32>
      %add3A_192 = arith.addi %iota3A, %add3A_191 : vector<16xi32>
      %broadcast_in_dim3A = arith.constant 0 : i32
      %broadcast_in_dim3A_193 = vector.broadcast %broadcast_in_dim3A : i32 to vector<16xi32>
      %gather3A = tpu.vector_load_idx %arg6[%add3A_192, %broadcast_in_dim3A_193] : memref<1024x16xf32, #tpu.memory_space<vmem>>[vector<16xi32>, vector<16xi32>], vector<16xf32>,
      %swap3A = arith.constant 0 : i32
      %swap3A_194 = arith.constant 0 : i32
      %swap3A_195 = arith.index_cast %swap3A : i32 to index
      %swap3A_196 = arith.index_cast %add3A_174 : i32 to index
      %swap3A_197 = arith.index_cast %swap3A_194 : i32 to index
      %swap3A_198 = arith.index_cast %mul3A_190 : i32 to index
      %swap3A_199 = tpu.vector_load %arg8[%swap3A_195, %swap3A_196, %swap3A_197, %swap3A_198] {strides = array<i32>} : memref<2x40x8x128xf32, #tpu.memory_space<vmem>>, vector<16xf32>,
      tpu.vector_store %arg8[%swap3A_195, %swap3A_196, %swap3A_197, %swap3A_198], %gather3A {strides = array<i32>} : memref<2x40x8x128xf32, #tpu.memory_space<vmem>>, vector<16xf32>,
      %add3A_200 = vector.broadcast %mul3A_155 : i32 to vector<16xi32>
      %add3A_201 = arith.addi %iota3A, %add3A_200 : vector<16xi32>
      %broadcast_in_dim3A_202 = arith.constant 1 : i32
      %broadcast_in_dim3A_203 = vector.broadcast %broadcast_in_dim3A_202 : i32 to vector<16xi32>
      %gather3A_204 = tpu.vector_load_idx %arg6[%add3A_201, %broadcast_in_dim3A_203] : memref<1024x16xf32, #tpu.memory_space<vmem>>[vector<16xi32>, vector<16xi32>], vector<16xf32>,
      %swap3A_205 = arith.constant 0 : i32
      %swap3A_206 = arith.constant 1 : i32
      %swap3A_207 = arith.index_cast %swap3A_205 : i32 to index
      %swap3A_208 = arith.index_cast %add3A_174 : i32 to index
      %swap3A_209 = arith.index_cast %swap3A_206 : i32 to index
      %swap3A_210 = arith.index_cast %mul3A_190 : i32 to index
      %swap3A_211 = tpu.vector_load %arg8[%swap3A_207, %swap3A_208, %swap3A_209, %swap3A_210] {strides = array<i32>} : memref<2x40x8x128xf32, #tpu.memory_space<vmem>>, vector<16xf32>,
      tpu.vector_store %arg8[%swap3A_207, %swap3A_208, %swap3A_209, %swap3A_210], %gather3A_204 {strides = array<i32>} : memref<2x40x8x128xf32, #tpu.memory_space<vmem>>, vector<16xf32>,
      %add3A_212 = vector.broadcast %mul3A_155 : i32 to vector<16xi32>
      %add3A_213 = arith.addi %iota3A, %add3A_212 : vector<16xi32>
      %broadcast_in_dim3A_214 = arith.constant 2 : i32
      %broadcast_in_dim3A_215 = vector.broadcast %broadcast_in_dim3A_214 : i32 to vector<16xi32>
      %gather3A_216 = tpu.vector_load_idx %arg6[%add3A_213, %broadcast_in_dim3A_215] : memref<1024x16xf32, #tpu.memory_space<vmem>>[vector<16xi32>, vector<16xi32>], vector<16xf32>,
      %swap3A_217 = arith.constant 0 : i32
      %swap3A_218 = arith.constant 2 : i32
      %swap3A_219 = arith.index_cast %swap3A_217 : i32 to index
      %swap3A_220 = arith.index_cast %add3A_174 : i32 to index
      %swap3A_221 = arith.index_cast %swap3A_218 : i32 to index
      %swap3A_222 = arith.index_cast %mul3A_190 : i32 to index
      %swap3A_223 = tpu.vector_load %arg8[%swap3A_219, %swap3A_220, %swap3A_221, %swap3A_222] {strides = array<i32>} : memref<2x40x8x128xf32, #tpu.memory_space<vmem>>, vector<16xf32>,
      tpu.vector_store %arg8[%swap3A_219, %swap3A_220, %swap3A_221, %swap3A_222], %gather3A_216 {strides = array<i32>} : memref<2x40x8x128xf32, #tpu.memory_space<vmem>>, vector<16xf32>,
      %add3A_224 = vector.broadcast %mul3A_155 : i32 to vector<16xi32>
      %add3A_225 = arith.addi %iota3A, %add3A_224 : vector<16xi32>
      %broadcast_in_dim3A_226 = arith.constant 3 : i32
      %broadcast_in_dim3A_227 = vector.broadcast %broadcast_in_dim3A_226 : i32 to vector<16xi32>
      %gather3A_228 = tpu.vector_load_idx %arg6[%add3A_225, %broadcast_in_dim3A_227] : memref<1024x16xf32, #tpu.memory_space<vmem>>[vector<16xi32>, vector<16xi32>], vector<16xf32>,
      %swap3A_229 = arith.constant 0 : i32
      %swap3A_230 = arith.constant 3 : i32
      %swap3A_231 = arith.index_cast %swap3A_229 : i32 to index
      %swap3A_232 = arith.index_cast %add3A_174 : i32 to index
      %swap3A_233 = arith.index_cast %swap3A_230 : i32 to index
      %swap3A_234 = arith.index_cast %mul3A_190 : i32 to index
      %swap3A_235 = tpu.vector_load %arg8[%swap3A_231, %swap3A_232, %swap3A_233, %swap3A_234] {strides = array<i32>} : memref<2x40x8x128xf32, #tpu.memory_space<vmem>>, vector<16xf32>,
      tpu.vector_store %arg8[%swap3A_231, %swap3A_232, %swap3A_233, %swap3A_234], %gather3A_228 {strides = array<i32>} : memref<2x40x8x128xf32, #tpu.memory_space<vmem>>, vector<16xf32>,
      %add3A_236 = vector.broadcast %mul3A_155 : i32 to vector<16xi32>
      %add3A_237 = arith.addi %iota3A, %add3A_236 : vector<16xi32>
      %broadcast_in_dim3A_238 = arith.constant 4 : i32
      %broadcast_in_dim3A_239 = vector.broadcast %broadcast_in_dim3A_238 : i32 to vector<16xi32>
      %gather3A_240 = tpu.vector_load_idx %arg6[%add3A_237, %broadcast_in_dim3A_239] : memref<1024x16xf32, #tpu.memory_space<vmem>>[vector<16xi32>, vector<16xi32>], vector<16xf32>,
      %swap3A_241 = arith.constant 0 : i32
      %swap3A_242 = arith.constant 4 : i32
      %swap3A_243 = arith.index_cast %swap3A_241 : i32 to index
      %swap3A_244 = arith.index_cast %add3A_174 : i32 to index
      %swap3A_245 = arith.index_cast %swap3A_242 : i32 to index
      %swap3A_246 = arith.index_cast %mul3A_190 : i32 to index
      %swap3A_247 = tpu.vector_load %arg8[%swap3A_243, %swap3A_244, %swap3A_245, %swap3A_246] {strides = array<i32>} : memref<2x40x8x128xf32, #tpu.memory_space<vmem>>, vector<16xf32>,
      tpu.vector_store %arg8[%swap3A_243, %swap3A_244, %swap3A_245, %swap3A_246], %gather3A_240 {strides = array<i32>} : memref<2x40x8x128xf32, #tpu.memory_space<vmem>>, vector<16xf32>,
      %add3A_248 = vector.broadcast %mul3A_155 : i32 to vector<16xi32>
      %add3A_249 = arith.addi %iota3A, %add3A_248 : vector<16xi32>
      %broadcast_in_dim3A_250 = arith.constant 5 : i32
      %broadcast_in_dim3A_251 = vector.broadcast %broadcast_in_dim3A_250 : i32 to vector<16xi32>
      %gather3A_252 = tpu.vector_load_idx %arg6[%add3A_249, %broadcast_in_dim3A_251] : memref<1024x16xf32, #tpu.memory_space<vmem>>[vector<16xi32>, vector<16xi32>], vector<16xf32>,
      %swap3A_253 = arith.constant 0 : i32
      %swap3A_254 = arith.constant 5 : i32
      %swap3A_255 = arith.index_cast %swap3A_253 : i32 to index
      %swap3A_256 = arith.index_cast %add3A_174 : i32 to index
      %swap3A_257 = arith.index_cast %swap3A_254 : i32 to index
      %swap3A_258 = arith.index_cast %mul3A_190 : i32 to index
      %swap3A_259 = tpu.vector_load %arg8[%swap3A_255, %swap3A_256, %swap3A_257, %swap3A_258] {strides = array<i32>} : memref<2x40x8x128xf32, #tpu.memory_space<vmem>>, vector<16xf32>,
      tpu.vector_store %arg8[%swap3A_255, %swap3A_256, %swap3A_257, %swap3A_258], %gather3A_252 {strides = array<i32>} : memref<2x40x8x128xf32, #tpu.memory_space<vmem>>, vector<16xf32>,
      %add3A_260 = vector.broadcast %mul3A_155 : i32 to vector<16xi32>
      %add3A_261 = arith.addi %iota3A, %add3A_260 : vector<16xi32>
      %broadcast_in_dim3A_262 = arith.constant 6 : i32
      %broadcast_in_dim3A_263 = vector.broadcast %broadcast_in_dim3A_262 : i32 to vector<16xi32>
      %gather3A_264 = tpu.vector_load_idx %arg6[%add3A_261, %broadcast_in_dim3A_263] : memref<1024x16xf32, #tpu.memory_space<vmem>>[vector<16xi32>, vector<16xi32>], vector<16xf32>,
      %swap3A_265 = arith.constant 0 : i32
      %swap3A_266 = arith.constant 6 : i32
      %swap3A_267 = arith.index_cast %swap3A_265 : i32 to index
      %swap3A_268 = arith.index_cast %add3A_174 : i32 to index
      %swap3A_269 = arith.index_cast %swap3A_266 : i32 to index
      %swap3A_270 = arith.index_cast %mul3A_190 : i32 to index
      %swap3A_271 = tpu.vector_load %arg8[%swap3A_267, %swap3A_268, %swap3A_269, %swap3A_270] {strides = array<i32>} : memref<2x40x8x128xf32, #tpu.memory_space<vmem>>, vector<16xf32>,
      tpu.vector_store %arg8[%swap3A_267, %swap3A_268, %swap3A_269, %swap3A_270], %gather3A_264 {strides = array<i32>} : memref<2x40x8x128xf32, #tpu.memory_space<vmem>>, vector<16xf32>,
      %add3A_272 = vector.broadcast %mul3A_155 : i32 to vector<16xi32>
      %add3A_273 = arith.addi %iota3A, %add3A_272 : vector<16xi32>
      %broadcast_in_dim3A_274 = arith.constant 7 : i32
      %broadcast_in_dim3A_275 = vector.broadcast %broadcast_in_dim3A_274 : i32 to vector<16xi32>
      %gather3A_276 = tpu.vector_load_idx %arg6[%add3A_273, %broadcast_in_dim3A_275] : memref<1024x16xf32, #tpu.memory_space<vmem>>[vector<16xi32>, vector<16xi32>], vector<16xf32>,
      %swap3A_277 = arith.constant 0 : i32
      %swap3A_278 = arith.constant 7 : i32
      %swap3A_279 = arith.index_cast %swap3A_277 : i32 to index
      %swap3A_280 = arith.index_cast %add3A_174 : i32 to index
      %swap3A_281 = arith.index_cast %swap3A_278 : i32 to index
      %swap3A_282 = arith.index_cast %mul3A_190 : i32 to index
      %swap3A_283 = tpu.vector_load %arg8[%swap3A_279, %swap3A_280, %swap3A_281, %swap3A_282] {strides = array<i32>} : memref<2x40x8x128xf32, #tpu.memory_space<vmem>>, vector<16xf32>,
      tpu.vector_store %arg8[%swap3A_279, %swap3A_280, %swap3A_281, %swap3A_282], %gather3A_276 {strides = array<i32>} : memref<2x40x8x128xf32, #tpu.memory_space<vmem>>, vector<16xf32>,
      %add3A_284 = vector.broadcast %mul3A_155 : i32 to vector<16xi32>
      %add3A_285 = arith.addi %iota3A, %add3A_284 : vector<16xi32>
      %broadcast_in_dim3A_286 = arith.constant 8 : i32
      %broadcast_in_dim3A_287 = vector.broadcast %broadcast_in_dim3A_286 : i32 to vector<16xi32>
      %gather3A_288 = tpu.vector_load_idx %arg6[%add3A_285, %broadcast_in_dim3A_287] : memref<1024x16xf32, #tpu.memory_space<vmem>>[vector<16xi32>, vector<16xi32>], vector<16xf32>,
      %swap3A_289 = arith.constant 1 : i32
      %swap3A_290 = arith.constant 0 : i32
      %swap3A_291 = arith.index_cast %swap3A_289 : i32 to index
      %swap3A_292 = arith.index_cast %add3A_174 : i32 to index
      %swap3A_293 = arith.index_cast %swap3A_290 : i32 to index
      %swap3A_294 = arith.index_cast %mul3A_190 : i32 to index
      %swap3A_295 = tpu.vector_load %arg8[%swap3A_291, %swap3A_292, %swap3A_293, %swap3A_294] {strides = array<i32>} : memref<2x40x8x128xf32, #tpu.memory_space<vmem>>, vector<16xf32>,
      tpu.vector_store %arg8[%swap3A_291, %swap3A_292, %swap3A_293, %swap3A_294], %gather3A_288 {strides = array<i32>} : memref<2x40x8x128xf32, #tpu.memory_space<vmem>>, vector<16xf32>,
      %add3A_296 = vector.broadcast %mul3A_155 : i32 to vector<16xi32>
      %add3A_297 = arith.addi %iota3A, %add3A_296 : vector<16xi32>
      %broadcast_in_dim3A_298 = arith.constant 9 : i32
      %broadcast_in_dim3A_299 = vector.broadcast %broadcast_in_dim3A_298 : i32 to vector<16xi32>
      %gather3A_300 = tpu.vector_load_idx %arg6[%add3A_297, %broadcast_in_dim3A_299] : memref<1024x16xf32, #tpu.memory_space<vmem>>[vector<16xi32>, vector<16xi32>], vector<16xf32>,
      %swap3A_301 = arith.constant 1 : i32
      %swap3A_302 = arith.constant 1 : i32
      %swap3A_303 = arith.index_cast %swap3A_301 : i32 to index
      %swap3A_304 = arith.index_cast %add3A_174 : i32 to index
      %swap3A_305 = arith.index_cast %swap3A_302 : i32 to index
      %swap3A_306 = arith.index_cast %mul3A_190 : i32 to index
      %swap3A_307 = tpu.vector_load %arg8[%swap3A_303, %swap3A_304, %swap3A_305, %swap3A_306] {strides = array<i32>} : memref<2x40x8x128xf32, #tpu.memory_space<vmem>>, vector<16xf32>,
      tpu.vector_store %arg8[%swap3A_303, %swap3A_304, %swap3A_305, %swap3A_306], %gather3A_300 {strides = array<i32>} : memref<2x40x8x128xf32, #tpu.memory_space<vmem>>, vector<16xf32>,
      %add3A_308 = vector.broadcast %mul3A_155 : i32 to vector<16xi32>
      %add3A_309 = arith.addi %iota3A, %add3A_308 : vector<16xi32>
      %broadcast_in_dim3A_310 = arith.constant 10 : i32
      %broadcast_in_dim3A_311 = vector.broadcast %broadcast_in_dim3A_310 : i32 to vector<16xi32>
      %gather3A_312 = tpu.vector_load_idx %arg6[%add3A_309, %broadcast_in_dim3A_311] : memref<1024x16xf32, #tpu.memory_space<vmem>>[vector<16xi32>, vector<16xi32>], vector<16xf32>,
      %swap3A_313 = arith.constant 1 : i32
      %swap3A_314 = arith.constant 2 : i32
      %swap3A_315 = arith.index_cast %swap3A_313 : i32 to index
      %swap3A_316 = arith.index_cast %add3A_174 : i32 to index
      %swap3A_317 = arith.index_cast %swap3A_314 : i32 to index
      %swap3A_318 = arith.index_cast %mul3A_190 : i32 to index
      %swap3A_319 = tpu.vector_load %arg8[%swap3A_315, %swap3A_316, %swap3A_317, %swap3A_318] {strides = array<i32>} : memref<2x40x8x128xf32, #tpu.memory_space<vmem>>, vector<16xf32>,
      tpu.vector_store %arg8[%swap3A_315, %swap3A_316, %swap3A_317, %swap3A_318], %gather3A_312 {strides = array<i32>} : memref<2x40x8x128xf32, #tpu.memory_space<vmem>>, vector<16xf32>,
      %add3A_320 = vector.broadcast %mul3A_155 : i32 to vector<16xi32>
      %add3A_321 = arith.addi %iota3A, %add3A_320 : vector<16xi32>
      %broadcast_in_dim3A_322 = arith.constant 11 : i32
      %broadcast_in_dim3A_323 = vector.broadcast %broadcast_in_dim3A_322 : i32 to vector<16xi32>
      %gather3A_324 = tpu.vector_load_idx %arg6[%add3A_321, %broadcast_in_dim3A_323] : memref<1024x16xf32, #tpu.memory_space<vmem>>[vector<16xi32>, vector<16xi32>], vector<16xf32>,
      %swap3A_325 = arith.constant 1 : i32
      %swap3A_326 = arith.constant 3 : i32
      %swap3A_327 = arith.index_cast %swap3A_325 : i32 to index
      %swap3A_328 = arith.index_cast %add3A_174 : i32 to index
      %swap3A_329 = arith.index_cast %swap3A_326 : i32 to index
      %swap3A_330 = arith.index_cast %mul3A_190 : i32 to index
      %swap3A_331 = tpu.vector_load %arg8[%swap3A_327, %swap3A_328, %swap3A_329, %swap3A_330] {strides = array<i32>} : memref<2x40x8x128xf32, #tpu.memory_space<vmem>>, vector<16xf32>,
      tpu.vector_store %arg8[%swap3A_327, %swap3A_328, %swap3A_329, %swap3A_330], %gather3A_324 {strides = array<i32>} : memref<2x40x8x128xf32, #tpu.memory_space<vmem>>, vector<16xf32>,
      %add3A_332 = vector.broadcast %mul3A_155 : i32 to vector<16xi32>
      %add3A_333 = arith.addi %iota3A, %add3A_332 : vector<16xi32>
      %broadcast_in_dim3A_334 = arith.constant 12 : i32
      %broadcast_in_dim3A_335 = vector.broadcast %broadcast_in_dim3A_334 : i32 to vector<16xi32>
      %gather3A_336 = tpu.vector_load_idx %arg6[%add3A_333, %broadcast_in_dim3A_335] : memref<1024x16xf32, #tpu.memory_space<vmem>>[vector<16xi32>, vector<16xi32>], vector<16xf32>,
      %swap3A_337 = arith.constant 1 : i32
      %swap3A_338 = arith.constant 4 : i32
      %swap3A_339 = arith.index_cast %swap3A_337 : i32 to index
      %swap3A_340 = arith.index_cast %add3A_174 : i32 to index
      %swap3A_341 = arith.index_cast %swap3A_338 : i32 to index
      %swap3A_342 = arith.index_cast %mul3A_190 : i32 to index
      %swap3A_343 = tpu.vector_load %arg8[%swap3A_339, %swap3A_340, %swap3A_341, %swap3A_342] {strides = array<i32>} : memref<2x40x8x128xf32, #tpu.memory_space<vmem>>, vector<16xf32>,
      tpu.vector_store %arg8[%swap3A_339, %swap3A_340, %swap3A_341, %swap3A_342], %gather3A_336 {strides = array<i32>} : memref<2x40x8x128xf32, #tpu.memory_space<vmem>>, vector<16xf32>,
      %add3A_344 = vector.broadcast %mul3A_155 : i32 to vector<16xi32>
      %add3A_345 = arith.addi %iota3A, %add3A_344 : vector<16xi32>
      %broadcast_in_dim3A_346 = arith.constant 13 : i32
      %broadcast_in_dim3A_347 = vector.broadcast %broadcast_in_dim3A_346 : i32 to vector<16xi32>
      %gather3A_348 = tpu.vector_load_idx %arg6[%add3A_345, %broadcast_in_dim3A_347] : memref<1024x16xf32, #tpu.memory_space<vmem>>[vector<16xi32>, vector<16xi32>], vector<16xf32>,
      %swap3A_349 = arith.constant 1 : i32
      %swap3A_350 = arith.constant 5 : i32
      %swap3A_351 = arith.index_cast %swap3A_349 : i32 to index
      %swap3A_352 = arith.index_cast %add3A_174 : i32 to index
      %swap3A_353 = arith.index_cast %swap3A_350 : i32 to index
      %swap3A_354 = arith.index_cast %mul3A_190 : i32 to index
      %swap3A_355 = tpu.vector_load %arg8[%swap3A_351, %swap3A_352, %swap3A_353, %swap3A_354] {strides = array<i32>} : memref<2x40x8x128xf32, #tpu.memory_space<vmem>>, vector<16xf32>,
      tpu.vector_store %arg8[%swap3A_351, %swap3A_352, %swap3A_353, %swap3A_354], %gather3A_348 {strides = array<i32>} : memref<2x40x8x128xf32, #tpu.memory_space<vmem>>, vector<16xf32>,
      %add3A_356 = vector.broadcast %mul3A_155 : i32 to vector<16xi32>
      %add3A_357 = arith.addi %iota3A, %add3A_356 : vector<16xi32>
      %broadcast_in_dim3A_358 = arith.constant 14 : i32
      %broadcast_in_dim3A_359 = vector.broadcast %broadcast_in_dim3A_358 : i32 to vector<16xi32>
      %gather3A_360 = tpu.vector_load_idx %arg6[%add3A_357, %broadcast_in_dim3A_359] : memref<1024x16xf32, #tpu.memory_space<vmem>>[vector<16xi32>, vector<16xi32>], vector<16xf32>,
      %swap3A_361 = arith.constant 1 : i32
      %swap3A_362 = arith.constant 6 : i32
      %swap3A_363 = arith.index_cast %swap3A_361 : i32 to index
      %swap3A_364 = arith.index_cast %add3A_174 : i32 to index
      %swap3A_365 = arith.index_cast %swap3A_362 : i32 to index
      %swap3A_366 = arith.index_cast %mul3A_190 : i32 to index
      %swap3A_367 = tpu.vector_load %arg8[%swap3A_363, %swap3A_364, %swap3A_365, %swap3A_366] {strides = array<i32>} : memref<2x40x8x128xf32, #tpu.memory_space<vmem>>, vector<16xf32>,
      tpu.vector_store %arg8[%swap3A_363, %swap3A_364, %swap3A_365, %swap3A_366], %gather3A_360 {strides = array<i32>} : memref<2x40x8x128xf32, #tpu.memory_space<vmem>>, vector<16xf32>,
      %add3A_368 = vector.broadcast %mul3A_155 : i32 to vector<16xi32>
      %add3A_369 = arith.addi %iota3A, %add3A_368 : vector<16xi32>
      %broadcast_in_dim3A_370 = arith.constant 15 : i32
      %broadcast_in_dim3A_371 = vector.broadcast %broadcast_in_dim3A_370 : i32 to vector<16xi32>
      %gather3A_372 = tpu.vector_load_idx %arg6[%add3A_369, %broadcast_in_dim3A_371] : memref<1024x16xf32, #tpu.memory_space<vmem>>[vector<16xi32>, vector<16xi32>], vector<16xf32>,
      %swap3A_373 = arith.constant 1 : i32
      %swap3A_374 = arith.constant 7 : i32
      %swap3A_375 = arith.index_cast %swap3A_373 : i32 to index
      %swap3A_376 = arith.index_cast %add3A_174 : i32 to index
      %swap3A_377 = arith.index_cast %swap3A_374 : i32 to index
      %swap3A_378 = arith.index_cast %mul3A_190 : i32 to index
      %swap3A_379 = tpu.vector_load %arg8[%swap3A_375, %swap3A_376, %swap3A_377, %swap3A_378] {strides = array<i32>} : memref<2x40x8x128xf32, #tpu.memory_space<vmem>>, vector<16xf32>,
      tpu.vector_store %arg8[%swap3A_375, %swap3A_376, %swap3A_377, %swap3A_378], %gather3A_372 {strides = array<i32>} : memref<2x40x8x128xf32, #tpu.memory_space<vmem>>, vector<16xf32>,
    }
    %scan3A_145 = arith.constant 64 : i32
    %mul3A_146 = arith.constant 40 : i32
    %mul3A_147 = arith.muli %add3A, %mul3A_146 : i32
    %run_scoped3A = arith.constant 0 : i32
    %run_scoped3A_148 = arith.constant 0 : i32
    "tpu.region"() ({
      %run_scoped3A_153 = tpu.sem_alloc : memref<!tpu.dma_semaphore, #tpu.memory_space<semaphore_mem>>
      %dma_start3A_154 = arith.constant 0 : i32
      %dma_start3A_155 = arith.constant 0 : i32
      %dma_start3A_156 = arith.constant 0 : i32
      %dma_start3A_157 = tpu.memref_slice %arg8[%run_scoped3A, %dma_start3A_154, %dma_start3A_155, %dma_start3A_156] : memref<2x40x8x128xf32, #tpu.memory_space<vmem>> -> memref<1x40x8x128xf32, #tpu.memory_space<vmem>>
      %dma_start3A_158 = tpu.memref_squeeze %dma_start3A_157 : memref<1x40x8x128xf32, #tpu.memory_space<vmem>> -> memref<40x8x128xf32, #tpu.memory_space<vmem>>
      %dma_start3A_159 = arith.constant 0 : i32
      %dma_start3A_160 = arith.constant 0 : i32
      %dma_start3A_161 = tpu.memref_slice %arg4[%run_scoped3A_148, %mul3A_147, %dma_start3A_159, %dma_start3A_160] : memref<2x1280x8x128xf32, #tpu.memory_space<hbm>> -> memref<1x40x8x128xf32, #tpu.memory_space<hbm>>
      %dma_start3A_162 = tpu.memref_squeeze %dma_start3A_161 : memref<1x40x8x128xf32, #tpu.memory_space<hbm>> -> memref<40x8x128xf32, #tpu.memory_space<hbm>>
      %dma_start3A_163 = arith.constant 0 : i32
      %dma_start3A_164 = arith.constant 0 : i32
      %dma_start3A_165 = tpu.memref_slice %arg4[%run_scoped3A_148, %mul3A_147, %dma_start3A_163, %dma_start3A_164] : memref<2x1280x8x128xf32, #tpu.memory_space<hbm>> -> memref<1x40x8x128xf32, #tpu.memory_space<hbm>>
      %dma_start3A_166 = tpu.memref_squeeze %dma_start3A_165 : memref<1x40x8x128xf32, #tpu.memory_space<hbm>> -> memref<40x8x128xf32, #tpu.memory_space<hbm>>
      %dma_start3A_167 = arith.constant 0 : i32
      %dma_start3A_168 = arith.constant 0 : i32
      %dma_start3A_169 = arith.constant 0 : i32
      %dma_start3A_170 = tpu.memref_slice %arg8[%run_scoped3A, %dma_start3A_167, %dma_start3A_168, %dma_start3A_169] : memref<2x40x8x128xf32, #tpu.memory_space<vmem>> -> memref<1x40x8x128xf32, #tpu.memory_space<vmem>>
      %dma_start3A_171 = tpu.memref_squeeze %dma_start3A_170 : memref<1x40x8x128xf32, #tpu.memory_space<vmem>> -> memref<40x8x128xf32, #tpu.memory_space<vmem>>
      tpu.enqueue_dma source(%dma_start3A_171 : memref<40x8x128xf32, #tpu.memory_space<vmem>>) target(%dma_start3A_166 : memref<40x8x128xf32, #tpu.memory_space<hbm>>) target_semaphore(%run_scoped3A_153 : memref<!tpu.dma_semaphore, #tpu.memory_space<semaphore_mem>>)
      %dma_wait3A_172 = arith.constant 0 : i32
      %dma_wait3A_173 = arith.constant 0 : i32
      %dma_wait3A_174 = arith.constant 0 : i32
      %dma_wait3A_175 = tpu.memref_slice %arg8[%run_scoped3A, %dma_wait3A_172, %dma_wait3A_173, %dma_wait3A_174] : memref<2x40x8x128xf32, #tpu.memory_space<vmem>> -> memref<1x40x8x128xf32, #tpu.memory_space<vmem>>
      %dma_wait3A_176 = tpu.memref_squeeze %dma_wait3A_175 : memref<1x40x8x128xf32, #tpu.memory_space<vmem>> -> memref<40x8x128xf32, #tpu.memory_space<vmem>>
      %dma_wait3A_177 = arith.constant 0 : i32
      %dma_wait3A_178 = arith.constant 0 : i32
      %dma_wait3A_179 = tpu.memref_slice %arg4[%run_scoped3A_148, %mul3A_147, %dma_wait3A_177, %dma_wait3A_178] : memref<2x1280x8x128xf32, #tpu.memory_space<hbm>> -> memref<1x40x8x128xf32, #tpu.memory_space<hbm>>
      %dma_wait3A_180 = tpu.memref_squeeze %dma_wait3A_179 : memref<1x40x8x128xf32, #tpu.memory_space<hbm>> -> memref<40x8x128xf32, #tpu.memory_space<hbm>>
      %dma_wait3A_181 = arith.constant 0 : i32
      %dma_wait3A_182 = arith.constant 0 : i32
      %dma_wait3A_183 = tpu.memref_slice %arg4[%run_scoped3A_148, %mul3A_147, %dma_wait3A_181, %dma_wait3A_182] : memref<2x1280x8x128xf32, #tpu.memory_space<hbm>> -> memref<1x40x8x128xf32, #tpu.memory_space<hbm>>
      %dma_wait3A_184 = tpu.memref_squeeze %dma_wait3A_183 : memref<1x40x8x128xf32, #tpu.memory_space<hbm>> -> memref<40x8x128xf32, #tpu.memory_space<hbm>>
      %dma_wait3A_185 = arith.constant 0 : i32
      %dma_wait3A_186 = arith.constant 0 : i32
      %dma_wait3A_187 = arith.constant 0 : i32
      %dma_wait3A_188 = tpu.memref_slice %arg8[%run_scoped3A, %dma_wait3A_185, %dma_wait3A_186, %dma_wait3A_187] : memref<2x40x8x128xf32, #tpu.memory_space<vmem>> -> memref<1x40x8x128xf32, #tpu.memory_space<vmem>>
      %dma_wait3A_189 = tpu.memref_squeeze %dma_wait3A_188 : memref<1x40x8x128xf32, #tpu.memory_space<vmem>> -> memref<40x8x128xf32, #tpu.memory_space<vmem>>
      tpu.wait_dma2 semaphore(%run_scoped3A_153 : memref<!tpu.dma_semaphore, #tpu.memory_space<semaphore_mem>>) src(%dma_wait3A_189 : memref<40x8x128xf32, #tpu.memory_space<vmem>>) dst(%dma_wait3A_184 : memref<40x8x128xf32, #tpu.memory_space<hbm>>)
      tpu.yield
    }) : () -> ()
    %mul3A_149 = arith.constant 40 : i32
    %mul3A_150 = arith.muli %add3A, %mul3A_149 : i32
    %run_scoped3A_151 = arith.constant 1 : i32
    %run_scoped3A_152 = arith.constant 1 : i32
    "tpu.region"() ({
      %run_scoped3A_153 = tpu.sem_alloc : memref<!tpu.dma_semaphore, #tpu.memory_space<semaphore_mem>>
      %dma_start3A_154 = arith.constant 0 : i32
      %dma_start3A_155 = arith.constant 0 : i32
      %dma_start3A_156 = arith.constant 0 : i32
      %dma_start3A_157 = tpu.memref_slice %arg8[%run_scoped3A_151, %dma_start3A_154, %dma_start3A_155, %dma_start3A_156] : memref<2x40x8x128xf32, #tpu.memory_space<vmem>> -> memref<1x40x8x128xf32, #tpu.memory_space<vmem>>
      %dma_start3A_158 = tpu.memref_squeeze %dma_start3A_157 : memref<1x40x8x128xf32, #tpu.memory_space<vmem>> -> memref<40x8x128xf32, #tpu.memory_space<vmem>>
      %dma_start3A_159 = arith.constant 0 : i32
      %dma_start3A_160 = arith.constant 0 : i32
      %dma_start3A_161 = tpu.memref_slice %arg4[%run_scoped3A_152, %mul3A_150, %dma_start3A_159, %dma_start3A_160] : memref<2x1280x8x128xf32, #tpu.memory_space<hbm>> -> memref<1x40x8x128xf32, #tpu.memory_space<hbm>>
      %dma_start3A_162 = tpu.memref_squeeze %dma_start3A_161 : memref<1x40x8x128xf32, #tpu.memory_space<hbm>> -> memref<40x8x128xf32, #tpu.memory_space<hbm>>
      %dma_start3A_163 = arith.constant 0 : i32
      %dma_start3A_164 = arith.constant 0 : i32
      %dma_start3A_165 = tpu.memref_slice %arg4[%run_scoped3A_152, %mul3A_150, %dma_start3A_163, %dma_start3A_164] : memref<2x1280x8x128xf32, #tpu.memory_space<hbm>> -> memref<1x40x8x128xf32, #tpu.memory_space<hbm>>
      %dma_start3A_166 = tpu.memref_squeeze %dma_start3A_165 : memref<1x40x8x128xf32, #tpu.memory_space<hbm>> -> memref<40x8x128xf32, #tpu.memory_space<hbm>>
      %dma_start3A_167 = arith.constant 0 : i32
      %dma_start3A_168 = arith.constant 0 : i32
      %dma_start3A_169 = arith.constant 0 : i32
      %dma_start3A_170 = tpu.memref_slice %arg8[%run_scoped3A_151, %dma_start3A_167, %dma_start3A_168, %dma_start3A_169] : memref<2x40x8x128xf32, #tpu.memory_space<vmem>> -> memref<1x40x8x128xf32, #tpu.memory_space<vmem>>
      %dma_start3A_171 = tpu.memref_squeeze %dma_start3A_170 : memref<1x40x8x128xf32, #tpu.memory_space<vmem>> -> memref<40x8x128xf32, #tpu.memory_space<vmem>>
      tpu.enqueue_dma source(%dma_start3A_171 : memref<40x8x128xf32, #tpu.memory_space<vmem>>) target(%dma_start3A_166 : memref<40x8x128xf32, #tpu.memory_space<hbm>>) target_semaphore(%run_scoped3A_153 : memref<!tpu.dma_semaphore, #tpu.memory_space<semaphore_mem>>)
      %dma_wait3A_172 = arith.constant 0 : i32
      %dma_wait3A_173 = arith.constant 0 : i32
      %dma_wait3A_174 = arith.constant 0 : i32
      %dma_wait3A_175 = tpu.memref_slice %arg8[%run_scoped3A_151, %dma_wait3A_172, %dma_wait3A_173, %dma_wait3A_174] : memref<2x40x8x128xf32, #tpu.memory_space<vmem>> -> memref<1x40x8x128xf32, #tpu.memory_space<vmem>>
      %dma_wait3A_176 = tpu.memref_squeeze %dma_wait3A_175 : memref<1x40x8x128xf32, #tpu.memory_space<vmem>> -> memref<40x8x128xf32, #tpu.memory_space<vmem>>
      %dma_wait3A_177 = arith.constant 0 : i32
      %dma_wait3A_178 = arith.constant 0 : i32
      %dma_wait3A_179 = tpu.memref_slice %arg4[%run_scoped3A_152, %mul3A_150, %dma_wait3A_177, %dma_wait3A_178] : memref<2x1280x8x128xf32, #tpu.memory_space<hbm>> -> memref<1x40x8x128xf32, #tpu.memory_space<hbm>>
      %dma_wait3A_180 = tpu.memref_squeeze %dma_wait3A_179 : memref<1x40x8x128xf32, #tpu.memory_space<hbm>> -> memref<40x8x128xf32, #tpu.memory_space<hbm>>
      %dma_wait3A_181 = arith.constant 0 : i32
      %dma_wait3A_182 = arith.constant 0 : i32
      %dma_wait3A_183 = tpu.memref_slice %arg4[%run_scoped3A_152, %mul3A_150, %dma_wait3A_181, %dma_wait3A_182] : memref<2x1280x8x128xf32, #tpu.memory_space<hbm>> -> memref<1x40x8x128xf32, #tpu.memory_space<hbm>>
      %dma_wait3A_184 = tpu.memref_squeeze %dma_wait3A_183 : memref<1x40x8x128xf32, #tpu.memory_space<hbm>> -> memref<40x8x128xf32, #tpu.memory_space<hbm>>
      %dma_wait3A_185 = arith.constant 0 : i32
      %dma_wait3A_186 = arith.constant 0 : i32
      %dma_wait3A_187 = arith.constant 0 : i32
      %dma_wait3A_188 = tpu.memref_slice %arg8[%run_scoped3A_151, %dma_wait3A_185, %dma_wait3A_186, %dma_wait3A_187] : memref<2x40x8x128xf32, #tpu.memory_space<vmem>> -> memref<1x40x8x128xf32, #tpu.memory_space<vmem>>
      %dma_wait3A_189 = tpu.memref_squeeze %dma_wait3A_188 : memref<1x40x8x128xf32, #tpu.memory_space<vmem>> -> memref<40x8x128xf32, #tpu.memory_space<vmem>>
      tpu.wait_dma2 semaphore(%run_scoped3A_153 : memref<!tpu.dma_semaphore, #tpu.memory_space<semaphore_mem>>) src(%dma_wait3A_189 : memref<40x8x128xf32, #tpu.memory_space<vmem>>) dst(%dma_wait3A_184 : memref<40x8x128xf32, #tpu.memory_space<hbm>>)
      tpu.yield
    }) : () -> ()
    return
  }
}

#map = affine_map<(d0, d1) -> (0, 0, 0, 0)>
#map1 = affine_map<(d0, d1) -> (0, 0)>
#map2 = affine_map<(d0, d1) -> (0, 0, 0)>
module attributes {stable_mosaic.version = 14 : i64} {
  func.func @_scatter_body(%arg0: i32, %arg1: i32, %arg2: memref<2x1280x8x128xf32, #tpu.memory_space<hbm>>, %arg3: memref<1250x128xi32, #tpu.memory_space<hbm>>, %arg4: memref<2x10000x16xf32, #tpu.memory_space<hbm>>, %arg5: memref<40x128xi32, #tpu.memory_space<vmem>>, %arg6: memref<2x20x8x128xf32, #tpu.memory_space<vmem>>, %arg7: memref<2560x16xf32, #tpu.memory_space<vmem>>, %arg8: memref<625x16xf32, #tpu.memory_space<vmem>>, %arg9: memref<10000x16xf32, #tpu.memory_space<vmem_shared>>, %arg10: memref<!tpu.dma_semaphore, #tpu.memory_space<semaphore_mem>>) attributes {dimension_semantics = [#tpu.dimension_semantics<core_parallel>, #tpu.dimension_semantics<subcore_parallel>], iteration_bounds = array<i64: 2, 16>, scalar_prefetch = 0 : i64, scratch_operands = 6 : i64, tpu.core_type = #tpu.core_type<sc_vector_subcore>, window_params = [{transform_indices = #map}, {transform_indices = #map1}, {transform_indices = #map2}]} {
    %mul3A = arith.constant 2 : i32
    %mul3A_0 = arith.muli %arg1, %mul3A : i32
    %add3A = arith.addi %mul3A_0, %arg0 : i32
    %mul3A_1 = arith.constant 40 : i32
    %mul3A_2 = arith.muli %add3A, %mul3A_1 : i32
    %min3A = arith.constant 1210 : i32
    %min3A_3 = arith.minsi %mul3A_2, %min3A : i32
    %iota3A = tpu.iota {dimensions = array<i32: 0>} : vector<16xi32>
    %scan3A = arith.constant 0 : i32
    %scan3A_4 = arith.constant 0 : i32
    %scan3A_5 = arith.constant 625 : i32
    %scan3A_6 = arith.addi %scan3A_4, %scan3A_5 : i32
    %scan3A_7 = arith.constant 1 : i32
    scf.for %scan3A_86 = %scan3A_4 to %scan3A_6 step %scan3A_7  : i32 {
      %broadcast_in_dim3A = arith.constant 0.000000e+00 : f32
      %broadcast_in_dim3A_87 = vector.broadcast %broadcast_in_dim3A : f32 to vector<16xf32>
      %swap3A = arith.index_cast %scan3A_86 : i32 to index
      %swap3A_88 = arith.constant 0 : index
      %swap3A_89 = tpu.vector_load %arg8[%swap3A, %swap3A_88] {strides = array<i32>} : memref<625x16xf32, #tpu.memory_space<vmem>>, vector<16xf32>,
      tpu.vector_store %arg8[%swap3A, %swap3A_88], %broadcast_in_dim3A_87 {strides = array<i32>} : memref<625x16xf32, #tpu.memory_space<vmem>>, vector<16xf32>,
    }
    %scan3A_8 = arith.constant 625 : i32
    "tpu.region"() ({
      %run_scoped3A_86 = tpu.sem_alloc : memref<!tpu.dma_semaphore, #tpu.memory_space<semaphore_mem>>
      %dma_start3A = arith.constant 0 : i32
      %dma_start3A_87 = tpu.memref_slice %arg3[%min3A_3, %dma_start3A] : memref<1250x128xi32, #tpu.memory_space<hbm>> -> memref<40x128xi32, #tpu.memory_space<hbm>>
      %dma_start3A_88 = arith.constant 0 : i32
      %dma_start3A_89 = tpu.memref_slice %arg3[%min3A_3, %dma_start3A_88] : memref<1250x128xi32, #tpu.memory_space<hbm>> -> memref<40x128xi32, #tpu.memory_space<hbm>>
      tpu.enqueue_dma source(%dma_start3A_89 : memref<40x128xi32, #tpu.memory_space<hbm>>) target(%arg5 : memref<40x128xi32, #tpu.memory_space<vmem>>) target_semaphore(%run_scoped3A_86 : memref<!tpu.dma_semaphore, #tpu.memory_space<semaphore_mem>>)
      %dma_wait3A_90 = arith.constant 0 : i32
      %dma_wait3A_91 = tpu.memref_slice %arg3[%min3A_3, %dma_wait3A_90] : memref<1250x128xi32, #tpu.memory_space<hbm>> -> memref<40x128xi32, #tpu.memory_space<hbm>>
      %dma_wait3A_92 = arith.constant 0 : i32
      %dma_wait3A_93 = tpu.memref_slice %arg3[%min3A_3, %dma_wait3A_92] : memref<1250x128xi32, #tpu.memory_space<hbm>> -> memref<40x128xi32, #tpu.memory_space<hbm>>
      tpu.wait_dma2 semaphore(%run_scoped3A_86 : memref<!tpu.dma_semaphore, #tpu.memory_space<semaphore_mem>>) src(%dma_wait3A_93 : memref<40x128xi32, #tpu.memory_space<hbm>>) dst(%arg5 : memref<40x128xi32, #tpu.memory_space<vmem>>)
      tpu.yield
    }) : () -> ()
    %mul3A_9 = arith.constant 625 : i32
    %mul3A_10 = arith.muli %arg1, %mul3A_9 : i32
    "tpu.region"() ({
      %run_scoped3A_86 = tpu.sem_alloc : memref<!tpu.dma_semaphore, #tpu.memory_space<semaphore_mem>>
      %dma_start3A = arith.constant 0 : i32
      %dma_start3A_87 = tpu.memref_slice %arg9[%mul3A_10, %dma_start3A] : memref<10000x16xf32, #tpu.memory_space<vmem_shared>> -> memref<625x16xf32, #tpu.memory_space<vmem_shared>>
      %dma_start3A_88 = arith.constant 0 : i32
      %dma_start3A_89 = tpu.memref_slice %arg9[%mul3A_10, %dma_start3A_88] : memref<10000x16xf32, #tpu.memory_space<vmem_shared>> -> memref<625x16xf32, #tpu.memory_space<vmem_shared>>
      tpu.enqueue_dma source(%arg8 : memref<625x16xf32, #tpu.memory_space<vmem>>) target(%dma_start3A_89 : memref<625x16xf32, #tpu.memory_space<vmem_shared>>) target_semaphore(%run_scoped3A_86 : memref<!tpu.dma_semaphore, #tpu.memory_space<semaphore_mem>>)
      %dma_wait3A_90 = arith.constant 0 : i32
      %dma_wait3A_91 = tpu.memref_slice %arg9[%mul3A_10, %dma_wait3A_90] : memref<10000x16xf32, #tpu.memory_space<vmem_shared>> -> memref<625x16xf32, #tpu.memory_space<vmem_shared>>
      %dma_wait3A_92 = arith.constant 0 : i32
      %dma_wait3A_93 = tpu.memref_slice %arg9[%mul3A_10, %dma_wait3A_92] : memref<10000x16xf32, #tpu.memory_space<vmem_shared>> -> memref<625x16xf32, #tpu.memory_space<vmem_shared>>
      tpu.wait_dma2 semaphore(%run_scoped3A_86 : memref<!tpu.dma_semaphore, #tpu.memory_space<semaphore_mem>>) src(%arg8 : memref<625x16xf32, #tpu.memory_space<vmem>>) dst(%dma_wait3A_93 : memref<625x16xf32, #tpu.memory_space<vmem_shared>>)
      tpu.yield
    }) : () -> ()
    %barrier3A = arith.constant 0 : index
    tpu.barrier barrier_id(%barrier3A)
    %mul3A_11 = arith.constant 40 : i32
    %mul3A_12 = arith.muli %add3A, %mul3A_11 : i32
    %add3A_13 = arith.constant 0 : i32
    %add3A_14 = arith.addi %mul3A_12, %add3A_13 : i32
    %run_scoped3A = arith.constant 0 : i32
    %run_scoped3A_15 = arith.constant 0 : i32
    "tpu.region"() ({
      %run_scoped3A_86 = tpu.sem_alloc : memref<!tpu.dma_semaphore, #tpu.memory_space<semaphore_mem>>
      %dma_start3A = arith.constant 0 : i32
      %dma_start3A_87 = arith.constant 0 : i32
      %dma_start3A_88 = arith.constant 0 : i32
      %dma_start3A_89 = tpu.memref_slice %arg6[%run_scoped3A_15, %dma_start3A, %dma_start3A_87, %dma_start3A_88] : memref<2x20x8x128xf32, #tpu.memory_space<vmem>> -> memref<1x20x8x128xf32, #tpu.memory_space<vmem>>
      %dma_start3A_90 = tpu.memref_squeeze %dma_start3A_89 : memref<1x20x8x128xf32, #tpu.memory_space<vmem>> -> memref<20x8x128xf32, #tpu.memory_space<vmem>>
      %dma_start3A_91 = arith.constant 0 : i32
      %dma_start3A_92 = arith.constant 0 : i32
      %dma_start3A_93 = tpu.memref_slice %arg2[%run_scoped3A, %add3A_14, %dma_start3A_91, %dma_start3A_92] : memref<2x1280x8x128xf32, #tpu.memory_space<hbm>> -> memref<1x20x8x128xf32, #tpu.memory_space<hbm>>
      %dma_start3A_94 = tpu.memref_squeeze %dma_start3A_93 : memref<1x20x8x128xf32, #tpu.memory_space<hbm>> -> memref<20x8x128xf32, #tpu.memory_space<hbm>>
      %dma_start3A_95 = arith.constant 0 : i32
      %dma_start3A_96 = arith.constant 0 : i32
      %dma_start3A_97 = arith.constant 0 : i32
      %dma_start3A_98 = tpu.memref_slice %arg6[%run_scoped3A_15, %dma_start3A_95, %dma_start3A_96, %dma_start3A_97] : memref<2x20x8x128xf32, #tpu.memory_space<vmem>> -> memref<1x20x8x128xf32, #tpu.memory_space<vmem>>
      %dma_start3A_99 = tpu.memref_squeeze %dma_start3A_98 : memref<1x20x8x128xf32, #tpu.memory_space<vmem>> -> memref<20x8x128xf32, #tpu.memory_space<vmem>>
      %dma_start3A_100 = arith.constant 0 : i32
      %dma_start3A_101 = arith.constant 0 : i32
      %dma_start3A_102 = tpu.memref_slice %arg2[%run_scoped3A, %add3A_14, %dma_start3A_100, %dma_start3A_101] : memref<2x1280x8x128xf32, #tpu.memory_space<hbm>> -> memref<1x20x8x128xf32, #tpu.memory_space<hbm>>
      %dma_start3A_103 = tpu.memref_squeeze %dma_start3A_102 : memref<1x20x8x128xf32, #tpu.memory_space<hbm>> -> memref<20x8x128xf32, #tpu.memory_space<hbm>>
      tpu.enqueue_dma source(%dma_start3A_103 : memref<20x8x128xf32, #tpu.memory_space<hbm>>) target(%dma_start3A_99 : memref<20x8x128xf32, #tpu.memory_space<vmem>>) target_semaphore(%run_scoped3A_86 : memref<!tpu.dma_semaphore, #tpu.memory_space<semaphore_mem>>)
      %dma_wait3A_104 = arith.constant 0 : i32
      %dma_wait3A_105 = arith.constant 0 : i32
      %dma_wait3A_106 = arith.constant 0 : i32
      %dma_wait3A_107 = tpu.memref_slice %arg6[%run_scoped3A_15, %dma_wait3A_104, %dma_wait3A_105, %dma_wait3A_106] : memref<2x20x8x128xf32, #tpu.memory_space<vmem>> -> memref<1x20x8x128xf32, #tpu.memory_space<vmem>>
      %dma_wait3A_108 = tpu.memref_squeeze %dma_wait3A_107 : memref<1x20x8x128xf32, #tpu.memory_space<vmem>> -> memref<20x8x128xf32, #tpu.memory_space<vmem>>
      %dma_wait3A_109 = arith.constant 0 : i32
      %dma_wait3A_110 = arith.constant 0 : i32
      %dma_wait3A_111 = tpu.memref_slice %arg2[%run_scoped3A, %add3A_14, %dma_wait3A_109, %dma_wait3A_110] : memref<2x1280x8x128xf32, #tpu.memory_space<hbm>> -> memref<1x20x8x128xf32, #tpu.memory_space<hbm>>
      %dma_wait3A_112 = tpu.memref_squeeze %dma_wait3A_111 : memref<1x20x8x128xf32, #tpu.memory_space<hbm>> -> memref<20x8x128xf32, #tpu.memory_space<hbm>>
      %dma_wait3A_113 = arith.constant 0 : i32
      %dma_wait3A_114 = arith.constant 0 : i32
      %dma_wait3A_115 = arith.constant 0 : i32
      %dma_wait3A_116 = tpu.memref_slice %arg6[%run_scoped3A_15, %dma_wait3A_113, %dma_wait3A_114, %dma_wait3A_115] : memref<2x20x8x128xf32, #tpu.memory_space<vmem>> -> memref<1x20x8x128xf32, #tpu.memory_space<vmem>>
      %dma_wait3A_117 = tpu.memref_squeeze %dma_wait3A_116 : memref<1x20x8x128xf32, #tpu.memory_space<vmem>> -> memref<20x8x128xf32, #tpu.memory_space<vmem>>
      %dma_wait3A_118 = arith.constant 0 : i32
      %dma_wait3A_119 = arith.constant 0 : i32
      %dma_wait3A_120 = tpu.memref_slice %arg2[%run_scoped3A, %add3A_14, %dma_wait3A_118, %dma_wait3A_119] : memref<2x1280x8x128xf32, #tpu.memory_space<hbm>> -> memref<1x20x8x128xf32, #tpu.memory_space<hbm>>
      %dma_wait3A_121 = tpu.memref_squeeze %dma_wait3A_120 : memref<1x20x8x128xf32, #tpu.memory_space<hbm>> -> memref<20x8x128xf32, #tpu.memory_space<hbm>>
      tpu.wait_dma2 semaphore(%run_scoped3A_86 : memref<!tpu.dma_semaphore, #tpu.memory_space<semaphore_mem>>) src(%dma_wait3A_121 : memref<20x8x128xf32, #tpu.memory_space<hbm>>) dst(%dma_wait3A_117 : memref<20x8x128xf32, #tpu.memory_space<vmem>>)
      tpu.yield
    }) : () -> ()
    %mul3A_16 = arith.constant 40 : i32
    %mul3A_17 = arith.muli %add3A, %mul3A_16 : i32
    %add3A_18 = arith.constant 0 : i32
    %add3A_19 = arith.addi %mul3A_17, %add3A_18 : i32
    %run_scoped3A_20 = arith.constant 1 : i32
    %run_scoped3A_21 = arith.constant 1 : i32
    "tpu.region"() ({
      %run_scoped3A_86 = tpu.sem_alloc : memref<!tpu.dma_semaphore, #tpu.memory_space<semaphore_mem>>
      %dma_start3A = arith.constant 0 : i32
      %dma_start3A_87 = arith.constant 0 : i32
      %dma_start3A_88 = arith.constant 0 : i32
      %dma_start3A_89 = tpu.memref_slice %arg6[%run_scoped3A_21, %dma_start3A, %dma_start3A_87, %dma_start3A_88] : memref<2x20x8x128xf32, #tpu.memory_space<vmem>> -> memref<1x20x8x128xf32, #tpu.memory_space<vmem>>
      %dma_start3A_90 = tpu.memref_squeeze %dma_start3A_89 : memref<1x20x8x128xf32, #tpu.memory_space<vmem>> -> memref<20x8x128xf32, #tpu.memory_space<vmem>>
      %dma_start3A_91 = arith.constant 0 : i32
      %dma_start3A_92 = arith.constant 0 : i32
      %dma_start3A_93 = tpu.memref_slice %arg2[%run_scoped3A_20, %add3A_19, %dma_start3A_91, %dma_start3A_92] : memref<2x1280x8x128xf32, #tpu.memory_space<hbm>> -> memref<1x20x8x128xf32, #tpu.memory_space<hbm>>
      %dma_start3A_94 = tpu.memref_squeeze %dma_start3A_93 : memref<1x20x8x128xf32, #tpu.memory_space<hbm>> -> memref<20x8x128xf32, #tpu.memory_space<hbm>>
      %dma_start3A_95 = arith.constant 0 : i32
      %dma_start3A_96 = arith.constant 0 : i32
      %dma_start3A_97 = arith.constant 0 : i32
      %dma_start3A_98 = tpu.memref_slice %arg6[%run_scoped3A_21, %dma_start3A_95, %dma_start3A_96, %dma_start3A_97] : memref<2x20x8x128xf32, #tpu.memory_space<vmem>> -> memref<1x20x8x128xf32, #tpu.memory_space<vmem>>
      %dma_start3A_99 = tpu.memref_squeeze %dma_start3A_98 : memref<1x20x8x128xf32, #tpu.memory_space<vmem>> -> memref<20x8x128xf32, #tpu.memory_space<vmem>>
      %dma_start3A_100 = arith.constant 0 : i32
      %dma_start3A_101 = arith.constant 0 : i32
      %dma_start3A_102 = tpu.memref_slice %arg2[%run_scoped3A_20, %add3A_19, %dma_start3A_100, %dma_start3A_101] : memref<2x1280x8x128xf32, #tpu.memory_space<hbm>> -> memref<1x20x8x128xf32, #tpu.memory_space<hbm>>
      %dma_start3A_103 = tpu.memref_squeeze %dma_start3A_102 : memref<1x20x8x128xf32, #tpu.memory_space<hbm>> -> memref<20x8x128xf32, #tpu.memory_space<hbm>>
      tpu.enqueue_dma source(%dma_start3A_103 : memref<20x8x128xf32, #tpu.memory_space<hbm>>) target(%dma_start3A_99 : memref<20x8x128xf32, #tpu.memory_space<vmem>>) target_semaphore(%run_scoped3A_86 : memref<!tpu.dma_semaphore, #tpu.memory_space<semaphore_mem>>)
      %dma_wait3A_104 = arith.constant 0 : i32
      %dma_wait3A_105 = arith.constant 0 : i32
      %dma_wait3A_106 = arith.constant 0 : i32
      %dma_wait3A_107 = tpu.memref_slice %arg6[%run_scoped3A_21, %dma_wait3A_104, %dma_wait3A_105, %dma_wait3A_106] : memref<2x20x8x128xf32, #tpu.memory_space<vmem>> -> memref<1x20x8x128xf32, #tpu.memory_space<vmem>>
      %dma_wait3A_108 = tpu.memref_squeeze %dma_wait3A_107 : memref<1x20x8x128xf32, #tpu.memory_space<vmem>> -> memref<20x8x128xf32, #tpu.memory_space<vmem>>
      %dma_wait3A_109 = arith.constant 0 : i32
      %dma_wait3A_110 = arith.constant 0 : i32
      %dma_wait3A_111 = tpu.memref_slice %arg2[%run_scoped3A_20, %add3A_19, %dma_wait3A_109, %dma_wait3A_110] : memref<2x1280x8x128xf32, #tpu.memory_space<hbm>> -> memref<1x20x8x128xf32, #tpu.memory_space<hbm>>
      %dma_wait3A_112 = tpu.memref_squeeze %dma_wait3A_111 : memref<1x20x8x128xf32, #tpu.memory_space<hbm>> -> memref<20x8x128xf32, #tpu.memory_space<hbm>>
      %dma_wait3A_113 = arith.constant 0 : i32
      %dma_wait3A_114 = arith.constant 0 : i32
      %dma_wait3A_115 = arith.constant 0 : i32
      %dma_wait3A_116 = tpu.memref_slice %arg6[%run_scoped3A_21, %dma_wait3A_113, %dma_wait3A_114, %dma_wait3A_115] : memref<2x20x8x128xf32, #tpu.memory_space<vmem>> -> memref<1x20x8x128xf32, #tpu.memory_space<vmem>>
      %dma_wait3A_117 = tpu.memref_squeeze %dma_wait3A_116 : memref<1x20x8x128xf32, #tpu.memory_space<vmem>> -> memref<20x8x128xf32, #tpu.memory_space<vmem>>
      %dma_wait3A_118 = arith.constant 0 : i32
      %dma_wait3A_119 = arith.constant 0 : i32
      %dma_wait3A_120 = tpu.memref_slice %arg2[%run_scoped3A_20, %add3A_19, %dma_wait3A_118, %dma_wait3A_119] : memref<2x1280x8x128xf32, #tpu.memory_space<hbm>> -> memref<1x20x8x128xf32, #tpu.memory_space<hbm>>
      %dma_wait3A_121 = tpu.memref_squeeze %dma_wait3A_120 : memref<1x20x8x128xf32, #tpu.memory_space<hbm>> -> memref<20x8x128xf32, #tpu.memory_space<hbm>>
      tpu.wait_dma2 semaphore(%run_scoped3A_86 : memref<!tpu.dma_semaphore, #tpu.memory_space<semaphore_mem>>) src(%dma_wait3A_121 : memref<20x8x128xf32, #tpu.memory_space<hbm>>) dst(%dma_wait3A_117 : memref<20x8x128xf32, #tpu.memory_space<vmem>>)
      tpu.yield
    }) : () -> ()
    %scan3A_22 = arith.constant 0 : i32
    %scan3A_23 = arith.constant 0 : i32
    %scan3A_24 = arith.constant 160 : i32
    %scan3A_25 = arith.addi %scan3A_23, %scan3A_24 : i32
    %scan3A_26 = arith.constant 1 : i32
    scf.for %scan3A_86 = %scan3A_23 to %scan3A_25 step %scan3A_26  : i32 {
      %mul3A_87 = arith.constant 16 : i32
      %mul3A_88 = arith.muli %scan3A_86, %mul3A_87 : i32
      %jit3A = arith.constant 8 : i32
      %div3A = arith.divsi %scan3A_86, %jit3A : i32
      %sign3A = arith.constant 0 : i32
      %sign3A_89 = arith.cmpi sgt, %scan3A_86, %sign3A : i32
      %sign3A_90 = arith.extui %sign3A_89 : i1 to i32
      %sign3A_91 = arith.constant 0 : i32
      %sign3A_92 = arith.cmpi slt, %scan3A_86, %sign3A_91 : i32
      %sign3A_93 = arith.extui %sign3A_92 : i1 to i32
      %sign3A_94 = arith.subi %sign3A_90, %sign3A_93 : i32
      %sign3A_95 = arith.constant 0 : i32
      %sign3A_96 = arith.cmpi sgt, %jit3A, %sign3A_95 : i32
      %sign3A_97 = arith.extui %sign3A_96 : i1 to i32
      %sign3A_98 = arith.constant 0 : i32
      %sign3A_99 = arith.cmpi slt, %jit3A, %sign3A_98 : i32
      %sign3A_100 = arith.extui %sign3A_99 : i1 to i32
      %sign3A_101 = arith.subi %sign3A_97, %sign3A_100 : i32
      %ne3A = arith.cmpi ne, %sign3A_94, %sign3A_101 : i32
      %rem3A = arith.remsi %scan3A_86, %jit3A : i32
      %ne3A_102 = arith.constant 0 : i32
      %ne3A_103 = arith.cmpi ne, %rem3A, %ne3A_102 : i32
      %and3A = arith.andi %ne3A, %ne3A_103 : i1
      %sub3A = arith.constant 1 : i32
      %sub3A_104 = arith.subi %div3A, %sub3A : i32
      %select_n3A = arith.select %and3A, %sub3A_104, %div3A : i32
      %jit3A_105 = arith.constant 8 : i32
      %eq3A = arith.constant 0 : i32
      %eq3A_106 = arith.cmpi eq, %jit3A_105, %eq3A : i32
      %jit3A_107 = arith.constant 1 : i32
      %select_n3A_108 = arith.select %eq3A_106, %jit3A_107, %jit3A_105 : i32
      %rem3A_109 = arith.remsi %scan3A_86, %select_n3A_108 : i32
      %ne3A_110 = arith.constant 0 : i32
      %ne3A_111 = arith.cmpi ne, %rem3A_109, %ne3A_110 : i32
      %lt3A = arith.constant 0 : i32
      %lt3A_112 = arith.cmpi slt, %rem3A_109, %lt3A : i32
      %lt3A_113 = arith.constant 0 : i32
      %lt3A_114 = arith.cmpi slt, %select_n3A_108, %lt3A_113 : i32
      %ne3A_115 = arith.xori %lt3A_112, %lt3A_114 : i1
      %and3A_116 = arith.andi %ne3A_115, %ne3A_111 : i1
      %add3A_117 = arith.addi %rem3A_109, %select_n3A_108 : i32
      %select_n3A_118 = arith.select %and3A_116, %add3A_117, %rem3A_109 : i32
      %mul3A_119 = arith.constant 16 : i32
      %mul3A_120 = arith.muli %select_n3A_118, %mul3A_119 : i32
      %get3A = arith.constant 0 : i32
      %get3A_121 = arith.constant 0 : i32
      %get3A_122 = arith.index_cast %get3A : i32 to index
      %get3A_123 = arith.index_cast %select_n3A : i32 to index
      %get3A_124 = arith.index_cast %get3A_121 : i32 to index
      %get3A_125 = arith.index_cast %mul3A_120 : i32 to index
      %get3A_126 = tpu.vector_load %arg6[%get3A_122, %get3A_123, %get3A_124, %get3A_125] {strides = array<i32>} : memref<2x20x8x128xf32, #tpu.memory_space<vmem>>, vector<16xf32>,
      %add3A_127 = vector.broadcast %mul3A_88 : i32 to vector<16xi32>
      %add3A_128 = arith.addi %iota3A, %add3A_127 : vector<16xi32>
      %broadcast_in_dim3A = arith.constant 0 : i32
      %broadcast_in_dim3A_129 = vector.broadcast %broadcast_in_dim3A : i32 to vector<16xi32>
      tpu.vector_store_idx %arg7[%add3A_128, %broadcast_in_dim3A_129], %get3A_126 : memref<2560x16xf32, #tpu.memory_space<vmem>>[vector<16xi32>, vector<16xi32>], vector<16xf32>,
      %get3A_130 = arith.constant 0 : i32
      %get3A_131 = arith.constant 1 : i32
      %get3A_132 = arith.index_cast %get3A_130 : i32 to index
      %get3A_133 = arith.index_cast %select_n3A : i32 to index
      %get3A_134 = arith.index_cast %get3A_131 : i32 to index
      %get3A_135 = arith.index_cast %mul3A_120 : i32 to index
      %get3A_136 = tpu.vector_load %arg6[%get3A_132, %get3A_133, %get3A_134, %get3A_135] {strides = array<i32>} : memref<2x20x8x128xf32, #tpu.memory_space<vmem>>, vector<16xf32>,
      %add3A_137 = vector.broadcast %mul3A_88 : i32 to vector<16xi32>
      %add3A_138 = arith.addi %iota3A, %add3A_137 : vector<16xi32>
      %broadcast_in_dim3A_139 = arith.constant 1 : i32
      %broadcast_in_dim3A_140 = vector.broadcast %broadcast_in_dim3A_139 : i32 to vector<16xi32>
      tpu.vector_store_idx %arg7[%add3A_138, %broadcast_in_dim3A_140], %get3A_136 : memref<2560x16xf32, #tpu.memory_space<vmem>>[vector<16xi32>, vector<16xi32>], vector<16xf32>,
      %get3A_141 = arith.constant 0 : i32
      %get3A_142 = arith.constant 2 : i32
      %get3A_143 = arith.index_cast %get3A_141 : i32 to index
      %get3A_144 = arith.index_cast %select_n3A : i32 to index
      %get3A_145 = arith.index_cast %get3A_142 : i32 to index
      %get3A_146 = arith.index_cast %mul3A_120 : i32 to index
      %get3A_147 = tpu.vector_load %arg6[%get3A_143, %get3A_144, %get3A_145, %get3A_146] {strides = array<i32>} : memref<2x20x8x128xf32, #tpu.memory_space<vmem>>, vector<16xf32>,
      %add3A_148 = vector.broadcast %mul3A_88 : i32 to vector<16xi32>
      %add3A_149 = arith.addi %iota3A, %add3A_148 : vector<16xi32>
      %broadcast_in_dim3A_150 = arith.constant 2 : i32
      %broadcast_in_dim3A_151 = vector.broadcast %broadcast_in_dim3A_150 : i32 to vector<16xi32>
      tpu.vector_store_idx %arg7[%add3A_149, %broadcast_in_dim3A_151], %get3A_147 : memref<2560x16xf32, #tpu.memory_space<vmem>>[vector<16xi32>, vector<16xi32>], vector<16xf32>,
      %get3A_152 = arith.constant 0 : i32
      %get3A_153 = arith.constant 3 : i32
      %get3A_154 = arith.index_cast %get3A_152 : i32 to index
      %get3A_155 = arith.index_cast %select_n3A : i32 to index
      %get3A_156 = arith.index_cast %get3A_153 : i32 to index
      %get3A_157 = arith.index_cast %mul3A_120 : i32 to index
      %get3A_158 = tpu.vector_load %arg6[%get3A_154, %get3A_155, %get3A_156, %get3A_157] {strides = array<i32>} : memref<2x20x8x128xf32, #tpu.memory_space<vmem>>, vector<16xf32>,
      %add3A_159 = vector.broadcast %mul3A_88 : i32 to vector<16xi32>
      %add3A_160 = arith.addi %iota3A, %add3A_159 : vector<16xi32>
      %broadcast_in_dim3A_161 = arith.constant 3 : i32
      %broadcast_in_dim3A_162 = vector.broadcast %broadcast_in_dim3A_161 : i32 to vector<16xi32>
      tpu.vector_store_idx %arg7[%add3A_160, %broadcast_in_dim3A_162], %get3A_158 : memref<2560x16xf32, #tpu.memory_space<vmem>>[vector<16xi32>, vector<16xi32>], vector<16xf32>,
      %get3A_163 = arith.constant 0 : i32
      %get3A_164 = arith.constant 4 : i32
      %get3A_165 = arith.index_cast %get3A_163 : i32 to index
      %get3A_166 = arith.index_cast %select_n3A : i32 to index
      %get3A_167 = arith.index_cast %get3A_164 : i32 to index
      %get3A_168 = arith.index_cast %mul3A_120 : i32 to index
      %get3A_169 = tpu.vector_load %arg6[%get3A_165, %get3A_166, %get3A_167, %get3A_168] {strides = array<i32>} : memref<2x20x8x128xf32, #tpu.memory_space<vmem>>, vector<16xf32>,
      %add3A_170 = vector.broadcast %mul3A_88 : i32 to vector<16xi32>
      %add3A_171 = arith.addi %iota3A, %add3A_170 : vector<16xi32>
      %broadcast_in_dim3A_172 = arith.constant 4 : i32
      %broadcast_in_dim3A_173 = vector.broadcast %broadcast_in_dim3A_172 : i32 to vector<16xi32>
      tpu.vector_store_idx %arg7[%add3A_171, %broadcast_in_dim3A_173], %get3A_169 : memref<2560x16xf32, #tpu.memory_space<vmem>>[vector<16xi32>, vector<16xi32>], vector<16xf32>,
      %get3A_174 = arith.constant 0 : i32
      %get3A_175 = arith.constant 5 : i32
      %get3A_176 = arith.index_cast %get3A_174 : i32 to index
      %get3A_177 = arith.index_cast %select_n3A : i32 to index
      %get3A_178 = arith.index_cast %get3A_175 : i32 to index
      %get3A_179 = arith.index_cast %mul3A_120 : i32 to index
      %get3A_180 = tpu.vector_load %arg6[%get3A_176, %get3A_177, %get3A_178, %get3A_179] {strides = array<i32>} : memref<2x20x8x128xf32, #tpu.memory_space<vmem>>, vector<16xf32>,
      %add3A_181 = vector.broadcast %mul3A_88 : i32 to vector<16xi32>
      %add3A_182 = arith.addi %iota3A, %add3A_181 : vector<16xi32>
      %broadcast_in_dim3A_183 = arith.constant 5 : i32
      %broadcast_in_dim3A_184 = vector.broadcast %broadcast_in_dim3A_183 : i32 to vector<16xi32>
      tpu.vector_store_idx %arg7[%add3A_182, %broadcast_in_dim3A_184], %get3A_180 : memref<2560x16xf32, #tpu.memory_space<vmem>>[vector<16xi32>, vector<16xi32>], vector<16xf32>,
      %get3A_185 = arith.constant 0 : i32
      %get3A_186 = arith.constant 6 : i32
      %get3A_187 = arith.index_cast %get3A_185 : i32 to index
      %get3A_188 = arith.index_cast %select_n3A : i32 to index
      %get3A_189 = arith.index_cast %get3A_186 : i32 to index
      %get3A_190 = arith.index_cast %mul3A_120 : i32 to index
      %get3A_191 = tpu.vector_load %arg6[%get3A_187, %get3A_188, %get3A_189, %get3A_190] {strides = array<i32>} : memref<2x20x8x128xf32, #tpu.memory_space<vmem>>, vector<16xf32>,
      %add3A_192 = vector.broadcast %mul3A_88 : i32 to vector<16xi32>
      %add3A_193 = arith.addi %iota3A, %add3A_192 : vector<16xi32>
      %broadcast_in_dim3A_194 = arith.constant 6 : i32
      %broadcast_in_dim3A_195 = vector.broadcast %broadcast_in_dim3A_194 : i32 to vector<16xi32>
      tpu.vector_store_idx %arg7[%add3A_193, %broadcast_in_dim3A_195], %get3A_191 : memref<2560x16xf32, #tpu.memory_space<vmem>>[vector<16xi32>, vector<16xi32>], vector<16xf32>,
      %get3A_196 = arith.constant 0 : i32
      %get3A_197 = arith.constant 7 : i32
      %get3A_198 = arith.index_cast %get3A_196 : i32 to index
      %get3A_199 = arith.index_cast %select_n3A : i32 to index
      %get3A_200 = arith.index_cast %get3A_197 : i32 to index
      %get3A_201 = arith.index_cast %mul3A_120 : i32 to index
      %get3A_202 = tpu.vector_load %arg6[%get3A_198, %get3A_199, %get3A_200, %get3A_201] {strides = array<i32>} : memref<2x20x8x128xf32, #tpu.memory_space<vmem>>, vector<16xf32>,
      %add3A_203 = vector.broadcast %mul3A_88 : i32 to vector<16xi32>
      %add3A_204 = arith.addi %iota3A, %add3A_203 : vector<16xi32>
      %broadcast_in_dim3A_205 = arith.constant 7 : i32
      %broadcast_in_dim3A_206 = vector.broadcast %broadcast_in_dim3A_205 : i32 to vector<16xi32>
      tpu.vector_store_idx %arg7[%add3A_204, %broadcast_in_dim3A_206], %get3A_202 : memref<2560x16xf32, #tpu.memory_space<vmem>>[vector<16xi32>, vector<16xi32>], vector<16xf32>,
      %get3A_207 = arith.constant 1 : i32
      %get3A_208 = arith.constant 0 : i32
      %get3A_209 = arith.index_cast %get3A_207 : i32 to index
      %get3A_210 = arith.index_cast %select_n3A : i32 to index
      %get3A_211 = arith.index_cast %get3A_208 : i32 to index
      %get3A_212 = arith.index_cast %mul3A_120 : i32 to index
      %get3A_213 = tpu.vector_load %arg6[%get3A_209, %get3A_210, %get3A_211, %get3A_212] {strides = array<i32>} : memref<2x20x8x128xf32, #tpu.memory_space<vmem>>, vector<16xf32>,
      %add3A_214 = vector.broadcast %mul3A_88 : i32 to vector<16xi32>
      %add3A_215 = arith.addi %iota3A, %add3A_214 : vector<16xi32>
      %broadcast_in_dim3A_216 = arith.constant 8 : i32
      %broadcast_in_dim3A_217 = vector.broadcast %broadcast_in_dim3A_216 : i32 to vector<16xi32>
      tpu.vector_store_idx %arg7[%add3A_215, %broadcast_in_dim3A_217], %get3A_213 : memref<2560x16xf32, #tpu.memory_space<vmem>>[vector<16xi32>, vector<16xi32>], vector<16xf32>,
      %get3A_218 = arith.constant 1 : i32
      %get3A_219 = arith.constant 1 : i32
      %get3A_220 = arith.index_cast %get3A_218 : i32 to index
      %get3A_221 = arith.index_cast %select_n3A : i32 to index
      %get3A_222 = arith.index_cast %get3A_219 : i32 to index
      %get3A_223 = arith.index_cast %mul3A_120 : i32 to index
      %get3A_224 = tpu.vector_load %arg6[%get3A_220, %get3A_221, %get3A_222, %get3A_223] {strides = array<i32>} : memref<2x20x8x128xf32, #tpu.memory_space<vmem>>, vector<16xf32>,
      %add3A_225 = vector.broadcast %mul3A_88 : i32 to vector<16xi32>
      %add3A_226 = arith.addi %iota3A, %add3A_225 : vector<16xi32>
      %broadcast_in_dim3A_227 = arith.constant 9 : i32
      %broadcast_in_dim3A_228 = vector.broadcast %broadcast_in_dim3A_227 : i32 to vector<16xi32>
      tpu.vector_store_idx %arg7[%add3A_226, %broadcast_in_dim3A_228], %get3A_224 : memref<2560x16xf32, #tpu.memory_space<vmem>>[vector<16xi32>, vector<16xi32>], vector<16xf32>,
      %get3A_229 = arith.constant 1 : i32
      %get3A_230 = arith.constant 2 : i32
      %get3A_231 = arith.index_cast %get3A_229 : i32 to index
      %get3A_232 = arith.index_cast %select_n3A : i32 to index
      %get3A_233 = arith.index_cast %get3A_230 : i32 to index
      %get3A_234 = arith.index_cast %mul3A_120 : i32 to index
      %get3A_235 = tpu.vector_load %arg6[%get3A_231, %get3A_232, %get3A_233, %get3A_234] {strides = array<i32>} : memref<2x20x8x128xf32, #tpu.memory_space<vmem>>, vector<16xf32>,
      %add3A_236 = vector.broadcast %mul3A_88 : i32 to vector<16xi32>
      %add3A_237 = arith.addi %iota3A, %add3A_236 : vector<16xi32>
      %broadcast_in_dim3A_238 = arith.constant 10 : i32
      %broadcast_in_dim3A_239 = vector.broadcast %broadcast_in_dim3A_238 : i32 to vector<16xi32>
      tpu.vector_store_idx %arg7[%add3A_237, %broadcast_in_dim3A_239], %get3A_235 : memref<2560x16xf32, #tpu.memory_space<vmem>>[vector<16xi32>, vector<16xi32>], vector<16xf32>,
      %get3A_240 = arith.constant 1 : i32
      %get3A_241 = arith.constant 3 : i32
      %get3A_242 = arith.index_cast %get3A_240 : i32 to index
      %get3A_243 = arith.index_cast %select_n3A : i32 to index
      %get3A_244 = arith.index_cast %get3A_241 : i32 to index
      %get3A_245 = arith.index_cast %mul3A_120 : i32 to index
      %get3A_246 = tpu.vector_load %arg6[%get3A_242, %get3A_243, %get3A_244, %get3A_245] {strides = array<i32>} : memref<2x20x8x128xf32, #tpu.memory_space<vmem>>, vector<16xf32>,
      %add3A_247 = vector.broadcast %mul3A_88 : i32 to vector<16xi32>
      %add3A_248 = arith.addi %iota3A, %add3A_247 : vector<16xi32>
      %broadcast_in_dim3A_249 = arith.constant 11 : i32
      %broadcast_in_dim3A_250 = vector.broadcast %broadcast_in_dim3A_249 : i32 to vector<16xi32>
      tpu.vector_store_idx %arg7[%add3A_248, %broadcast_in_dim3A_250], %get3A_246 : memref<2560x16xf32, #tpu.memory_space<vmem>>[vector<16xi32>, vector<16xi32>], vector<16xf32>,
      %get3A_251 = arith.constant 1 : i32
      %get3A_252 = arith.constant 4 : i32
      %get3A_253 = arith.index_cast %get3A_251 : i32 to index
      %get3A_254 = arith.index_cast %select_n3A : i32 to index
      %get3A_255 = arith.index_cast %get3A_252 : i32 to index
      %get3A_256 = arith.index_cast %mul3A_120 : i32 to index
      %get3A_257 = tpu.vector_load %arg6[%get3A_253, %get3A_254, %get3A_255, %get3A_256] {strides = array<i32>} : memref<2x20x8x128xf32, #tpu.memory_space<vmem>>, vector<16xf32>,
      %add3A_258 = vector.broadcast %mul3A_88 : i32 to vector<16xi32>
      %add3A_259 = arith.addi %iota3A, %add3A_258 : vector<16xi32>
      %broadcast_in_dim3A_260 = arith.constant 12 : i32
      %broadcast_in_dim3A_261 = vector.broadcast %broadcast_in_dim3A_260 : i32 to vector<16xi32>
      tpu.vector_store_idx %arg7[%add3A_259, %broadcast_in_dim3A_261], %get3A_257 : memref<2560x16xf32, #tpu.memory_space<vmem>>[vector<16xi32>, vector<16xi32>], vector<16xf32>,
      %get3A_262 = arith.constant 1 : i32
      %get3A_263 = arith.constant 5 : i32
      %get3A_264 = arith.index_cast %get3A_262 : i32 to index
      %get3A_265 = arith.index_cast %select_n3A : i32 to index
      %get3A_266 = arith.index_cast %get3A_263 : i32 to index
      %get3A_267 = arith.index_cast %mul3A_120 : i32 to index
      %get3A_268 = tpu.vector_load %arg6[%get3A_264, %get3A_265, %get3A_266, %get3A_267] {strides = array<i32>} : memref<2x20x8x128xf32, #tpu.memory_space<vmem>>, vector<16xf32>,
      %add3A_269 = vector.broadcast %mul3A_88 : i32 to vector<16xi32>
      %add3A_270 = arith.addi %iota3A, %add3A_269 : vector<16xi32>
      %broadcast_in_dim3A_271 = arith.constant 13 : i32
      %broadcast_in_dim3A_272 = vector.broadcast %broadcast_in_dim3A_271 : i32 to vector<16xi32>
      tpu.vector_store_idx %arg7[%add3A_270, %broadcast_in_dim3A_272], %get3A_268 : memref<2560x16xf32, #tpu.memory_space<vmem>>[vector<16xi32>, vector<16xi32>], vector<16xf32>,
      %get3A_273 = arith.constant 1 : i32
      %get3A_274 = arith.constant 6 : i32
      %get3A_275 = arith.index_cast %get3A_273 : i32 to index
      %get3A_276 = arith.index_cast %select_n3A : i32 to index
      %get3A_277 = arith.index_cast %get3A_274 : i32 to index
      %get3A_278 = arith.index_cast %mul3A_120 : i32 to index
      %get3A_279 = tpu.vector_load %arg6[%get3A_275, %get3A_276, %get3A_277, %get3A_278] {strides = array<i32>} : memref<2x20x8x128xf32, #tpu.memory_space<vmem>>, vector<16xf32>,
      %add3A_280 = vector.broadcast %mul3A_88 : i32 to vector<16xi32>
      %add3A_281 = arith.addi %iota3A, %add3A_280 : vector<16xi32>
      %broadcast_in_dim3A_282 = arith.constant 14 : i32
      %broadcast_in_dim3A_283 = vector.broadcast %broadcast_in_dim3A_282 : i32 to vector<16xi32>
      tpu.vector_store_idx %arg7[%add3A_281, %broadcast_in_dim3A_283], %get3A_279 : memref<2560x16xf32, #tpu.memory_space<vmem>>[vector<16xi32>, vector<16xi32>], vector<16xf32>,
      %get3A_284 = arith.constant 1 : i32
      %get3A_285 = arith.constant 7 : i32
      %get3A_286 = arith.index_cast %get3A_284 : i32 to index
      %get3A_287 = arith.index_cast %select_n3A : i32 to index
      %get3A_288 = arith.index_cast %get3A_285 : i32 to index
      %get3A_289 = arith.index_cast %mul3A_120 : i32 to index
      %get3A_290 = tpu.vector_load %arg6[%get3A_286, %get3A_287, %get3A_288, %get3A_289] {strides = array<i32>} : memref<2x20x8x128xf32, #tpu.memory_space<vmem>>, vector<16xf32>,
      %add3A_291 = vector.broadcast %mul3A_88 : i32 to vector<16xi32>
      %add3A_292 = arith.addi %iota3A, %add3A_291 : vector<16xi32>
      %broadcast_in_dim3A_293 = arith.constant 15 : i32
      %broadcast_in_dim3A_294 = vector.broadcast %broadcast_in_dim3A_293 : i32 to vector<16xi32>
      tpu.vector_store_idx %arg7[%add3A_292, %broadcast_in_dim3A_294], %get3A_290 : memref<2560x16xf32, #tpu.memory_space<vmem>>[vector<16xi32>, vector<16xi32>], vector<16xf32>,
    }
    %scan3A_27 = arith.constant 160 : i32
    %scan3A_28 = arith.constant 0 : i32
    %scan3A_29 = arith.constant 0 : i32
    %scan3A_30 = arith.constant 20 : i32
    %scan3A_31 = arith.addi %scan3A_29, %scan3A_30 : i32
    %scan3A_32 = arith.constant 1 : i32
    scf.for %scan3A_86 = %scan3A_29 to %scan3A_31 step %scan3A_32  : i32 {
      %add3A_87 = arith.constant 0 : i32
      %add3A_88 = arith.addi %mul3A_2, %add3A_87 : i32
      %add3A_89 = arith.addi %add3A_88, %scan3A_86 : i32
      %min3A_90 = arith.constant 1249 : i32
      %min3A_91 = arith.minsi %add3A_89, %min3A_90 : i32
      %sub3A = arith.subi %min3A_91, %min3A_3 : i32
      %mul3A_92 = arith.constant 128 : i32
      %mul3A_93 = arith.muli %scan3A_86, %mul3A_92 : i32
      %dma_start3A = arith.constant 0 : i32
      %dma_start3A_94 = tpu.memref_slice %arg7[%mul3A_93, %dma_start3A] : memref<2560x16xf32, #tpu.memory_space<vmem>> -> memref<128x16xf32, #tpu.memory_space<vmem>>
      %dma_start3A_95 = arith.constant 0 : i32
      %dma_start3A_96 = tpu.memref_slice %arg5[%sub3A, %dma_start3A_95] : memref<40x128xi32, #tpu.memory_space<vmem>> -> memref<1x128xi32, #tpu.memory_space<vmem>>
      %dma_start3A_97 = tpu.memref_squeeze %dma_start3A_96 : memref<1x128xi32, #tpu.memory_space<vmem>> -> memref<128xi32, #tpu.memory_space<vmem>>
      %dma_start3A_98 = arith.constant 0 : i32
      %dma_start3A_99 = arith.constant 0 : i32
      %dma_start3A_100 = tpu.memref_slice %arg9[%dma_start3A_98, %dma_start3A_99] : memref<10000x16xf32, #tpu.memory_space<vmem_shared>> -> memref<10000x16xf32, #tpu.memory_space<vmem_shared>>
      tpu.enqueue_indirect_dma source(%dma_start3A_94 : memref<128x16xf32, #tpu.memory_space<vmem>>) target(%dma_start3A_100 : memref<10000x16xf32, #tpu.memory_space<vmem_shared>>) offsets(%dma_start3A_97 : memref<128xi32, #tpu.memory_space<vmem>>) semaphore(%arg10 : memref<!tpu.dma_semaphore, #tpu.memory_space<semaphore_mem>>) {add = true}
      %ge3A = arith.constant 1 : i32
      %ge3A_101 = arith.cmpi sge, %scan3A_86, %ge3A : i32
      %convert_element_type3A = arith.extui %ge3A_101 : i1 to i32
      %cond3A = arith.constant 0 : i32
      %cond3A_102 = arith.cmpi ne, %convert_element_type3A, %cond3A : i32
      scf.if %cond3A_102 {
        %dma_wait3A_103 = arith.constant 0 : i32
        %dma_wait3A_104 = arith.constant 0 : i32
        %dma_wait3A_105 = tpu.memref_slice %arg7[%dma_wait3A_103, %dma_wait3A_104] : memref<2560x16xf32, #tpu.memory_space<vmem>> -> memref<128x16xf32, #tpu.memory_space<vmem>>
        %dma_wait3A_106 = arith.constant 0 : i32
        %dma_wait3A_107 = arith.constant 0 : i32
        %dma_wait3A_108 = tpu.memref_slice %arg9[%dma_wait3A_106, %dma_wait3A_107] : memref<10000x16xf32, #tpu.memory_space<vmem_shared>> -> memref<128x16xf32, #tpu.memory_space<vmem_shared>>
        %dma_wait3A_109 = arith.constant 0 : i32
        %dma_wait3A_110 = arith.constant 0 : i32
        %dma_wait3A_111 = tpu.memref_slice %arg9[%dma_wait3A_109, %dma_wait3A_110] : memref<10000x16xf32, #tpu.memory_space<vmem_shared>> -> memref<128x16xf32, #tpu.memory_space<vmem_shared>>
        %dma_wait3A_112 = arith.constant 0 : i32
        %dma_wait3A_113 = arith.constant 0 : i32
        %dma_wait3A_114 = tpu.memref_slice %arg7[%dma_wait3A_112, %dma_wait3A_113] : memref<2560x16xf32, #tpu.memory_space<vmem>> -> memref<128x16xf32, #tpu.memory_space<vmem>>
        tpu.wait_dma2 semaphore(%arg10 : memref<!tpu.dma_semaphore, #tpu.memory_space<semaphore_mem>>) src(%dma_wait3A_114 : memref<128x16xf32, #tpu.memory_space<vmem>>) dst(%dma_wait3A_111 : memref<128x16xf32, #tpu.memory_space<vmem_shared>>)
      } else {
      }
    }
    %scan3A_33 = arith.constant 20 : i32
    %dma_wait3A = arith.constant 0 : i32
    %dma_wait3A_34 = arith.constant 0 : i32
    %dma_wait3A_35 = tpu.memref_slice %arg7[%dma_wait3A, %dma_wait3A_34] : memref<2560x16xf32, #tpu.memory_space<vmem>> -> memref<128x16xf32, #tpu.memory_space<vmem>>
    %dma_wait3A_36 = arith.constant 0 : i32
    %dma_wait3A_37 = arith.constant 0 : i32
    %dma_wait3A_38 = tpu.memref_slice %arg9[%dma_wait3A_36, %dma_wait3A_37] : memref<10000x16xf32, #tpu.memory_space<vmem_shared>> -> memref<128x16xf32, #tpu.memory_space<vmem_shared>>
    %dma_wait3A_39 = arith.constant 0 : i32
    %dma_wait3A_40 = arith.constant 0 : i32
    %dma_wait3A_41 = tpu.memref_slice %arg9[%dma_wait3A_39, %dma_wait3A_40] : memref<10000x16xf32, #tpu.memory_space<vmem_shared>> -> memref<128x16xf32, #tpu.memory_space<vmem_shared>>
    %dma_wait3A_42 = arith.constant 0 : i32
    %dma_wait3A_43 = arith.constant 0 : i32
    %dma_wait3A_44 = tpu.memref_slice %arg7[%dma_wait3A_42, %dma_wait3A_43] : memref<2560x16xf32, #tpu.memory_space<vmem>> -> memref<128x16xf32, #tpu.memory_space<vmem>>
    tpu.wait_dma2 semaphore(%arg10 : memref<!tpu.dma_semaphore, #tpu.memory_space<semaphore_mem>>) src(%dma_wait3A_44 : memref<128x16xf32, #tpu.memory_space<vmem>>) dst(%dma_wait3A_41 : memref<128x16xf32, #tpu.memory_space<vmem_shared>>)
    %mul3A_45 = arith.constant 40 : i32
    %mul3A_46 = arith.muli %add3A, %mul3A_45 : i32
    %add3A_47 = arith.constant 20 : i32
    %add3A_48 = arith.addi %mul3A_46, %add3A_47 : i32
    %run_scoped3A_49 = arith.constant 0 : i32
    %run_scoped3A_50 = arith.constant 0 : i32
    "tpu.region"() ({
      %run_scoped3A_86 = tpu.sem_alloc : memref<!tpu.dma_semaphore, #tpu.memory_space<semaphore_mem>>
      %dma_start3A = arith.constant 0 : i32
      %dma_start3A_87 = arith.constant 0 : i32
      %dma_start3A_88 = arith.constant 0 : i32
      %dma_start3A_89 = tpu.memref_slice %arg6[%run_scoped3A_50, %dma_start3A, %dma_start3A_87, %dma_start3A_88] : memref<2x20x8x128xf32, #tpu.memory_space<vmem>> -> memref<1x20x8x128xf32, #tpu.memory_space<vmem>>
      %dma_start3A_90 = tpu.memref_squeeze %dma_start3A_89 : memref<1x20x8x128xf32, #tpu.memory_space<vmem>> -> memref<20x8x128xf32, #tpu.memory_space<vmem>>
      %dma_start3A_91 = arith.constant 0 : i32
      %dma_start3A_92 = arith.constant 0 : i32
      %dma_start3A_93 = tpu.memref_slice %arg2[%run_scoped3A_49, %add3A_48, %dma_start3A_91, %dma_start3A_92] : memref<2x1280x8x128xf32, #tpu.memory_space<hbm>> -> memref<1x20x8x128xf32, #tpu.memory_space<hbm>>
      %dma_start3A_94 = tpu.memref_squeeze %dma_start3A_93 : memref<1x20x8x128xf32, #tpu.memory_space<hbm>> -> memref<20x8x128xf32, #tpu.memory_space<hbm>>
      %dma_start3A_95 = arith.constant 0 : i32
      %dma_start3A_96 = arith.constant 0 : i32
      %dma_start3A_97 = arith.constant 0 : i32
      %dma_start3A_98 = tpu.memref_slice %arg6[%run_scoped3A_50, %dma_start3A_95, %dma_start3A_96, %dma_start3A_97] : memref<2x20x8x128xf32, #tpu.memory_space<vmem>> -> memref<1x20x8x128xf32, #tpu.memory_space<vmem>>
      %dma_start3A_99 = tpu.memref_squeeze %dma_start3A_98 : memref<1x20x8x128xf32, #tpu.memory_space<vmem>> -> memref<20x8x128xf32, #tpu.memory_space<vmem>>
      %dma_start3A_100 = arith.constant 0 : i32
      %dma_start3A_101 = arith.constant 0 : i32
      %dma_start3A_102 = tpu.memref_slice %arg2[%run_scoped3A_49, %add3A_48, %dma_start3A_100, %dma_start3A_101] : memref<2x1280x8x128xf32, #tpu.memory_space<hbm>> -> memref<1x20x8x128xf32, #tpu.memory_space<hbm>>
      %dma_start3A_103 = tpu.memref_squeeze %dma_start3A_102 : memref<1x20x8x128xf32, #tpu.memory_space<hbm>> -> memref<20x8x128xf32, #tpu.memory_space<hbm>>
      tpu.enqueue_dma source(%dma_start3A_103 : memref<20x8x128xf32, #tpu.memory_space<hbm>>) target(%dma_start3A_99 : memref<20x8x128xf32, #tpu.memory_space<vmem>>) target_semaphore(%run_scoped3A_86 : memref<!tpu.dma_semaphore, #tpu.memory_space<semaphore_mem>>)
      %dma_wait3A_104 = arith.constant 0 : i32
      %dma_wait3A_105 = arith.constant 0 : i32
      %dma_wait3A_106 = arith.constant 0 : i32
      %dma_wait3A_107 = tpu.memref_slice %arg6[%run_scoped3A_50, %dma_wait3A_104, %dma_wait3A_105, %dma_wait3A_106] : memref<2x20x8x128xf32, #tpu.memory_space<vmem>> -> memref<1x20x8x128xf32, #tpu.memory_space<vmem>>
      %dma_wait3A_108 = tpu.memref_squeeze %dma_wait3A_107 : memref<1x20x8x128xf32, #tpu.memory_space<vmem>> -> memref<20x8x128xf32, #tpu.memory_space<vmem>>
      %dma_wait3A_109 = arith.constant 0 : i32
      %dma_wait3A_110 = arith.constant 0 : i32
      %dma_wait3A_111 = tpu.memref_slice %arg2[%run_scoped3A_49, %add3A_48, %dma_wait3A_109, %dma_wait3A_110] : memref<2x1280x8x128xf32, #tpu.memory_space<hbm>> -> memref<1x20x8x128xf32, #tpu.memory_space<hbm>>
      %dma_wait3A_112 = tpu.memref_squeeze %dma_wait3A_111 : memref<1x20x8x128xf32, #tpu.memory_space<hbm>> -> memref<20x8x128xf32, #tpu.memory_space<hbm>>
      %dma_wait3A_113 = arith.constant 0 : i32
      %dma_wait3A_114 = arith.constant 0 : i32
      %dma_wait3A_115 = arith.constant 0 : i32
      %dma_wait3A_116 = tpu.memref_slice %arg6[%run_scoped3A_50, %dma_wait3A_113, %dma_wait3A_114, %dma_wait3A_115] : memref<2x20x8x128xf32, #tpu.memory_space<vmem>> -> memref<1x20x8x128xf32, #tpu.memory_space<vmem>>
      %dma_wait3A_117 = tpu.memref_squeeze %dma_wait3A_116 : memref<1x20x8x128xf32, #tpu.memory_space<vmem>> -> memref<20x8x128xf32, #tpu.memory_space<vmem>>
      %dma_wait3A_118 = arith.constant 0 : i32
      %dma_wait3A_119 = arith.constant 0 : i32
      %dma_wait3A_120 = tpu.memref_slice %arg2[%run_scoped3A_49, %add3A_48, %dma_wait3A_118, %dma_wait3A_119] : memref<2x1280x8x128xf32, #tpu.memory_space<hbm>> -> memref<1x20x8x128xf32, #tpu.memory_space<hbm>>
      %dma_wait3A_121 = tpu.memref_squeeze %dma_wait3A_120 : memref<1x20x8x128xf32, #tpu.memory_space<hbm>> -> memref<20x8x128xf32, #tpu.memory_space<hbm>>
      tpu.wait_dma2 semaphore(%run_scoped3A_86 : memref<!tpu.dma_semaphore, #tpu.memory_space<semaphore_mem>>) src(%dma_wait3A_121 : memref<20x8x128xf32, #tpu.memory_space<hbm>>) dst(%dma_wait3A_117 : memref<20x8x128xf32, #tpu.memory_space<vmem>>)
      tpu.yield
    }) : () -> ()
    %mul3A_51 = arith.constant 40 : i32
    %mul3A_52 = arith.muli %add3A, %mul3A_51 : i32
    %add3A_53 = arith.constant 20 : i32
    %add3A_54 = arith.addi %mul3A_52, %add3A_53 : i32
    %run_scoped3A_55 = arith.constant 1 : i32
    %run_scoped3A_56 = arith.constant 1 : i32
    "tpu.region"() ({
      %run_scoped3A_86 = tpu.sem_alloc : memref<!tpu.dma_semaphore, #tpu.memory_space<semaphore_mem>>
      %dma_start3A = arith.constant 0 : i32
      %dma_start3A_87 = arith.constant 0 : i32
      %dma_start3A_88 = arith.constant 0 : i32
      %dma_start3A_89 = tpu.memref_slice %arg6[%run_scoped3A_56, %dma_start3A, %dma_start3A_87, %dma_start3A_88] : memref<2x20x8x128xf32, #tpu.memory_space<vmem>> -> memref<1x20x8x128xf32, #tpu.memory_space<vmem>>
      %dma_start3A_90 = tpu.memref_squeeze %dma_start3A_89 : memref<1x20x8x128xf32, #tpu.memory_space<vmem>> -> memref<20x8x128xf32, #tpu.memory_space<vmem>>
      %dma_start3A_91 = arith.constant 0 : i32
      %dma_start3A_92 = arith.constant 0 : i32
      %dma_start3A_93 = tpu.memref_slice %arg2[%run_scoped3A_55, %add3A_54, %dma_start3A_91, %dma_start3A_92] : memref<2x1280x8x128xf32, #tpu.memory_space<hbm>> -> memref<1x20x8x128xf32, #tpu.memory_space<hbm>>
      %dma_start3A_94 = tpu.memref_squeeze %dma_start3A_93 : memref<1x20x8x128xf32, #tpu.memory_space<hbm>> -> memref<20x8x128xf32, #tpu.memory_space<hbm>>
      %dma_start3A_95 = arith.constant 0 : i32
      %dma_start3A_96 = arith.constant 0 : i32
      %dma_start3A_97 = arith.constant 0 : i32
      %dma_start3A_98 = tpu.memref_slice %arg6[%run_scoped3A_56, %dma_start3A_95, %dma_start3A_96, %dma_start3A_97] : memref<2x20x8x128xf32, #tpu.memory_space<vmem>> -> memref<1x20x8x128xf32, #tpu.memory_space<vmem>>
      %dma_start3A_99 = tpu.memref_squeeze %dma_start3A_98 : memref<1x20x8x128xf32, #tpu.memory_space<vmem>> -> memref<20x8x128xf32, #tpu.memory_space<vmem>>
      %dma_start3A_100 = arith.constant 0 : i32
      %dma_start3A_101 = arith.constant 0 : i32
      %dma_start3A_102 = tpu.memref_slice %arg2[%run_scoped3A_55, %add3A_54, %dma_start3A_100, %dma_start3A_101] : memref<2x1280x8x128xf32, #tpu.memory_space<hbm>> -> memref<1x20x8x128xf32, #tpu.memory_space<hbm>>
      %dma_start3A_103 = tpu.memref_squeeze %dma_start3A_102 : memref<1x20x8x128xf32, #tpu.memory_space<hbm>> -> memref<20x8x128xf32, #tpu.memory_space<hbm>>
      tpu.enqueue_dma source(%dma_start3A_103 : memref<20x8x128xf32, #tpu.memory_space<hbm>>) target(%dma_start3A_99 : memref<20x8x128xf32, #tpu.memory_space<vmem>>) target_semaphore(%run_scoped3A_86 : memref<!tpu.dma_semaphore, #tpu.memory_space<semaphore_mem>>)
      %dma_wait3A_104 = arith.constant 0 : i32
      %dma_wait3A_105 = arith.constant 0 : i32
      %dma_wait3A_106 = arith.constant 0 : i32
      %dma_wait3A_107 = tpu.memref_slice %arg6[%run_scoped3A_56, %dma_wait3A_104, %dma_wait3A_105, %dma_wait3A_106] : memref<2x20x8x128xf32, #tpu.memory_space<vmem>> -> memref<1x20x8x128xf32, #tpu.memory_space<vmem>>
      %dma_wait3A_108 = tpu.memref_squeeze %dma_wait3A_107 : memref<1x20x8x128xf32, #tpu.memory_space<vmem>> -> memref<20x8x128xf32, #tpu.memory_space<vmem>>
      %dma_wait3A_109 = arith.constant 0 : i32
      %dma_wait3A_110 = arith.constant 0 : i32
      %dma_wait3A_111 = tpu.memref_slice %arg2[%run_scoped3A_55, %add3A_54, %dma_wait3A_109, %dma_wait3A_110] : memref<2x1280x8x128xf32, #tpu.memory_space<hbm>> -> memref<1x20x8x128xf32, #tpu.memory_space<hbm>>
      %dma_wait3A_112 = tpu.memref_squeeze %dma_wait3A_111 : memref<1x20x8x128xf32, #tpu.memory_space<hbm>> -> memref<20x8x128xf32, #tpu.memory_space<hbm>>
      %dma_wait3A_113 = arith.constant 0 : i32
      %dma_wait3A_114 = arith.constant 0 : i32
      %dma_wait3A_115 = arith.constant 0 : i32
      %dma_wait3A_116 = tpu.memref_slice %arg6[%run_scoped3A_56, %dma_wait3A_113, %dma_wait3A_114, %dma_wait3A_115] : memref<2x20x8x128xf32, #tpu.memory_space<vmem>> -> memref<1x20x8x128xf32, #tpu.memory_space<vmem>>
      %dma_wait3A_117 = tpu.memref_squeeze %dma_wait3A_116 : memref<1x20x8x128xf32, #tpu.memory_space<vmem>> -> memref<20x8x128xf32, #tpu.memory_space<vmem>>
      %dma_wait3A_118 = arith.constant 0 : i32
      %dma_wait3A_119 = arith.constant 0 : i32
      %dma_wait3A_120 = tpu.memref_slice %arg2[%run_scoped3A_55, %add3A_54, %dma_wait3A_118, %dma_wait3A_119] : memref<2x1280x8x128xf32, #tpu.memory_space<hbm>> -> memref<1x20x8x128xf32, #tpu.memory_space<hbm>>
      %dma_wait3A_121 = tpu.memref_squeeze %dma_wait3A_120 : memref<1x20x8x128xf32, #tpu.memory_space<hbm>> -> memref<20x8x128xf32, #tpu.memory_space<hbm>>
      tpu.wait_dma2 semaphore(%run_scoped3A_86 : memref<!tpu.dma_semaphore, #tpu.memory_space<semaphore_mem>>) src(%dma_wait3A_121 : memref<20x8x128xf32, #tpu.memory_space<hbm>>) dst(%dma_wait3A_117 : memref<20x8x128xf32, #tpu.memory_space<vmem>>)
      tpu.yield
    }) : () -> ()
    %scan3A_57 = arith.constant 0 : i32
    %scan3A_58 = arith.constant 0 : i32
    %scan3A_59 = arith.constant 160 : i32
    %scan3A_60 = arith.addi %scan3A_58, %scan3A_59 : i32
    %scan3A_61 = arith.constant 1 : i32
    scf.for %scan3A_86 = %scan3A_58 to %scan3A_60 step %scan3A_61  : i32 {
      %mul3A_87 = arith.constant 16 : i32
      %mul3A_88 = arith.muli %scan3A_86, %mul3A_87 : i32
      %jit3A = arith.constant 8 : i32
      %div3A = arith.divsi %scan3A_86, %jit3A : i32
      %sign3A = arith.constant 0 : i32
      %sign3A_89 = arith.cmpi sgt, %scan3A_86, %sign3A : i32
      %sign3A_90 = arith.extui %sign3A_89 : i1 to i32
      %sign3A_91 = arith.constant 0 : i32
      %sign3A_92 = arith.cmpi slt, %scan3A_86, %sign3A_91 : i32
      %sign3A_93 = arith.extui %sign3A_92 : i1 to i32
      %sign3A_94 = arith.subi %sign3A_90, %sign3A_93 : i32
      %sign3A_95 = arith.constant 0 : i32
      %sign3A_96 = arith.cmpi sgt, %jit3A, %sign3A_95 : i32
      %sign3A_97 = arith.extui %sign3A_96 : i1 to i32
      %sign3A_98 = arith.constant 0 : i32
      %sign3A_99 = arith.cmpi slt, %jit3A, %sign3A_98 : i32
      %sign3A_100 = arith.extui %sign3A_99 : i1 to i32
      %sign3A_101 = arith.subi %sign3A_97, %sign3A_100 : i32
      %ne3A = arith.cmpi ne, %sign3A_94, %sign3A_101 : i32
      %rem3A = arith.remsi %scan3A_86, %jit3A : i32
      %ne3A_102 = arith.constant 0 : i32
      %ne3A_103 = arith.cmpi ne, %rem3A, %ne3A_102 : i32
      %and3A = arith.andi %ne3A, %ne3A_103 : i1
      %sub3A = arith.constant 1 : i32
      %sub3A_104 = arith.subi %div3A, %sub3A : i32
      %select_n3A = arith.select %and3A, %sub3A_104, %div3A : i32
      %jit3A_105 = arith.constant 8 : i32
      %eq3A = arith.constant 0 : i32
      %eq3A_106 = arith.cmpi eq, %jit3A_105, %eq3A : i32
      %jit3A_107 = arith.constant 1 : i32
      %select_n3A_108 = arith.select %eq3A_106, %jit3A_107, %jit3A_105 : i32
      %rem3A_109 = arith.remsi %scan3A_86, %select_n3A_108 : i32
      %ne3A_110 = arith.constant 0 : i32
      %ne3A_111 = arith.cmpi ne, %rem3A_109, %ne3A_110 : i32
      %lt3A = arith.constant 0 : i32
      %lt3A_112 = arith.cmpi slt, %rem3A_109, %lt3A : i32
      %lt3A_113 = arith.constant 0 : i32
      %lt3A_114 = arith.cmpi slt, %select_n3A_108, %lt3A_113 : i32
      %ne3A_115 = arith.xori %lt3A_112, %lt3A_114 : i1
      %and3A_116 = arith.andi %ne3A_115, %ne3A_111 : i1
      %add3A_117 = arith.addi %rem3A_109, %select_n3A_108 : i32
      %select_n3A_118 = arith.select %and3A_116, %add3A_117, %rem3A_109 : i32
      %mul3A_119 = arith.constant 16 : i32
      %mul3A_120 = arith.muli %select_n3A_118, %mul3A_119 : i32
      %get3A = arith.constant 0 : i32
      %get3A_121 = arith.constant 0 : i32
      %get3A_122 = arith.index_cast %get3A : i32 to index
      %get3A_123 = arith.index_cast %select_n3A : i32 to index
      %get3A_124 = arith.index_cast %get3A_121 : i32 to index
      %get3A_125 = arith.index_cast %mul3A_120 : i32 to index
      %get3A_126 = tpu.vector_load %arg6[%get3A_122, %get3A_123, %get3A_124, %get3A_125] {strides = array<i32>} : memref<2x20x8x128xf32, #tpu.memory_space<vmem>>, vector<16xf32>,
      %add3A_127 = vector.broadcast %mul3A_88 : i32 to vector<16xi32>
      %add3A_128 = arith.addi %iota3A, %add3A_127 : vector<16xi32>
      %broadcast_in_dim3A = arith.constant 0 : i32
      %broadcast_in_dim3A_129 = vector.broadcast %broadcast_in_dim3A : i32 to vector<16xi32>
      tpu.vector_store_idx %arg7[%add3A_128, %broadcast_in_dim3A_129], %get3A_126 : memref<2560x16xf32, #tpu.memory_space<vmem>>[vector<16xi32>, vector<16xi32>], vector<16xf32>,
      %get3A_130 = arith.constant 0 : i32
      %get3A_131 = arith.constant 1 : i32
      %get3A_132 = arith.index_cast %get3A_130 : i32 to index
      %get3A_133 = arith.index_cast %select_n3A : i32 to index
      %get3A_134 = arith.index_cast %get3A_131 : i32 to index
      %get3A_135 = arith.index_cast %mul3A_120 : i32 to index
      %get3A_136 = tpu.vector_load %arg6[%get3A_132, %get3A_133, %get3A_134, %get3A_135] {strides = array<i32>} : memref<2x20x8x128xf32, #tpu.memory_space<vmem>>, vector<16xf32>,
      %add3A_137 = vector.broadcast %mul3A_88 : i32 to vector<16xi32>
      %add3A_138 = arith.addi %iota3A, %add3A_137 : vector<16xi32>
      %broadcast_in_dim3A_139 = arith.constant 1 : i32
      %broadcast_in_dim3A_140 = vector.broadcast %broadcast_in_dim3A_139 : i32 to vector<16xi32>
      tpu.vector_store_idx %arg7[%add3A_138, %broadcast_in_dim3A_140], %get3A_136 : memref<2560x16xf32, #tpu.memory_space<vmem>>[vector<16xi32>, vector<16xi32>], vector<16xf32>,
      %get3A_141 = arith.constant 0 : i32
      %get3A_142 = arith.constant 2 : i32
      %get3A_143 = arith.index_cast %get3A_141 : i32 to index
      %get3A_144 = arith.index_cast %select_n3A : i32 to index
      %get3A_145 = arith.index_cast %get3A_142 : i32 to index
      %get3A_146 = arith.index_cast %mul3A_120 : i32 to index
      %get3A_147 = tpu.vector_load %arg6[%get3A_143, %get3A_144, %get3A_145, %get3A_146] {strides = array<i32>} : memref<2x20x8x128xf32, #tpu.memory_space<vmem>>, vector<16xf32>,
      %add3A_148 = vector.broadcast %mul3A_88 : i32 to vector<16xi32>
      %add3A_149 = arith.addi %iota3A, %add3A_148 : vector<16xi32>
      %broadcast_in_dim3A_150 = arith.constant 2 : i32
      %broadcast_in_dim3A_151 = vector.broadcast %broadcast_in_dim3A_150 : i32 to vector<16xi32>
      tpu.vector_store_idx %arg7[%add3A_149, %broadcast_in_dim3A_151], %get3A_147 : memref<2560x16xf32, #tpu.memory_space<vmem>>[vector<16xi32>, vector<16xi32>], vector<16xf32>,
      %get3A_152 = arith.constant 0 : i32
      %get3A_153 = arith.constant 3 : i32
      %get3A_154 = arith.index_cast %get3A_152 : i32 to index
      %get3A_155 = arith.index_cast %select_n3A : i32 to index
      %get3A_156 = arith.index_cast %get3A_153 : i32 to index
      %get3A_157 = arith.index_cast %mul3A_120 : i32 to index
      %get3A_158 = tpu.vector_load %arg6[%get3A_154, %get3A_155, %get3A_156, %get3A_157] {strides = array<i32>} : memref<2x20x8x128xf32, #tpu.memory_space<vmem>>, vector<16xf32>,
      %add3A_159 = vector.broadcast %mul3A_88 : i32 to vector<16xi32>
      %add3A_160 = arith.addi %iota3A, %add3A_159 : vector<16xi32>
      %broadcast_in_dim3A_161 = arith.constant 3 : i32
      %broadcast_in_dim3A_162 = vector.broadcast %broadcast_in_dim3A_161 : i32 to vector<16xi32>
      tpu.vector_store_idx %arg7[%add3A_160, %broadcast_in_dim3A_162], %get3A_158 : memref<2560x16xf32, #tpu.memory_space<vmem>>[vector<16xi32>, vector<16xi32>], vector<16xf32>,
      %get3A_163 = arith.constant 0 : i32
      %get3A_164 = arith.constant 4 : i32
      %get3A_165 = arith.index_cast %get3A_163 : i32 to index
      %get3A_166 = arith.index_cast %select_n3A : i32 to index
      %get3A_167 = arith.index_cast %get3A_164 : i32 to index
      %get3A_168 = arith.index_cast %mul3A_120 : i32 to index
      %get3A_169 = tpu.vector_load %arg6[%get3A_165, %get3A_166, %get3A_167, %get3A_168] {strides = array<i32>} : memref<2x20x8x128xf32, #tpu.memory_space<vmem>>, vector<16xf32>,
      %add3A_170 = vector.broadcast %mul3A_88 : i32 to vector<16xi32>
      %add3A_171 = arith.addi %iota3A, %add3A_170 : vector<16xi32>
      %broadcast_in_dim3A_172 = arith.constant 4 : i32
      %broadcast_in_dim3A_173 = vector.broadcast %broadcast_in_dim3A_172 : i32 to vector<16xi32>
      tpu.vector_store_idx %arg7[%add3A_171, %broadcast_in_dim3A_173], %get3A_169 : memref<2560x16xf32, #tpu.memory_space<vmem>>[vector<16xi32>, vector<16xi32>], vector<16xf32>,
      %get3A_174 = arith.constant 0 : i32
      %get3A_175 = arith.constant 5 : i32
      %get3A_176 = arith.index_cast %get3A_174 : i32 to index
      %get3A_177 = arith.index_cast %select_n3A : i32 to index
      %get3A_178 = arith.index_cast %get3A_175 : i32 to index
      %get3A_179 = arith.index_cast %mul3A_120 : i32 to index
      %get3A_180 = tpu.vector_load %arg6[%get3A_176, %get3A_177, %get3A_178, %get3A_179] {strides = array<i32>} : memref<2x20x8x128xf32, #tpu.memory_space<vmem>>, vector<16xf32>,
      %add3A_181 = vector.broadcast %mul3A_88 : i32 to vector<16xi32>
      %add3A_182 = arith.addi %iota3A, %add3A_181 : vector<16xi32>
      %broadcast_in_dim3A_183 = arith.constant 5 : i32
      %broadcast_in_dim3A_184 = vector.broadcast %broadcast_in_dim3A_183 : i32 to vector<16xi32>
      tpu.vector_store_idx %arg7[%add3A_182, %broadcast_in_dim3A_184], %get3A_180 : memref<2560x16xf32, #tpu.memory_space<vmem>>[vector<16xi32>, vector<16xi32>], vector<16xf32>,
      %get3A_185 = arith.constant 0 : i32
      %get3A_186 = arith.constant 6 : i32
      %get3A_187 = arith.index_cast %get3A_185 : i32 to index
      %get3A_188 = arith.index_cast %select_n3A : i32 to index
      %get3A_189 = arith.index_cast %get3A_186 : i32 to index
      %get3A_190 = arith.index_cast %mul3A_120 : i32 to index
      %get3A_191 = tpu.vector_load %arg6[%get3A_187, %get3A_188, %get3A_189, %get3A_190] {strides = array<i32>} : memref<2x20x8x128xf32, #tpu.memory_space<vmem>>, vector<16xf32>,
      %add3A_192 = vector.broadcast %mul3A_88 : i32 to vector<16xi32>
      %add3A_193 = arith.addi %iota3A, %add3A_192 : vector<16xi32>
      %broadcast_in_dim3A_194 = arith.constant 6 : i32
      %broadcast_in_dim3A_195 = vector.broadcast %broadcast_in_dim3A_194 : i32 to vector<16xi32>
      tpu.vector_store_idx %arg7[%add3A_193, %broadcast_in_dim3A_195], %get3A_191 : memref<2560x16xf32, #tpu.memory_space<vmem>>[vector<16xi32>, vector<16xi32>], vector<16xf32>,
      %get3A_196 = arith.constant 0 : i32
      %get3A_197 = arith.constant 7 : i32
      %get3A_198 = arith.index_cast %get3A_196 : i32 to index
      %get3A_199 = arith.index_cast %select_n3A : i32 to index
      %get3A_200 = arith.index_cast %get3A_197 : i32 to index
      %get3A_201 = arith.index_cast %mul3A_120 : i32 to index
      %get3A_202 = tpu.vector_load %arg6[%get3A_198, %get3A_199, %get3A_200, %get3A_201] {strides = array<i32>} : memref<2x20x8x128xf32, #tpu.memory_space<vmem>>, vector<16xf32>,
      %add3A_203 = vector.broadcast %mul3A_88 : i32 to vector<16xi32>
      %add3A_204 = arith.addi %iota3A, %add3A_203 : vector<16xi32>
      %broadcast_in_dim3A_205 = arith.constant 7 : i32
      %broadcast_in_dim3A_206 = vector.broadcast %broadcast_in_dim3A_205 : i32 to vector<16xi32>
      tpu.vector_store_idx %arg7[%add3A_204, %broadcast_in_dim3A_206], %get3A_202 : memref<2560x16xf32, #tpu.memory_space<vmem>>[vector<16xi32>, vector<16xi32>], vector<16xf32>,
      %get3A_207 = arith.constant 1 : i32
      %get3A_208 = arith.constant 0 : i32
      %get3A_209 = arith.index_cast %get3A_207 : i32 to index
      %get3A_210 = arith.index_cast %select_n3A : i32 to index
      %get3A_211 = arith.index_cast %get3A_208 : i32 to index
      %get3A_212 = arith.index_cast %mul3A_120 : i32 to index
      %get3A_213 = tpu.vector_load %arg6[%get3A_209, %get3A_210, %get3A_211, %get3A_212] {strides = array<i32>} : memref<2x20x8x128xf32, #tpu.memory_space<vmem>>, vector<16xf32>,
      %add3A_214 = vector.broadcast %mul3A_88 : i32 to vector<16xi32>
      %add3A_215 = arith.addi %iota3A, %add3A_214 : vector<16xi32>
      %broadcast_in_dim3A_216 = arith.constant 8 : i32
      %broadcast_in_dim3A_217 = vector.broadcast %broadcast_in_dim3A_216 : i32 to vector<16xi32>
      tpu.vector_store_idx %arg7[%add3A_215, %broadcast_in_dim3A_217], %get3A_213 : memref<2560x16xf32, #tpu.memory_space<vmem>>[vector<16xi32>, vector<16xi32>], vector<16xf32>,
      %get3A_218 = arith.constant 1 : i32
      %get3A_219 = arith.constant 1 : i32
      %get3A_220 = arith.index_cast %get3A_218 : i32 to index
      %get3A_221 = arith.index_cast %select_n3A : i32 to index
      %get3A_222 = arith.index_cast %get3A_219 : i32 to index
      %get3A_223 = arith.index_cast %mul3A_120 : i32 to index
      %get3A_224 = tpu.vector_load %arg6[%get3A_220, %get3A_221, %get3A_222, %get3A_223] {strides = array<i32>} : memref<2x20x8x128xf32, #tpu.memory_space<vmem>>, vector<16xf32>,
      %add3A_225 = vector.broadcast %mul3A_88 : i32 to vector<16xi32>
      %add3A_226 = arith.addi %iota3A, %add3A_225 : vector<16xi32>
      %broadcast_in_dim3A_227 = arith.constant 9 : i32
      %broadcast_in_dim3A_228 = vector.broadcast %broadcast_in_dim3A_227 : i32 to vector<16xi32>
      tpu.vector_store_idx %arg7[%add3A_226, %broadcast_in_dim3A_228], %get3A_224 : memref<2560x16xf32, #tpu.memory_space<vmem>>[vector<16xi32>, vector<16xi32>], vector<16xf32>,
      %get3A_229 = arith.constant 1 : i32
      %get3A_230 = arith.constant 2 : i32
      %get3A_231 = arith.index_cast %get3A_229 : i32 to index
      %get3A_232 = arith.index_cast %select_n3A : i32 to index
      %get3A_233 = arith.index_cast %get3A_230 : i32 to index
      %get3A_234 = arith.index_cast %mul3A_120 : i32 to index
      %get3A_235 = tpu.vector_load %arg6[%get3A_231, %get3A_232, %get3A_233, %get3A_234] {strides = array<i32>} : memref<2x20x8x128xf32, #tpu.memory_space<vmem>>, vector<16xf32>,
      %add3A_236 = vector.broadcast %mul3A_88 : i32 to vector<16xi32>
      %add3A_237 = arith.addi %iota3A, %add3A_236 : vector<16xi32>
      %broadcast_in_dim3A_238 = arith.constant 10 : i32
      %broadcast_in_dim3A_239 = vector.broadcast %broadcast_in_dim3A_238 : i32 to vector<16xi32>
      tpu.vector_store_idx %arg7[%add3A_237, %broadcast_in_dim3A_239], %get3A_235 : memref<2560x16xf32, #tpu.memory_space<vmem>>[vector<16xi32>, vector<16xi32>], vector<16xf32>,
      %get3A_240 = arith.constant 1 : i32
      %get3A_241 = arith.constant 3 : i32
      %get3A_242 = arith.index_cast %get3A_240 : i32 to index
      %get3A_243 = arith.index_cast %select_n3A : i32 to index
      %get3A_244 = arith.index_cast %get3A_241 : i32 to index
      %get3A_245 = arith.index_cast %mul3A_120 : i32 to index
      %get3A_246 = tpu.vector_load %arg6[%get3A_242, %get3A_243, %get3A_244, %get3A_245] {strides = array<i32>} : memref<2x20x8x128xf32, #tpu.memory_space<vmem>>, vector<16xf32>,
      %add3A_247 = vector.broadcast %mul3A_88 : i32 to vector<16xi32>
      %add3A_248 = arith.addi %iota3A, %add3A_247 : vector<16xi32>
      %broadcast_in_dim3A_249 = arith.constant 11 : i32
      %broadcast_in_dim3A_250 = vector.broadcast %broadcast_in_dim3A_249 : i32 to vector<16xi32>
      tpu.vector_store_idx %arg7[%add3A_248, %broadcast_in_dim3A_250], %get3A_246 : memref<2560x16xf32, #tpu.memory_space<vmem>>[vector<16xi32>, vector<16xi32>], vector<16xf32>,
      %get3A_251 = arith.constant 1 : i32
      %get3A_252 = arith.constant 4 : i32
      %get3A_253 = arith.index_cast %get3A_251 : i32 to index
      %get3A_254 = arith.index_cast %select_n3A : i32 to index
      %get3A_255 = arith.index_cast %get3A_252 : i32 to index
      %get3A_256 = arith.index_cast %mul3A_120 : i32 to index
      %get3A_257 = tpu.vector_load %arg6[%get3A_253, %get3A_254, %get3A_255, %get3A_256] {strides = array<i32>} : memref<2x20x8x128xf32, #tpu.memory_space<vmem>>, vector<16xf32>,
      %add3A_258 = vector.broadcast %mul3A_88 : i32 to vector<16xi32>
      %add3A_259 = arith.addi %iota3A, %add3A_258 : vector<16xi32>
      %broadcast_in_dim3A_260 = arith.constant 12 : i32
      %broadcast_in_dim3A_261 = vector.broadcast %broadcast_in_dim3A_260 : i32 to vector<16xi32>
      tpu.vector_store_idx %arg7[%add3A_259, %broadcast_in_dim3A_261], %get3A_257 : memref<2560x16xf32, #tpu.memory_space<vmem>>[vector<16xi32>, vector<16xi32>], vector<16xf32>,
      %get3A_262 = arith.constant 1 : i32
      %get3A_263 = arith.constant 5 : i32
      %get3A_264 = arith.index_cast %get3A_262 : i32 to index
      %get3A_265 = arith.index_cast %select_n3A : i32 to index
      %get3A_266 = arith.index_cast %get3A_263 : i32 to index
      %get3A_267 = arith.index_cast %mul3A_120 : i32 to index
      %get3A_268 = tpu.vector_load %arg6[%get3A_264, %get3A_265, %get3A_266, %get3A_267] {strides = array<i32>} : memref<2x20x8x128xf32, #tpu.memory_space<vmem>>, vector<16xf32>,
      %add3A_269 = vector.broadcast %mul3A_88 : i32 to vector<16xi32>
      %add3A_270 = arith.addi %iota3A, %add3A_269 : vector<16xi32>
      %broadcast_in_dim3A_271 = arith.constant 13 : i32
      %broadcast_in_dim3A_272 = vector.broadcast %broadcast_in_dim3A_271 : i32 to vector<16xi32>
      tpu.vector_store_idx %arg7[%add3A_270, %broadcast_in_dim3A_272], %get3A_268 : memref<2560x16xf32, #tpu.memory_space<vmem>>[vector<16xi32>, vector<16xi32>], vector<16xf32>,
      %get3A_273 = arith.constant 1 : i32
      %get3A_274 = arith.constant 6 : i32
      %get3A_275 = arith.index_cast %get3A_273 : i32 to index
      %get3A_276 = arith.index_cast %select_n3A : i32 to index
      %get3A_277 = arith.index_cast %get3A_274 : i32 to index
      %get3A_278 = arith.index_cast %mul3A_120 : i32 to index
      %get3A_279 = tpu.vector_load %arg6[%get3A_275, %get3A_276, %get3A_277, %get3A_278] {strides = array<i32>} : memref<2x20x8x128xf32, #tpu.memory_space<vmem>>, vector<16xf32>,
      %add3A_280 = vector.broadcast %mul3A_88 : i32 to vector<16xi32>
      %add3A_281 = arith.addi %iota3A, %add3A_280 : vector<16xi32>
      %broadcast_in_dim3A_282 = arith.constant 14 : i32
      %broadcast_in_dim3A_283 = vector.broadcast %broadcast_in_dim3A_282 : i32 to vector<16xi32>
      tpu.vector_store_idx %arg7[%add3A_281, %broadcast_in_dim3A_283], %get3A_279 : memref<2560x16xf32, #tpu.memory_space<vmem>>[vector<16xi32>, vector<16xi32>], vector<16xf32>,
      %get3A_284 = arith.constant 1 : i32
      %get3A_285 = arith.constant 7 : i32
      %get3A_286 = arith.index_cast %get3A_284 : i32 to index
      %get3A_287 = arith.index_cast %select_n3A : i32 to index
      %get3A_288 = arith.index_cast %get3A_285 : i32 to index
      %get3A_289 = arith.index_cast %mul3A_120 : i32 to index
      %get3A_290 = tpu.vector_load %arg6[%get3A_286, %get3A_287, %get3A_288, %get3A_289] {strides = array<i32>} : memref<2x20x8x128xf32, #tpu.memory_space<vmem>>, vector<16xf32>,
      %add3A_291 = vector.broadcast %mul3A_88 : i32 to vector<16xi32>
      %add3A_292 = arith.addi %iota3A, %add3A_291 : vector<16xi32>
      %broadcast_in_dim3A_293 = arith.constant 15 : i32
      %broadcast_in_dim3A_294 = vector.broadcast %broadcast_in_dim3A_293 : i32 to vector<16xi32>
      tpu.vector_store_idx %arg7[%add3A_292, %broadcast_in_dim3A_294], %get3A_290 : memref<2560x16xf32, #tpu.memory_space<vmem>>[vector<16xi32>, vector<16xi32>], vector<16xf32>,
    }
    %scan3A_62 = arith.constant 160 : i32
    %scan3A_63 = arith.constant 0 : i32
    %scan3A_64 = arith.constant 0 : i32
    %scan3A_65 = arith.constant 20 : i32
    %scan3A_66 = arith.addi %scan3A_64, %scan3A_65 : i32
    %scan3A_67 = arith.constant 1 : i32
    scf.for %scan3A_86 = %scan3A_64 to %scan3A_66 step %scan3A_67  : i32 {
      %add3A_87 = arith.constant 20 : i32
      %add3A_88 = arith.addi %mul3A_2, %add3A_87 : i32
      %add3A_89 = arith.addi %add3A_88, %scan3A_86 : i32
      %min3A_90 = arith.constant 1249 : i32
      %min3A_91 = arith.minsi %add3A_89, %min3A_90 : i32
      %sub3A = arith.subi %min3A_91, %min3A_3 : i32
      %mul3A_92 = arith.constant 128 : i32
      %mul3A_93 = arith.muli %scan3A_86, %mul3A_92 : i32
      %dma_start3A = arith.constant 0 : i32
      %dma_start3A_94 = tpu.memref_slice %arg7[%mul3A_93, %dma_start3A] : memref<2560x16xf32, #tpu.memory_space<vmem>> -> memref<128x16xf32, #tpu.memory_space<vmem>>
      %dma_start3A_95 = arith.constant 0 : i32
      %dma_start3A_96 = tpu.memref_slice %arg5[%sub3A, %dma_start3A_95] : memref<40x128xi32, #tpu.memory_space<vmem>> -> memref<1x128xi32, #tpu.memory_space<vmem>>
      %dma_start3A_97 = tpu.memref_squeeze %dma_start3A_96 : memref<1x128xi32, #tpu.memory_space<vmem>> -> memref<128xi32, #tpu.memory_space<vmem>>
      %dma_start3A_98 = arith.constant 0 : i32
      %dma_start3A_99 = arith.constant 0 : i32
      %dma_start3A_100 = tpu.memref_slice %arg9[%dma_start3A_98, %dma_start3A_99] : memref<10000x16xf32, #tpu.memory_space<vmem_shared>> -> memref<10000x16xf32, #tpu.memory_space<vmem_shared>>
      tpu.enqueue_indirect_dma source(%dma_start3A_94 : memref<128x16xf32, #tpu.memory_space<vmem>>) target(%dma_start3A_100 : memref<10000x16xf32, #tpu.memory_space<vmem_shared>>) offsets(%dma_start3A_97 : memref<128xi32, #tpu.memory_space<vmem>>) semaphore(%arg10 : memref<!tpu.dma_semaphore, #tpu.memory_space<semaphore_mem>>) {add = true}
      %ge3A = arith.constant 1 : i32
      %ge3A_101 = arith.cmpi sge, %scan3A_86, %ge3A : i32
      %convert_element_type3A = arith.extui %ge3A_101 : i1 to i32
      %cond3A = arith.constant 0 : i32
      %cond3A_102 = arith.cmpi ne, %convert_element_type3A, %cond3A : i32
      scf.if %cond3A_102 {
        %dma_wait3A_103 = arith.constant 0 : i32
        %dma_wait3A_104 = arith.constant 0 : i32
        %dma_wait3A_105 = tpu.memref_slice %arg7[%dma_wait3A_103, %dma_wait3A_104] : memref<2560x16xf32, #tpu.memory_space<vmem>> -> memref<128x16xf32, #tpu.memory_space<vmem>>
        %dma_wait3A_106 = arith.constant 0 : i32
        %dma_wait3A_107 = arith.constant 0 : i32
        %dma_wait3A_108 = tpu.memref_slice %arg9[%dma_wait3A_106, %dma_wait3A_107] : memref<10000x16xf32, #tpu.memory_space<vmem_shared>> -> memref<128x16xf32, #tpu.memory_space<vmem_shared>>
        %dma_wait3A_109 = arith.constant 0 : i32
        %dma_wait3A_110 = arith.constant 0 : i32
        %dma_wait3A_111 = tpu.memref_slice %arg9[%dma_wait3A_109, %dma_wait3A_110] : memref<10000x16xf32, #tpu.memory_space<vmem_shared>> -> memref<128x16xf32, #tpu.memory_space<vmem_shared>>
        %dma_wait3A_112 = arith.constant 0 : i32
        %dma_wait3A_113 = arith.constant 0 : i32
        %dma_wait3A_114 = tpu.memref_slice %arg7[%dma_wait3A_112, %dma_wait3A_113] : memref<2560x16xf32, #tpu.memory_space<vmem>> -> memref<128x16xf32, #tpu.memory_space<vmem>>
        tpu.wait_dma2 semaphore(%arg10 : memref<!tpu.dma_semaphore, #tpu.memory_space<semaphore_mem>>) src(%dma_wait3A_114 : memref<128x16xf32, #tpu.memory_space<vmem>>) dst(%dma_wait3A_111 : memref<128x16xf32, #tpu.memory_space<vmem_shared>>)
      } else {
      }
    }
    %scan3A_68 = arith.constant 20 : i32
    %dma_wait3A_69 = arith.constant 0 : i32
    %dma_wait3A_70 = arith.constant 0 : i32
    %dma_wait3A_71 = tpu.memref_slice %arg7[%dma_wait3A_69, %dma_wait3A_70] : memref<2560x16xf32, #tpu.memory_space<vmem>> -> memref<128x16xf32, #tpu.memory_space<vmem>>
    %dma_wait3A_72 = arith.constant 0 : i32
    %dma_wait3A_73 = arith.constant 0 : i32
    %dma_wait3A_74 = tpu.memref_slice %arg9[%dma_wait3A_72, %dma_wait3A_73] : memref<10000x16xf32, #tpu.memory_space<vmem_shared>> -> memref<128x16xf32, #tpu.memory_space<vmem_shared>>
    %dma_wait3A_75 = arith.constant 0 : i32
    %dma_wait3A_76 = arith.constant 0 : i32
    %dma_wait3A_77 = tpu.memref_slice %arg9[%dma_wait3A_75, %dma_wait3A_76] : memref<10000x16xf32, #tpu.memory_space<vmem_shared>> -> memref<128x16xf32, #tpu.memory_space<vmem_shared>>
    %dma_wait3A_78 = arith.constant 0 : i32
    %dma_wait3A_79 = arith.constant 0 : i32
    %dma_wait3A_80 = tpu.memref_slice %arg7[%dma_wait3A_78, %dma_wait3A_79] : memref<2560x16xf32, #tpu.memory_space<vmem>> -> memref<128x16xf32, #tpu.memory_space<vmem>>
    tpu.wait_dma2 semaphore(%arg10 : memref<!tpu.dma_semaphore, #tpu.memory_space<semaphore_mem>>) src(%dma_wait3A_80 : memref<128x16xf32, #tpu.memory_space<vmem>>) dst(%dma_wait3A_77 : memref<128x16xf32, #tpu.memory_space<vmem_shared>>)
    %barrier3A_81 = arith.constant 0 : index
    tpu.barrier barrier_id(%barrier3A_81)
    %mul3A_82 = arith.constant 625 : i32
    %mul3A_83 = arith.muli %arg1, %mul3A_82 : i32
    %mul3A_84 = arith.constant 625 : i32
    %mul3A_85 = arith.muli %arg1, %mul3A_84 : i32
    "tpu.region"() ({
      %run_scoped3A_86 = tpu.sem_alloc : memref<!tpu.dma_semaphore, #tpu.memory_space<semaphore_mem>>
      %dma_start3A = arith.constant 0 : i32
      %dma_start3A_87 = tpu.memref_slice %arg4[%arg0, %mul3A_85, %dma_start3A] : memref<2x10000x16xf32, #tpu.memory_space<hbm>> -> memref<1x625x16xf32, #tpu.memory_space<hbm>>
      %dma_start3A_88 = tpu.memref_squeeze %dma_start3A_87 : memref<1x625x16xf32, #tpu.memory_space<hbm>> -> memref<625x16xf32, #tpu.memory_space<hbm>>
      %dma_start3A_89 = arith.constant 0 : i32
      %dma_start3A_90 = tpu.memref_slice %arg9[%mul3A_83, %dma_start3A_89] : memref<10000x16xf32, #tpu.memory_space<vmem_shared>> -> memref<625x16xf32, #tpu.memory_space<vmem_shared>>
      tpu.enqueue_dma source(%dma_start3A_90 : memref<625x16xf32, #tpu.memory_space<vmem_shared>>) target(%dma_start3A_88 : memref<625x16xf32, #tpu.memory_space<hbm>>) target_semaphore(%run_scoped3A_86 : memref<!tpu.dma_semaphore, #tpu.memory_space<semaphore_mem>>)
      %dma_wait3A_91 = arith.constant 0 : i32
      %dma_wait3A_92 = tpu.memref_slice %arg4[%arg0, %mul3A_85, %dma_wait3A_91] : memref<2x10000x16xf32, #tpu.memory_space<hbm>> -> memref<1x625x16xf32, #tpu.memory_space<hbm>>
      %dma_wait3A_93 = tpu.memref_squeeze %dma_wait3A_92 : memref<1x625x16xf32, #tpu.memory_space<hbm>> -> memref<625x16xf32, #tpu.memory_space<hbm>>
      %dma_wait3A_94 = arith.constant 0 : i32
      %dma_wait3A_95 = tpu.memref_slice %arg9[%mul3A_83, %dma_wait3A_94] : memref<10000x16xf32, #tpu.memory_space<vmem_shared>> -> memref<625x16xf32, #tpu.memory_space<vmem_shared>>
      tpu.wait_dma2 semaphore(%run_scoped3A_86 : memref<!tpu.dma_semaphore, #tpu.memory_space<semaphore_mem>>) src(%dma_wait3A_95 : memref<625x16xf32, #tpu.memory_space<vmem_shared>>) dst(%dma_wait3A_93 : memref<625x16xf32, #tpu.memory_space<hbm>>)
      tpu.yield
    }) : () -> ()
    return
  }
}

module attributes {stable_mosaic.version = 14 : i64} {
  func.func @_edge_body(%arg0: i32, %arg1: memref<2x32x8x128xf32, #tpu.memory_space<vmem>>, %arg2: memref<4x4096xf32, #tpu.memory_space<vmem>>, %arg3: memref<8x4096xf32, #tpu.memory_space<vmem>>, %arg4: memref<64x128xf32, #tpu.memory_space<vmem>>, %arg5: memref<16x16xf32, #tpu.memory_space<vmem>>, %arg6: memref<2x32x8x128xf32, #tpu.memory_space<vmem>>) attributes {dimension_semantics = [#tpu.dimension_semantics<arbitrary>], iteration_bounds = array<i64: 40>, scalar_prefetch = 0 : i64, scratch_operands = 0 : i64, tpu.core_type = #tpu.core_type<tc>, window_params = [{transform_indices = @transform_0, window_bounds = array<i64: 2, 32, 8, 128>}, {transform_indices = @transform_1, window_bounds = array<i64: 4, 4096>}, {transform_indices = @transform_2, window_bounds = array<i64: 8, 4096>}, {pipeline_mode = #tpu.pipeline_mode<synchronous>, transform_indices = @transform_3, window_bounds = array<i64: 64, 128>}, {pipeline_mode = #tpu.pipeline_mode<synchronous>, transform_indices = @transform_4, window_bounds = array<i64: 16, 16>}, {transform_indices = @transform_5, window_bounds = array<i64: 2, 32, 8, 128>}]} {
    %get3A = arith.constant 0 : index
    %get3A_0 = arith.constant 0 : index
    %get3A_1 = arith.constant 0 : index
    %get3A_2 = arith.constant 0 : index
    %get3A_3 = vector.load %arg1[%get3A, %get3A_0, %get3A_1, %get3A_2] : memref<2x32x8x128xf32, #tpu.memory_space<vmem>>, vector<2x32x8x128xf32>
    %transpose3A = tpu.transpose %get3A_3, [0, 2, 1, 3] : vector<2x32x8x128xf32> -> vector<2x8x32x128xf32>
    %reshape3A = vector.shape_cast %transpose3A : vector<2x8x32x128xf32> to vector<16x4096xf32>
    %get3A_4 = arith.constant 0 : index
    %get3A_5 = arith.constant 0 : index
    %get3A_6 = vector.load %arg3[%get3A_4, %get3A_5] : memref<8x4096xf32, #tpu.memory_space<vmem>>, vector<8x4096xf32>
    %get3A_7 = arith.constant 0 : index
    %get3A_8 = arith.constant 0 : index
    %get3A_9 = vector.load %arg2[%get3A_7, %get3A_8] : memref<4x4096xf32, #tpu.memory_space<vmem>>, vector<4x4096xf32>
    %iota3A = tpu.iota {dimensions = array<i32: 0>} : vector<128x8xi32>
    %iota3A_10 = tpu.iota {dimensions = array<i32: 1>} : vector<128x8xi32>
    %jit3A = arith.constant 16 : i32
    %div3A = vector.broadcast %jit3A : i32 to vector<128x8xi32>
    %div3A_11 = arith.divsi %iota3A, %div3A : vector<128x8xi32>
    %sign3A = arith.constant 0 : i32
    %sign3A_12 = vector.broadcast %sign3A : i32 to vector<128x8xi32>
    %sign3A_13 = arith.cmpi sgt, %iota3A, %sign3A_12 : vector<128x8xi32>
    %sign3A_14 = arith.extui %sign3A_13 : vector<128x8xi1> to vector<128x8xi32>
    %sign3A_15 = arith.constant 0 : i32
    %sign3A_16 = vector.broadcast %sign3A_15 : i32 to vector<128x8xi32>
    %sign3A_17 = arith.cmpi slt, %iota3A, %sign3A_16 : vector<128x8xi32>
    %sign3A_18 = arith.extui %sign3A_17 : vector<128x8xi1> to vector<128x8xi32>
    %sign3A_19 = arith.subi %sign3A_14, %sign3A_18 : vector<128x8xi32>
    %sign3A_20 = arith.constant 0 : i32
    %sign3A_21 = arith.cmpi sgt, %jit3A, %sign3A_20 : i32
    %sign3A_22 = arith.extui %sign3A_21 : i1 to i32
    %sign3A_23 = arith.constant 0 : i32
    %sign3A_24 = arith.cmpi slt, %jit3A, %sign3A_23 : i32
    %sign3A_25 = arith.extui %sign3A_24 : i1 to i32
    %sign3A_26 = arith.subi %sign3A_22, %sign3A_25 : i32
    %ne3A = vector.broadcast %sign3A_26 : i32 to vector<128x8xi32>
    %ne3A_27 = arith.cmpi ne, %sign3A_19, %ne3A : vector<128x8xi32>
    %rem3A = vector.broadcast %jit3A : i32 to vector<128x8xi32>
    %rem3A_28 = arith.remsi %iota3A, %rem3A : vector<128x8xi32>
    %ne3A_29 = arith.constant 0 : i32
    %ne3A_30 = vector.broadcast %ne3A_29 : i32 to vector<128x8xi32>
    %ne3A_31 = arith.cmpi ne, %rem3A_28, %ne3A_30 : vector<128x8xi32>
    %and3A = arith.andi %ne3A_27, %ne3A_31 : vector<128x8xi1>
    %sub3A = arith.constant 1 : i32
    %sub3A_32 = vector.broadcast %sub3A : i32 to vector<128x8xi32>
    %sub3A_33 = arith.subi %div3A_11, %sub3A_32 : vector<128x8xi32>
    %select_n3A = arith.select %and3A, %sub3A_33, %div3A_11 : vector<128x8xi1>, vector<128x8xi32>
    %eq3A = arith.cmpi eq, %select_n3A, %iota3A_10 : vector<128x8xi32>
    %convert_element_type3A = arith.extui %eq3A : vector<128x8xi1> to vector<128x8xi32>
    %convert_element_type3A_34 = arith.sitofp %convert_element_type3A : vector<128x8xi32> to vector<128x8xf32>
    %iota3A_35 = tpu.iota {dimensions = array<i32: 0>} : vector<128x16xi32>
    %iota3A_36 = tpu.iota {dimensions = array<i32: 1>} : vector<128x16xi32>
    %jit3A_37 = arith.constant 16 : i32
    %eq3A_38 = arith.constant 0 : i32
    %eq3A_39 = arith.cmpi eq, %jit3A_37, %eq3A_38 : i32
    %jit3A_40 = arith.constant 1 : i32
    %select_n3A_41 = arith.select %eq3A_39, %jit3A_40, %jit3A_37 : i32
    %rem3A_42 = vector.broadcast %select_n3A_41 : i32 to vector<128x16xi32>
    %rem3A_43 = arith.remsi %iota3A_35, %rem3A_42 : vector<128x16xi32>
    %ne3A_44 = arith.constant 0 : i32
    %ne3A_45 = vector.broadcast %ne3A_44 : i32 to vector<128x16xi32>
    %ne3A_46 = arith.cmpi ne, %rem3A_43, %ne3A_45 : vector<128x16xi32>
    %lt3A = arith.constant 0 : i32
    %lt3A_47 = vector.broadcast %lt3A : i32 to vector<128x16xi32>
    %lt3A_48 = arith.cmpi slt, %rem3A_43, %lt3A_47 : vector<128x16xi32>
    %lt3A_49 = arith.constant 0 : i32
    %lt3A_50 = arith.cmpi slt, %select_n3A_41, %lt3A_49 : i32
    %ne3A_51 = vector.broadcast %lt3A_50 : i1 to vector<128x16xi1>
    %ne3A_52 = vector.broadcast %ne3A_51 : vector<128x16xi1> to vector<128x16xi1>
    %ne3A_53 = arith.xori %lt3A_48, %ne3A_52 : vector<128x16xi1>
    %and3A_54 = arith.andi %ne3A_53, %ne3A_46 : vector<128x16xi1>
    %add3A = vector.broadcast %select_n3A_41 : i32 to vector<128x16xi32>
    %add3A_55 = arith.addi %rem3A_43, %add3A : vector<128x16xi32>
    %select_n3A_56 = arith.select %and3A_54, %add3A_55, %rem3A_43 : vector<128x16xi1>, vector<128x16xi32>
    %eq3A_57 = arith.cmpi eq, %select_n3A_56, %iota3A_36 : vector<128x16xi32>
    %convert_element_type3A_58 = arith.extui %eq3A_57 : vector<128x16xi1> to vector<128x16xi32>
    %convert_element_type3A_59 = arith.sitofp %convert_element_type3A_58 : vector<128x16xi32> to vector<128x16xf32>
    %iota3A_60 = tpu.iota {dimensions = array<i32: 0>} : vector<64x4xi32>
    %iota3A_61 = tpu.iota {dimensions = array<i32: 1>} : vector<64x4xi32>
    %jit3A_62 = arith.constant 16 : i32
    %div3A_63 = vector.broadcast %jit3A_62 : i32 to vector<64x4xi32>
    %div3A_64 = arith.divsi %iota3A_60, %div3A_63 : vector<64x4xi32>
    %sign3A_65 = arith.constant 0 : i32
    %sign3A_66 = vector.broadcast %sign3A_65 : i32 to vector<64x4xi32>
    %sign3A_67 = arith.cmpi sgt, %iota3A_60, %sign3A_66 : vector<64x4xi32>
    %sign3A_68 = arith.extui %sign3A_67 : vector<64x4xi1> to vector<64x4xi32>
    %sign3A_69 = arith.constant 0 : i32
    %sign3A_70 = vector.broadcast %sign3A_69 : i32 to vector<64x4xi32>
    %sign3A_71 = arith.cmpi slt, %iota3A_60, %sign3A_70 : vector<64x4xi32>
    %sign3A_72 = arith.extui %sign3A_71 : vector<64x4xi1> to vector<64x4xi32>
    %sign3A_73 = arith.subi %sign3A_68, %sign3A_72 : vector<64x4xi32>
    %sign3A_74 = arith.constant 0 : i32
    %sign3A_75 = arith.cmpi sgt, %jit3A_62, %sign3A_74 : i32
    %sign3A_76 = arith.extui %sign3A_75 : i1 to i32
    %sign3A_77 = arith.constant 0 : i32
    %sign3A_78 = arith.cmpi slt, %jit3A_62, %sign3A_77 : i32
    %sign3A_79 = arith.extui %sign3A_78 : i1 to i32
    %sign3A_80 = arith.subi %sign3A_76, %sign3A_79 : i32
    %ne3A_81 = vector.broadcast %sign3A_80 : i32 to vector<64x4xi32>
    %ne3A_82 = arith.cmpi ne, %sign3A_73, %ne3A_81 : vector<64x4xi32>
    %rem3A_83 = vector.broadcast %jit3A_62 : i32 to vector<64x4xi32>
    %rem3A_84 = arith.remsi %iota3A_60, %rem3A_83 : vector<64x4xi32>
    %ne3A_85 = arith.constant 0 : i32
    %ne3A_86 = vector.broadcast %ne3A_85 : i32 to vector<64x4xi32>
    %ne3A_87 = arith.cmpi ne, %rem3A_84, %ne3A_86 : vector<64x4xi32>
    %and3A_88 = arith.andi %ne3A_82, %ne3A_87 : vector<64x4xi1>
    %sub3A_89 = arith.constant 1 : i32
    %sub3A_90 = vector.broadcast %sub3A_89 : i32 to vector<64x4xi32>
    %sub3A_91 = arith.subi %div3A_64, %sub3A_90 : vector<64x4xi32>
    %select_n3A_92 = arith.select %and3A_88, %sub3A_91, %div3A_64 : vector<64x4xi1>, vector<64x4xi32>
    %eq3A_93 = arith.cmpi eq, %select_n3A_92, %iota3A_61 : vector<64x4xi32>
    %convert_element_type3A_94 = arith.extui %eq3A_93 : vector<64x4xi1> to vector<64x4xi32>
    %convert_element_type3A_95 = arith.sitofp %convert_element_type3A_94 : vector<64x4xi32> to vector<64x4xf32>
    %iota3A_96 = tpu.iota {dimensions = array<i32: 0>} : vector<16x64xi32>
    %iota3A_97 = tpu.iota {dimensions = array<i32: 1>} : vector<16x64xi32>
    %jit3A_98 = arith.constant 16 : i32
    %eq3A_99 = arith.constant 0 : i32
    %eq3A_100 = arith.cmpi eq, %jit3A_98, %eq3A_99 : i32
    %jit3A_101 = arith.constant 1 : i32
    %select_n3A_102 = arith.select %eq3A_100, %jit3A_101, %jit3A_98 : i32
    %rem3A_103 = vector.broadcast %select_n3A_102 : i32 to vector<16x64xi32>
    %rem3A_104 = arith.remsi %iota3A_97, %rem3A_103 : vector<16x64xi32>
    %ne3A_105 = arith.constant 0 : i32
    %ne3A_106 = vector.broadcast %ne3A_105 : i32 to vector<16x64xi32>
    %ne3A_107 = arith.cmpi ne, %rem3A_104, %ne3A_106 : vector<16x64xi32>
    %lt3A_108 = arith.constant 0 : i32
    %lt3A_109 = vector.broadcast %lt3A_108 : i32 to vector<16x64xi32>
    %lt3A_110 = arith.cmpi slt, %rem3A_104, %lt3A_109 : vector<16x64xi32>
    %lt3A_111 = arith.constant 0 : i32
    %lt3A_112 = arith.cmpi slt, %select_n3A_102, %lt3A_111 : i32
    %ne3A_113 = vector.broadcast %lt3A_112 : i1 to vector<16x64xi1>
    %ne3A_114 = vector.broadcast %ne3A_113 : vector<16x64xi1> to vector<16x64xi1>
    %ne3A_115 = arith.xori %lt3A_110, %ne3A_114 : vector<16x64xi1>
    %and3A_116 = arith.andi %ne3A_115, %ne3A_107 : vector<16x64xi1>
    %add3A_117 = vector.broadcast %select_n3A_102 : i32 to vector<16x64xi32>
    %add3A_118 = arith.addi %rem3A_104, %add3A_117 : vector<16x64xi32>
    %select_n3A_119 = arith.select %and3A_116, %add3A_118, %rem3A_104 : vector<16x64xi1>, vector<16x64xi32>
    %eq3A_120 = arith.cmpi eq, %select_n3A_119, %iota3A_96 : vector<16x64xi32>
    %convert_element_type3A_121 = arith.extui %eq3A_120 : vector<16x64xi1> to vector<16x64xi32>
    %convert_element_type3A_122 = arith.sitofp %convert_element_type3A_121 : vector<16x64xi32> to vector<16x64xf32>
    %dot_general3A = arith.constant dense<0.000000e+00> : vector<128x4096xf32>
    %dot_general3A_123 = tpu.matmul %convert_element_type3A_34, %get3A_6, %dot_general3A {dimension_numbers = #tpu.dot_dimension_numbers<[1], [0], [0], [1], [0, 0, 1, 1], [], []>, transpose_lhs_hint = false} : vector<128x8xf32>, vector<8x4096xf32>, vector<128x4096xf32> -> vector<128x4096xf32>
    %dot_general3A_124 = arith.constant dense<0.000000e+00> : vector<128x4096xf32>
    %dot_general3A_125 = tpu.matmul %convert_element_type3A_59, %reshape3A, %dot_general3A_124 {dimension_numbers = #tpu.dot_dimension_numbers<[1], [0], [0], [1], [0, 0, 1, 1], [], []>, transpose_lhs_hint = false} : vector<128x16xf32>, vector<16x4096xf32>, vector<128x4096xf32> -> vector<128x4096xf32>
    %mul3A = arith.mulf %dot_general3A_123, %dot_general3A_125 : vector<128x4096xf32>
    %get3A_126 = arith.constant 0 : index
    %get3A_127 = arith.constant 0 : index
    %get3A_128 = vector.load %arg4[%get3A_126, %get3A_127] : memref<64x128xf32, #tpu.memory_space<vmem>>, vector<64x128xf32>
    %dot_general3A_129 = arith.constant dense<0.000000e+00> : vector<64x4096xf32>
    %dot_general3A_130 = tpu.matmul %get3A_128, %mul3A, %dot_general3A_129 {dimension_numbers = #tpu.dot_dimension_numbers<[1], [0], [0], [1], [0, 0, 1, 1], [], []>, transpose_lhs_hint = false} : vector<64x128xf32>, vector<128x4096xf32>, vector<64x4096xf32> -> vector<64x4096xf32>
    %dot_general3A_131 = arith.constant dense<0.000000e+00> : vector<64x4096xf32>
    %dot_general3A_132 = tpu.matmul %convert_element_type3A_95, %get3A_9, %dot_general3A_131 {dimension_numbers = #tpu.dot_dimension_numbers<[1], [0], [0], [1], [0, 0, 1, 1], [], []>, transpose_lhs_hint = false} : vector<64x4xf32>, vector<4x4096xf32>, vector<64x4096xf32> -> vector<64x4096xf32>
    %mul3A_133 = arith.mulf %dot_general3A_130, %dot_general3A_132 : vector<64x4096xf32>
    %get3A_134 = arith.constant 0 : index
    %get3A_135 = arith.constant 0 : index
    %get3A_136 = vector.load %arg5[%get3A_134, %get3A_135] : memref<16x16xf32, #tpu.memory_space<vmem>>, vector<16x16xf32>
    %dot_general3A_137 = arith.constant dense<0.000000e+00> : vector<16x64xf32>
    %dot_general3A_138 = tpu.matmul %get3A_136, %convert_element_type3A_122, %dot_general3A_137 {dimension_numbers = #tpu.dot_dimension_numbers<[1], [0], [0], [1], [0, 0, 1, 1], [], []>, transpose_lhs_hint = false} : vector<16x16xf32>, vector<16x64xf32>, vector<16x64xf32> -> vector<16x64xf32>
    %dot_general3A_139 = arith.constant dense<0.000000e+00> : vector<16x4096xf32>
    %dot_general3A_140 = tpu.matmul %dot_general3A_138, %mul3A_133, %dot_general3A_139 {dimension_numbers = #tpu.dot_dimension_numbers<[1], [0], [0], [1], [0, 0, 1, 1], [], []>, transpose_lhs_hint = false} : vector<16x64xf32>, vector<64x4096xf32>, vector<16x4096xf32> -> vector<16x4096xf32>
    %mul3A_141 = arith.constant 0.0110485433 : f32
    %mul3A_142 = vector.broadcast %mul3A_141 : f32 to vector<16x4096xf32>
    %mul3A_143 = arith.mulf %dot_general3A_140, %mul3A_142 : vector<16x4096xf32>
    %reshape3A_144 = vector.shape_cast %mul3A_143 : vector<16x4096xf32> to vector<2x8x32x128xf32>
    %transpose3A_145 = tpu.transpose %reshape3A_144, [0, 2, 1, 3] : vector<2x8x32x128xf32> -> vector<2x32x8x128xf32>
    %swap3A = arith.constant 0 : index
    %swap3A_146 = arith.constant 0 : index
    %swap3A_147 = arith.constant 0 : index
    %swap3A_148 = arith.constant 0 : index
    %swap3A_149 = vector.load %arg6[%swap3A, %swap3A_146, %swap3A_147, %swap3A_148] : memref<2x32x8x128xf32, #tpu.memory_space<vmem>>, vector<2x32x8x128xf32>
    tpu.vector_store %arg6[%swap3A, %swap3A_146, %swap3A_147, %swap3A_148], %transpose3A_145 {strides = array<i32>} : memref<2x32x8x128xf32, #tpu.memory_space<vmem>>, vector<2x32x8x128xf32>,
    return
  }
  func.func @transform_0(%arg0: i32) -> (i32, i32, i32, i32) {
    %c0_i32 = arith.constant 0 : i32
    %c0_i32_0 = arith.constant 0 : i32
    %c0_i32_1 = arith.constant 0 : i32
    %c0_i32_2 = arith.constant 0 : i32
    return %c0_i32, %arg0, %c0_i32_0, %c0_i32_1 : i32, i32, i32, i32
  }
  func.func @transform_1(%arg0: i32) -> (i32, i32) {
    %c0_i32 = arith.constant 0 : i32
    %c0_i32_0 = arith.constant 0 : i32
    return %c0_i32, %arg0 : i32, i32
  }
  func.func @transform_2(%arg0: i32) -> (i32, i32) {
    %c0_i32 = arith.constant 0 : i32
    %c0_i32_0 = arith.constant 0 : i32
    return %c0_i32, %arg0 : i32, i32
  }
  func.func @transform_3(%arg0: i32) -> (i32, i32) {
    %c0_i32 = arith.constant 0 : i32
    %c0_i32_0 = arith.constant 0 : i32
    %c0_i32_1 = arith.constant 0 : i32
    return %c0_i32, %c0_i32_0 : i32, i32
  }
  func.func @transform_4(%arg0: i32) -> (i32, i32) {
    %c0_i32 = arith.constant 0 : i32
    %c0_i32_0 = arith.constant 0 : i32
    %c0_i32_1 = arith.constant 0 : i32
    return %c0_i32, %c0_i32_0 : i32, i32
  }
  func.func @transform_5(%arg0: i32) -> (i32, i32, i32, i32) {
    %c0_i32 = arith.constant 0 : i32
    %c0_i32_0 = arith.constant 0 : i32
    %c0_i32_1 = arith.constant 0 : i32
    %c0_i32_2 = arith.constant 0 : i32
    return %c0_i32, %arg0, %c0_i32_0, %c0_i32_1 : i32, i32, i32, i32
  }
}

module attributes {stable_mosaic.version = 14 : i64} {
  func.func @_node_body(%arg0: i32, %arg1: memref<2x2000x16xf32, #tpu.memory_space<vmem>>, %arg2: memref<2000x10xf32, #tpu.memory_space<vmem>>, %arg3: memref<160x16xf32, #tpu.memory_space<vmem>>, %arg4: memref<16x16xf32, #tpu.memory_space<vmem>>, %arg5: memref<2000x16xf32, #tpu.memory_space<vmem>>) attributes {dimension_semantics = [#tpu.dimension_semantics<arbitrary>], iteration_bounds = array<i64: 5>, scalar_prefetch = 0 : i64, scratch_operands = 0 : i64, tpu.core_type = #tpu.core_type<tc>, window_params = [{transform_indices = @transform_0, window_bounds = array<i64: 2, 2000, 16>}, {transform_indices = @transform_1, window_bounds = array<i64: 2000, 10>}, {pipeline_mode = #tpu.pipeline_mode<synchronous>, transform_indices = @transform_2, window_bounds = array<i64: 160, 16>}, {pipeline_mode = #tpu.pipeline_mode<synchronous>, transform_indices = @transform_3, window_bounds = array<i64: 16, 16>}, {transform_indices = @transform_4, window_bounds = array<i64: 2000, 16>}]} {
    %get3A = arith.constant 0 : index
    %get3A_0 = arith.constant 0 : index
    %get3A_1 = arith.constant 0 : index
    %get3A_2 = vector.load %arg1[%get3A, %get3A_0, %get3A_1] : memref<2x2000x16xf32, #tpu.memory_space<vmem>>, vector<1x2000x16xf32>
    %get3A_3 = vector.shape_cast %get3A_2 : vector<1x2000x16xf32> to vector<2000x16xf32>
    %get3A_4 = arith.constant 1 : index
    %get3A_5 = arith.constant 0 : index
    %get3A_6 = arith.constant 0 : index
    %get3A_7 = vector.load %arg1[%get3A_4, %get3A_5, %get3A_6] : memref<2x2000x16xf32, #tpu.memory_space<vmem>>, vector<1x2000x16xf32>
    %get3A_8 = vector.shape_cast %get3A_7 : vector<1x2000x16xf32> to vector<2000x16xf32>
    %add3A = arith.addf %get3A_3, %get3A_8 : vector<2000x16xf32>
    %get3A_9 = arith.constant 0 : index
    %get3A_10 = arith.constant 0 : index
    %get3A_11 = vector.load %arg2[%get3A_9, %get3A_10] : memref<2000x10xf32, #tpu.memory_space<vmem>>, vector<2000x10xf32>
    %iota3A = tpu.iota {dimensions = array<i32: 1>} : vector<16x160xi32>
    %iota3A_12 = tpu.iota {dimensions = array<i32: 0>} : vector<16x160xi32>
    %jit3A = arith.constant 10 : i32
    %div3A = vector.broadcast %jit3A : i32 to vector<16x160xi32>
    %div3A_13 = arith.divsi %iota3A, %div3A : vector<16x160xi32>
    %sign3A = arith.constant 0 : i32
    %sign3A_14 = vector.broadcast %sign3A : i32 to vector<16x160xi32>
    %sign3A_15 = arith.cmpi sgt, %iota3A, %sign3A_14 : vector<16x160xi32>
    %sign3A_16 = arith.extui %sign3A_15 : vector<16x160xi1> to vector<16x160xi32>
    %sign3A_17 = arith.constant 0 : i32
    %sign3A_18 = vector.broadcast %sign3A_17 : i32 to vector<16x160xi32>
    %sign3A_19 = arith.cmpi slt, %iota3A, %sign3A_18 : vector<16x160xi32>
    %sign3A_20 = arith.extui %sign3A_19 : vector<16x160xi1> to vector<16x160xi32>
    %sign3A_21 = arith.subi %sign3A_16, %sign3A_20 : vector<16x160xi32>
    %sign3A_22 = arith.constant 0 : i32
    %sign3A_23 = arith.cmpi sgt, %jit3A, %sign3A_22 : i32
    %sign3A_24 = arith.extui %sign3A_23 : i1 to i32
    %sign3A_25 = arith.constant 0 : i32
    %sign3A_26 = arith.cmpi slt, %jit3A, %sign3A_25 : i32
    %sign3A_27 = arith.extui %sign3A_26 : i1 to i32
    %sign3A_28 = arith.subi %sign3A_24, %sign3A_27 : i32
    %ne3A = vector.broadcast %sign3A_28 : i32 to vector<16x160xi32>
    %ne3A_29 = arith.cmpi ne, %sign3A_21, %ne3A : vector<16x160xi32>
    %rem3A = vector.broadcast %jit3A : i32 to vector<16x160xi32>
    %rem3A_30 = arith.remsi %iota3A, %rem3A : vector<16x160xi32>
    %ne3A_31 = arith.constant 0 : i32
    %ne3A_32 = vector.broadcast %ne3A_31 : i32 to vector<16x160xi32>
    %ne3A_33 = arith.cmpi ne, %rem3A_30, %ne3A_32 : vector<16x160xi32>
    %and3A = arith.andi %ne3A_29, %ne3A_33 : vector<16x160xi1>
    %sub3A = arith.constant 1 : i32
    %sub3A_34 = vector.broadcast %sub3A : i32 to vector<16x160xi32>
    %sub3A_35 = arith.subi %div3A_13, %sub3A_34 : vector<16x160xi32>
    %select_n3A = arith.select %and3A, %sub3A_35, %div3A_13 : vector<16x160xi1>, vector<16x160xi32>
    %eq3A = arith.cmpi eq, %select_n3A, %iota3A_12 : vector<16x160xi32>
    %convert_element_type3A = arith.extui %eq3A : vector<16x160xi1> to vector<16x160xi32>
    %convert_element_type3A_36 = arith.sitofp %convert_element_type3A : vector<16x160xi32> to vector<16x160xf32>
    %iota3A_37 = tpu.iota {dimensions = array<i32: 1>} : vector<10x160xi32>
    %iota3A_38 = tpu.iota {dimensions = array<i32: 0>} : vector<10x160xi32>
    %jit3A_39 = arith.constant 10 : i32
    %eq3A_40 = arith.constant 0 : i32
    %eq3A_41 = arith.cmpi eq, %jit3A_39, %eq3A_40 : i32
    %jit3A_42 = arith.constant 1 : i32
    %select_n3A_43 = arith.select %eq3A_41, %jit3A_42, %jit3A_39 : i32
    %rem3A_44 = vector.broadcast %select_n3A_43 : i32 to vector<10x160xi32>
    %rem3A_45 = arith.remsi %iota3A_37, %rem3A_44 : vector<10x160xi32>
    %ne3A_46 = arith.constant 0 : i32
    %ne3A_47 = vector.broadcast %ne3A_46 : i32 to vector<10x160xi32>
    %ne3A_48 = arith.cmpi ne, %rem3A_45, %ne3A_47 : vector<10x160xi32>
    %lt3A = arith.constant 0 : i32
    %lt3A_49 = vector.broadcast %lt3A : i32 to vector<10x160xi32>
    %lt3A_50 = arith.cmpi slt, %rem3A_45, %lt3A_49 : vector<10x160xi32>
    %lt3A_51 = arith.constant 0 : i32
    %lt3A_52 = arith.cmpi slt, %select_n3A_43, %lt3A_51 : i32
    %ne3A_53 = vector.broadcast %lt3A_52 : i1 to vector<10x160xi1>
    %ne3A_54 = vector.broadcast %ne3A_53 : vector<10x160xi1> to vector<10x160xi1>
    %ne3A_55 = arith.xori %lt3A_50, %ne3A_54 : vector<10x160xi1>
    %and3A_56 = arith.andi %ne3A_55, %ne3A_48 : vector<10x160xi1>
    %add3A_57 = vector.broadcast %select_n3A_43 : i32 to vector<10x160xi32>
    %add3A_58 = arith.addi %rem3A_45, %add3A_57 : vector<10x160xi32>
    %select_n3A_59 = arith.select %and3A_56, %add3A_58, %rem3A_45 : vector<10x160xi1>, vector<10x160xi32>
    %eq3A_60 = arith.cmpi eq, %select_n3A_59, %iota3A_38 : vector<10x160xi32>
    %convert_element_type3A_61 = arith.extui %eq3A_60 : vector<10x160xi1> to vector<10x160xi32>
    %convert_element_type3A_62 = arith.sitofp %convert_element_type3A_61 : vector<10x160xi32> to vector<10x160xf32>
    %dot_general3A = arith.constant dense<0.000000e+00> : vector<2000x160xf32>
    %dot_general3A_63 = tpu.matmul %add3A, %convert_element_type3A_36, %dot_general3A {dimension_numbers = #tpu.dot_dimension_numbers<[1], [0], [0], [1], [0, 0, 1, 1], [], []>, transpose_lhs_hint = false} : vector<2000x16xf32>, vector<16x160xf32>, vector<2000x160xf32> -> vector<2000x160xf32>
    %dot_general3A_64 = arith.constant dense<0.000000e+00> : vector<2000x160xf32>
    %dot_general3A_65 = tpu.matmul %get3A_11, %convert_element_type3A_62, %dot_general3A_64 {dimension_numbers = #tpu.dot_dimension_numbers<[1], [0], [0], [1], [0, 0, 1, 1], [], []>, transpose_lhs_hint = false} : vector<2000x10xf32>, vector<10x160xf32>, vector<2000x160xf32> -> vector<2000x160xf32>
    %mul3A = arith.mulf %dot_general3A_63, %dot_general3A_65 : vector<2000x160xf32>
    %get3A_66 = arith.constant 0 : index
    %get3A_67 = arith.constant 0 : index
    %get3A_68 = vector.load %arg3[%get3A_66, %get3A_67] : memref<160x16xf32, #tpu.memory_space<vmem>>, vector<160x16xf32>
    %dot_general3A_69 = arith.constant dense<0.000000e+00> : vector<2000x16xf32>
    %dot_general3A_70 = tpu.matmul %mul3A, %get3A_68, %dot_general3A_69 {dimension_numbers = #tpu.dot_dimension_numbers<[1], [0], [0], [1], [0, 0, 1, 1], [], []>, transpose_lhs_hint = false} : vector<2000x160xf32>, vector<160x16xf32>, vector<2000x16xf32> -> vector<2000x16xf32>
    %get3A_71 = arith.constant 0 : index
    %get3A_72 = arith.constant 0 : index
    %get3A_73 = vector.load %arg4[%get3A_71, %get3A_72] : memref<16x16xf32, #tpu.memory_space<vmem>>, vector<16x16xf32>
    %dot_general3A_74 = arith.constant dense<0.000000e+00> : vector<2000x16xf32>
    %dot_general3A_75 = tpu.matmul %dot_general3A_70, %get3A_73, %dot_general3A_74 {dimension_numbers = #tpu.dot_dimension_numbers<[1], [0], [0], [1], [0, 0, 1, 1], [], []>, transpose_lhs_hint = false} : vector<2000x16xf32>, vector<16x16xf32>, vector<2000x16xf32> -> vector<2000x16xf32>
    %mul3A_76 = arith.constant 0.0197642352 : f32
    %mul3A_77 = vector.broadcast %mul3A_76 : f32 to vector<2000x16xf32>
    %mul3A_78 = arith.mulf %dot_general3A_75, %mul3A_77 : vector<2000x16xf32>
    %add3A_79 = arith.addf %add3A, %mul3A_78 : vector<2000x16xf32>
    %swap3A = arith.constant 0 : index
    %swap3A_80 = arith.constant 0 : index
    %swap3A_81 = vector.load %arg5[%swap3A, %swap3A_80] : memref<2000x16xf32, #tpu.memory_space<vmem>>, vector<2000x16xf32>
    tpu.vector_store %arg5[%swap3A, %swap3A_80], %add3A_79 {strides = array<i32>} : memref<2000x16xf32, #tpu.memory_space<vmem>>, vector<2000x16xf32>,
    return
  }
  func.func @transform_0(%arg0: i32) -> (i32, i32, i32) {
    %c0_i32 = arith.constant 0 : i32
    %c0_i32_0 = arith.constant 0 : i32
    %c0_i32_1 = arith.constant 0 : i32
    return %c0_i32, %arg0, %c0_i32_0 : i32, i32, i32
  }
  func.func @transform_1(%arg0: i32) -> (i32, i32) {
    %c0_i32 = arith.constant 0 : i32
    %c0_i32_0 = arith.constant 0 : i32
    return %arg0, %c0_i32 : i32, i32
  }
  func.func @transform_2(%arg0: i32) -> (i32, i32) {
    %c0_i32 = arith.constant 0 : i32
    %c0_i32_0 = arith.constant 0 : i32
    %c0_i32_1 = arith.constant 0 : i32
    return %c0_i32, %c0_i32_0 : i32, i32
  }
  func.func @transform_3(%arg0: i32) -> (i32, i32) {
    %c0_i32 = arith.constant 0 : i32
    %c0_i32_0 = arith.constant 0 : i32
    %c0_i32_1 = arith.constant 0 : i32
    return %c0_i32, %c0_i32_0 : i32, i32
  }
  func.func @transform_4(%arg0: i32) -> (i32, i32) {
    %c0_i32 = arith.constant 0 : i32
    %c0_i32_0 = arith.constant 0 : i32
    return %arg0, %c0_i32 : i32, i32
  }
}

</mosaic_0001>

<sc_bundles>
// kernel: kernel.6.cloned.1.call-start
scs
__scs_entry_jumppad:
0x0: {  	(pc) =	sbr.rel $0x88, $3  }
0x1: {  	(tag) =	ssettag $0x0;
	lr =	simm.s32 $0x1  }
0x2: {  	[smem:$0x3F98] =	sst lr;
	_ =	strace $0xD0000000  }
0x3: {  	_ = 	snop  }
0x4: {  	_ = 	snop  }
0x5: {  	_ = 	snop  }
0x6: {  	_ = 	snop  }
0x7: {  	_ = 	snop  }
__scs_overlays_trampoline_lowered:
0x8: {  	[smem:$0x3FA7] =	sst s0  }
0x9: {  	[smem:$0x3FA8] =	sst s1  }
0xa: {  	[smem:$0x3FA9] =	sst s2  }
0xb: {  	[smem:$0x3FAA] =	sst s3  }
0xc: {  	[smem:$0x3FAB] =	sst s4  }
0xd: {  	[smem:$0x3FAC] =	sst s5  }
0xe: {  	[smem:$0x3FAD] =	sst s6  }
0xf: {  	[smem:$0x3FAE] =	sst s7  }
0x10: {  	[smem:$0x3FAF] =	sst s8  }
0x11: {  	[smem:$0x3FB0] =	sst s9;
	s0 =	simm.s32 @!p0 $0x0  }
0x12: {  	s1 =	sld [smem:$0x3F96];
	s0 =	simm.s32 @p0 $0x1  }
0x13: {  	[smem:$0x3FB1] =	sst s0;
	s0 =	simm.s32 @!p1 $0x0  }
0x14: {  	s2 =	sld [smem:$0x3F95];
	s0 =	simm.s32 @p1 $0x1  }
0x15: {  	[smem:$0x3FB2] =	sst s0;
	s0 =	simm.s32 @!p2 $0x0  }
0x16: {  	s3 =	sld [smem:$0x3FDB];
	s0 =	simm.s32 @p2 $0x1  }
0x17: {  	s4 =	simm.s32 $0x1BF5;
	[smem:$0x3FB4] =	sst s0  }
0x18: {  	s0 =	sld [smem:$0x3F97];
	_ =	swait.ge [sflag:s4], $0x0  }
0x19: {  	s7 =	sld [smem:$0x3F98]  }
0x1a: {  	s8 =	sadd.s32 $0xFFFFE003, lr  }
0x1b: {  	s9 =	sadd.s32 $0xFFFFFEF7, lr;
	s5 =	simm.s32 $0xFFFFFFFF;
	p2 =	slt.u32 s8, $0xFFFFF086  }
0x1c: {  	p1 =	slt.u32 s9, $0xF7A;
	s5 =	simm.s32 @!p2 $0x0  }
0x1d: {  	s5 =	simm.s32 @p1 $0x1;
	p0 =	seq.s32 s7, s2  }
0x1e: {  	s7 =	smul.u32 @!p0 $0xF7A, s2;
	p2 =	seq.s32 @!p0 s5, $0x0  }
0x1f: {  	s9 =	smul.u32 $0xF7A, s1;
	s8 =	simm.s32 @!p0 $0x1BF5;
	p2 =	por !p2, p0  }
0x20: {  	[sflag:s8] =	ssyncset.s32 @!p0 $0xFFFFF086;
	s6 =	sadd.s32 @!p0 s3, s7;
	s7 =	simm.s32 @!p0 $0x108  }
0x21: {  	s3 =	sadd.s32 s3, s9;
	s6 =	sadd.s32 @!p0 $0x88, s6;
	s7 =	simm.s32 @p2 $0x1082  }
0x22: {  	[simem:s7], [sflag:s8] =	dma.local @!p0 [hbm:s6], $0xF7A  }
0x23: {  	s9 =	sor.u32 $0xD0000000, s2;
	s6 =	simm.s32 $0x108;
	_ =	swait.ge @!p0 [sflag:s8], $0x0  }
0x24: {  	s3 =	sadd.s32 $0x88, s3;
	s6 =	simm.s32 @!p1 $0x1082;
	[sflag:s4] =	ssyncset.s32 $0xFFFFF086  }
0x25: {  	[simem:s6], [sflag:s4] =	dma.local [hbm:s3], $0xF7A  }
0x26: {  	[smem:$0x3F98] =	sst s1;
	(tag) =	ssettag s2;
	_ =	strace s9  }
0x27: {  	s1 =	sld [smem:$0x3FA8]  }
0x28: {  	s2 =	sld [smem:$0x3FA9]  }
0x29: {  	s4 =	sld [smem:$0x3FAB]  }
0x2a: {  	p0 =	seq.s32 s5, $0x0;
	s5 =	sld [smem:$0x3FAC]  }
0x2b: {  	s6 =	sld [smem:$0x3FAD]  }
0x2c: {  	s7 =	sld [smem:$0x3FAE]  }
0x2d: {  	s3 =	simm.s32 $0x108;
	s8 =	sld [smem:$0x3FAF]  }
0x2e: {  	s3 =	simm.s32 @!p0 $0x1082;
	s9 =	sld [smem:$0x3FB0]  }
0x2f: {  	lr =	sadd.s32 s0, s3;
	s0 =	sld [smem:$0x3FA7]  }
0x30: {  	s3 =	sld [smem:$0x3FAA]  }
0x31: {  	[smem:$0x3FB3] =	sst s10  }
0x32: {  	s10 =	sld [smem:$0x3FB1];
	_ =	sdelay $0x3  }
0x33: {  	p0 =	seq.s32 s10, $0x1;
	s10 =	sld [smem:$0x3FB3];
	_ =	sdelay $0x3  }
0x34: {  	[smem:$0x3FB3] =	sst s10  }
0x35: {  	s10 =	sld [smem:$0x3FB2];
	_ =	sdelay $0x3  }
0x36: {  	p1 =	seq.s32 s10, $0x1;
	s10 =	sld [smem:$0x3FB3];
	_ =	sdelay $0x3  }
0x37: {  	[smem:$0x3FB3] =	sst s10  }
0x38: {  	s10 =	sld [smem:$0x3FB4]  }
0x39: {  	_ = 	snop;
	(pc) =	sbr.ind lr, $3  }
0x3a: {  	_ = 	snop  }
0x3b: {  	_ = 	snop  }
0x3c: {  	p2 =	seq.s32 s10, $0x1;
	s10 =	sld [smem:$0x3FB3]  }
0x3d: {  	_ =	shalt  }
0x3e: {  	_ =	shalt  }
0x3f: {  	_ =	shalt  }
0x40: {  	_ =	shalt  }
0x41: {  	_ =	shalt  }
0x42: {  	_ =	shalt  }
0x43: {  	_ =	shalt  }
0x44: {  	_ =	shalt  }
0x45: {  	_ =	shalt  }
0x46: {  	_ =	shalt  }
0x47: {  	_ =	shalt  }
0x48: {  	_ =	shalt  }
0x49: {  	_ =	shalt  }
0x4a: {  	_ =	shalt  }
0x4b: {  	_ =	shalt  }
0x4c: {  	_ =	shalt  }
0x4d: {  	_ =	shalt  }
0x4e: {  	_ =	shalt  }
0x4f: {  	_ =	shalt  }
0x50: {  	_ =	shalt  }
0x51: {  	_ =	shalt  }
0x52: {  	_ =	shalt  }
0x53: {  	_ =	shalt  }
0x54: {  	_ =	shalt  }
0x55: {  	_ =	shalt  }
0x56: {  	_ =	shalt  }
0x57: {  	_ =	shalt  }
0x58: {  	_ =	shalt  }
0x59: {  	_ =	shalt  }
0x5a: {  	_ =	shalt  }
0x5b: {  	_ =	shalt  }
0x5c: {  	_ =	shalt  }
0x5d: {  	_ =	shalt  }
0x5e: {  	_ =	shalt  }
0x5f: {  	_ =	shalt  }
0x60: {  	_ =	shalt  }
0x61: {  	_ =	shalt  }
0x62: {  	_ =	shalt  }
0x63: {  	_ =	shalt  }
0x64: {  	_ =	shalt  }
0x65: {  	_ =	shalt  }
0x66: {  	_ =	shalt  }
0x67: {  	_ =	shalt  }
0x68: {  	_ =	shalt  }
0x69: {  	_ =	shalt  }
0x6a: {  	_ =	shalt  }
0x6b: {  	_ =	shalt  }
0x6c: {  	_ =	shalt  }
0x6d: {  	_ =	shalt  }
0x6e: {  	_ =	shalt  }
0x6f: {  	_ =	shalt  }
0x70: {  	_ =	shalt  }
0x71: {  	_ =	shalt  }
0x72: {  	_ =	shalt  }
0x73: {  	_ =	shalt  }
0x74: {  	_ =	shalt  }
0x75: {  	_ =	shalt  }
0x76: {  	_ =	shalt  }
0x77: {  	_ =	shalt  }
0x78: {  	_ =	shalt  }
0x79: {  	_ =	shalt  }
0x7a: {  	_ =	shalt  }
0x7b: {  	_ =	shalt  }
0x7c: {  	_ =	shalt  }
0x7d: {  	_ =	shalt  }
0x7e: {  	_ =	shalt  }
0x7f: {  	_ =	shalt  }
0x80: {  	_ =	shalt  }
0x81: {  	_ =	shalt  }
0x82: {  	_ =	shalt  }
0x83: {  	_ =	shalt  }
0x84: {  	_ =	shalt  }
0x85: {  	_ =	shalt  }
0x86: {  	_ =	shalt  }
0x87: {  	_ =	shalt  }
.Lfunc_end0:
.L_simem_size_0:
called_computation_lowered:
.L_overlay_start_0:
0x88: {  	s2 =	sld [smem:$0x3FD9]  }
0x89: {  	s3 =	sld [smem:$0x3FFE];
	_ =	sdelay $0x1  }
0x8a: {  	s1 =	srdreg.scid  }
0x8b: {  	s0 =	sand.u32 $0x1, s1  }
0x8c: {  	s17 =	sshll.u32 s0, $0xA;
	s2 =	sadd.s32 s3, s2  }
0x8d: {  	s2 =	sadd.s32 s2, s17  }
0x8e: {  	[smem:$0x3FBF] =	sst s2  }
0x8f: {  	_ = 	snop  }
0x90: {  	s2 =	sld [smem:$0x3FD0];
	(tm) =	ssettm $0x1  }
0x91: {  	s18 =	sld [smem:$0x3FFB];
	_ =	sdelay $0x3  }
0x92: {  	_ =	strace s18  }
0x93: {  	s3 =	sld [smem:$0x3FFC];
	_ =	sdelay $0x3  }
0x94: {  	_ =	strace s3  }
0x95: {  	s3 =	sld [smem:$0x3FFD];
	_ =	sdelay $0x3  }
0x96: {  	_ =	strace s3  }
0x97: {  	_ =	strace $0x8FFFFFFF  }
0x98: {  	s19 =	sld [smem:$0x3FDB];
	_ =	sdelay $0x1  }
0x99: {  	s4 =	simm.s32 $_scs_section_size  }
0x9a: {  	s5 =	simm.s32 $_size__tile_overlayer_lowered;
	s6 =	simm.s32 $_tile_overlayer_lowered  }
0x9b: {  	s22 =	simm.s32 $0x1BFF;
	s21 =	sshll.u32 s6, $0x1;
	s3 =	sadd.s32 s4, s19  }
0x9c: {  	s7 =	simm.s32 $0x0;
	s20 =	sshll.u32 s5, $0x1;
	s5 =	sadd.s32 s21, s3  }
0x9d: {  	[timem:s7], [sflag:s22] =	dma.local [hbm:s5], s20  }
0x9e: {  	_ =	swait.ge [sflag:s22], s20  }
0x9f: {  	s4 =	ssub.s32 $0x0, s20;
	[sflag:s22] =	ssyncset.done $0x0  }
0xa0: {  	[sflag:s22] =	ssyncadd.s32 s4;
	_ =	sdelay $0x1  }
0xa1: {  	s23 =	simm.s32 $0x1B8B  }
0xa2: {  	_ =	swait.ge [sflag:s23], $0x1  }
0xa3: {  	[sflag:s23] =	ssyncset.done $0x0  }
0xa4: {  	s25 =	simm.s32 $0x1B8E;
	s24 =	sld [smem:$0x3FFE];
	[sflag:s23] =	ssyncadd.s32 $0xFFFFFFFF  }
0xa5: {  	s26 =	simm.s32 $execute0_lowered;
	[smem:$0x3FD2] =	sst s25  }
0xa6: {  	s5 =	sshll.u32 s26, $0x1;
	_ =	strace $0x80000046;
	[dreg:$0x1] =	wrdreg $0xFFFFFFFF  }
0xa7: {  	s28 =	simm.s32 $_size_execute0_lowered;
	s3 =	sadd.s32 s3, s5;
	[dreg:$0x0] =	wrdreg $0x0  }
0xa8: {  	s5 =	sshll.u32 s28, $0x1;
	[dreg:$0x2] =	wrdreg s3  }
0xa9: {  	[dreg:$0x3] =	wrdreg s5  }
0xaa: {  	[dreg:$0x4] =	wrdreg $0xC0  }
0xab: {  	_ =	task [dreg:s7], $0x5FFFF  }
0xac: {  	[dreg:$0x1] =	wrdreg $0xFFFFFFFF  }
0xad: {  	[dreg:$0x0] =	wrdreg $0x60  }
0xae: {  	[dreg:$0x2] =	wrdreg s2  }
0xaf: {  	[dreg:$0x3] =	wrdreg s24  }
0xb0: {  	[dreg:$0x4] =	wrdreg $0x9  }
0xb1: {  	_ =	task.clear_ibuf [dreg:s7], $0x5FFFF;
	_ =	strace $0x90000046  }
0xb2: {  	s29 =	simm.s32 $0x9;
	_ =	strace $0x80000048  }
0xb3: {  	_ =	swait.ge [sflag:s29], $0x1  }
0xb4: {  	[sflag:s29] =	ssyncadd.s32 $0xFFFFFFFF  }
0xb5: {  	_ =	strace $0x90000048  }
0xb6: {  	_ =	sfence  }
0xb7: {  	s30 =	sld [smem:$0x0];
	_ =	sdelay $0x2  }
0xb8: {  	s31 =	sshll.u32 s1, $0xD;
	s1 =	sshrl.u32 s1, $0x2  }
0xb9: {  	s3 =	sand.u32 $0x4000, s31;
	s1 =	sadd.s32 s1, s30  }
0xba: {  	s0 =	sor.u32 s3, s0;
	s1 =	sshll.u32 s1, $0x11  }
0xbb: {  	s0 =	sor.u32 s1, s0  }
0xbc: {  	s0 =	sadd.s32 $0x8F2B, s0  }
0xbd: {  	[sflag:s0] =	ssyncadd.remote.s32 $0x1  }
0xbe: {  	_ =	sfence.sel $0xFFFF  }
0xbf: {  	[dreg:$0x0] =	wrdreg $0xFFFFFFFF;
	(pc) =	sbr.abs _section_cstart, $3  }
0xc0: {  	[dreg:$0x1] =	wrdreg $0xFFFFFFFF  }
0xc1: {  	_ =	task.clear_ibuf [dreg:s7], $0x2FFFF;
	_ =	strace $0x9FFFFFFF  }
0xc2: {  	(tm) =	ssettm $0x7FFFFFFF  }
0xc3: {  	_ =	shalt  }
tec
execute0_lowered:
.L_overlay_start_1:
0x0: {  	(tag) =	ssettag $0x1  }
0x1: {  	s0 =	srdreg.scid;
	s2 =	rddreg [dreg:$0x0]  }
0x2: {  	s1 =	stileid.u32;
	s4 =	rddreg [dreg:$0x1];
	s12 =	simm.s32 $0x0  }
0x3: {  	s28 =	simm.s32 $0x4400;
	s29 =	simm.s32 $0x4C00;
	s30 =	simm.s32 $0x5400  }
0x4: {  	s31 =	simm.s32 $0x5C00;
	s0 =	sand.u32 $0x1, s0;
	s1 =	sshll.u32 s1, $0x1  }
0x5: {  	s9 =	simm.s32 $0x8C00;
	s10 =	simm.s32 $0x1;
	s1 =	sor.u32 s0, s1  }
0x6: {  	s11 =	simm.s32 $0x2;
	s0 =	ssub.s32 $0x2, s0;
	s3 =	smul.u32 $0x28, s1  }
0x7: {  	[smem:$0x7FF] =	sst s12;
	s1 =	smul.u32 $0xA000, s1;
	s7 =	sshrl.u32 s0, $0x1  }
0x8: {  	_ =	strace $0x80000047;
	s0 =	ssub.s32 s0, s7;
	s5 =	smin.u32 s3, $0x4BA  }
0x9: {  	s1 =	sshrl.u32 s1, $0x3;
	s13 =	sor.u32 $0x1, s3;
	s16 =	sor.u32 $0x2, s3  }
0xa: {  	s17 =	sor.u32 $0x3, s3;
	s18 =	sor.u32 $0x4, s3;
	s21 =	sor.u32 $0x5, s3  }
0xb: {  	s22 =	sor.u32 $0x6, s3;
	s23 =	sor.u32 $0x7, s3;
	s0 =	smax.u32 s0, $0x1  }
0xc: {  	s6 =	sshll.u32 s5, $0x4;
	s1 =	sadd.s32 s1, s4;
	s8 =	ssub.s32 s3, s5  }
0xd: {  	s7 =	ssub.s32 s18, s5;
	[dreg:$0xe] =	wrdreg s0;
	s0 =	simm.s32 $0x6C00  }
0xe: {  	s6 =	sadd.s32 s6, s4;
	s4 =	ssub.s32 s13, s5;
	s14 =	sshll.u32 s8, $0x9  }
0xf: {  	s7 =	sshll.u32 s7, $0x9;
	s26 =	sadd.s32 $0xB600, s1;
	s1 =	sadd.s32 $0x33600, s1  }
0x10: {  	s13 =	simm.s32 $0x3;
	s8 =	simm.s32 $0x8400;
	s4 =	sshll.u32 s4, $0x9  }
0x11: {  	s6 =	sadd.s32 $0x1600, s6;
	s15 =	sshra.s32 s14, $0x2;
	[dreg:$0xc] =	wrdreg s26  }
0x12: {  	s20 =	sshra.s32 s7, $0x2;
	s7 =	ssub.s32 s23, s5;
	[dreg:$0xd] =	wrdreg s1  }
0x13: {  	s23 =	simm.s32 $0x2400;
	s26 =	simm.s32 $0x3C00;
	[dreg:$0x3] =	wrdreg s6  }
0x14: {  	s1 =	simm.s32 $0x6400;
	s14 =	simm.s32 $0x0;
	[dreg:$0x4] =	wrdreg s15  }
0x15: {  	s4 =	sshra.s32 s4, $0x2;
	s6 =	ssub.s32 s17, s5;
	[dreg:$0x8] =	wrdreg s20  }
0x16: {  	s7 =	sshll.u32 s7, $0x9;
	s15 =	sadd.s32 $0x10, s3;
	s20 =	simm.s32 $0x80  }
0x17: {  	[dreg:$0x5] =	wrdreg s4;
	s4 =	ssub.s32 s16, s5;
	s6 =	sshll.u32 s6, $0x9  }
0x18: {  	s25 =	sshra.s32 s7, $0x2;
	s7 =	simm.s32 $0x7C00;
	s4 =	sshll.u32 s4, $0x9  }
0x19: {  	s19 =	sshra.s32 s6, $0x2;
	s6 =	ssub.s32 s22, s5;
	[dreg:$0xb] =	wrdreg s25  }
0x1a: {  	s22 =	simm.s32 $0x1C00;
	s25 =	simm.s32 $0x3400;
	s4 =	sshra.s32 s4, $0x2  }
0x1b: {  	s6 =	sshll.u32 s6, $0x9;
	[dreg:$0x6] =	wrdreg s4;
	s4 =	ssub.s32 s21, s5  }
0x1c: {  	[dreg:$0x7] =	wrdreg s19;
	s24 =	sshra.s32 s6, $0x2;
	s4 =	sshll.u32 s4, $0x9  }
0x1d: {  	v0 =	vlaneseq.u32;
	s21 =	simm.s32 $0x1400;
	[dreg:$0xa] =	wrdreg s24;
	s4 =	sshra.s32 s4, $0x2  }
0x1e: {  	v0 =	vmul.u32 $0x10, v0;
	s6 =	simm.s32 $0x7400;
	s24 =	simm.s32 $0x2C00;
	[dreg:$0x9] =	wrdreg s4  }
.LBB2_1:
0x1f: {  	[dreg:$0xf] =	wrdreg s14  }
0x20: {  	s4 =	rddreg [dreg:$0x3]  }
0x21: {  	[tilespmem:s12], [sflag:$0x3] =	stream.linear.gather [hbm4b:s4+s12], $0x1400, $0x38;
	[tilespmem:$0x1D400] =	vst v63  }
0x22: {  	_ =	swait.ge [sflag:s13], $0x1400  }
0x23: {  	[sflag:s13] =	ssyncset.done $0x0  }
0x24: {  	s19 =	rddreg [dreg:$0x4];
	[sflag:s13] =	ssyncadd.s32 $0xFFFFEC00  }
0x25: {  	[tilespmem:s21], [sflag:$0x1] =	stream.indirect.gather [hbm4b:s2+s20], $0x10, s19, s20, $0xb8;
	[tilespmem:$0x1D400] =	vst v63  }
0x26: {  	s12 =	rddreg [dreg:$0x5]  }
0x27: {  	[tilespmem:s22], [sflag:$0x1] =	stream.indirect.gather [hbm4b:s2+s20], $0x10, s12, s20, $0xb8;
	[tilespmem:$0x1D400] =	vst v63  }
0x28: {  	s13 =	rddreg [dreg:$0x6]  }
0x29: {  	[tilespmem:s23], [sflag:$0x1] =	stream.indirect.gather [hbm4b:s2+s20], $0x10, s13, s20, $0xb8;
	[tilespmem:$0x1D400] =	vst v63  }
0x2a: {  	s14 =	rddreg [dreg:$0x7]  }
0x2b: {  	[tilespmem:s24], [sflag:$0x1] =	stream.indirect.gather [hbm4b:s2+s20], $0x10, s14, s20, $0xb8;
	[tilespmem:$0x1D400] =	vst v63  }
0x2c: {  	s16 =	rddreg [dreg:$0x8]  }
0x2d: {  	[tilespmem:s25], [sflag:$0x1] =	stream.indirect.gather [hbm4b:s2+s20], $0x10, s16, s20, $0xb8;
	[tilespmem:$0x1D400] =	vst v63  }
0x2e: {  	s17 =	rddreg [dreg:$0x9]  }
0x2f: {  	[tilespmem:s26], [sflag:$0x1] =	stream.indirect.gather [hbm4b:s2+s20], $0x10, s17, s20, $0xb8;
	[tilespmem:$0x1D400] =	vst v63  }
0x30: {  	s18 =	rddreg [dreg:$0xa]  }
0x31: {  	[tilespmem:s28], [sflag:$0x1] =	stream.indirect.gather [hbm4b:s2+s20], $0x10, s18, s20, $0xb8;
	[tilespmem:$0x1D400] =	vst v63  }
0x32: {  	p1 =	por $0x1, $0x1;
	s4 =	simm.s32 $0x0;
	s19 =	rddreg [dreg:$0xb]  }
0x33: {  	[tilespmem:s29], [sflag:$0x1] =	stream.indirect.gather [hbm4b:s2+s20], $0x10, s19, s20, $0xb8;
	[tilespmem:$0x1D400] =	vst v63  }
.LBB2_2:
0x34: {  	s14 =	sshll.u32 s4, $0x4  }
0x35: {  	s13 =	sor.u32 $0x8, s14  }
0x36: {  	s16 =	sadd.s32 s3, s13  }
0x37: {  	s17 =	smin.u32 s16, $0x4E1  }
0x38: {  	s17 =	ssub.s32 s17, s5  }
0x39: {  	s17 =	sshll.u32 s17, $0x9  }
0x3a: {  	s12 =	sor.u32 $0x1, s16;
	s17 =	sshra.s32 s17, $0x2  }
0x3b: {  	[tilespmem:s30], [sflag:$0x2] =	stream.indirect.gather [hbm4b:s2+s20], $0x10, s17, s20, $0xb8;
	[tilespmem:$0x1D400] =	vst v63  }
0x3c: {  	s17 =	smin.u32 s12, $0x4E1  }
0x3d: {  	s17 =	ssub.s32 s17, s5  }
0x3e: {  	s17 =	sshll.u32 s17, $0x9  }
0x3f: {  	s18 =	sor.u32 $0x2, s16;
	s17 =	sshra.s32 s17, $0x2  }
0x40: {  	[tilespmem:s31], [sflag:$0x2] =	stream.indirect.gather [hbm4b:s2+s20], $0x10, s17, s20, $0xb8;
	[tilespmem:$0x1D400] =	vst v63  }
0x41: {  	s17 =	smin.u32 s18, $0x4E1  }
0x42: {  	s17 =	ssub.s32 s17, s5  }
0x43: {  	s17 =	sshll.u32 s17, $0x9  }
0x44: {  	s19 =	sor.u32 $0x3, s16;
	s17 =	sshra.s32 s17, $0x2  }
0x45: {  	[tilespmem:s1], [sflag:$0x2] =	stream.indirect.gather [hbm4b:s2+s20], $0x10, s17, s20, $0xb8;
	[tilespmem:$0x1D400] =	vst v63  }
0x46: {  	s17 =	smin.u32 s19, $0x4E1  }
0x47: {  	s17 =	ssub.s32 s17, s5  }
0x48: {  	s17 =	sshll.u32 s17, $0x9  }
0x49: {  	s12 =	sor.u32 $0x4, s16;
	s17 =	sshra.s32 s17, $0x2  }
0x4a: {  	[tilespmem:s0], [sflag:$0x2] =	stream.indirect.gather [hbm4b:s2+s20], $0x10, s17, s20, $0xb8;
	[tilespmem:$0x1D400] =	vst v63  }
0x4b: {  	s17 =	smin.u32 s12, $0x4E1  }
0x4c: {  	s17 =	ssub.s32 s17, s5  }
0x4d: {  	s17 =	sshll.u32 s17, $0x9  }
0x4e: {  	s18 =	sor.u32 $0x5, s16;
	s17 =	sshra.s32 s17, $0x2  }
0x4f: {  	[tilespmem:s6], [sflag:$0x2] =	stream.indirect.gather [hbm4b:s2+s20], $0x10, s17, s20, $0xb8;
	[tilespmem:$0x1D400] =	vst v63  }
0x50: {  	s17 =	smin.u32 s18, $0x4E1  }
0x51: {  	s17 =	ssub.s32 s17, s5  }
0x52: {  	s17 =	sshll.u32 s17, $0x9  }
0x53: {  	s19 =	sor.u32 $0x6, s16;
	s17 =	sshra.s32 s17, $0x2  }
0x54: {  	[tilespmem:s7], [sflag:$0x2] =	stream.indirect.gather [hbm4b:s2+s20], $0x10, s17, s20, $0xb8;
	[tilespmem:$0x1D400] =	vst v63  }
0x55: {  	s16 =	sor.u32 $0x7, s16;
	s17 =	smin.u32 s19, $0x4E1  }
0x56: {  	s16 =	smin.u32 s16, $0x4E1;
	s17 =	ssub.s32 s17, s5  }
0x57: {  	s16 =	ssub.s32 s16, s5;
	s12 =	simm.s32 $0x0;
	s17 =	sshll.u32 s17, $0x9  }
0x58: {  	s16 =	sshll.u32 s16, $0x9;
	v1 =	vmov s12;
	s17 =	sshra.s32 s17, $0x2  }
0x59: {  	v1 =	vshll.u32 v1, $0x4;
	[tilespmem:s8], [sflag:$0x2] =	stream.indirect.gather [hbm4b:s2+s20], $0x10, s17, s20, $0xb8;
	[tilespmem:$0x1D400] =	vst v63  }
0x5a: {  	s16 =	sshra.s32 s16, $0x2;
	v1 =	vor.u32 v0, v1  }
0x5b: {  	[tilespmem:s9], [sflag:$0x2] =	stream.indirect.gather [hbm4b:s2+s20], $0x10, s16, s20, $0xb8;
	[tilespmem:$0x1D400] =	vst v63  }
0x5c: {  	_ =	swait.ge [sflag:s10], $0x4000  }
0x5d: {  	[sflag:s10] =	ssyncset.done $0x0  }
0x5e: {  	[sflag:s10] =	ssyncadd.s32 $0xFFFFC000  }
0x5f: {  	s18 =	sshll.u32 s4, $0xE;
	v2 =	vld.idx.msk [tilespmem:v1+s21+$0x0], $0xffff  }
0x60: {  	v3 =	vor.u32 $0x1, v1;
	s4 =	sand.u32 $0x3FFFC000, s18  }
0x61: {  	s19 =	sand.u32 $0x1C00, s12;
	s16 =	sadd.s32 $0x9400, s4  }
0x62: {  	s17 =	sand.u32 $0x70, s12;
	s4 =	sadd.s32 s19, s16  }
0x63: {  	s17 =	sadd.s32 s17, s4  }
0x64: {  	[tilespmem:s17+$0x0] =	vst v2  }
0x65: {  	v2 =	vld.idx.msk [tilespmem:v3+s21+$0x0], $0xffff  }
0x66: {  	v3 =	vor.u32 $0x2, v1;
	_ =	sdelay $0x3  }
0x67: {  	[tilespmem:s17+$0x80] =	vst v2  }
0x68: {  	v2 =	vld.idx.msk [tilespmem:v3+s21+$0x0], $0xffff  }
0x69: {  	v3 =	vor.u32 $0x3, v1;
	_ =	sdelay $0x3  }
0x6a: {  	[tilespmem:s17+$0x100] =	vst v2  }
0x6b: {  	v2 =	vld.idx.msk [tilespmem:v3+s21+$0x0], $0xffff  }
0x6c: {  	v3 =	vor.u32 $0x4, v1;
	_ =	sdelay $0x3  }
0x6d: {  	[tilespmem:s17+$0x180] =	vst v2  }
0x6e: {  	v2 =	vld.idx.msk [tilespmem:v3+s21+$0x0], $0xffff  }
0x6f: {  	v3 =	vor.u32 $0x5, v1;
	_ =	sdelay $0x3  }
0x70: {  	[tilespmem:s17+$0x200] =	vst v2  }
0x71: {  	v2 =	vld.idx.msk [tilespmem:v3+s21+$0x0], $0xffff  }
0x72: {  	v3 =	vor.u32 $0x6, v1;
	_ =	sdelay $0x3  }
0x73: {  	[tilespmem:s17+$0x280] =	vst v2  }
0x74: {  	v2 =	vld.idx.msk [tilespmem:v3+s21+$0x0], $0xffff  }
0x75: {  	v3 =	vor.u32 $0x7, v1;
	_ =	sdelay $0x3  }
0x76: {  	[tilespmem:s17+$0x300] =	vst v2  }
0x77: {  	v2 =	vld.idx.msk [tilespmem:v3+s21+$0x0], $0xffff  }
0x78: {  	v3 =	vor.u32 $0x8, v1;
	_ =	sdelay $0x3  }
0x79: {  	[tilespmem:s17+$0x380] =	vst v2  }
0x7a: {  	v2 =	vld.idx.msk [tilespmem:v3+s21+$0x0], $0xffff  }
0x7b: {  	v3 =	vor.u32 $0x9, v1;
	_ =	sdelay $0x3  }
0x7c: {  	[tilespmem:s17+$0xA000] =	vst v2  }
0x7d: {  	v2 =	vld.idx.msk [tilespmem:v3+s21+$0x0], $0xffff  }
0x7e: {  	v3 =	vor.u32 $0xA, v1;
	_ =	sdelay $0x3  }
0x7f: {  	[tilespmem:s17+$0xA080] =	vst v2  }
0x80: {  	v2 =	vld.idx.msk [tilespmem:v3+s21+$0x0], $0xffff  }
0x81: {  	v3 =	vor.u32 $0xB, v1;
	_ =	sdelay $0x3  }
0x82: {  	[tilespmem:s17+$0xA100] =	vst v2  }
0x83: {  	v2 =	vld.idx.msk [tilespmem:v3+s21+$0x0], $0xffff  }
0x84: {  	v3 =	vor.u32 $0xC, v1;
	_ =	sdelay $0x3  }
0x85: {  	[tilespmem:s17+$0xA180] =	vst v2  }
0x86: {  	v2 =	vld.idx.msk [tilespmem:v3+s21+$0x0], $0xffff  }
0x87: {  	v3 =	vor.u32 $0xD, v1;
	_ =	sdelay $0x3  }
0x88: {  	[tilespmem:s17+$0xA200] =	vst v2  }
0x89: {  	v2 =	vld.idx.msk [tilespmem:v3+s21+$0x0], $0xffff  }
0x8a: {  	v3 =	vor.u32 $0xE, v1;
	_ =	sdelay $0x3  }
0x8b: {  	[tilespmem:s17+$0xA280] =	vst v2  }
0x8c: {  	v2 =	vld.idx.msk [tilespmem:v3+s21+$0x0], $0xffff  }
0x8d: {  	v3 =	vor.u32 $0xF, v1;
	_ =	sdelay $0x3  }
0x8e: {  	s18 =	simm.s32 $0x10;
	[tilespmem:s17+$0xA300] =	vst v2  }
0x8f: {  	p0 =	por p1, p1;
	s19 =	simm.s32 $0x100;
	s4 =	simm.s32 $0x80;
	v1 =	vmov s18;
	v2 =	vld.idx.msk [tilespmem:v3+s21+$0x0], $0xffff  }
.LBB2_3:
0x90: {  	p1 =	sne.s32 s19, $0x1F80;
	v1 =	vshll.u32 v1, $0x4  }
0x91: {  	v1 =	vor.u32 v0, v1;
	_ =	sdelay $0x3  }
0x92: {  	[tilespmem:s17+$0xA380] =	vst v2  }
0x93: {  	v2 =	vld.idx.msk [tilespmem:v1+s21+$0x0], $0xffff;
	_ =	sdelay $0x1  }
0x94: {  	v3 =	vor.u32 $0x1, v1  }
0x95: {  	s17 =	sand.u32 $0x1C00, s4;
	s4 =	smov.u32 s19  }
0x96: {  	s12 =	sand.u32 $0x70, s18;
	s17 =	sadd.s32 s17, s16  }
0x97: {  	s17 =	sadd.s32 s12, s17  }
0x98: {  	[tilespmem:s17+$0x0] =	vst v2  }
0x99: {  	v2 =	vld.idx.msk [tilespmem:v3+s21+$0x0], $0xffff;
	_ =	sdelay $0x1  }
0x9a: {  	v3 =	vor.u32 $0x2, v1;
	_ =	sdelay $0x3  }
0x9b: {  	[tilespmem:s17+$0x80] =	vst v2  }
0x9c: {  	v2 =	vld.idx.msk [tilespmem:v3+s21+$0x0], $0xffff;
	_ =	sdelay $0x1  }
0x9d: {  	v3 =	vor.u32 $0x3, v1;
	_ =	sdelay $0x3  }
0x9e: {  	[tilespmem:s17+$0x100] =	vst v2  }
0x9f: {  	v2 =	vld.idx.msk [tilespmem:v3+s21+$0x0], $0xffff;
	_ =	sdelay $0x1  }
0xa0: {  	v3 =	vor.u32 $0x4, v1;
	_ =	sdelay $0x3  }
0xa1: {  	[tilespmem:s17+$0x180] =	vst v2  }
0xa2: {  	v2 =	vld.idx.msk [tilespmem:v3+s21+$0x0], $0xffff;
	_ =	sdelay $0x1  }
0xa3: {  	v3 =	vor.u32 $0x5, v1;
	_ =	sdelay $0x3  }
0xa4: {  	[tilespmem:s17+$0x200] =	vst v2  }
0xa5: {  	v2 =	vld.idx.msk [tilespmem:v3+s21+$0x0], $0xffff;
	_ =	sdelay $0x1  }
0xa6: {  	v3 =	vor.u32 $0x6, v1;
	_ =	sdelay $0x3  }
0xa7: {  	[tilespmem:s17+$0x280] =	vst v2  }
0xa8: {  	v2 =	vld.idx.msk [tilespmem:v3+s21+$0x0], $0xffff;
	_ =	sdelay $0x1  }
0xa9: {  	v3 =	vor.u32 $0x7, v1;
	_ =	sdelay $0x3  }
0xaa: {  	[tilespmem:s17+$0x300] =	vst v2  }
0xab: {  	v2 =	vld.idx.msk [tilespmem:v3+s21+$0x0], $0xffff;
	_ =	sdelay $0x1  }
0xac: {  	v3 =	vor.u32 $0x8, v1;
	_ =	sdelay $0x3  }
0xad: {  	[tilespmem:s17+$0x380] =	vst v2  }
0xae: {  	v2 =	vld.idx.msk [tilespmem:v3+s21+$0x0], $0xffff;
	_ =	sdelay $0x1  }
0xaf: {  	v3 =	vor.u32 $0x9, v1;
	_ =	sdelay $0x3  }
0xb0: {  	[tilespmem:s17+$0xA000] =	vst v2  }
0xb1: {  	v2 =	vld.idx.msk [tilespmem:v3+s21+$0x0], $0xffff;
	_ =	sdelay $0x1  }
0xb2: {  	v3 =	vor.u32 $0xA, v1;
	_ =	sdelay $0x3  }
0xb3: {  	[tilespmem:s17+$0xA080] =	vst v2  }
0xb4: {  	v2 =	vld.idx.msk [tilespmem:v3+s21+$0x0], $0xffff;
	_ =	sdelay $0x1  }
0xb5: {  	v3 =	vor.u32 $0xB, v1;
	_ =	sdelay $0x3  }
0xb6: {  	[tilespmem:s17+$0xA100] =	vst v2  }
0xb7: {  	v2 =	vld.idx.msk [tilespmem:v3+s21+$0x0], $0xffff;
	_ =	sdelay $0x1  }
0xb8: {  	v3 =	vor.u32 $0xC, v1;
	_ =	sdelay $0x3  }
0xb9: {  	[tilespmem:s17+$0xA180] =	vst v2  }
0xba: {  	v2 =	vld.idx.msk [tilespmem:v3+s21+$0x0], $0xffff;
	_ =	sdelay $0x1  }
0xbb: {  	v3 =	vor.u32 $0xD, v1;
	_ =	sdelay $0x3  }
0xbc: {  	[tilespmem:s17+$0xA200] =	vst v2  }
0xbd: {  	v2 =	vld.idx.msk [tilespmem:v3+s21+$0x0], $0xffff;
	_ =	sdelay $0x1  }
0xbe: {  	v3 =	vor.u32 $0xE, v1;
	_ =	sdelay $0x3  }
0xbf: {  	[tilespmem:s17+$0xA280] =	vst v2  }
0xc0: {  	v2 =	vld.idx.msk [tilespmem:v3+s21+$0x0], $0xffff;
	_ =	sdelay $0x1  }
0xc1: {  	v3 =	vor.u32 $0xF, v1  }
.Ltmp0:
0xc2: {  	(pc) =	sbr.rel @p1 .LBB2_3-.Ltmp0, $3  }
0xc3: {  	_ =	sdelay $0x1  }
0xc4: {  	s18 =	sadd.s32 $0x10, s18;
	[tilespmem:s17+$0xA300] =	vst v2  }
0xc5: {  	s19 =	sadd.s32 $0x80, s19;
	v1 =	vmov s18;
	v2 =	vld.idx.msk [tilespmem:v3+s21+$0x0], $0xffff  }
0xc6: {  	v1 =	vshll.u32 v1, $0x4  }
0xc7: {  	v1 =	vor.u32 v0, v1;
	_ =	sdelay $0x3  }
0xc8: {  	[tilespmem:s17+$0xA380] =	vst v2  }
0xc9: {  	v2 =	vld.idx.msk [tilespmem:v1+s21+$0x0], $0xffff  }
0xca: {  	v3 =	vor.u32 $0x1, v1  }
0xcb: {  	s4 =	sand.u32 $0x1C00, s4  }
0xcc: {  	s12 =	sand.u32 $0x70, s18;
	s4 =	sadd.s32 s4, s16  }
0xcd: {  	s4 =	sadd.s32 s12, s4  }
0xce: {  	[tilespmem:s4+$0x0] =	vst v2  }
0xcf: {  	v2 =	vld.idx.msk [tilespmem:v3+s21+$0x0], $0xffff  }
0xd0: {  	v3 =	vor.u32 $0x2, v1;
	_ =	sdelay $0x3  }
0xd1: {  	[tilespmem:s4+$0x80] =	vst v2  }
0xd2: {  	v2 =	vld.idx.msk [tilespmem:v3+s21+$0x0], $0xffff  }
0xd3: {  	v3 =	vor.u32 $0x3, v1;
	_ =	sdelay $0x3  }
0xd4: {  	[tilespmem:s4+$0x100] =	vst v2  }
0xd5: {  	v2 =	vld.idx.msk [tilespmem:v3+s21+$0x0], $0xffff  }
0xd6: {  	v3 =	vor.u32 $0x4, v1;
	_ =	sdelay $0x3  }
0xd7: {  	[tilespmem:s4+$0x180] =	vst v2  }
0xd8: {  	v2 =	vld.idx.msk [tilespmem:v3+s21+$0x0], $0xffff  }
0xd9: {  	v3 =	vor.u32 $0x5, v1;
	_ =	sdelay $0x3  }
0xda: {  	[tilespmem:s4+$0x200] =	vst v2  }
0xdb: {  	v2 =	vld.idx.msk [tilespmem:v3+s21+$0x0], $0xffff  }
0xdc: {  	v3 =	vor.u32 $0x6, v1;
	_ =	sdelay $0x3  }
0xdd: {  	[tilespmem:s4+$0x280] =	vst v2  }
0xde: {  	v2 =	vld.idx.msk [tilespmem:v3+s21+$0x0], $0xffff  }
0xdf: {  	v3 =	vor.u32 $0x7, v1;
	_ =	sdelay $0x3  }
0xe0: {  	[tilespmem:s4+$0x300] =	vst v2  }
0xe1: {  	v2 =	vld.idx.msk [tilespmem:v3+s21+$0x0], $0xffff  }
0xe2: {  	v3 =	vor.u32 $0x8, v1;
	_ =	sdelay $0x3  }
0xe3: {  	[tilespmem:s4+$0x380] =	vst v2  }
0xe4: {  	v2 =	vld.idx.msk [tilespmem:v3+s21+$0x0], $0xffff  }
0xe5: {  	v3 =	vor.u32 $0x9, v1;
	_ =	sdelay $0x3  }
0xe6: {  	[tilespmem:s4+$0xA000] =	vst v2  }
0xe7: {  	v2 =	vld.idx.msk [tilespmem:v3+s21+$0x0], $0xffff  }
0xe8: {  	v3 =	vor.u32 $0xA, v1;
	_ =	sdelay $0x3  }
0xe9: {  	[tilespmem:s4+$0xA080] =	vst v2  }
0xea: {  	v2 =	vld.idx.msk [tilespmem:v3+s21+$0x0], $0xffff  }
0xeb: {  	v3 =	vor.u32 $0xB, v1;
	_ =	sdelay $0x3  }
0xec: {  	[tilespmem:s4+$0xA100] =	vst v2  }
0xed: {  	v2 =	vld.idx.msk [tilespmem:v3+s21+$0x0], $0xffff  }
0xee: {  	v3 =	vor.u32 $0xC, v1;
	_ =	sdelay $0x3  }
0xef: {  	[tilespmem:s4+$0xA180] =	vst v2  }
0xf0: {  	v2 =	vld.idx.msk [tilespmem:v3+s21+$0x0], $0xffff  }
0xf1: {  	v3 =	vor.u32 $0xD, v1;
	_ =	sdelay $0x3  }
0xf2: {  	[tilespmem:s4+$0xA200] =	vst v2  }
0xf3: {  	v2 =	vld.idx.msk [tilespmem:v3+s21+$0x0], $0xffff  }
0xf4: {  	v3 =	vor.u32 $0xE, v1;
	_ =	sdelay $0x3  }
0xf5: {  	[tilespmem:s4+$0xA280] =	vst v2  }
0xf6: {  	v2 =	vld.idx.msk [tilespmem:v3+s21+$0x0], $0xffff  }
0xf7: {  	v1 =	vor.u32 $0xF, v1;
	_ =	sdelay $0x3  }
0xf8: {  	[tilespmem:s4+$0xA300] =	vst v2  }
0xf9: {  	v1 =	vld.idx.msk [tilespmem:v1+s21+$0x0], $0xffff  }
0xfa: {  	s12 =	sadd.s32 s14, s15  }
0xfb: {  	s14 =	smin.u32 s12, $0x4E1  }
0xfc: {  	s14 =	ssub.s32 s14, s5  }
0xfd: {  	s16 =	sor.u32 $0x1, s12;
	s14 =	sshll.u32 s14, $0x9  }
0xfe: {  	s14 =	sshra.s32 s14, $0x2;
	[tilespmem:s4+$0xA380] =	vst v1;
	s4 =	smin.u32 s16, $0x4E1  }
0xff: {  	[tilespmem:s21], [sflag:$0x1] =	stream.indirect.gather [hbm4b:s2+s20], $0x10, s14, s20, $0xb8;
	[tilespmem:$0x1D400] =	vst v63  }
0x100: {  	s4 =	ssub.s32 s4, s5  }
0x101: {  	s4 =	sshll.u32 s4, $0x9  }
0x102: {  	s17 =	sor.u32 $0x2, s12;
	s4 =	sshra.s32 s4, $0x2  }
0x103: {  	[tilespmem:s22], [sflag:$0x1] =	stream.indirect.gather [hbm4b:s2+s20], $0x10, s4, s20, $0xb8;
	[tilespmem:$0x1D400] =	vst v63  }
0x104: {  	s4 =	smin.u32 s17, $0x4E1  }
0x105: {  	s4 =	ssub.s32 s4, s5  }
0x106: {  	s4 =	sshll.u32 s4, $0x9  }
0x107: {  	s18 =	sor.u32 $0x3, s12;
	s4 =	sshra.s32 s4, $0x2  }
0x108: {  	[tilespmem:s23], [sflag:$0x1] =	stream.indirect.gather [hbm4b:s2+s20], $0x10, s4, s20, $0xb8;
	[tilespmem:$0x1D400] =	vst v63  }
0x109: {  	s4 =	smin.u32 s18, $0x4E1  }
0x10a: {  	s4 =	ssub.s32 s4, s5  }
0x10b: {  	s4 =	sshll.u32 s4, $0x9  }
0x10c: {  	s19 =	sor.u32 $0x4, s12;
	s4 =	sshra.s32 s4, $0x2  }
0x10d: {  	[tilespmem:s24], [sflag:$0x1] =	stream.indirect.gather [hbm4b:s2+s20], $0x10, s4, s20, $0xb8;
	[tilespmem:$0x1D400] =	vst v63  }
0x10e: {  	s4 =	smin.u32 s19, $0x4E1  }
0x10f: {  	s4 =	ssub.s32 s4, s5  }
0x110: {  	s4 =	sshll.u32 s4, $0x9  }
0x111: {  	s14 =	sor.u32 $0x5, s12;
	s4 =	sshra.s32 s4, $0x2  }
0x112: {  	[tilespmem:s25], [sflag:$0x1] =	stream.indirect.gather [hbm4b:s2+s20], $0x10, s4, s20, $0xb8;
	[tilespmem:$0x1D400] =	vst v63  }
0x113: {  	s4 =	smin.u32 s14, $0x4E1  }
0x114: {  	s4 =	ssub.s32 s4, s5  }
0x115: {  	s4 =	sshll.u32 s4, $0x9  }
0x116: {  	s16 =	sor.u32 $0x6, s12;
	s4 =	sshra.s32 s4, $0x2  }
0x117: {  	[tilespmem:s26], [sflag:$0x1] =	stream.indirect.gather [hbm4b:s2+s20], $0x10, s4, s20, $0xb8;
	[tilespmem:$0x1D400] =	vst v63  }
0x118: {  	s4 =	smin.u32 s16, $0x4E1  }
0x119: {  	s4 =	ssub.s32 s4, s5  }
0x11a: {  	s4 =	sshll.u32 s4, $0x9  }
0x11b: {  	s17 =	sor.u32 $0x7, s12;
	s4 =	sshra.s32 s4, $0x2  }
0x11c: {  	[tilespmem:s28], [sflag:$0x1] =	stream.indirect.gather [hbm4b:s2+s20], $0x10, s4, s20, $0xb8;
	[tilespmem:$0x1D400] =	vst v63  }
0x11d: {  	s18 =	simm.s32 $0x0;
	s4 =	smin.u32 s17, $0x4E1  }
0x11e: {  	v1 =	vmov s18;
	s4 =	ssub.s32 s4, s5  }
0x11f: {  	v1 =	vshll.u32 v1, $0x4;
	s4 =	sshll.u32 s4, $0x9  }
0x120: {  	v1 =	vor.u32 v0, v1;
	s4 =	sshra.s32 s4, $0x2  }
0x121: {  	[tilespmem:s29], [sflag:$0x1] =	stream.indirect.gather [hbm4b:s2+s20], $0x10, s4, s20, $0xb8;
	[tilespmem:$0x1D400] =	vst v63  }
0x122: {  	_ =	swait.ge [sflag:s11], $0x4000  }
0x123: {  	[sflag:s11] =	ssyncset.done $0x0  }
0x124: {  	[sflag:s11] =	ssyncadd.s32 $0xFFFFC000  }
0x125: {  	v2 =	vld.idx.msk [tilespmem:v1+s30+$0x0], $0xffff  }
0x126: {  	s19 =	sadd.s32 $0x0, s13;
	v3 =	vor.u32 $0x1, v1  }
0x127: {  	s4 =	sshll.u32 s19, $0xA  }
0x128: {  	s12 =	sand.u32 $0x70, s18;
	s4 =	sand.u32 $0x3FFFFC00, s4  }
0x129: {  	s14 =	sor.u32 s12, s4  }
0x12a: {  	[tilespmem:s14+$0x9400] =	vst v2  }
0x12b: {  	v2 =	vld.idx.msk [tilespmem:v3+s30+$0x0], $0xffff  }
0x12c: {  	v3 =	vor.u32 $0x2, v1;
	_ =	sdelay $0x3  }
0x12d: {  	[tilespmem:s14+$0x9480] =	vst v2  }
0x12e: {  	v2 =	vld.idx.msk [tilespmem:v3+s30+$0x0], $0xffff  }
0x12f: {  	v3 =	vor.u32 $0x3, v1;
	_ =	sdelay $0x3  }
0x130: {  	[tilespmem:s14+$0x9500] =	vst v2  }
0x131: {  	v2 =	vld.idx.msk [tilespmem:v3+s30+$0x0], $0xffff  }
0x132: {  	v3 =	vor.u32 $0x4, v1;
	_ =	sdelay $0x3  }
0x133: {  	[tilespmem:s14+$0x9580] =	vst v2  }
0x134: {  	v2 =	vld.idx.msk [tilespmem:v3+s30+$0x0], $0xffff  }
0x135: {  	v3 =	vor.u32 $0x5, v1;
	_ =	sdelay $0x3  }
0x136: {  	[tilespmem:s14+$0x9600] =	vst v2  }
0x137: {  	v2 =	vld.idx.msk [tilespmem:v3+s30+$0x0], $0xffff  }
0x138: {  	v3 =	vor.u32 $0x6, v1;
	_ =	sdelay $0x3  }
0x139: {  	[tilespmem:s14+$0x9680] =	vst v2  }
0x13a: {  	v2 =	vld.idx.msk [tilespmem:v3+s30+$0x0], $0xffff  }
0x13b: {  	v3 =	vor.u32 $0x7, v1;
	_ =	sdelay $0x3  }
0x13c: {  	[tilespmem:s14+$0x9700] =	vst v2  }
0x13d: {  	v2 =	vld.idx.msk [tilespmem:v3+s30+$0x0], $0xffff  }
0x13e: {  	v3 =	vor.u32 $0x8, v1;
	_ =	sdelay $0x3  }
0x13f: {  	[tilespmem:s14+$0x9780] =	vst v2  }
0x140: {  	v2 =	vld.idx.msk [tilespmem:v3+s30+$0x0], $0xffff  }
0x141: {  	v3 =	vor.u32 $0x9, v1;
	_ =	sdelay $0x3  }
0x142: {  	[tilespmem:s14+$0x13400] =	vst v2  }
0x143: {  	v2 =	vld.idx.msk [tilespmem:v3+s30+$0x0], $0xffff  }
0x144: {  	v3 =	vor.u32 $0xA, v1;
	_ =	sdelay $0x3  }
0x145: {  	[tilespmem:s14+$0x13480] =	vst v2  }
0x146: {  	v2 =	vld.idx.msk [tilespmem:v3+s30+$0x0], $0xffff  }
0x147: {  	v3 =	vor.u32 $0xB, v1;
	_ =	sdelay $0x3  }
0x148: {  	[tilespmem:s14+$0x13500] =	vst v2  }
0x149: {  	v2 =	vld.idx.msk [tilespmem:v3+s30+$0x0], $0xffff  }
0x14a: {  	v3 =	vor.u32 $0xC, v1;
	_ =	sdelay $0x3  }
0x14b: {  	[tilespmem:s14+$0x13580] =	vst v2  }
0x14c: {  	v2 =	vld.idx.msk [tilespmem:v3+s30+$0x0], $0xffff  }
0x14d: {  	v3 =	vor.u32 $0xD, v1;
	_ =	sdelay $0x3  }
0x14e: {  	[tilespmem:s14+$0x13600] =	vst v2  }
0x14f: {  	v2 =	vld.idx.msk [tilespmem:v3+s30+$0x0], $0xffff  }
0x150: {  	v3 =	vor.u32 $0xE, v1;
	_ =	sdelay $0x3  }
0x151: {  	[tilespmem:s14+$0x13680] =	vst v2  }
0x152: {  	v2 =	vld.idx.msk [tilespmem:v3+s30+$0x0], $0xffff  }
0x153: {  	v3 =	vor.u32 $0xF, v1;
	_ =	sdelay $0x3  }
0x154: {  	s16 =	simm.s32 $0x10;
	[tilespmem:s14+$0x13700] =	vst v2  }
0x155: {  	s17 =	simm.s32 $0x1;
	s4 =	simm.s32 $0x2;
	v1 =	vmov s16;
	v2 =	vld.idx.msk [tilespmem:v3+s30+$0x0], $0xffff  }
.LBB2_5:
0x156: {  	p1 =	sne.s32 s4, $0x3F;
	v1 =	vshll.u32 v1, $0x4  }
0x157: {  	v1 =	vor.u32 v0, v1;
	_ =	sdelay $0x3  }
0x158: {  	[tilespmem:s14+$0x13780] =	vst v2  }
0x159: {  	v2 =	vld.idx.msk [tilespmem:v1+s30+$0x0], $0xffff  }
0x15a: {  	s12 =	sshrl.u32 s17, $0x3;
	s17 =	smov.u32 s4  }
0x15b: {  	s12 =	sadd.s32 s13, s12;
	v3 =	vor.u32 $0x1, v1  }
0x15c: {  	s12 =	sshll.u32 s12, $0xA  }
0x15d: {  	s12 =	sand.u32 $0x3FFFFC00, s12;
	s14 =	sand.u32 $0x70, s16  }
0x15e: {  	s14 =	sor.u32 s14, s12  }
0x15f: {  	[tilespmem:s14+$0x9400] =	vst v2  }
0x160: {  	v2 =	vld.idx.msk [tilespmem:v3+s30+$0x0], $0xffff;
	_ =	sdelay $0x1  }
0x161: {  	v3 =	vor.u32 $0x2, v1;
	_ =	sdelay $0x3  }
0x162: {  	[tilespmem:s14+$0x9480] =	vst v2  }
0x163: {  	v2 =	vld.idx.msk [tilespmem:v3+s30+$0x0], $0xffff;
	_ =	sdelay $0x1  }
0x164: {  	v3 =	vor.u32 $0x3, v1;
	_ =	sdelay $0x3  }
0x165: {  	[tilespmem:s14+$0x9500] =	vst v2  }
0x166: {  	v2 =	vld.idx.msk [tilespmem:v3+s30+$0x0], $0xffff;
	_ =	sdelay $0x1  }
0x167: {  	v3 =	vor.u32 $0x4, v1;
	_ =	sdelay $0x3  }
0x168: {  	[tilespmem:s14+$0x9580] =	vst v2  }
0x169: {  	v2 =	vld.idx.msk [tilespmem:v3+s30+$0x0], $0xffff;
	_ =	sdelay $0x1  }
0x16a: {  	v3 =	vor.u32 $0x5, v1;
	_ =	sdelay $0x3  }
0x16b: {  	[tilespmem:s14+$0x9600] =	vst v2  }
0x16c: {  	v2 =	vld.idx.msk [tilespmem:v3+s30+$0x0], $0xffff;
	_ =	sdelay $0x1  }
0x16d: {  	v3 =	vor.u32 $0x6, v1;
	_ =	sdelay $0x3  }
0x16e: {  	[tilespmem:s14+$0x9680] =	vst v2  }
0x16f: {  	v2 =	vld.idx.msk [tilespmem:v3+s30+$0x0], $0xffff;
	_ =	sdelay $0x1  }
0x170: {  	v3 =	vor.u32 $0x7, v1;
	_ =	sdelay $0x3  }
0x171: {  	[tilespmem:s14+$0x9700] =	vst v2  }
0x172: {  	v2 =	vld.idx.msk [tilespmem:v3+s30+$0x0], $0xffff;
	_ =	sdelay $0x1  }
0x173: {  	v3 =	vor.u32 $0x8, v1;
	_ =	sdelay $0x3  }
0x174: {  	[tilespmem:s14+$0x9780] =	vst v2  }
0x175: {  	v2 =	vld.idx.msk [tilespmem:v3+s30+$0x0], $0xffff;
	_ =	sdelay $0x1  }
0x176: {  	v3 =	vor.u32 $0x9, v1;
	_ =	sdelay $0x3  }
0x177: {  	[tilespmem:s14+$0x13400] =	vst v2  }
0x178: {  	v2 =	vld.idx.msk [tilespmem:v3+s30+$0x0], $0xffff;
	_ =	sdelay $0x1  }
0x179: {  	v3 =	vor.u32 $0xA, v1;
	_ =	sdelay $0x3  }
0x17a: {  	[tilespmem:s14+$0x13480] =	vst v2  }
0x17b: {  	v2 =	vld.idx.msk [tilespmem:v3+s30+$0x0], $0xffff;
	_ =	sdelay $0x1  }
0x17c: {  	v3 =	vor.u32 $0xB, v1;
	_ =	sdelay $0x3  }
0x17d: {  	[tilespmem:s14+$0x13500] =	vst v2  }
0x17e: {  	v2 =	vld.idx.msk [tilespmem:v3+s30+$0x0], $0xffff;
	_ =	sdelay $0x1  }
0x17f: {  	v3 =	vor.u32 $0xC, v1;
	_ =	sdelay $0x3  }
0x180: {  	[tilespmem:s14+$0x13580] =	vst v2  }
0x181: {  	v2 =	vld.idx.msk [tilespmem:v3+s30+$0x0], $0xffff;
	_ =	sdelay $0x1  }
0x182: {  	v3 =	vor.u32 $0xD, v1;
	_ =	sdelay $0x3  }
0x183: {  	[tilespmem:s14+$0x13600] =	vst v2  }
0x184: {  	v2 =	vld.idx.msk [tilespmem:v3+s30+$0x0], $0xffff;
	_ =	sdelay $0x1  }
0x185: {  	v3 =	vor.u32 $0xE, v1;
	_ =	sdelay $0x3  }
0x186: {  	[tilespmem:s14+$0x13680] =	vst v2  }
0x187: {  	v2 =	vld.idx.msk [tilespmem:v3+s30+$0x0], $0xffff;
	_ =	sdelay $0x1  }
0x188: {  	v3 =	vor.u32 $0xF, v1  }
.Ltmp1:
0x189: {  	(pc) =	sbr.rel @p1 .LBB2_5-.Ltmp1, $3  }
0x18a: {  	_ =	sdelay $0x1  }
0x18b: {  	s16 =	sadd.s32 $0x10, s16;
	[tilespmem:s14+$0x13700] =	vst v2  }
0x18c: {  	s4 =	sadd.s32 $0x1, s4;
	v1 =	vmov s16;
	v2 =	vld.idx.msk [tilespmem:v3+s30+$0x0], $0xffff  }
0x18d: {  	v1 =	vshll.u32 v1, $0x4  }
0x18e: {  	v1 =	vor.u32 v0, v1;
	_ =	sdelay $0x3  }
0x18f: {  	[tilespmem:s14+$0x13780] =	vst v2  }
0x190: {  	s4 =	sshrl.u32 s17, $0x3;
	v2 =	vld.idx.msk [tilespmem:v1+s30+$0x0], $0xffff  }
0x191: {  	s4 =	sadd.s32 s13, s4;
	v3 =	vor.u32 $0x1, v1  }
0x192: {  	s4 =	sshll.u32 s4, $0xA  }
0x193: {  	s12 =	sand.u32 $0x70, s16;
	s4 =	sand.u32 $0x3FFFFC00, s4  }
0x194: {  	s4 =	sor.u32 s12, s4  }
0x195: {  	[tilespmem:s4+$0x9400] =	vst v2  }
0x196: {  	v2 =	vld.idx.msk [tilespmem:v3+s30+$0x0], $0xffff  }
0x197: {  	v3 =	vor.u32 $0x2, v1;
	_ =	sdelay $0x3  }
0x198: {  	[tilespmem:s4+$0x9480] =	vst v2  }
0x199: {  	v2 =	vld.idx.msk [tilespmem:v3+s30+$0x0], $0xffff  }
0x19a: {  	v3 =	vor.u32 $0x3, v1;
	_ =	sdelay $0x3  }
0x19b: {  	[tilespmem:s4+$0x9500] =	vst v2  }
0x19c: {  	v2 =	vld.idx.msk [tilespmem:v3+s30+$0x0], $0xffff  }
0x19d: {  	v3 =	vor.u32 $0x4, v1;
	_ =	sdelay $0x3  }
0x19e: {  	[tilespmem:s4+$0x9580] =	vst v2  }
0x19f: {  	v2 =	vld.idx.msk [tilespmem:v3+s30+$0x0], $0xffff  }
0x1a0: {  	v3 =	vor.u32 $0x5, v1;
	_ =	sdelay $0x3  }
0x1a1: {  	[tilespmem:s4+$0x9600] =	vst v2  }
0x1a2: {  	v2 =	vld.idx.msk [tilespmem:v3+s30+$0x0], $0xffff  }
0x1a3: {  	v3 =	vor.u32 $0x6, v1;
	_ =	sdelay $0x3  }
0x1a4: {  	[tilespmem:s4+$0x9680] =	vst v2  }
0x1a5: {  	v2 =	vld.idx.msk [tilespmem:v3+s30+$0x0], $0xffff  }
0x1a6: {  	v3 =	vor.u32 $0x7, v1;
	_ =	sdelay $0x3  }
0x1a7: {  	[tilespmem:s4+$0x9700] =	vst v2  }
0x1a8: {  	v2 =	vld.idx.msk [tilespmem:v3+s30+$0x0], $0xffff  }
0x1a9: {  	v3 =	vor.u32 $0x8, v1;
	_ =	sdelay $0x3  }
0x1aa: {  	[tilespmem:s4+$0x9780] =	vst v2  }
0x1ab: {  	v2 =	vld.idx.msk [tilespmem:v3+s30+$0x0], $0xffff  }
0x1ac: {  	v3 =	vor.u32 $0x9, v1;
	_ =	sdelay $0x3  }
0x1ad: {  	[tilespmem:s4+$0x13400] =	vst v2  }
0x1ae: {  	v2 =	vld.idx.msk [tilespmem:v3+s30+$0x0], $0xffff  }
0x1af: {  	v3 =	vor.u32 $0xA, v1;
	_ =	sdelay $0x3  }
0x1b0: {  	[tilespmem:s4+$0x13480] =	vst v2  }
0x1b1: {  	v2 =	vld.idx.msk [tilespmem:v3+s30+$0x0], $0xffff  }
0x1b2: {  	v3 =	vor.u32 $0xB, v1;
	_ =	sdelay $0x3  }
0x1b3: {  	[tilespmem:s4+$0x13500] =	vst v2  }
0x1b4: {  	v2 =	vld.idx.msk [tilespmem:v3+s30+$0x0], $0xffff  }
0x1b5: {  	v3 =	vor.u32 $0xC, v1;
	_ =	sdelay $0x3  }
0x1b6: {  	[tilespmem:s4+$0x13580] =	vst v2  }
0x1b7: {  	v2 =	vld.idx.msk [tilespmem:v3+s30+$0x0], $0xffff  }
0x1b8: {  	v3 =	vor.u32 $0xD, v1;
	_ =	sdelay $0x3  }
0x1b9: {  	[tilespmem:s4+$0x13600] =	vst v2  }
0x1ba: {  	v2 =	vld.idx.msk [tilespmem:v3+s30+$0x0], $0xffff  }
0x1bb: {  	v3 =	vor.u32 $0xE, v1;
	_ =	sdelay $0x3  }
0x1bc: {  	[tilespmem:s4+$0x13680] =	vst v2  }
0x1bd: {  	v2 =	vld.idx.msk [tilespmem:v3+s30+$0x0], $0xffff  }
0x1be: {  	v1 =	vor.u32 $0xF, v1;
	_ =	sdelay $0x3  }
0x1bf: {  	[tilespmem:s4+$0x13700] =	vst v2  }
0x1c0: {  	v1 =	vld.idx.msk [tilespmem:v1+s30+$0x0], $0xffff  }
.Ltmp2:
0x1c1: {  	_ = 	snop;
	(pc) =	sbr.rel @p0 .LBB2_2-.Ltmp2, $2  }
0x1c2: {  	_ =	sdelay $0x2  }
0x1c3: {  	p1 =	por $0x0, $0x0;
	[tilespmem:s4+$0x13780] =	vst v1;
	s4 =	simm.s32 $0x1  }
0x1c4: {  	s4 =	simm.s32 $0x0  }
0x1c5: {  	v1 =	vmov s4  }
0x1c6: {  	v1 =	vshll.u32 v1, $0x4  }
0x1c7: {  	v1 =	vor.u32 v0, v1;
	_ =	sdelay $0x1  }
0x1c8: {  	_ =	swait.ge [sflag:s10], $0x4000  }
0x1c9: {  	[sflag:s10] =	ssyncset.done $0x0  }
0x1ca: {  	[sflag:s10] =	ssyncadd.s32 $0xFFFFC000  }
0x1cb: {  	v2 =	vld.idx.msk [tilespmem:v1+s21+$0x0], $0xffff  }
0x1cc: {  	v3 =	vor.u32 $0x1, v1;
	_ =	sdelay $0x1  }
0x1cd: {  	s12 =	sand.u32 $0x70, s4;
	s4 =	sand.u32 $0x1C00, s4  }
0x1ce: {  	s13 =	sor.u32 s12, s4  }
0x1cf: {  	[tilespmem:s13+$0x11400] =	vst v2  }
0x1d0: {  	v2 =	vld.idx.msk [tilespmem:v3+s21+$0x0], $0xffff  }
0x1d1: {  	v3 =	vor.u32 $0x2, v1;
	_ =	sdelay $0x3  }
0x1d2: {  	[tilespmem:s13+$0x11480] =	vst v2  }
0x1d3: {  	v2 =	vld.idx.msk [tilespmem:v3+s21+$0x0], $0xffff  }
0x1d4: {  	v3 =	vor.u32 $0x3, v1;
	_ =	sdelay $0x3  }
0x1d5: {  	[tilespmem:s13+$0x11500] =	vst v2  }
0x1d6: {  	v2 =	vld.idx.msk [tilespmem:v3+s21+$0x0], $0xffff  }
0x1d7: {  	v3 =	vor.u32 $0x4, v1;
	_ =	sdelay $0x3  }
0x1d8: {  	[tilespmem:s13+$0x11580] =	vst v2  }
0x1d9: {  	v2 =	vld.idx.msk [tilespmem:v3+s21+$0x0], $0xffff  }
0x1da: {  	v3 =	vor.u32 $0x5, v1;
	_ =	sdelay $0x3  }
0x1db: {  	[tilespmem:s13+$0x11600] =	vst v2  }
0x1dc: {  	v2 =	vld.idx.msk [tilespmem:v3+s21+$0x0], $0xffff  }
0x1dd: {  	v3 =	vor.u32 $0x6, v1;
	_ =	sdelay $0x3  }
0x1de: {  	[tilespmem:s13+$0x11680] =	vst v2  }
0x1df: {  	v2 =	vld.idx.msk [tilespmem:v3+s21+$0x0], $0xffff  }
0x1e0: {  	v3 =	vor.u32 $0x7, v1;
	_ =	sdelay $0x3  }
0x1e1: {  	[tilespmem:s13+$0x11700] =	vst v2  }
0x1e2: {  	v2 =	vld.idx.msk [tilespmem:v3+s21+$0x0], $0xffff  }
0x1e3: {  	v3 =	vor.u32 $0x8, v1;
	_ =	sdelay $0x3  }
0x1e4: {  	[tilespmem:s13+$0x11780] =	vst v2  }
0x1e5: {  	v2 =	vld.idx.msk [tilespmem:v3+s21+$0x0], $0xffff  }
0x1e6: {  	v3 =	vor.u32 $0x9, v1;
	_ =	sdelay $0x3  }
0x1e7: {  	[tilespmem:s13+$0x1B400] =	vst v2  }
0x1e8: {  	v2 =	vld.idx.msk [tilespmem:v3+s21+$0x0], $0xffff  }
0x1e9: {  	v3 =	vor.u32 $0xA, v1;
	_ =	sdelay $0x3  }
0x1ea: {  	[tilespmem:s13+$0x1B480] =	vst v2  }
0x1eb: {  	v2 =	vld.idx.msk [tilespmem:v3+s21+$0x0], $0xffff  }
0x1ec: {  	v3 =	vor.u32 $0xB, v1;
	_ =	sdelay $0x3  }
0x1ed: {  	[tilespmem:s13+$0x1B500] =	vst v2  }
0x1ee: {  	v2 =	vld.idx.msk [tilespmem:v3+s21+$0x0], $0xffff  }
0x1ef: {  	v3 =	vor.u32 $0xC, v1;
	_ =	sdelay $0x3  }
0x1f0: {  	[tilespmem:s13+$0x1B580] =	vst v2  }
0x1f1: {  	v2 =	vld.idx.msk [tilespmem:v3+s21+$0x0], $0xffff  }
0x1f2: {  	v3 =	vor.u32 $0xD, v1;
	_ =	sdelay $0x3  }
0x1f3: {  	[tilespmem:s13+$0x1B600] =	vst v2  }
0x1f4: {  	v2 =	vld.idx.msk [tilespmem:v3+s21+$0x0], $0xffff  }
0x1f5: {  	v3 =	vor.u32 $0xE, v1;
	_ =	sdelay $0x3  }
0x1f6: {  	[tilespmem:s13+$0x1B680] =	vst v2  }
0x1f7: {  	v2 =	vld.idx.msk [tilespmem:v3+s21+$0x0], $0xffff  }
0x1f8: {  	v3 =	vor.u32 $0xF, v1;
	_ =	sdelay $0x3  }
0x1f9: {  	s14 =	simm.s32 $0x10;
	[tilespmem:s13+$0x1B700] =	vst v2  }
0x1fa: {  	s16 =	simm.s32 $0x100;
	s4 =	simm.s32 $0x80;
	v1 =	vmov s14;
	v2 =	vld.idx.msk [tilespmem:v3+s21+$0x0], $0xffff  }
.LBB2_8:
0x1fb: {  	p0 =	sne.s32 s16, $0x1F80;
	v1 =	vshll.u32 v1, $0x4  }
0x1fc: {  	v1 =	vor.u32 v0, v1;
	_ =	sdelay $0x3  }
0x1fd: {  	[tilespmem:s13+$0x1B780] =	vst v2  }
0x1fe: {  	v2 =	vld.idx.msk [tilespmem:v1+s21+$0x0], $0xffff;
	_ =	sdelay $0x1  }
0x1ff: {  	v3 =	vor.u32 $0x1, v1;
	_ =	sdelay $0x1  }
0x200: {  	s12 =	sand.u32 $0x70, s14;
	s13 =	sand.u32 $0x1C00, s4;
	s4 =	smov.u32 s16  }
0x201: {  	s13 =	sor.u32 s12, s13  }
0x202: {  	[tilespmem:s13+$0x11400] =	vst v2  }
0x203: {  	v2 =	vld.idx.msk [tilespmem:v3+s21+$0x0], $0xffff;
	_ =	sdelay $0x1  }
0x204: {  	v3 =	vor.u32 $0x2, v1;
	_ =	sdelay $0x3  }
0x205: {  	[tilespmem:s13+$0x11480] =	vst v2  }
0x206: {  	v2 =	vld.idx.msk [tilespmem:v3+s21+$0x0], $0xffff;
	_ =	sdelay $0x1  }
0x207: {  	v3 =	vor.u32 $0x3, v1;
	_ =	sdelay $0x3  }
0x208: {  	[tilespmem:s13+$0x11500] =	vst v2  }
0x209: {  	v2 =	vld.idx.msk [tilespmem:v3+s21+$0x0], $0xffff;
	_ =	sdelay $0x1  }
0x20a: {  	v3 =	vor.u32 $0x4, v1;
	_ =	sdelay $0x3  }
0x20b: {  	[tilespmem:s13+$0x11580] =	vst v2  }
0x20c: {  	v2 =	vld.idx.msk [tilespmem:v3+s21+$0x0], $0xffff;
	_ =	sdelay $0x1  }
0x20d: {  	v3 =	vor.u32 $0x5, v1;
	_ =	sdelay $0x3  }
0x20e: {  	[tilespmem:s13+$0x11600] =	vst v2  }
0x20f: {  	v2 =	vld.idx.msk [tilespmem:v3+s21+$0x0], $0xffff;
	_ =	sdelay $0x1  }
0x210: {  	v3 =	vor.u32 $0x6, v1;
	_ =	sdelay $0x3  }
0x211: {  	[tilespmem:s13+$0x11680] =	vst v2  }
0x212: {  	v2 =	vld.idx.msk [tilespmem:v3+s21+$0x0], $0xffff;
	_ =	sdelay $0x1  }
0x213: {  	v3 =	vor.u32 $0x7, v1;
	_ =	sdelay $0x3  }
0x214: {  	[tilespmem:s13+$0x11700] =	vst v2  }
0x215: {  	v2 =	vld.idx.msk [tilespmem:v3+s21+$0x0], $0xffff;
	_ =	sdelay $0x1  }
0x216: {  	v3 =	vor.u32 $0x8, v1;
	_ =	sdelay $0x3  }
0x217: {  	[tilespmem:s13+$0x11780] =	vst v2  }
0x218: {  	v2 =	vld.idx.msk [tilespmem:v3+s21+$0x0], $0xffff;
	_ =	sdelay $0x1  }
0x219: {  	v3 =	vor.u32 $0x9, v1;
	_ =	sdelay $0x3  }
0x21a: {  	[tilespmem:s13+$0x1B400] =	vst v2  }
0x21b: {  	v2 =	vld.idx.msk [tilespmem:v3+s21+$0x0], $0xffff;
	_ =	sdelay $0x1  }
0x21c: {  	v3 =	vor.u32 $0xA, v1;
	_ =	sdelay $0x3  }
0x21d: {  	[tilespmem:s13+$0x1B480] =	vst v2  }
0x21e: {  	v2 =	vld.idx.msk [tilespmem:v3+s21+$0x0], $0xffff;
	_ =	sdelay $0x1  }
0x21f: {  	v3 =	vor.u32 $0xB, v1;
	_ =	sdelay $0x3  }
0x220: {  	[tilespmem:s13+$0x1B500] =	vst v2  }
0x221: {  	v2 =	vld.idx.msk [tilespmem:v3+s21+$0x0], $0xffff;
	_ =	sdelay $0x1  }
0x222: {  	v3 =	vor.u32 $0xC, v1;
	_ =	sdelay $0x3  }
0x223: {  	[tilespmem:s13+$0x1B580] =	vst v2  }
0x224: {  	v2 =	vld.idx.msk [tilespmem:v3+s21+$0x0], $0xffff;
	_ =	sdelay $0x1  }
0x225: {  	v3 =	vor.u32 $0xD, v1;
	_ =	sdelay $0x3  }
0x226: {  	[tilespmem:s13+$0x1B600] =	vst v2  }
0x227: {  	v2 =	vld.idx.msk [tilespmem:v3+s21+$0x0], $0xffff;
	_ =	sdelay $0x1  }
0x228: {  	v3 =	vor.u32 $0xE, v1;
	_ =	sdelay $0x3  }
0x229: {  	[tilespmem:s13+$0x1B680] =	vst v2  }
0x22a: {  	v2 =	vld.idx.msk [tilespmem:v3+s21+$0x0], $0xffff;
	_ =	sdelay $0x1  }
0x22b: {  	v3 =	vor.u32 $0xF, v1  }
.Ltmp3:
0x22c: {  	(pc) =	sbr.rel @p0 .LBB2_8-.Ltmp3, $3  }
0x22d: {  	_ =	sdelay $0x1  }
0x22e: {  	s14 =	sadd.s32 $0x10, s14;
	[tilespmem:s13+$0x1B700] =	vst v2  }
0x22f: {  	s16 =	sadd.s32 $0x80, s16;
	v1 =	vmov s14;
	v2 =	vld.idx.msk [tilespmem:v3+s21+$0x0], $0xffff  }
0x230: {  	v1 =	vshll.u32 v1, $0x4  }
0x231: {  	v1 =	vor.u32 v0, v1;
	_ =	sdelay $0x3  }
0x232: {  	[tilespmem:s13+$0x1B780] =	vst v2  }
0x233: {  	v2 =	vld.idx.msk [tilespmem:v1+s21+$0x0], $0xffff  }
0x234: {  	v3 =	vor.u32 $0x1, v1;
	_ =	sdelay $0x1  }
0x235: {  	s12 =	sand.u32 $0x70, s14;
	s4 =	sand.u32 $0x1C00, s4  }
0x236: {  	s4 =	sor.u32 s12, s4  }
0x237: {  	[tilespmem:s4+$0x11400] =	vst v2  }
0x238: {  	v2 =	vld.idx.msk [tilespmem:v3+s21+$0x0], $0xffff  }
0x239: {  	v3 =	vor.u32 $0x2, v1;
	_ =	sdelay $0x3  }
0x23a: {  	[tilespmem:s4+$0x11480] =	vst v2  }
0x23b: {  	v2 =	vld.idx.msk [tilespmem:v3+s21+$0x0], $0xffff  }
0x23c: {  	v3 =	vor.u32 $0x3, v1;
	_ =	sdelay $0x3  }
0x23d: {  	[tilespmem:s4+$0x11500] =	vst v2  }
0x23e: {  	v2 =	vld.idx.msk [tilespmem:v3+s21+$0x0], $0xffff  }
0x23f: {  	v3 =	vor.u32 $0x4, v1;
	_ =	sdelay $0x3  }
0x240: {  	[tilespmem:s4+$0x11580] =	vst v2  }
0x241: {  	v2 =	vld.idx.msk [tilespmem:v3+s21+$0x0], $0xffff  }
0x242: {  	v3 =	vor.u32 $0x5, v1;
	_ =	sdelay $0x3  }
0x243: {  	[tilespmem:s4+$0x11600] =	vst v2  }
0x244: {  	v2 =	vld.idx.msk [tilespmem:v3+s21+$0x0], $0xffff  }
0x245: {  	v3 =	vor.u32 $0x6, v1;
	_ =	sdelay $0x3  }
0x246: {  	[tilespmem:s4+$0x11680] =	vst v2  }
0x247: {  	v2 =	vld.idx.msk [tilespmem:v3+s21+$0x0], $0xffff  }
0x248: {  	v3 =	vor.u32 $0x7, v1;
	_ =	sdelay $0x3  }
0x249: {  	[tilespmem:s4+$0x11700] =	vst v2  }
0x24a: {  	v2 =	vld.idx.msk [tilespmem:v3+s21+$0x0], $0xffff  }
0x24b: {  	v3 =	vor.u32 $0x8, v1;
	_ =	sdelay $0x3  }
0x24c: {  	[tilespmem:s4+$0x11780] =	vst v2  }
0x24d: {  	v2 =	vld.idx.msk [tilespmem:v3+s21+$0x0], $0xffff  }
0x24e: {  	v3 =	vor.u32 $0x9, v1;
	_ =	sdelay $0x3  }
0x24f: {  	[tilespmem:s4+$0x1B400] =	vst v2  }
0x250: {  	v2 =	vld.idx.msk [tilespmem:v3+s21+$0x0], $0xffff  }
0x251: {  	v3 =	vor.u32 $0xA, v1;
	_ =	sdelay $0x3  }
0x252: {  	[tilespmem:s4+$0x1B480] =	vst v2  }
0x253: {  	v2 =	vld.idx.msk [tilespmem:v3+s21+$0x0], $0xffff  }
0x254: {  	v3 =	vor.u32 $0xB, v1;
	_ =	sdelay $0x3  }
0x255: {  	[tilespmem:s4+$0x1B500] =	vst v2  }
0x256: {  	v2 =	vld.idx.msk [tilespmem:v3+s21+$0x0], $0xffff  }
0x257: {  	v3 =	vor.u32 $0xC, v1;
	_ =	sdelay $0x3  }
0x258: {  	[tilespmem:s4+$0x1B580] =	vst v2  }
0x259: {  	v2 =	vld.idx.msk [tilespmem:v3+s21+$0x0], $0xffff  }
0x25a: {  	v3 =	vor.u32 $0xD, v1;
	_ =	sdelay $0x3  }
0x25b: {  	[tilespmem:s4+$0x1B600] =	vst v2  }
0x25c: {  	v2 =	vld.idx.msk [tilespmem:v3+s21+$0x0], $0xffff  }
0x25d: {  	v3 =	vor.u32 $0xE, v1;
	_ =	sdelay $0x3  }
0x25e: {  	[tilespmem:s4+$0x1B680] =	vst v2  }
0x25f: {  	v2 =	vld.idx.msk [tilespmem:v3+s21+$0x0], $0xffff  }
0x260: {  	v1 =	vor.u32 $0xF, v1;
	_ =	sdelay $0x3  }
0x261: {  	[tilespmem:s4+$0x1B700] =	vst v2  }
0x262: {  	v1 =	vld.idx.msk [tilespmem:v1+s21+$0x0], $0xffff;
	_ =	sdelay $0x4  }
0x263: {  	s14 =	simm.s32 $0x9400;
	s12 =	simm.s32 $0x0;
	s13 =	rddreg [dreg:$0xc];
	[tilespmem:s4+$0x1B780] =	vst v1  }
0x264: {  	[hbm4b:s13+s12] =	stream.linear.scatter [tilespmem:s14], [sflag:$0x3], $0xA000, $0x38;
	[tilespmem:$0x1D400] =	vst v63  }
0x265: {  	s13 =	simm.s32 $0x3  }
0x266: {  	_ =	swait.ge [sflag:s13], $0xA000  }
0x267: {  	[sflag:s13] =	ssyncset.done $0x0  }
0x268: {  	s17 =	simm.s32 $0x13400;
	s16 =	rddreg [dreg:$0xd];
	[sflag:s13] =	ssyncadd.s32 $0xFFFF6000  }
0x269: {  	[hbm4b:s16+s12] =	stream.linear.scatter [tilespmem:s17], [sflag:$0x3], $0xA000, $0x38;
	[tilespmem:$0x1D400] =	vst v63  }
0x26a: {  	_ =	swait.ge [sflag:s13], $0xA000  }
0x26b: {  	s18 =	rddreg [dreg:$0xf]  }
0x26c: {  	s19 =	rddreg [dreg:$0xe];
	s14 =	sadd.s32 $0x1, s18  }
0x26d: {  	p0 =	sne.s32 s14, s19  }
.Ltmp4:
0x26e: {  	_ = 	snop;
	(pc) =	sbr.rel @p0 .LBB2_1-.Ltmp4, $3  }
0x26f: {  	_ =	sdelay $0x1  }
0x270: {  	[sflag:s13] =	ssyncset.done $0x0  }
0x271: {  	[sflag:s13] =	ssyncadd.s32 $0xFFFF6000  }
0x272: {  	_ =	sfence.sel $0x180000  }
0x273: {  	[bflag:$0x0] =	sbarrier.arrive $0xFFFF  }
0x274: {  	_ =	strace $0x90000047  }
0x275: {  	s0 =	stileid.u32;
	[bflag:$0x2] =	sbarrier.arrive $0xFFFF  }
0x276: {  	p0 =	sne.s32 s0, $0x0;
	s0 =	rddreg [dreg:$0x2]  }
0x277: {  	s0 =	sadd.s32 @!p0 $0x100000, s0  }
0x278: {  	[sflag:s0] =	ssyncadd.tile.s32 @!p0 $0x1;
	_ =	shalt  }
.Lfunc_end2:
_tile_overlayer_lowered:
.L_overlay_start_2:
0x279: {  	(tag) =	ssettag $0x2  }
0x27a: {  	s0 =	rddreg [dreg:$0x0];
	s2 =	stileid.u32  }
0x27b: {  	s1 =	rddreg [dreg:$0x1];
	p0 =	sne.s32 s2, $0x0  }
0x27c: {  	s3 =	rddreg [dreg:$0x2];
	[bflag:$0x3] =	sbarrier.arrive $0xFFFF;
	s2 =	simm.s32 @!p0 $0x1C03  }
0x27d: {  	[timem:s3], [sflag:s2] =	dma.local @!p0 [hbm:s0], s1  }
0x27e: {  	s0 =	simm.s32 @!p0 $0x3  }
0x27f: {  	_ =	swait.ge @!p0 [sflag:s0], s1  }
0x280: {  	s1 =	ssub.s32 @!p0 $0x0, s1;
	[sflag:s0] =	ssyncset.done @!p0 $0x0  }
0x281: {  	[sflag:s0] =	ssyncadd.s32 @!p0 s1  }
0x282: {  	[bflag:$0x3] =	sbarrier.arrive $0xFFFF  }
0x283: {  	_ =	shalt  }

// kernel: kernel.9.cloned.1.call-start
scs
__scs_entry_jumppad:
0x0: {  	(pc) =	sbr.rel $0x88, $3  }
0x1: {  	(tag) =	ssettag $0x0;
	lr =	simm.s32 $0x1  }
0x2: {  	[smem:$0x3F98] =	sst lr;
	_ =	strace $0xD0000000  }
0x3: {  	_ = 	snop  }
0x4: {  	_ = 	snop  }
0x5: {  	_ = 	snop  }
0x6: {  	_ = 	snop  }
0x7: {  	_ = 	snop  }
__scs_overlays_trampoline_lowered:
0x8: {  	[smem:$0x3FA7] =	sst s0  }
0x9: {  	[smem:$0x3FA8] =	sst s1  }
0xa: {  	[smem:$0x3FA9] =	sst s2  }
0xb: {  	[smem:$0x3FAA] =	sst s3  }
0xc: {  	[smem:$0x3FAB] =	sst s4  }
0xd: {  	[smem:$0x3FAC] =	sst s5  }
0xe: {  	[smem:$0x3FAD] =	sst s6  }
0xf: {  	[smem:$0x3FAE] =	sst s7  }
0x10: {  	[smem:$0x3FAF] =	sst s8  }
0x11: {  	[smem:$0x3FB0] =	sst s9;
	s0 =	simm.s32 @!p0 $0x0  }
0x12: {  	s1 =	sld [smem:$0x3F96];
	s0 =	simm.s32 @p0 $0x1  }
0x13: {  	[smem:$0x3FB1] =	sst s0;
	s0 =	simm.s32 @!p1 $0x0  }
0x14: {  	s2 =	sld [smem:$0x3F95];
	s0 =	simm.s32 @p1 $0x1  }
0x15: {  	[smem:$0x3FB2] =	sst s0;
	s0 =	simm.s32 @!p2 $0x0  }
0x16: {  	s3 =	sld [smem:$0x3FDB];
	s0 =	simm.s32 @p2 $0x1  }
0x17: {  	s4 =	simm.s32 $0x1BF5;
	[smem:$0x3FB4] =	sst s0  }
0x18: {  	s0 =	sld [smem:$0x3F97];
	_ =	swait.ge [sflag:s4], $0x0  }
0x19: {  	s7 =	sld [smem:$0x3F98]  }
0x1a: {  	s8 =	sadd.s32 $0xFFFFE003, lr  }
0x1b: {  	s9 =	sadd.s32 $0xFFFFFEF7, lr;
	s5 =	simm.s32 $0xFFFFFFFF;
	p2 =	slt.u32 s8, $0xFFFFF086  }
0x1c: {  	p1 =	slt.u32 s9, $0xF7A;
	s5 =	simm.s32 @!p2 $0x0  }
0x1d: {  	s5 =	simm.s32 @p1 $0x1;
	p0 =	seq.s32 s7, s2  }
0x1e: {  	s7 =	smul.u32 @!p0 $0xF7A, s2;
	p2 =	seq.s32 @!p0 s5, $0x0  }
0x1f: {  	s9 =	smul.u32 $0xF7A, s1;
	s8 =	simm.s32 @!p0 $0x1BF5;
	p2 =	por !p2, p0  }
0x20: {  	[sflag:s8] =	ssyncset.s32 @!p0 $0xFFFFF086;
	s6 =	sadd.s32 @!p0 s3, s7;
	s7 =	simm.s32 @!p0 $0x108  }
0x21: {  	s3 =	sadd.s32 s3, s9;
	s6 =	sadd.s32 @!p0 $0x88, s6;
	s7 =	simm.s32 @p2 $0x1082  }
0x22: {  	[simem:s7], [sflag:s8] =	dma.local @!p0 [hbm:s6], $0xF7A  }
0x23: {  	s9 =	sor.u32 $0xD0000000, s2;
	s6 =	simm.s32 $0x108;
	_ =	swait.ge @!p0 [sflag:s8], $0x0  }
0x24: {  	s3 =	sadd.s32 $0x88, s3;
	s6 =	simm.s32 @!p1 $0x1082;
	[sflag:s4] =	ssyncset.s32 $0xFFFFF086  }
0x25: {  	[simem:s6], [sflag:s4] =	dma.local [hbm:s3], $0xF7A  }
0x26: {  	[smem:$0x3F98] =	sst s1;
	(tag) =	ssettag s2;
	_ =	strace s9  }
0x27: {  	s1 =	sld [smem:$0x3FA8]  }
0x28: {  	s2 =	sld [smem:$0x3FA9]  }
0x29: {  	s4 =	sld [smem:$0x3FAB]  }
0x2a: {  	p0 =	seq.s32 s5, $0x0;
	s5 =	sld [smem:$0x3FAC]  }
0x2b: {  	s6 =	sld [smem:$0x3FAD]  }
0x2c: {  	s7 =	sld [smem:$0x3FAE]  }
0x2d: {  	s3 =	simm.s32 $0x108;
	s8 =	sld [smem:$0x3FAF]  }
0x2e: {  	s3 =	simm.s32 @!p0 $0x1082;
	s9 =	sld [smem:$0x3FB0]  }
0x2f: {  	lr =	sadd.s32 s0, s3;
	s0 =	sld [smem:$0x3FA7]  }
0x30: {  	s3 =	sld [smem:$0x3FAA]  }
0x31: {  	[smem:$0x3FB3] =	sst s10  }
0x32: {  	s10 =	sld [smem:$0x3FB1];
	_ =	sdelay $0x3  }
0x33: {  	p0 =	seq.s32 s10, $0x1;
	s10 =	sld [smem:$0x3FB3];
	_ =	sdelay $0x3  }
0x34: {  	[smem:$0x3FB3] =	sst s10  }
0x35: {  	s10 =	sld [smem:$0x3FB2];
	_ =	sdelay $0x3  }
0x36: {  	p1 =	seq.s32 s10, $0x1;
	s10 =	sld [smem:$0x3FB3];
	_ =	sdelay $0x3  }
0x37: {  	[smem:$0x3FB3] =	sst s10  }
0x38: {  	s10 =	sld [smem:$0x3FB4]  }
0x39: {  	_ = 	snop;
	(pc) =	sbr.ind lr, $3  }
0x3a: {  	_ = 	snop  }
0x3b: {  	_ = 	snop  }
0x3c: {  	p2 =	seq.s32 s10, $0x1;
	s10 =	sld [smem:$0x3FB3]  }
0x3d: {  	_ =	shalt  }
0x3e: {  	_ =	shalt  }
0x3f: {  	_ =	shalt  }
0x40: {  	_ =	shalt  }
0x41: {  	_ =	shalt  }
0x42: {  	_ =	shalt  }
0x43: {  	_ =	shalt  }
0x44: {  	_ =	shalt  }
0x45: {  	_ =	shalt  }
0x46: {  	_ =	shalt  }
0x47: {  	_ =	shalt  }
0x48: {  	_ =	shalt  }
0x49: {  	_ =	shalt  }
0x4a: {  	_ =	shalt  }
0x4b: {  	_ =	shalt  }
0x4c: {  	_ =	shalt  }
0x4d: {  	_ =	shalt  }
0x4e: {  	_ =	shalt  }
0x4f: {  	_ =	shalt  }
0x50: {  	_ =	shalt  }
0x51: {  	_ =	shalt  }
0x52: {  	_ =	shalt  }
0x53: {  	_ =	shalt  }
0x54: {  	_ =	shalt  }
0x55: {  	_ =	shalt  }
0x56: {  	_ =	shalt  }
0x57: {  	_ =	shalt  }
0x58: {  	_ =	shalt  }
0x59: {  	_ =	shalt  }
0x5a: {  	_ =	shalt  }
0x5b: {  	_ =	shalt  }
0x5c: {  	_ =	shalt  }
0x5d: {  	_ =	shalt  }
0x5e: {  	_ =	shalt  }
0x5f: {  	_ =	shalt  }
0x60: {  	_ =	shalt  }
0x61: {  	_ =	shalt  }
0x62: {  	_ =	shalt  }
0x63: {  	_ =	shalt  }
0x64: {  	_ =	shalt  }
0x65: {  	_ =	shalt  }
0x66: {  	_ =	shalt  }
0x67: {  	_ =	shalt  }
0x68: {  	_ =	shalt  }
0x69: {  	_ =	shalt  }
0x6a: {  	_ =	shalt  }
0x6b: {  	_ =	shalt  }
0x6c: {  	_ =	shalt  }
0x6d: {  	_ =	shalt  }
0x6e: {  	_ =	shalt  }
0x6f: {  	_ =	shalt  }
0x70: {  	_ =	shalt  }
0x71: {  	_ =	shalt  }
0x72: {  	_ =	shalt  }
0x73: {  	_ =	shalt  }
0x74: {  	_ =	shalt  }
0x75: {  	_ =	shalt  }
0x76: {  	_ =	shalt  }
0x77: {  	_ =	shalt  }
0x78: {  	_ =	shalt  }
0x79: {  	_ =	shalt  }
0x7a: {  	_ =	shalt  }
0x7b: {  	_ =	shalt  }
0x7c: {  	_ =	shalt  }
0x7d: {  	_ =	shalt  }
0x7e: {  	_ =	shalt  }
0x7f: {  	_ =	shalt  }
0x80: {  	_ =	shalt  }
0x81: {  	_ =	shalt  }
0x82: {  	_ =	shalt  }
0x83: {  	_ =	shalt  }
0x84: {  	_ =	shalt  }
0x85: {  	_ =	shalt  }
0x86: {  	_ =	shalt  }
0x87: {  	_ =	shalt  }
.Lfunc_end0:
.L_simem_size_0:
called_computation.1_lowered:
.L_overlay_start_0:
0x88: {  	s2 =	sld [smem:$0x3FD9]  }
0x89: {  	s3 =	sld [smem:$0x3FFE];
	_ =	sdelay $0x1  }
0x8a: {  	s1 =	srdreg.scid  }
0x8b: {  	s0 =	sand.u32 $0x1, s1  }
0x8c: {  	s16 =	sshll.u32 s0, $0xA;
	s2 =	sadd.s32 s3, s2  }
0x8d: {  	s2 =	sadd.s32 s2, s16  }
0x8e: {  	[smem:$0x3FBF] =	sst s2  }
0x8f: {  	_ = 	snop  }
0x90: {  	(tm) =	ssettm $0x1  }
0x91: {  	s17 =	sld [smem:$0x3FFB];
	_ =	sdelay $0x3  }
0x92: {  	_ =	strace s17  }
0x93: {  	s2 =	sld [smem:$0x3FFC];
	_ =	sdelay $0x3  }
0x94: {  	_ =	strace s2  }
0x95: {  	s2 =	sld [smem:$0x3FFD];
	_ =	sdelay $0x3  }
0x96: {  	_ =	strace s2  }
0x97: {  	_ =	strace $0x8FFFFFFF  }
0x98: {  	s18 =	sld [smem:$0x3FDB];
	_ =	sdelay $0x1  }
0x99: {  	s19 =	simm.s32 $_scs_section_size  }
0x9a: {  	s4 =	simm.s32 $_size__tile_overlayer_lowered;
	s5 =	simm.s32 $_tile_overlayer_lowered  }
0x9b: {  	s22 =	simm.s32 $0x1BFF;
	s21 =	sshll.u32 s5, $0x1;
	s2 =	sadd.s32 s19, s18  }
0x9c: {  	s6 =	simm.s32 $0x0;
	s20 =	sshll.u32 s4, $0x1;
	s4 =	sadd.s32 s21, s2  }
0x9d: {  	[timem:s6], [sflag:s22] =	dma.local [hbm:s4], s20  }
0x9e: {  	_ =	swait.ge [sflag:s22], s20  }
0x9f: {  	s3 =	ssub.s32 $0x0, s20;
	[sflag:s22] =	ssyncset.done $0x0  }
0xa0: {  	[sflag:s22] =	ssyncadd.s32 s3;
	_ =	sdelay $0x1  }
0xa1: {  	s23 =	simm.s32 $0x1B8B  }
0xa2: {  	_ =	swait.ge [sflag:s23], $0x1  }
0xa3: {  	[sflag:s23] =	ssyncset.done $0x0  }
0xa4: {  	s25 =	simm.s32 $0x1B8E;
	s24 =	sld [smem:$0x3FFE];
	[sflag:s23] =	ssyncadd.s32 $0xFFFFFFFF  }
0xa5: {  	s26 =	simm.s32 $execute0_lowered;
	[smem:$0x3FD2] =	sst s25  }
0xa6: {  	s4 =	sshll.u32 s26, $0x1;
	_ =	strace $0x80000049;
	[dreg:$0x1] =	wrdreg $0xFFFFFFFF  }
0xa7: {  	s28 =	simm.s32 $_size_execute0_lowered;
	s2 =	sadd.s32 s2, s4;
	[dreg:$0x0] =	wrdreg $0x0  }
0xa8: {  	s4 =	sshll.u32 s28, $0x1;
	[dreg:$0x2] =	wrdreg s2  }
0xa9: {  	[dreg:$0x3] =	wrdreg s4  }
0xaa: {  	[dreg:$0x4] =	wrdreg $0xC0  }
0xab: {  	_ =	task [dreg:s6], $0x5FFFF  }
0xac: {  	[dreg:$0x1] =	wrdreg $0xFFFFFFFF  }
0xad: {  	[dreg:$0x0] =	wrdreg $0x60  }
0xae: {  	[dreg:$0x2] =	wrdreg s24  }
0xaf: {  	[dreg:$0x3] =	wrdreg $0x17B100  }
0xb0: {  	[dreg:$0x4] =	wrdreg $0x9  }
0xb1: {  	_ =	task.clear_ibuf [dreg:s6], $0x5FFFF;
	_ =	strace $0x90000049  }
0xb2: {  	s29 =	simm.s32 $0x9;
	_ =	strace $0x8000004B  }
0xb3: {  	_ =	swait.ge [sflag:s29], $0x1  }
0xb4: {  	[sflag:s29] =	ssyncadd.s32 $0xFFFFFFFF  }
0xb5: {  	_ =	strace $0x9000004B  }
0xb6: {  	_ =	sfence  }
0xb7: {  	s30 =	sld [smem:$0x0];
	_ =	sdelay $0x2  }
0xb8: {  	s31 =	sshll.u32 s1, $0xD;
	s1 =	sshrl.u32 s1, $0x2  }
0xb9: {  	s3 =	sand.u32 $0x4000, s31;
	s1 =	sadd.s32 s1, s30  }
0xba: {  	s0 =	sor.u32 s3, s0;
	s1 =	sshll.u32 s1, $0x11  }
0xbb: {  	s0 =	sor.u32 s1, s0  }
0xbc: {  	s0 =	sadd.s32 $0x8F2B, s0  }
0xbd: {  	[sflag:s0] =	ssyncadd.remote.s32 $0x1  }
0xbe: {  	_ =	sfence.sel $0xFFFF  }
0xbf: {  	[dreg:$0x0] =	wrdreg $0xFFFFFFFF;
	(pc) =	sbr.abs _section_cstart, $3  }
0xc0: {  	[dreg:$0x1] =	wrdreg $0xFFFFFFFF  }
0xc1: {  	_ =	task.clear_ibuf [dreg:s6], $0x2FFFF;
	_ =	strace $0x9FFFFFFF  }
0xc2: {  	(tm) =	ssettm $0x7FFFFFFF  }
0xc3: {  	_ =	shalt  }
tec
execute0_lowered:
.L_overlay_start_1:
0x0: {  	(tag) =	ssettag $0x1  }
0x1: {  	s1 =	srdreg.scid;
	s5 =	rddreg [dreg:$0x0]  }
0x2: {  	s0 =	stileid.u32;
	s2 =	rddreg [dreg:$0x1]  }
0x3: {  	s3 =	simm.s32 $0x0;
	s18 =	simm.s32 $0x15400;
	s19 =	simm.s32 $0x1400  }
0x4: {  	s20 =	simm.s32 $0x6400;
	s21 =	simm.s32 $0xB400;
	s22 =	simm.s32 $0x80  }
0x5: {  	s23 =	simm.s32 $0x1;
	s12 =	sand.u32 $0x1, s1;
	s8 =	smul.u32 $0x2710, s0  }
0x6: {  	s28 =	sshll.u32 s0, $0x1;
	s1 =	rddreg [dreg:$0x2];
	s31 =	smul.u32 $0x50, s0  }
0x7: {  	[smem:$0x7FF] =	sst s3;
	s10 =	sadd.s32 $0xB600, s5;
	s7 =	smul.u32 $0x27100, s12  }
0x8: {  	s6 =	sor.u32 s12, s28;
	s11 =	ssub.s32 $0x2, s12;
	s17 =	smul.u32 $0x28, s12  }
0x9: {  	_ =	strace $0x8000004A;
	s13 =	smul.u32 $0x28, s6;
	s29 =	sshrl.u32 s11, $0x1  }
0xa: {  	s6 =	smul.u32 $0xA000, s6;
	s7 =	sadd.s32 s8, s7;
	s16 =	ssub.s32 s11, s29  }
0xb: {  	s8 =	sadd.s32 s8, s2;
	s4 =	smin.u32 s13, $0x4BA;
	s7 =	sshrl.u32 s7, $0x3  }
0xc: {  	s15 =	sadd.s32 $0x14, s13;
	s6 =	sshrl.u32 s6, $0x3;
	s13 =	smin.u32 s13, $0x4E1  }
0xd: {  	s12 =	smax.u32 s16, $0x1;
	s9 =	sshll.u32 s4, $0x4;
	s14 =	sadd.s32 s7, s5  }
0xe: {  	s30 =	sshll.u32 s15, $0x7;
	s6 =	sadd.s32 s10, s6;
	s13 =	ssub.s32 s13, s4  }
0xf: {  	s15 =	smin.u32 s15, $0x4E1;
	s9 =	sadd.s32 s9, s5;
	s7 =	sadd.s32 s10, s30  }
0x10: {  	s11 =	sadd.s32 $0x5B600, s14;
	s13 =	sshll.u32 s13, $0x9;
	s15 =	ssub.s32 s15, s4  }
0x11: {  	s14 =	sadd.s32 s17, s31;
	s17 =	simm.s32 $0x2;
	s5 =	sadd.s32 $0x6600, s9  }
0x12: {  	v1 =	vlaneseq.u32;
	s9 =	sadd.s32 $0x28000, s6;
	s10 =	sadd.s32 $0x28000, s7;
	s15 =	sshll.u32 s15, $0x9  }
0x13: {  	v0 =	vimm.f32 $0.0e+00;
	v1 =	vmul.u32 $0x10, v1;
	s13 =	sshra.s32 s13, $0x2;
	s16 =	sadd.s32 $0x15, s14;
	s15 =	sshra.s32 s15, $0x2  }
.LBB2_1:
0x14: {  	s24 =	simm.s32 $0x40;
	s25 =	simm.s32 $0x0  }
.LBB2_2:
0x15: {  	p0 =	sne.s32 s24, $0x9C00;
	[tilespmem:s25+$0x15400] =	vst v0;
	s25 =	smov.u32 s24;
	s24 =	sadd.s32 $0x40, s24  }
.Ltmp0:
0x16: {  	(pc) =	sbr.rel @p0 .LBB2_2-.Ltmp0, $2  }
0x17: {  	_ =	sdelay $0x2  }
0x18: {  	s25 =	sshra.s32 s25, $0x2  }
0x19: {  	[tilespmem:s25+$0x15400] =	vst v0;
	s24 =	simm.s32 $0x0  }
0x1a: {  	[tilespmem:s24], [sflag:$0x2] =	stream.linear.gather [hbm4b:s5+s24], $0x1400, $0x38;
	[tilespmem:$0x1A220] =	vst v63  }
0x1b: {  	_ =	swait.ge [sflag:s17], $0x1400  }
0x1c: {  	[sflag:s17] =	ssyncset.done $0x0  }
0x1d: {  	[sflag:s17] =	ssyncadd.s32 $0xFFFFEC00  }
0x1e: {  	[spmem:s8] =	stream.linear.scatter [tilespmem:s18], [sflag:$0x2], $0x2710, $0x38;
	[tilespmem:$0x1A220] =	vst v63  }
0x1f: {  	_ =	swait.ge [sflag:s17], $0x2710  }
0x20: {  	[sflag:s17] =	ssyncset.done $0x0  }
0x21: {  	[sflag:s17] =	ssyncadd.s32 $0xFFFFD8F0  }
0x22: {  	[bflag:$0x0] =	sbarrier.arrive $0xFFFF  }
0x23: {  	[tilespmem:s19], [sflag:$0x2] =	stream.linear.gather [hbm4b:s6+s24], $0x5000, $0x38;
	[tilespmem:$0x1A220] =	vst v63  }
0x24: {  	_ =	swait.ge [sflag:s17], $0x5000  }
0x25: {  	[sflag:s17] =	ssyncset.done $0x0  }
0x26: {  	[sflag:s17] =	ssyncadd.s32 $0xFFFFB000  }
0x27: {  	[tilespmem:s20], [sflag:$0x2] =	stream.linear.gather [hbm4b:s9+s24], $0x5000, $0x38;
	[tilespmem:$0x1A220] =	vst v63  }
0x28: {  	_ =	swait.ge [sflag:s17], $0x5000  }
0x29: {  	s31 =	sand.u32 $0x70, s24;
	s26 =	sand.u32 $0x7C00, s24;
	v2 =	vmov s24;
	[sflag:s17] =	ssyncset.done $0x0  }
0x2a: {  	s25 =	sor.u32 s31, s26;
	v2 =	vshll.u32 v2, $0x4;
	[sflag:s17] =	ssyncadd.s32 $0xFFFFB000  }
0x2b: {  	v2 =	vor.u32 v1, v2;
	v3 =	vld [tilespmem:s25+$0x1400];
	_ =	sdelay $0x4  }
0x2c: {  	[tilespmem:v2+s21+$0x0] =	vst.idx.msk $0xffff, v3  }
0x2d: {  	v4 =	vor.u32 $0x1, v2;
	v3 =	vld [tilespmem:s25+$0x1480];
	_ =	sdelay $0x4  }
0x2e: {  	[tilespmem:v4+s21+$0x0] =	vst.idx.msk $0xffff, v3  }
0x2f: {  	v4 =	vor.u32 $0x2, v2;
	v3 =	vld [tilespmem:s25+$0x1500];
	_ =	sdelay $0x4  }
0x30: {  	[tilespmem:v4+s21+$0x0] =	vst.idx.msk $0xffff, v3  }
0x31: {  	v4 =	vor.u32 $0x3, v2;
	v3 =	vld [tilespmem:s25+$0x1580];
	_ =	sdelay $0x4  }
0x32: {  	[tilespmem:v4+s21+$0x0] =	vst.idx.msk $0xffff, v3  }
0x33: {  	v4 =	vor.u32 $0x4, v2;
	v3 =	vld [tilespmem:s25+$0x1600];
	_ =	sdelay $0x4  }
0x34: {  	[tilespmem:v4+s21+$0x0] =	vst.idx.msk $0xffff, v3  }
0x35: {  	v4 =	vor.u32 $0x5, v2;
	v3 =	vld [tilespmem:s25+$0x1680];
	_ =	sdelay $0x4  }
0x36: {  	[tilespmem:v4+s21+$0x0] =	vst.idx.msk $0xffff, v3  }
0x37: {  	v4 =	vor.u32 $0x6, v2;
	v3 =	vld [tilespmem:s25+$0x1700];
	_ =	sdelay $0x4  }
0x38: {  	[tilespmem:v4+s21+$0x0] =	vst.idx.msk $0xffff, v3  }
0x39: {  	v4 =	vor.u32 $0x7, v2;
	v3 =	vld [tilespmem:s25+$0x1780];
	_ =	sdelay $0x4  }
0x3a: {  	[tilespmem:v4+s21+$0x0] =	vst.idx.msk $0xffff, v3  }
0x3b: {  	v4 =	vor.u32 $0x8, v2;
	v3 =	vld [tilespmem:s25+$0x6400];
	_ =	sdelay $0x4  }
0x3c: {  	[tilespmem:v4+s21+$0x0] =	vst.idx.msk $0xffff, v3  }
0x3d: {  	v4 =	vor.u32 $0x9, v2;
	v3 =	vld [tilespmem:s25+$0x6480];
	_ =	sdelay $0x4  }
0x3e: {  	[tilespmem:v4+s21+$0x0] =	vst.idx.msk $0xffff, v3  }
0x3f: {  	v4 =	vor.u32 $0xA, v2;
	v3 =	vld [tilespmem:s25+$0x6500];
	_ =	sdelay $0x4  }
0x40: {  	[tilespmem:v4+s21+$0x0] =	vst.idx.msk $0xffff, v3  }
0x41: {  	v4 =	vor.u32 $0xB, v2;
	v3 =	vld [tilespmem:s25+$0x6580];
	_ =	sdelay $0x4  }
0x42: {  	[tilespmem:v4+s21+$0x0] =	vst.idx.msk $0xffff, v3  }
0x43: {  	v4 =	vor.u32 $0xC, v2;
	v3 =	vld [tilespmem:s25+$0x6600];
	_ =	sdelay $0x4  }
0x44: {  	[tilespmem:v4+s21+$0x0] =	vst.idx.msk $0xffff, v3  }
0x45: {  	v4 =	vor.u32 $0xD, v2;
	v3 =	vld [tilespmem:s25+$0x6680];
	_ =	sdelay $0x4  }
0x46: {  	[tilespmem:v4+s21+$0x0] =	vst.idx.msk $0xffff, v3  }
0x47: {  	v4 =	vor.u32 $0xE, v2;
	v3 =	vld [tilespmem:s25+$0x6700];
	_ =	sdelay $0x4  }
0x48: {  	[tilespmem:v4+s21+$0x0] =	vst.idx.msk $0xffff, v3  }
0x49: {  	v2 =	vor.u32 $0xF, v2;
	v3 =	vld [tilespmem:s25+$0x6780];
	_ =	sdelay $0x2  }
0x4a: {  	s28 =	simm.s32 $0x80;
	s24 =	simm.s32 $0x10  }
0x4b: {  	s28 =	sand.u32 $0x7C00, s28;
	s26 =	sand.u32 $0x70, s24;
	v4 =	vmov s24;
	s25 =	simm.s32 $0x100  }
.LBB2_4:
0x4c: {  	p0 =	sne.s32 s25, $0x4F80;
	s26 =	sor.u32 s26, s28;
	v4 =	vshll.u32 v4, $0x4;
	[tilespmem:v2+s21+$0x0] =	vst.idx.msk $0xffff, v3  }
0x4d: {  	v3 =	vld [tilespmem:s26+$0x1400];
	v2 =	vor.u32 v1, v4;
	_ =	sdelay $0x4  }
0x4e: {  	[tilespmem:v2+s21+$0x0] =	vst.idx.msk $0xffff, v3  }
0x4f: {  	v4 =	vor.u32 $0x1, v2;
	v3 =	vld [tilespmem:s26+$0x1480];
	_ =	sdelay $0x4  }
0x50: {  	[tilespmem:v4+s21+$0x0] =	vst.idx.msk $0xffff, v3  }
0x51: {  	v4 =	vor.u32 $0x2, v2;
	v3 =	vld [tilespmem:s26+$0x1500];
	_ =	sdelay $0x4  }
0x52: {  	[tilespmem:v4+s21+$0x0] =	vst.idx.msk $0xffff, v3  }
0x53: {  	v4 =	vor.u32 $0x3, v2;
	v3 =	vld [tilespmem:s26+$0x1580];
	_ =	sdelay $0x4  }
0x54: {  	[tilespmem:v4+s21+$0x0] =	vst.idx.msk $0xffff, v3  }
0x55: {  	v4 =	vor.u32 $0x4, v2;
	v3 =	vld [tilespmem:s26+$0x1600];
	_ =	sdelay $0x4  }
0x56: {  	[tilespmem:v4+s21+$0x0] =	vst.idx.msk $0xffff, v3  }
0x57: {  	v4 =	vor.u32 $0x5, v2;
	v3 =	vld [tilespmem:s26+$0x1680];
	_ =	sdelay $0x4  }
0x58: {  	[tilespmem:v4+s21+$0x0] =	vst.idx.msk $0xffff, v3  }
0x59: {  	v4 =	vor.u32 $0x6, v2;
	v3 =	vld [tilespmem:s26+$0x1700];
	_ =	sdelay $0x4  }
0x5a: {  	[tilespmem:v4+s21+$0x0] =	vst.idx.msk $0xffff, v3  }
0x5b: {  	v4 =	vor.u32 $0x7, v2;
	v3 =	vld [tilespmem:s26+$0x1780];
	_ =	sdelay $0x4  }
0x5c: {  	[tilespmem:v4+s21+$0x0] =	vst.idx.msk $0xffff, v3  }
0x5d: {  	v4 =	vor.u32 $0x8, v2;
	v3 =	vld [tilespmem:s26+$0x6400];
	_ =	sdelay $0x4  }
0x5e: {  	[tilespmem:v4+s21+$0x0] =	vst.idx.msk $0xffff, v3  }
0x5f: {  	v4 =	vor.u32 $0x9, v2;
	v3 =	vld [tilespmem:s26+$0x6480];
	_ =	sdelay $0x4  }
0x60: {  	[tilespmem:v4+s21+$0x0] =	vst.idx.msk $0xffff, v3  }
0x61: {  	v4 =	vor.u32 $0xA, v2;
	v3 =	vld [tilespmem:s26+$0x6500];
	_ =	sdelay $0x4  }
0x62: {  	[tilespmem:v4+s21+$0x0] =	vst.idx.msk $0xffff, v3  }
0x63: {  	v4 =	vor.u32 $0xB, v2;
	v3 =	vld [tilespmem:s26+$0x6580];
	_ =	sdelay $0x4  }
0x64: {  	[tilespmem:v4+s21+$0x0] =	vst.idx.msk $0xffff, v3  }
0x65: {  	v4 =	vor.u32 $0xC, v2;
	v3 =	vld [tilespmem:s26+$0x6600];
	_ =	sdelay $0x4  }
0x66: {  	[tilespmem:v4+s21+$0x0] =	vst.idx.msk $0xffff, v3  }
0x67: {  	v4 =	vor.u32 $0xD, v2;
	v3 =	vld [tilespmem:s26+$0x6680];
	_ =	sdelay $0x4  }
0x68: {  	[tilespmem:v4+s21+$0x0] =	vst.idx.msk $0xffff, v3  }
0x69: {  	v4 =	vor.u32 $0xE, v2;
	v3 =	vld [tilespmem:s26+$0x6700];
	_ =	sdelay $0x4  }
0x6a: {  	[tilespmem:v4+s21+$0x0] =	vst.idx.msk $0xffff, v3  }
.Ltmp1:
0x6b: {  	v2 =	vor.u32 $0xF, v2;
	v3 =	vld [tilespmem:s26+$0x6780];
	(pc) =	sbr.rel @p0 .LBB2_4-.Ltmp1, $3  }
0x6c: {  	_ =	sdelay $0x1  }
0x6d: {  	s24 =	sadd.s32 $0x10, s24  }
0x6e: {  	s28 =	sand.u32 $0x7C00, s25;
	s25 =	sadd.s32 $0x80, s25;
	v4 =	vmov s24;
	s26 =	sand.u32 $0x70, s24  }
0x6f: {  	_ =	sdelay $0x3  }
0x70: {  	s24 =	sor.u32 s26, s28;
	v4 =	vshll.u32 v4, $0x4;
	[tilespmem:v2+s21+$0x0] =	vst.idx.msk $0xffff, v3  }
0x71: {  	v2 =	vld [tilespmem:s24+$0x1400];
	v3 =	vor.u32 v1, v4;
	_ =	sdelay $0x4  }
0x72: {  	[tilespmem:v3+s21+$0x0] =	vst.idx.msk $0xffff, v2  }
0x73: {  	v4 =	vor.u32 $0x1, v3;
	v2 =	vld [tilespmem:s24+$0x1480];
	_ =	sdelay $0x4  }
0x74: {  	[tilespmem:v4+s21+$0x0] =	vst.idx.msk $0xffff, v2  }
0x75: {  	v51 =	vor.u32 $0x2, v3;
	v2 =	vld [tilespmem:s24+$0x1500];
	_ =	sdelay $0x4  }
0x76: {  	[tilespmem:v51+s21+$0x0] =	vst.idx.msk $0xffff, v2  }
0x77: {  	v52 =	vor.u32 $0x3, v3;
	v2 =	vld [tilespmem:s24+$0x1580];
	_ =	sdelay $0x4  }
0x78: {  	[tilespmem:v52+s21+$0x0] =	vst.idx.msk $0xffff, v2  }
0x79: {  	v53 =	vor.u32 $0x4, v3;
	v2 =	vld [tilespmem:s24+$0x1600];
	_ =	sdelay $0x4  }
0x7a: {  	[tilespmem:v53+s21+$0x0] =	vst.idx.msk $0xffff, v2  }
0x7b: {  	v54 =	vor.u32 $0x5, v3;
	v2 =	vld [tilespmem:s24+$0x1680];
	_ =	sdelay $0x4  }
0x7c: {  	[tilespmem:v54+s21+$0x0] =	vst.idx.msk $0xffff, v2  }
0x7d: {  	v55 =	vor.u32 $0x6, v3;
	v2 =	vld [tilespmem:s24+$0x1700];
	_ =	sdelay $0x4  }
0x7e: {  	[tilespmem:v55+s21+$0x0] =	vst.idx.msk $0xffff, v2  }
0x7f: {  	v56 =	vor.u32 $0x7, v3;
	v2 =	vld [tilespmem:s24+$0x1780];
	_ =	sdelay $0x4  }
0x80: {  	[tilespmem:v56+s21+$0x0] =	vst.idx.msk $0xffff, v2  }
0x81: {  	v57 =	vor.u32 $0x8, v3;
	v2 =	vld [tilespmem:s24+$0x6400];
	_ =	sdelay $0x4  }
0x82: {  	[tilespmem:v57+s21+$0x0] =	vst.idx.msk $0xffff, v2  }
0x83: {  	v58 =	vor.u32 $0x9, v3;
	v2 =	vld [tilespmem:s24+$0x6480];
	_ =	sdelay $0x4  }
0x84: {  	[tilespmem:v58+s21+$0x0] =	vst.idx.msk $0xffff, v2  }
0x85: {  	v59 =	vor.u32 $0xA, v3;
	v2 =	vld [tilespmem:s24+$0x6500];
	_ =	sdelay $0x4  }
0x86: {  	[tilespmem:v59+s21+$0x0] =	vst.idx.msk $0xffff, v2  }
0x87: {  	v60 =	vor.u32 $0xB, v3;
	v2 =	vld [tilespmem:s24+$0x6580];
	_ =	sdelay $0x4  }
0x88: {  	[tilespmem:v60+s21+$0x0] =	vst.idx.msk $0xffff, v2  }
0x89: {  	v61 =	vor.u32 $0xC, v3;
	v2 =	vld [tilespmem:s24+$0x6600];
	_ =	sdelay $0x4  }
0x8a: {  	[tilespmem:v61+s21+$0x0] =	vst.idx.msk $0xffff, v2  }
0x8b: {  	v62 =	vor.u32 $0xD, v3;
	v2 =	vld [tilespmem:s24+$0x6680];
	_ =	sdelay $0x4  }
0x8c: {  	[tilespmem:v62+s21+$0x0] =	vst.idx.msk $0xffff, v2  }
0x8d: {  	v63 =	vor.u32 $0xE, v3;
	v2 =	vld [tilespmem:s24+$0x6700];
	_ =	sdelay $0x4  }
0x8e: {  	[tilespmem:v63+s21+$0x0] =	vst.idx.msk $0xffff, v2  }
0x8f: {  	v3 =	vor.u32 $0xF, v3;
	v2 =	vld [tilespmem:s24+$0x6780]  }
0x90: {  	s24 =	sadd.s32 $0x1, s14  }
0x91: {  	p0 =	slt.s32 s24, $0x4E1  }
0x92: {  	s25 =	sadd.s32 $0x2, s14;
	s24 =	simm.s32 @!p0 $0x4E1  }
0x93: {  	p0 =	slt.s32 s25, $0x4E1;
	s24 =	ssub.s32 s24, s4  }
0x94: {  	s25 =	simm.s32 @!p0 $0x4E1;
	s24 =	sshll.u32 s24, $0x9;
	[tilespmem:v3+s21+$0x0] =	vst.idx.msk $0xffff, v2  }
0x95: {  	[spmem:s2] =	stream.indirect.scatter.add.f32 [tilespmem:s21], [sflag:$0x1], $0x10, s13, s22, $0xb8;
	[tilespmem:$0x1A220] =	vst v63  }
0x96: {  	s31 =	simm.s32 $0xBC00;
	s26 =	ssub.s32 s25, s4;
	s24 =	sshra.s32 s24, $0x2  }
0x97: {  	[spmem:s2] =	stream.indirect.scatter.add.f32 [tilespmem:s31], [sflag:$0x1], $0x10, s24, s22, $0xb8;
	[tilespmem:$0x1A220] =	vst v63  }
0x98: {  	s25 =	simm.s32 $0x3;
	s24 =	simm.s32 $0xC400;
	_ =	swait.ge [sflag:s23], $0x800  }
.LBB2_6:
0x99: {  	s28 =	sadd.s32 s25, s14  }
0x9a: {  	s26 =	sshll.u32 s26, $0x9;
	p0 =	slt.s32 s28, $0x4E1  }
0x9b: {  	[sflag:s23] =	ssyncset.done $0x0;
	s28 =	simm.s32 @!p0 $0x4E1;
	p0 =	sne.s32 s25, $0x13  }
.Ltmp2:
0x9c: {  	s26 =	sshra.s32 s26, $0x2;
	[sflag:s23] =	ssyncadd.s32 $0xFFFFF800;
	(pc) =	sbr.rel @p0 .LBB2_6-.Ltmp2, $4  }
0x9d: {  	[spmem:s2] =	stream.indirect.scatter.add.f32 [tilespmem:s24], [sflag:$0x1], $0x10, s26, s22, $0xb8;
	[tilespmem:$0x1A220] =	vst v63  }
0x9e: {  	_ = 	snop  }
0x9f: {  	s24 =	sadd.s32 $0x800, s24;
	s26 =	ssub.s32 s28, s4  }
0xa0: {  	s25 =	sadd.s32 $0x1, s25;
	_ =	swait.ge [sflag:s23], $0x800  }
0xa1: {  	s25 =	sshll.u32 s26, $0x9;
	[sflag:s23] =	ssyncset.done $0x0  }
0xa2: {  	s25 =	sshra.s32 s25, $0x2;
	[sflag:s23] =	ssyncadd.s32 $0xFFFFF800  }
0xa3: {  	[spmem:s2] =	stream.indirect.scatter.add.f32 [tilespmem:s24], [sflag:$0x1], $0x10, s25, s22, $0xb8;
	[tilespmem:$0x1A220] =	vst v63  }
0xa4: {  	_ =	swait.ge [sflag:s23], $0x800  }
0xa5: {  	[sflag:s23] =	ssyncset.done $0x0  }
0xa6: {  	[sflag:s23] =	ssyncadd.s32 $0xFFFFF800  }
0xa7: {  	_ =	swait.ge [sflag:s23], $0x800  }
0xa8: {  	[sflag:s23] =	ssyncset.done $0x0  }
0xa9: {  	s29 =	simm.s32 $0x0;
	[sflag:s23] =	ssyncadd.s32 $0xFFFFF800  }
0xaa: {  	[tilespmem:s19], [sflag:$0x2] =	stream.linear.gather [hbm4b:s7+s29], $0x5000, $0x38;
	[tilespmem:$0x1A220] =	vst v63  }
0xab: {  	_ =	swait.ge [sflag:s17], $0x5000  }
0xac: {  	[sflag:s17] =	ssyncset.done $0x0  }
0xad: {  	[sflag:s17] =	ssyncadd.s32 $0xFFFFB000  }
0xae: {  	[tilespmem:s20], [sflag:$0x2] =	stream.linear.gather [hbm4b:s10+s29], $0x5000, $0x38;
	[tilespmem:$0x1A220] =	vst v63  }
0xaf: {  	_ =	swait.ge [sflag:s17], $0x5000  }
0xb0: {  	s30 =	sand.u32 $0x70, s29;
	s31 =	sand.u32 $0x7C00, s29;
	v2 =	vmov s29;
	[sflag:s17] =	ssyncset.done $0x0  }
0xb1: {  	s25 =	sor.u32 s30, s31;
	v2 =	vshll.u32 v2, $0x4;
	[sflag:s17] =	ssyncadd.s32 $0xFFFFB000  }
0xb2: {  	v2 =	vor.u32 v1, v2;
	v3 =	vld [tilespmem:s25+$0x1400];
	_ =	sdelay $0x4  }
0xb3: {  	[tilespmem:v2+s21+$0x0] =	vst.idx.msk $0xffff, v3  }
0xb4: {  	v4 =	vor.u32 $0x1, v2;
	v3 =	vld [tilespmem:s25+$0x1480];
	_ =	sdelay $0x4  }
0xb5: {  	[tilespmem:v4+s21+$0x0] =	vst.idx.msk $0xffff, v3  }
0xb6: {  	v4 =	vor.u32 $0x2, v2;
	v3 =	vld [tilespmem:s25+$0x1500];
	_ =	sdelay $0x4  }
0xb7: {  	[tilespmem:v4+s21+$0x0] =	vst.idx.msk $0xffff, v3  }
0xb8: {  	v4 =	vor.u32 $0x3, v2;
	v3 =	vld [tilespmem:s25+$0x1580];
	_ =	sdelay $0x4  }
0xb9: {  	[tilespmem:v4+s21+$0x0] =	vst.idx.msk $0xffff, v3  }
0xba: {  	v4 =	vor.u32 $0x4, v2;
	v3 =	vld [tilespmem:s25+$0x1600];
	_ =	sdelay $0x4  }
0xbb: {  	[tilespmem:v4+s21+$0x0] =	vst.idx.msk $0xffff, v3  }
0xbc: {  	v4 =	vor.u32 $0x5, v2;
	v3 =	vld [tilespmem:s25+$0x1680];
	_ =	sdelay $0x4  }
0xbd: {  	[tilespmem:v4+s21+$0x0] =	vst.idx.msk $0xffff, v3  }
0xbe: {  	v4 =	vor.u32 $0x6, v2;
	v3 =	vld [tilespmem:s25+$0x1700];
	_ =	sdelay $0x4  }
0xbf: {  	[tilespmem:v4+s21+$0x0] =	vst.idx.msk $0xffff, v3  }
0xc0: {  	v4 =	vor.u32 $0x7, v2;
	v3 =	vld [tilespmem:s25+$0x1780];
	_ =	sdelay $0x4  }
0xc1: {  	[tilespmem:v4+s21+$0x0] =	vst.idx.msk $0xffff, v3  }
0xc2: {  	v4 =	vor.u32 $0x8, v2;
	v3 =	vld [tilespmem:s25+$0x6400];
	_ =	sdelay $0x4  }
0xc3: {  	[tilespmem:v4+s21+$0x0] =	vst.idx.msk $0xffff, v3  }
0xc4: {  	v4 =	vor.u32 $0x9, v2;
	v3 =	vld [tilespmem:s25+$0x6480];
	_ =	sdelay $0x4  }
0xc5: {  	[tilespmem:v4+s21+$0x0] =	vst.idx.msk $0xffff, v3  }
0xc6: {  	v4 =	vor.u32 $0xA, v2;
	v3 =	vld [tilespmem:s25+$0x6500];
	_ =	sdelay $0x4  }
0xc7: {  	[tilespmem:v4+s21+$0x0] =	vst.idx.msk $0xffff, v3  }
0xc8: {  	v4 =	vor.u32 $0xB, v2;
	v3 =	vld [tilespmem:s25+$0x6580];
	_ =	sdelay $0x4  }
0xc9: {  	[tilespmem:v4+s21+$0x0] =	vst.idx.msk $0xffff, v3  }
0xca: {  	v4 =	vor.u32 $0xC, v2;
	v3 =	vld [tilespmem:s25+$0x6600];
	_ =	sdelay $0x4  }
0xcb: {  	[tilespmem:v4+s21+$0x0] =	vst.idx.msk $0xffff, v3  }
0xcc: {  	v4 =	vor.u32 $0xD, v2;
	v3 =	vld [tilespmem:s25+$0x6680];
	_ =	sdelay $0x4  }
0xcd: {  	[tilespmem:v4+s21+$0x0] =	vst.idx.msk $0xffff, v3  }
0xce: {  	v4 =	vor.u32 $0xE, v2;
	v3 =	vld [tilespmem:s25+$0x6700];
	_ =	sdelay $0x4  }
0xcf: {  	[tilespmem:v4+s21+$0x0] =	vst.idx.msk $0xffff, v3  }
0xd0: {  	v2 =	vor.u32 $0xF, v2;
	v3 =	vld [tilespmem:s25+$0x6780];
	_ =	sdelay $0x2  }
0xd1: {  	s28 =	simm.s32 $0x80;
	s24 =	simm.s32 $0x10  }
0xd2: {  	s28 =	sand.u32 $0x7C00, s28;
	s26 =	sand.u32 $0x70, s24;
	v4 =	vmov s24;
	s25 =	simm.s32 $0x100  }
.LBB2_8:
0xd3: {  	p0 =	sne.s32 s25, $0x4F80;
	s26 =	sor.u32 s26, s28;
	v4 =	vshll.u32 v4, $0x4;
	[tilespmem:v2+s21+$0x0] =	vst.idx.msk $0xffff, v3  }
0xd4: {  	v3 =	vld [tilespmem:s26+$0x1400];
	v2 =	vor.u32 v1, v4;
	_ =	sdelay $0x4  }
0xd5: {  	[tilespmem:v2+s21+$0x0] =	vst.idx.msk $0xffff, v3  }
0xd6: {  	v4 =	vor.u32 $0x1, v2;
	v3 =	vld [tilespmem:s26+$0x1480];
	_ =	sdelay $0x4  }
0xd7: {  	[tilespmem:v4+s21+$0x0] =	vst.idx.msk $0xffff, v3  }
0xd8: {  	v4 =	vor.u32 $0x2, v2;
	v3 =	vld [tilespmem:s26+$0x1500];
	_ =	sdelay $0x4  }
0xd9: {  	[tilespmem:v4+s21+$0x0] =	vst.idx.msk $0xffff, v3  }
0xda: {  	v4 =	vor.u32 $0x3, v2;
	v3 =	vld [tilespmem:s26+$0x1580];
	_ =	sdelay $0x4  }
0xdb: {  	[tilespmem:v4+s21+$0x0] =	vst.idx.msk $0xffff, v3  }
0xdc: {  	v4 =	vor.u32 $0x4, v2;
	v3 =	vld [tilespmem:s26+$0x1600];
	_ =	sdelay $0x4  }
0xdd: {  	[tilespmem:v4+s21+$0x0] =	vst.idx.msk $0xffff, v3  }
0xde: {  	v4 =	vor.u32 $0x5, v2;
	v3 =	vld [tilespmem:s26+$0x1680];
	_ =	sdelay $0x4  }
0xdf: {  	[tilespmem:v4+s21+$0x0] =	vst.idx.msk $0xffff, v3  }
0xe0: {  	v4 =	vor.u32 $0x6, v2;
	v3 =	vld [tilespmem:s26+$0x1700];
	_ =	sdelay $0x4  }
0xe1: {  	[tilespmem:v4+s21+$0x0] =	vst.idx.msk $0xffff, v3  }
0xe2: {  	v4 =	vor.u32 $0x7, v2;
	v3 =	vld [tilespmem:s26+$0x1780];
	_ =	sdelay $0x4  }
0xe3: {  	[tilespmem:v4+s21+$0x0] =	vst.idx.msk $0xffff, v3  }
0xe4: {  	v4 =	vor.u32 $0x8, v2;
	v3 =	vld [tilespmem:s26+$0x6400];
	_ =	sdelay $0x4  }
0xe5: {  	[tilespmem:v4+s21+$0x0] =	vst.idx.msk $0xffff, v3  }
0xe6: {  	v4 =	vor.u32 $0x9, v2;
	v3 =	vld [tilespmem:s26+$0x6480];
	_ =	sdelay $0x4  }
0xe7: {  	[tilespmem:v4+s21+$0x0] =	vst.idx.msk $0xffff, v3  }
0xe8: {  	v4 =	vor.u32 $0xA, v2;
	v3 =	vld [tilespmem:s26+$0x6500];
	_ =	sdelay $0x4  }
0xe9: {  	[tilespmem:v4+s21+$0x0] =	vst.idx.msk $0xffff, v3  }
0xea: {  	v4 =	vor.u32 $0xB, v2;
	v3 =	vld [tilespmem:s26+$0x6580];
	_ =	sdelay $0x4  }
0xeb: {  	[tilespmem:v4+s21+$0x0] =	vst.idx.msk $0xffff, v3  }
0xec: {  	v4 =	vor.u32 $0xC, v2;
	v3 =	vld [tilespmem:s26+$0x6600];
	_ =	sdelay $0x4  }
0xed: {  	[tilespmem:v4+s21+$0x0] =	vst.idx.msk $0xffff, v3  }
0xee: {  	v4 =	vor.u32 $0xD, v2;
	v3 =	vld [tilespmem:s26+$0x6680];
	_ =	sdelay $0x4  }
0xef: {  	[tilespmem:v4+s21+$0x0] =	vst.idx.msk $0xffff, v3  }
0xf0: {  	v4 =	vor.u32 $0xE, v2;
	v3 =	vld [tilespmem:s26+$0x6700];
	_ =	sdelay $0x4  }
0xf1: {  	[tilespmem:v4+s21+$0x0] =	vst.idx.msk $0xffff, v3  }
.Ltmp3:
0xf2: {  	v2 =	vor.u32 $0xF, v2;
	v3 =	vld [tilespmem:s26+$0x6780];
	(pc) =	sbr.rel @p0 .LBB2_8-.Ltmp3, $3  }
0xf3: {  	_ =	sdelay $0x1  }
0xf4: {  	s24 =	sadd.s32 $0x10, s24  }
0xf5: {  	s28 =	sand.u32 $0x7C00, s25;
	s25 =	sadd.s32 $0x80, s25;
	v4 =	vmov s24;
	s26 =	sand.u32 $0x70, s24  }
0xf6: {  	_ =	sdelay $0x3  }
0xf7: {  	s24 =	sor.u32 s26, s28;
	v4 =	vshll.u32 v4, $0x4;
	[tilespmem:v2+s21+$0x0] =	vst.idx.msk $0xffff, v3  }
0xf8: {  	v2 =	vld [tilespmem:s24+$0x1400];
	v3 =	vor.u32 v1, v4;
	_ =	sdelay $0x4  }
0xf9: {  	[tilespmem:v3+s21+$0x0] =	vst.idx.msk $0xffff, v2  }
0xfa: {  	v4 =	vor.u32 $0x1, v3;
	v2 =	vld [tilespmem:s24+$0x1480];
	_ =	sdelay $0x4  }
0xfb: {  	[tilespmem:v4+s21+$0x0] =	vst.idx.msk $0xffff, v2  }
0xfc: {  	v51 =	vor.u32 $0x2, v3;
	v2 =	vld [tilespmem:s24+$0x1500];
	_ =	sdelay $0x4  }
0xfd: {  	[tilespmem:v51+s21+$0x0] =	vst.idx.msk $0xffff, v2  }
0xfe: {  	v52 =	vor.u32 $0x3, v3;
	v2 =	vld [tilespmem:s24+$0x1580];
	_ =	sdelay $0x4  }
0xff: {  	[tilespmem:v52+s21+$0x0] =	vst.idx.msk $0xffff, v2  }
0x100: {  	v53 =	vor.u32 $0x4, v3;
	v2 =	vld [tilespmem:s24+$0x1600];
	_ =	sdelay $0x4  }
0x101: {  	[tilespmem:v53+s21+$0x0] =	vst.idx.msk $0xffff, v2  }
0x102: {  	v54 =	vor.u32 $0x5, v3;
	v2 =	vld [tilespmem:s24+$0x1680];
	_ =	sdelay $0x4  }
0x103: {  	[tilespmem:v54+s21+$0x0] =	vst.idx.msk $0xffff, v2  }
0x104: {  	v55 =	vor.u32 $0x6, v3;
	v2 =	vld [tilespmem:s24+$0x1700];
	_ =	sdelay $0x4  }
0x105: {  	[tilespmem:v55+s21+$0x0] =	vst.idx.msk $0xffff, v2  }
0x106: {  	v56 =	vor.u32 $0x7, v3;
	v2 =	vld [tilespmem:s24+$0x1780];
	_ =	sdelay $0x4  }
0x107: {  	[tilespmem:v56+s21+$0x0] =	vst.idx.msk $0xffff, v2  }
0x108: {  	v57 =	vor.u32 $0x8, v3;
	v2 =	vld [tilespmem:s24+$0x6400];
	_ =	sdelay $0x4  }
0x109: {  	[tilespmem:v57+s21+$0x0] =	vst.idx.msk $0xffff, v2  }
0x10a: {  	v58 =	vor.u32 $0x9, v3;
	v2 =	vld [tilespmem:s24+$0x6480];
	_ =	sdelay $0x4  }
0x10b: {  	[tilespmem:v58+s21+$0x0] =	vst.idx.msk $0xffff, v2  }
0x10c: {  	v59 =	vor.u32 $0xA, v3;
	v2 =	vld [tilespmem:s24+$0x6500];
	_ =	sdelay $0x4  }
0x10d: {  	[tilespmem:v59+s21+$0x0] =	vst.idx.msk $0xffff, v2  }
0x10e: {  	v60 =	vor.u32 $0xB, v3;
	v2 =	vld [tilespmem:s24+$0x6580];
	_ =	sdelay $0x4  }
0x10f: {  	[tilespmem:v60+s21+$0x0] =	vst.idx.msk $0xffff, v2  }
0x110: {  	v61 =	vor.u32 $0xC, v3;
	v2 =	vld [tilespmem:s24+$0x6600];
	_ =	sdelay $0x4  }
0x111: {  	[tilespmem:v61+s21+$0x0] =	vst.idx.msk $0xffff, v2  }
0x112: {  	v62 =	vor.u32 $0xD, v3;
	v2 =	vld [tilespmem:s24+$0x6680];
	_ =	sdelay $0x4  }
0x113: {  	[tilespmem:v62+s21+$0x0] =	vst.idx.msk $0xffff, v2  }
0x114: {  	v63 =	vor.u32 $0xE, v3;
	v2 =	vld [tilespmem:s24+$0x6700];
	_ =	sdelay $0x4  }
0x115: {  	[tilespmem:v63+s21+$0x0] =	vst.idx.msk $0xffff, v2  }
0x116: {  	v3 =	vor.u32 $0xF, v3;
	v2 =	vld [tilespmem:s24+$0x6780]  }
0x117: {  	s24 =	sadd.s32 $0x0, s16  }
0x118: {  	p0 =	slt.s32 s24, $0x4E1  }
0x119: {  	s25 =	sadd.s32 $0x1, s16;
	s24 =	simm.s32 @!p0 $0x4E1  }
0x11a: {  	p0 =	slt.s32 s25, $0x4E1;
	s24 =	ssub.s32 s24, s4  }
0x11b: {  	s25 =	simm.s32 @!p0 $0x4E1;
	s24 =	sshll.u32 s24, $0x9;
	[tilespmem:v3+s21+$0x0] =	vst.idx.msk $0xffff, v2  }
0x11c: {  	[spmem:s2] =	stream.indirect.scatter.add.f32 [tilespmem:s21], [sflag:$0x1], $0x10, s15, s22, $0xb8;
	[tilespmem:$0x1A220] =	vst v63  }
0x11d: {  	s31 =	simm.s32 $0xBC00;
	s26 =	ssub.s32 s25, s4;
	s24 =	sshra.s32 s24, $0x2  }
0x11e: {  	[spmem:s2] =	stream.indirect.scatter.add.f32 [tilespmem:s31], [sflag:$0x1], $0x10, s24, s22, $0xb8;
	[tilespmem:$0x1A220] =	vst v63  }
0x11f: {  	s25 =	simm.s32 $0x2;
	s24 =	simm.s32 $0xC400;
	_ =	swait.ge [sflag:s23], $0x800  }
.LBB2_10:
0x120: {  	s28 =	sadd.s32 s25, s16  }
0x121: {  	s26 =	sshll.u32 s26, $0x9;
	p0 =	slt.s32 s28, $0x4E1  }
0x122: {  	[sflag:s23] =	ssyncset.done $0x0;
	s28 =	simm.s32 @!p0 $0x4E1;
	p0 =	sne.s32 s25, $0x12  }
.Ltmp4:
0x123: {  	s26 =	sshra.s32 s26, $0x2;
	[sflag:s23] =	ssyncadd.s32 $0xFFFFF800;
	(pc) =	sbr.rel @p0 .LBB2_10-.Ltmp4, $4  }
0x124: {  	[spmem:s2] =	stream.indirect.scatter.add.f32 [tilespmem:s24], [sflag:$0x1], $0x10, s26, s22, $0xb8;
	[tilespmem:$0x1A220] =	vst v63  }
0x125: {  	_ = 	snop  }
0x126: {  	s24 =	sadd.s32 $0x800, s24;
	s26 =	ssub.s32 s28, s4  }
0x127: {  	s25 =	sadd.s32 $0x1, s25;
	_ =	swait.ge [sflag:s23], $0x800  }
0x128: {  	s25 =	sshll.u32 s26, $0x9;
	[sflag:s23] =	ssyncset.done $0x0  }
0x129: {  	s25 =	sshra.s32 s25, $0x2;
	[sflag:s23] =	ssyncadd.s32 $0xFFFFF800  }
0x12a: {  	[spmem:s2] =	stream.indirect.scatter.add.f32 [tilespmem:s24], [sflag:$0x1], $0x10, s25, s22, $0xb8;
	[tilespmem:$0x1A220] =	vst v63  }
0x12b: {  	_ =	swait.ge [sflag:s23], $0x800  }
0x12c: {  	[sflag:s23] =	ssyncset.done $0x0  }
0x12d: {  	[sflag:s23] =	ssyncadd.s32 $0xFFFFF800  }
0x12e: {  	_ =	swait.ge [sflag:s23], $0x800  }
0x12f: {  	s30 =	sshll.u32 s0, $0x6;
	s3 =	sadd.s32 $0x1, s3;
	[sflag:s23] =	ssyncset.done $0x0  }
0x130: {  	s31 =	sshrl.u32 s8, $0x3;
	p0 =	sne.s32 s3, s12;
	[sflag:s23] =	ssyncadd.s32 $0xFFFFF800  }
.Ltmp5:
0x131: {  	s24 =	sor.u32 $0x1C02, s30;
	[bflag:$0x0] =	sbarrier.arrive $0xFFFF;
	(pc) =	sbr.rel @p0 .LBB2_1-.Ltmp5, $4  }
0x132: {  	[hbm:s11], [sflag:s24] =	dma.local [spmem:s31], $0x4E2  }
0x133: {  	_ =	swait.ge [sflag:s17], $0x4E2  }
0x134: {  	[sflag:s17] =	ssyncset.done $0x0  }
0x135: {  	[sflag:s17] =	ssyncadd.s32 $0xFFFFFB1E  }
0x136: {  	_ =	sfence.sel $0x180000  }
0x137: {  	[bflag:$0x0] =	sbarrier.arrive $0xFFFF  }
0x138: {  	p0 =	sne.s32 s0, $0x0;
	_ =	strace $0x9000004A  }
0x139: {  	s0 =	sadd.s32 @!p0 $0x100000, s1;
	[bflag:$0x2] =	sbarrier.arrive $0xFFFF  }
0x13a: {  	[sflag:s0] =	ssyncadd.tile.s32 @!p0 $0x1;
	_ =	shalt  }
.Lfunc_end2:
_tile_overlayer_lowered:
.L_overlay_start_2:
0x13b: {  	(tag) =	ssettag $0x2  }
0x13c: {  	s0 =	rddreg [dreg:$0x0];
	s2 =	stileid.u32  }
0x13d: {  	s1 =	rddreg [dreg:$0x1];
	p0 =	sne.s32 s2, $0x0  }
0x13e: {  	s3 =	rddreg [dreg:$0x2];
	[bflag:$0x3] =	sbarrier.arrive $0xFFFF;
	s2 =	simm.s32 @!p0 $0x1C02  }
0x13f: {  	[timem:s3], [sflag:s2] =	dma.local @!p0 [hbm:s0], s1  }
0x140: {  	s0 =	simm.s32 @!p0 $0x2  }
0x141: {  	_ =	swait.ge @!p0 [sflag:s0], s1  }
0x142: {  	s1 =	ssub.s32 @!p0 $0x0, s1;
	[sflag:s0] =	ssyncset.done @!p0 $0x0  }
0x143: {  	[sflag:s0] =	ssyncadd.s32 @!p0 s1  }
0x144: {  	[bflag:$0x3] =	sbarrier.arrive $0xFFFF  }
0x145: {  	_ =	shalt  }

</sc_bundles>
